<compile_context>
chip_gen: v7x
topology: tpu7x:2x2x1
jax: 0.10.2.dev20260603
libtpu: 0.0.44.dev20260713+nightly
codegen_flags: <defaults>
</compile_context>

<pallas_src>
import functools

import jax
import jax.numpy as jnp
from jax import lax
from jax.experimental import pallas as pl
from jax.experimental.pallas import tpu as pltpu
from jax.experimental.pallas import tpu_sc as plsc

_N = 10000
_D = 128
_N_P = 10240
_E = 320000
_E_P = 327680
_LANES = 128
_CW = 64
_CROWS = _E_P // _CW
_NC = 2
_NS = 16
_TILES = _NC * _NS
_CROWS_PT = _CROWS // _TILES
_NROWS = _N_P // _LANES
_ACC_PT = _N_P // _NS
_TRASH = _N

_mesh = plsc.VectorSubcoreMesh(core_axis_name="c", subcore_axis_name="s")


@functools.partial(
    pl.kernel,
    out_type=jax.ShapeDtypeStruct((_TILES * _N_P,), jnp.float32),
    mesh=_mesh,
    compiler_params=pltpu.CompilerParams(needs_layout_passes=False),
    scratch_types=[
        pltpu.VMEM((_CROWS_PT, _CW), jnp.int32),
        pltpu.VMEM((_N_P,), jnp.float32),
        pltpu.SemaphoreType.DMA,
    ],
)
def _deg_kernel(dst_hbm, out_hbm, dst_v, cnt_v, sem):
    cid = lax.axis_index("c")
    sid = lax.axis_index("s")
    tid = cid * _NS + sid
    zero16 = jnp.zeros((16,), jnp.float32)

    def _zcnt(i, _):
        cnt_v[pl.ds(i * 16, 16)] = zero16
        return 0
    lax.fori_loop(0, _N_P // 16, _zcnt, 0)

    pltpu.sync_copy(dst_hbm.at[pl.ds(tid * _CROWS_PT, _CROWS_PT)], dst_v)

    ones16 = jnp.ones((16,), jnp.float32)

    def _cnt(i, _):
        r = i // 4
        k = i - r * 4
        idx = dst_v[r, pl.ds(k * 16, 16)]
        plsc.addupdate_scatter(cnt_v, [idx], ones16)
        return 0
    lax.fori_loop(0, _CROWS_PT * 4, _cnt, 0)

    pltpu.sync_copy(cnt_v, out_hbm.at[pl.ds(tid * _N_P, _N_P)])


def _tc_deg_reduce(degp):
    def body(p_ref, o_ref):
        o_ref[...] = jnp.sum(p_ref[...], axis=0)

    return pl.pallas_call(
        body,
        out_shape=jax.ShapeDtypeStruct((_NROWS, _LANES), jnp.float32),
    )(degp)


@functools.partial(
    pl.kernel,
    out_type=jax.ShapeDtypeStruct((_NC, _N_P, _D), jnp.float32),
    mesh=_mesh,
    compiler_params=pltpu.CompilerParams(needs_layout_passes=False),
    scratch_types=[
        pltpu.VMEM((_CROWS_PT // 4, _CW), jnp.int32),
        pltpu.VMEM((_CROWS_PT // 4, _CW), jnp.int32),
        pltpu.VMEM((_CW, _D), jnp.float32),
        pltpu.VMEM((_CW, _D), jnp.float32),
        pltpu.VMEM((_CW, _D), jnp.float32),
        pltpu.VMEM((_CW, _D), jnp.float32),
        pltpu.VMEM_SHARED((_N_P, _D), jnp.float32),
        pltpu.SemaphoreType.DMA,
        pltpu.SemaphoreType.DMA,
        pltpu.SemaphoreType.DMA,
        pltpu.SemaphoreType.DMA,
        pltpu.SemaphoreType.DMA,
        pltpu.SemaphoreType.DMA,
        pltpu.SemaphoreType.DMA,
        pltpu.SemaphoreType.DMA,
    ],
)
def _agg_kernel(g_hbm, src_hbm, dst_hbm, out_hbm,
                src_v, dst_v, buf0, buf1, buf2, buf3, acc_sh,
                gs0, gs1, gs2, gs3, ss0, ss1, ss2, ss3):
    cid = lax.axis_index("c")
    sid = lax.axis_index("s")
    tid = cid * _NS + sid
    bufs = [buf0, buf1, buf2, buf3]
    gs = [gs0, gs1, gs2, gs3]
    ss = [ss0, ss1, ss2, ss3]
    zero16 = jnp.zeros((16,), jnp.float32)

    def _z(i, _):
        r = i // 8
        k = i - r * 8
        buf0[r, pl.ds(k * 16, 16)] = zero16
        return 0
    lax.fori_loop(0, _CW * 8, _z, 0)

    def _zs(b, _):
        pltpu.sync_copy(buf0, acc_sh.at[pl.ds(sid * _ACC_PT + b * _CW, _CW)])
        return 0
    lax.fori_loop(0, _ACC_PT // _CW, _zs, 0)
    plsc.subcore_barrier()

    def _gather(c, b):
        pltpu.async_copy(g_hbm.at[src_v.at[c]], bufs[b], gs[b])

    def _gwait(b):
        pltpu.make_async_copy(g_hbm.at[src_v.at[0]], bufs[b], gs[b]).wait()

    def _scat(c, b):
        pltpu.async_copy(bufs[b], acc_sh.at[dst_v.at[c]], ss[b], add=True)

    def _swait(b):
        pltpu.make_async_copy(bufs[b], acc_sh.at[dst_v.at[0]], ss[b]).wait()

    nh = _CROWS_PT // 4
    nj = nh // 4
    for h in range(4):
        base = tid * _CROWS_PT + h * nh
        pltpu.sync_copy(src_hbm.at[pl.ds(base, nh)], src_v)
        pltpu.sync_copy(dst_hbm.at[pl.ds(base, nh)], dst_v)
        _gather(0, 0)
        _gather(1, 1)

        def _step(j, _):
            c0 = 4 * j
            _gwait(0)
            _scat(c0, 0)

            @pl.when(j > 0)
            def _():
                _swait(2)
            _gather(c0 + 2, 2)
            _gwait(1)
            _scat(c0 + 1, 1)

            @pl.when(j > 0)
            def _():
                _swait(3)
            _gather(c0 + 3, 3)
            _gwait(2)
            _scat(c0 + 2, 2)
            _swait(0)

            @pl.when(j < nj - 1)
            def _():
                _gather(c0 + 4, 0)
            _gwait(3)
            _scat(c0 + 3, 3)
            _swait(1)

            @pl.when(j < nj - 1)
            def _():
                _gather(c0 + 5, 1)
            return 0
        lax.fori_loop(0, nj, _step, 0)
        _swait(2)
        _swait(3)

    plsc.subcore_barrier()
    pltpu.sync_copy(acc_sh.at[pl.ds(sid * _ACC_PT, _ACC_PT)],
                    out_hbm.at[cid, pl.ds(sid * _ACC_PT, _ACC_PT)])


_BM = 1024
_BM3 = 1000


def _tc_layer1(x_pad, w1, deg):
    def body(x_ref, w_ref, d_ref, g_ref):
        dis = lax.rsqrt(d_ref[...] + 1.0)
        h = jnp.dot(x_ref[...], w_ref[...], preferred_element_type=jnp.float32)
        g_ref[...] = h * dis

    return pl.pallas_call(
        body,
        grid=(_N_P // _BM,),
        in_specs=[
            pl.BlockSpec((_BM, _D), lambda b: (b, 0)),
            pl.BlockSpec((_D, _D), lambda b: (0, 0)),
            pl.BlockSpec((_BM, 1), lambda b: (b, 0)),
        ],
        out_specs=pl.BlockSpec((_BM, _D), lambda b: (b, 0)),
        out_shape=jax.ShapeDtypeStruct((_N_P, _D), jnp.float32),
    )(x_pad, w1, deg)


def _tc_layer2(parts, g1, deg, w2, b1):
    def body(p_ref, g_ref, d_ref, w_ref, b_ref, o_ref):
        dis = lax.rsqrt(d_ref[...] + 1.0)
        s = p_ref[0] + p_ref[1] + g_ref[...]
        z = jnp.maximum(s * dis + b_ref[...], 0.0)
        o_ref[...] = jnp.dot(z, w_ref[...], preferred_element_type=jnp.float32) * dis

    return pl.pallas_call(
        body,
        grid=(_N_P // _BM,),
        in_specs=[
            pl.BlockSpec((_NC, _BM, _D), lambda b: (0, b, 0)),
            pl.BlockSpec((_BM, _D), lambda b: (b, 0)),
            pl.BlockSpec((_BM, 1), lambda b: (b, 0)),
            pl.BlockSpec((_D, _D), lambda b: (0, 0)),
            pl.BlockSpec((1, _D), lambda b: (0, 0)),
        ],
        out_specs=pl.BlockSpec((_BM, _D), lambda b: (b, 0)),
        out_shape=jax.ShapeDtypeStruct((_N_P, _D), jnp.float32),
    )(parts, g1, deg, w2, b1)


def _tc_layer3(parts, g2, deg, b2):
    def body(p_ref, g_ref, d_ref, b_ref, o_ref):
        dis = lax.rsqrt(d_ref[...] + 1.0)
        s = p_ref[0] + p_ref[1] + g_ref[...]
        o_ref[...] = s * dis + b_ref[...]

    return pl.pallas_call(
        body,
        grid=(_N // _BM3,),
        in_specs=[
            pl.BlockSpec((_NC, _BM3, _D), lambda b: (0, b, 0)),
            pl.BlockSpec((_BM3, _D), lambda b: (b, 0)),
            pl.BlockSpec((_BM3, 1), lambda b: (b, 0)),
            pl.BlockSpec((1, _D), lambda b: (0, 0)),
        ],
        out_specs=pl.BlockSpec((_BM3, _D), lambda b: (b, 0)),
        out_shape=jax.ShapeDtypeStruct((_N, _D), jnp.float32),
    )(parts, g2, deg, b2)


def kernel(x, edge_index, W1, b1, W2, b2):
    x = x.astype(jnp.float32)
    src = edge_index[0].astype(jnp.int32)
    dst = edge_index[1].astype(jnp.int32)
    pad_idx = jnp.arange(_E_P - _E, dtype=jnp.int32)
    src_p = jnp.concatenate([src, pad_idx % _N]).reshape(_CROWS, _CW)
    pad_dst = _N + pad_idx % (_N_P - _N)
    dst_p = jnp.concatenate([dst, pad_dst]).reshape(_CROWS, _CW)
    x_pad = jnp.pad(x, ((0, _N_P - _N), (0, 0)))

    degp = _deg_kernel(dst_p).reshape(_TILES, _NROWS, _LANES)
    deg = _tc_deg_reduce(degp).reshape(_N_P, 1)
    g1 = _tc_layer1(x_pad, W1, deg)
    p = _agg_kernel(g1, src_p, dst_p)
    g2 = _tc_layer2(p, g1, deg, W2, b1.reshape(1, _D))
    q = _agg_kernel(g2, src_p, dst_p)
    return _tc_layer3(q, g2, deg, b2.reshape(1, _D))

# --- scband reference (transcript-rebuilt; emitter-appended) ---
"""Pipeline reference for scband-decoder-39281770889455 (READ-ONLY COPY).

The authoritative reference and input builder live on the scoring server;
editing this copy changes nothing except your own understanding.
"""

import jax, jax.numpy as jnp
import numpy as np

N_NODES = 10000
N_EDGES = 320000
D_IN = 128
D_OUT = 128


def setup_inputs(seed: int = 0) -> dict:
    key = jax.random.key(seed)
    k1, k2, k3, k4, k5, k6 = jax.random.split(key, 6)
    x = jax.random.normal(k1, (N_NODES, D_IN), dtype=jnp.float32)
    edge_index = jax.random.randint(k2, (2, N_EDGES), 0, N_NODES, dtype=jnp.int64)
    # GCNConv layer 1 params (in_dim -> out_dim)
    W1 = jax.random.normal(k3, (D_IN, D_OUT), dtype=jnp.float32) * (1.0 / np.sqrt(D_IN))
    b1 = jnp.zeros((D_OUT,), dtype=jnp.float32)
    # GCNConv layer 2 params (out_dim -> out_dim)
    W2 = jax.random.normal(k4, (D_OUT, D_OUT), dtype=jnp.float32) * (1.0 / np.sqrt(D_OUT))
    b2 = jnp.zeros((D_OUT,), dtype=jnp.float32)
    return {"x": x, "edge_index": edge_index, "W1": W1, "b1": b1, "W2": W2, "b2": b2}


def _gcn_conv(x, edge_index, W, b):
    # PyG-style GCNConv: add self-loops, symmetric degree normalization,
    # linear transform, scatter-add aggregation, bias.
    N = x.shape[0]
    loop = jnp.arange(N, dtype=edge_index.dtype)
    src = jnp.concatenate([edge_index[0], loop])
    dst = jnp.concatenate([edge_index[1], loop])
    ones = jnp.ones(src.shape[0], dtype=x.dtype)
    deg = jnp.zeros((N,), dtype=x.dtype).at[dst].add(ones)
    deg_inv_sqrt = jnp.where(deg > 0, jax.lax.rsqrt(deg), 0.0)
    norm = deg_inv_sqrt[src] * deg_inv_sqrt[dst]
    h = x @ W
    msgs = h[src] * norm[:, None]
    out = jnp.zeros((N, W.shape[1]), dtype=x.dtype).at[dst].add(msgs)
    return out + b


def reference(x, edge_index, W1, b1, W2, b2):
    # Decoder.forward with num_layers=2, dropout=0:
    # layer0 -> relu -> (dropout p=0, identity) -> layer1
    h = _gcn_conv(x, edge_index, W1, b1)
    h = jax.nn.relu(h)
    out = _gcn_conv(h, edge_index, W2, b2)
    return out

if __name__ == "__main__":
    import jax
    _d = setup_inputs()
    print(jax.jit(kernel)(*tuple(_d.values())))

</pallas_src>

<mosaic_0001>
#map = affine_map<(d0, d1) -> (0, 0)>
#map1 = affine_map<(d0, d1) -> (0)>
module attributes {stable_mosaic.version = 14 : i64} {
  func.func @_deg_kernel(%arg0: i32, %arg1: i32, %arg2: memref<5120x64xi32, #tpu.memory_space<hbm>>, %arg3: memref<327680xf32, #tpu.memory_space<hbm>>, %arg4: memref<160x64xi32, #tpu.memory_space<vmem>>, %arg5: memref<10240xf32, #tpu.memory_space<vmem>>, %arg6: memref<!tpu.dma_semaphore, #tpu.memory_space<semaphore_mem>>) attributes {dimension_semantics = [#tpu.dimension_semantics<core_parallel>, #tpu.dimension_semantics<subcore_parallel>], iteration_bounds = array<i64: 2, 16>, scalar_prefetch = 0 : i64, scratch_operands = 3 : i64, tpu.core_type = #tpu.core_type<sc_vector_subcore>, window_params = [{transform_indices = #map}, {transform_indices = #map1}]} {
    %mul3A = arith.constant 16 : i32
    %mul3A_0 = arith.muli %arg0, %mul3A : i32
    %add3A = arith.addi %mul3A_0, %arg1 : i32
    %broadcast_in_dim3A = arith.constant 0.000000e+00 : f32
    %broadcast_in_dim3A_1 = vector.broadcast %broadcast_in_dim3A : f32 to vector<16xf32>
    %scan3A = arith.constant 0 : i32
    %scan3A_2 = arith.constant 0 : i32
    %scan3A_3 = arith.constant 640 : i32
    %scan3A_4 = arith.addi %scan3A_2, %scan3A_3 : i32
    %scan3A_5 = arith.constant 1 : i32
    %scan3A_6 = scf.for %scan3A_21 = %scan3A_2 to %scan3A_4 step %scan3A_5 iter_args(%scan3A_22 = %scan3A) -> (i32)  : i32 {
      %mul3A_23 = arith.constant 16 : i32
      %mul3A_24 = arith.muli %scan3A_21, %mul3A_23 : i32
      %swap3A = arith.index_cast %mul3A_24 : i32 to index
      %swap3A_25 = tpu.vector_load %arg5[%swap3A] {strides = array<i32>} : memref<10240xf32, #tpu.memory_space<vmem>>, vector<16xf32>,
      tpu.vector_store %arg5[%swap3A], %broadcast_in_dim3A_1 {strides = array<i32>} : memref<10240xf32, #tpu.memory_space<vmem>>, vector<16xf32>,
      %scan3A_26 = arith.constant 0 : i32
      scf.yield %scan3A_26 : i32
    }
    %scan3A_7 = arith.constant 640 : i32
    %mul3A_8 = arith.constant 160 : i32
    %mul3A_9 = arith.muli %add3A, %mul3A_8 : i32
    "tpu.region"() ({
      %run_scoped3A = tpu.sem_alloc : memref<!tpu.dma_semaphore, #tpu.memory_space<semaphore_mem>>
      %dma_start3A = arith.constant 0 : i32
      %dma_start3A_21 = tpu.memref_slice %arg2[%mul3A_9, %dma_start3A] : memref<5120x64xi32, #tpu.memory_space<hbm>> -> memref<160x64xi32, #tpu.memory_space<hbm>>
      %dma_start3A_22 = arith.constant 0 : i32
      %dma_start3A_23 = tpu.memref_slice %arg2[%mul3A_9, %dma_start3A_22] : memref<5120x64xi32, #tpu.memory_space<hbm>> -> memref<160x64xi32, #tpu.memory_space<hbm>>
      tpu.enqueue_dma source(%dma_start3A_23 : memref<160x64xi32, #tpu.memory_space<hbm>>) target(%arg4 : memref<160x64xi32, #tpu.memory_space<vmem>>) target_semaphore(%run_scoped3A : memref<!tpu.dma_semaphore, #tpu.memory_space<semaphore_mem>>)
      %dma_wait3A = arith.constant 0 : i32
      %dma_wait3A_24 = tpu.memref_slice %arg2[%mul3A_9, %dma_wait3A] : memref<5120x64xi32, #tpu.memory_space<hbm>> -> memref<160x64xi32, #tpu.memory_space<hbm>>
      %dma_wait3A_25 = arith.constant 0 : i32
      %dma_wait3A_26 = tpu.memref_slice %arg2[%mul3A_9, %dma_wait3A_25] : memref<5120x64xi32, #tpu.memory_space<hbm>> -> memref<160x64xi32, #tpu.memory_space<hbm>>
      tpu.wait_dma2 semaphore(%run_scoped3A : memref<!tpu.dma_semaphore, #tpu.memory_space<semaphore_mem>>) src(%dma_wait3A_26 : memref<160x64xi32, #tpu.memory_space<hbm>>) dst(%arg4 : memref<160x64xi32, #tpu.memory_space<vmem>>)
      tpu.yield
    }) : () -> ()
    %broadcast_in_dim3A_10 = arith.constant 1.000000e+00 : f32
    %broadcast_in_dim3A_11 = vector.broadcast %broadcast_in_dim3A_10 : f32 to vector<16xf32>
    %scan3A_12 = arith.constant 0 : i32
    %scan3A_13 = arith.constant 0 : i32
    %scan3A_14 = arith.constant 640 : i32
    %scan3A_15 = arith.addi %scan3A_13, %scan3A_14 : i32
    %scan3A_16 = arith.constant 1 : i32
    %scan3A_17 = scf.for %scan3A_21 = %scan3A_13 to %scan3A_15 step %scan3A_16 iter_args(%scan3A_22 = %scan3A_12) -> (i32)  : i32 {
      %jit3A = arith.constant 4 : i32
      %div3A = arith.divsi %scan3A_21, %jit3A : i32
      %sign3A = arith.constant 0 : i32
      %sign3A_23 = arith.cmpi sgt, %scan3A_21, %sign3A : i32
      %sign3A_24 = arith.extui %sign3A_23 : i1 to i32
      %sign3A_25 = arith.constant 0 : i32
      %sign3A_26 = arith.cmpi slt, %scan3A_21, %sign3A_25 : i32
      %sign3A_27 = arith.extui %sign3A_26 : i1 to i32
      %sign3A_28 = arith.subi %sign3A_24, %sign3A_27 : i32
      %sign3A_29 = arith.constant 0 : i32
      %sign3A_30 = arith.cmpi sgt, %jit3A, %sign3A_29 : i32
      %sign3A_31 = arith.extui %sign3A_30 : i1 to i32
      %sign3A_32 = arith.constant 0 : i32
      %sign3A_33 = arith.cmpi slt, %jit3A, %sign3A_32 : i32
      %sign3A_34 = arith.extui %sign3A_33 : i1 to i32
      %sign3A_35 = arith.subi %sign3A_31, %sign3A_34 : i32
      %ne3A = arith.cmpi ne, %sign3A_28, %sign3A_35 : i32
      %rem3A = arith.remsi %scan3A_21, %jit3A : i32
      %ne3A_36 = arith.constant 0 : i32
      %ne3A_37 = arith.cmpi ne, %rem3A, %ne3A_36 : i32
      %and3A = arith.andi %ne3A, %ne3A_37 : i1
      %sub3A = arith.constant 1 : i32
      %sub3A_38 = arith.subi %div3A, %sub3A : i32
      %select_n3A = arith.select %and3A, %sub3A_38, %div3A : i32
      %mul3A_39 = arith.constant 4 : i32
      %mul3A_40 = arith.muli %select_n3A, %mul3A_39 : i32
      %sub3A_41 = arith.subi %scan3A_21, %mul3A_40 : i32
      %mul3A_42 = arith.constant 16 : i32
      %mul3A_43 = arith.muli %sub3A_41, %mul3A_42 : i32
      %get3A = arith.index_cast %select_n3A : i32 to index
      %get3A_44 = arith.index_cast %mul3A_43 : i32 to index
      %get3A_45 = tpu.vector_load %arg4[%get3A, %get3A_44] {strides = array<i32>} : memref<160x64xi32, #tpu.memory_space<vmem>>, vector<16xi32>,
      tpu.vector_store_idx %arg5[%get3A_45], %broadcast_in_dim3A_11 {add = true} : memref<10240xf32, #tpu.memory_space<vmem>>[vector<16xi32>], vector<16xf32>,
      %scan3A_46 = arith.constant 0 : i32
      scf.yield %scan3A_46 : i32
    }
    %scan3A_18 = arith.constant 640 : i32
    %mul3A_19 = arith.constant 10240 : i32
    %mul3A_20 = arith.muli %add3A, %mul3A_19 : i32
    "tpu.region"() ({
      %run_scoped3A = tpu.sem_alloc : memref<!tpu.dma_semaphore, #tpu.memory_space<semaphore_mem>>
      %dma_start3A = tpu.memref_slice %arg3[%mul3A_20] : memref<327680xf32, #tpu.memory_space<hbm>> -> memref<10240xf32, #tpu.memory_space<hbm>>
      %dma_start3A_21 = tpu.memref_slice %arg3[%mul3A_20] : memref<327680xf32, #tpu.memory_space<hbm>> -> memref<10240xf32, #tpu.memory_space<hbm>>
      tpu.enqueue_dma source(%arg5 : memref<10240xf32, #tpu.memory_space<vmem>>) target(%dma_start3A_21 : memref<10240xf32, #tpu.memory_space<hbm>>) target_semaphore(%run_scoped3A : memref<!tpu.dma_semaphore, #tpu.memory_space<semaphore_mem>>)
      %dma_wait3A = tpu.memref_slice %arg3[%mul3A_20] : memref<327680xf32, #tpu.memory_space<hbm>> -> memref<10240xf32, #tpu.memory_space<hbm>>
      %dma_wait3A_22 = tpu.memref_slice %arg3[%mul3A_20] : memref<327680xf32, #tpu.memory_space<hbm>> -> memref<10240xf32, #tpu.memory_space<hbm>>
      tpu.wait_dma2 semaphore(%run_scoped3A : memref<!tpu.dma_semaphore, #tpu.memory_space<semaphore_mem>>) src(%arg5 : memref<10240xf32, #tpu.memory_space<vmem>>) dst(%dma_wait3A_22 : memref<10240xf32, #tpu.memory_space<hbm>>)
      tpu.yield
    }) : () -> ()
    return
  }
}

#map = affine_map<(d0, d1) -> (0, 0)>
#map1 = affine_map<(d0, d1) -> (0, 0, 0)>
module attributes {stable_mosaic.version = 14 : i64} {
  func.func @_agg_kernel(%arg0: i32, %arg1: i32, %arg2: memref<10240x128xf32, #tpu.memory_space<hbm>>, %arg3: memref<5120x64xi32, #tpu.memory_space<hbm>>, %arg4: memref<5120x64xi32, #tpu.memory_space<hbm>>, %arg5: memref<2x10240x128xf32, #tpu.memory_space<hbm>>, %arg6: memref<40x64xi32, #tpu.memory_space<vmem>>, %arg7: memref<40x64xi32, #tpu.memory_space<vmem>>, %arg8: memref<64x128xf32, #tpu.memory_space<vmem>>, %arg9: memref<64x128xf32, #tpu.memory_space<vmem>>, %arg10: memref<64x128xf32, #tpu.memory_space<vmem>>, %arg11: memref<64x128xf32, #tpu.memory_space<vmem>>, %arg12: memref<10240x128xf32, #tpu.memory_space<vmem_shared>>, %arg13: memref<!tpu.dma_semaphore, #tpu.memory_space<semaphore_mem>>, %arg14: memref<!tpu.dma_semaphore, #tpu.memory_space<semaphore_mem>>, %arg15: memref<!tpu.dma_semaphore, #tpu.memory_space<semaphore_mem>>, %arg16: memref<!tpu.dma_semaphore, #tpu.memory_space<semaphore_mem>>, %arg17: memref<!tpu.dma_semaphore, #tpu.memory_space<semaphore_mem>>, %arg18: memref<!tpu.dma_semaphore, #tpu.memory_space<semaphore_mem>>, %arg19: memref<!tpu.dma_semaphore, #tpu.memory_space<semaphore_mem>>, %arg20: memref<!tpu.dma_semaphore, #tpu.memory_space<semaphore_mem>>) attributes {dimension_semantics = [#tpu.dimension_semantics<core_parallel>, #tpu.dimension_semantics<subcore_parallel>], iteration_bounds = array<i64: 2, 16>, scalar_prefetch = 0 : i64, scratch_operands = 15 : i64, tpu.core_type = #tpu.core_type<sc_vector_subcore>, window_params = [{transform_indices = #map}, {transform_indices = #map}, {transform_indices = #map}, {transform_indices = #map1}]} {
    %mul3A = arith.constant 16 : i32
    %mul3A_0 = arith.muli %arg0, %mul3A : i32
    %add3A = arith.addi %mul3A_0, %arg1 : i32
    %broadcast_in_dim3A = arith.constant 0.000000e+00 : f32
    %broadcast_in_dim3A_1 = vector.broadcast %broadcast_in_dim3A : f32 to vector<16xf32>
    %scan3A = arith.constant 0 : i32
    %scan3A_2 = arith.constant 0 : i32
    %scan3A_3 = arith.constant 512 : i32
    %scan3A_4 = arith.addi %scan3A_2, %scan3A_3 : i32
    %scan3A_5 = arith.constant 1 : i32
    %scan3A_6 = scf.for %scan3A_174 = %scan3A_2 to %scan3A_4 step %scan3A_5 iter_args(%scan3A_175 = %scan3A) -> (i32)  : i32 {
      %jit3A = arith.constant 8 : i32
      %div3A = arith.divsi %scan3A_174, %jit3A : i32
      %sign3A = arith.constant 0 : i32
      %sign3A_176 = arith.cmpi sgt, %scan3A_174, %sign3A : i32
      %sign3A_177 = arith.extui %sign3A_176 : i1 to i32
      %sign3A_178 = arith.constant 0 : i32
      %sign3A_179 = arith.cmpi slt, %scan3A_174, %sign3A_178 : i32
      %sign3A_180 = arith.extui %sign3A_179 : i1 to i32
      %sign3A_181 = arith.subi %sign3A_177, %sign3A_180 : i32
      %sign3A_182 = arith.constant 0 : i32
      %sign3A_183 = arith.cmpi sgt, %jit3A, %sign3A_182 : i32
      %sign3A_184 = arith.extui %sign3A_183 : i1 to i32
      %sign3A_185 = arith.constant 0 : i32
      %sign3A_186 = arith.cmpi slt, %jit3A, %sign3A_185 : i32
      %sign3A_187 = arith.extui %sign3A_186 : i1 to i32
      %sign3A_188 = arith.subi %sign3A_184, %sign3A_187 : i32
      %ne3A = arith.cmpi ne, %sign3A_181, %sign3A_188 : i32
      %rem3A = arith.remsi %scan3A_174, %jit3A : i32
      %ne3A_189 = arith.constant 0 : i32
      %ne3A_190 = arith.cmpi ne, %rem3A, %ne3A_189 : i32
      %and3A = arith.andi %ne3A, %ne3A_190 : i1
      %sub3A = arith.constant 1 : i32
      %sub3A_191 = arith.subi %div3A, %sub3A : i32
      %select_n3A = arith.select %and3A, %sub3A_191, %div3A : i32
      %mul3A_192 = arith.constant 8 : i32
      %mul3A_193 = arith.muli %select_n3A, %mul3A_192 : i32
      %sub3A_194 = arith.subi %scan3A_174, %mul3A_193 : i32
      %mul3A_195 = arith.constant 16 : i32
      %mul3A_196 = arith.muli %sub3A_194, %mul3A_195 : i32
      %swap3A = arith.index_cast %select_n3A : i32 to index
      %swap3A_197 = arith.index_cast %mul3A_196 : i32 to index
      %swap3A_198 = tpu.vector_load %arg8[%swap3A, %swap3A_197] {strides = array<i32>} : memref<64x128xf32, #tpu.memory_space<vmem>>, vector<16xf32>,
      tpu.vector_store %arg8[%swap3A, %swap3A_197], %broadcast_in_dim3A_1 {strides = array<i32>} : memref<64x128xf32, #tpu.memory_space<vmem>>, vector<16xf32>,
      %scan3A_199 = arith.constant 0 : i32
      scf.yield %scan3A_199 : i32
    }
    %scan3A_7 = arith.constant 512 : i32
    %scan3A_8 = arith.constant 0 : i32
    %scan3A_9 = arith.constant 0 : i32
    %scan3A_10 = arith.constant 10 : i32
    %scan3A_11 = arith.addi %scan3A_9, %scan3A_10 : i32
    %scan3A_12 = arith.constant 1 : i32
    %scan3A_13 = scf.for %scan3A_174 = %scan3A_9 to %scan3A_11 step %scan3A_12 iter_args(%scan3A_175 = %scan3A_8) -> (i32)  : i32 {
      %mul3A_176 = arith.constant 640 : i32
      %mul3A_177 = arith.muli %arg1, %mul3A_176 : i32
      %mul3A_178 = arith.constant 64 : i32
      %mul3A_179 = arith.muli %scan3A_174, %mul3A_178 : i32
      %add3A_180 = arith.addi %mul3A_177, %mul3A_179 : i32
      "tpu.region"() ({
        %run_scoped3A = tpu.sem_alloc : memref<!tpu.dma_semaphore, #tpu.memory_space<semaphore_mem>>
        %dma_start3A_182 = arith.constant 0 : i32
        %dma_start3A_183 = tpu.memref_slice %arg12[%add3A_180, %dma_start3A_182] : memref<10240x128xf32, #tpu.memory_space<vmem_shared>> -> memref<64x128xf32, #tpu.memory_space<vmem_shared>>
        %dma_start3A_184 = arith.constant 0 : i32
        %dma_start3A_185 = tpu.memref_slice %arg12[%add3A_180, %dma_start3A_184] : memref<10240x128xf32, #tpu.memory_space<vmem_shared>> -> memref<64x128xf32, #tpu.memory_space<vmem_shared>>
        tpu.enqueue_dma source(%arg8 : memref<64x128xf32, #tpu.memory_space<vmem>>) target(%dma_start3A_185 : memref<64x128xf32, #tpu.memory_space<vmem_shared>>) target_semaphore(%run_scoped3A : memref<!tpu.dma_semaphore, #tpu.memory_space<semaphore_mem>>)
        %dma_wait3A_186 = arith.constant 0 : i32
        %dma_wait3A_187 = tpu.memref_slice %arg12[%add3A_180, %dma_wait3A_186] : memref<10240x128xf32, #tpu.memory_space<vmem_shared>> -> memref<64x128xf32, #tpu.memory_space<vmem_shared>>
        %dma_wait3A_188 = arith.constant 0 : i32
        %dma_wait3A_189 = tpu.memref_slice %arg12[%add3A_180, %dma_wait3A_188] : memref<10240x128xf32, #tpu.memory_space<vmem_shared>> -> memref<64x128xf32, #tpu.memory_space<vmem_shared>>
        tpu.wait_dma2 semaphore(%run_scoped3A : memref<!tpu.dma_semaphore, #tpu.memory_space<semaphore_mem>>) src(%arg8 : memref<64x128xf32, #tpu.memory_space<vmem>>) dst(%dma_wait3A_189 : memref<64x128xf32, #tpu.memory_space<vmem_shared>>)
        tpu.yield
      }) : () -> ()
      %scan3A_181 = arith.constant 0 : i32
      scf.yield %scan3A_181 : i32
    }
    %scan3A_14 = arith.constant 10 : i32
    %barrier3A = arith.constant 0 : index
    tpu.barrier barrier_id(%barrier3A)
    %mul3A_15 = arith.constant 160 : i32
    %mul3A_16 = arith.muli %add3A, %mul3A_15 : i32
    %add3A_17 = arith.constant 0 : i32
    %add3A_18 = arith.addi %mul3A_16, %add3A_17 : i32
    "tpu.region"() ({
      %run_scoped3A = tpu.sem_alloc : memref<!tpu.dma_semaphore, #tpu.memory_space<semaphore_mem>>
      %dma_start3A_174 = arith.constant 0 : i32
      %dma_start3A_175 = tpu.memref_slice %arg3[%add3A_18, %dma_start3A_174] : memref<5120x64xi32, #tpu.memory_space<hbm>> -> memref<40x64xi32, #tpu.memory_space<hbm>>
      %dma_start3A_176 = arith.constant 0 : i32
      %dma_start3A_177 = tpu.memref_slice %arg3[%add3A_18, %dma_start3A_176] : memref<5120x64xi32, #tpu.memory_space<hbm>> -> memref<40x64xi32, #tpu.memory_space<hbm>>
      tpu.enqueue_dma source(%dma_start3A_177 : memref<40x64xi32, #tpu.memory_space<hbm>>) target(%arg6 : memref<40x64xi32, #tpu.memory_space<vmem>>) target_semaphore(%run_scoped3A : memref<!tpu.dma_semaphore, #tpu.memory_space<semaphore_mem>>)
      %dma_wait3A_178 = arith.constant 0 : i32
      %dma_wait3A_179 = tpu.memref_slice %arg3[%add3A_18, %dma_wait3A_178] : memref<5120x64xi32, #tpu.memory_space<hbm>> -> memref<40x64xi32, #tpu.memory_space<hbm>>
      %dma_wait3A_180 = arith.constant 0 : i32
      %dma_wait3A_181 = tpu.memref_slice %arg3[%add3A_18, %dma_wait3A_180] : memref<5120x64xi32, #tpu.memory_space<hbm>> -> memref<40x64xi32, #tpu.memory_space<hbm>>
      tpu.wait_dma2 semaphore(%run_scoped3A : memref<!tpu.dma_semaphore, #tpu.memory_space<semaphore_mem>>) src(%dma_wait3A_181 : memref<40x64xi32, #tpu.memory_space<hbm>>) dst(%arg6 : memref<40x64xi32, #tpu.memory_space<vmem>>)
      tpu.yield
    }) : () -> ()
    "tpu.region"() ({
      %run_scoped3A = tpu.sem_alloc : memref<!tpu.dma_semaphore, #tpu.memory_space<semaphore_mem>>
      %dma_start3A_174 = arith.constant 0 : i32
      %dma_start3A_175 = tpu.memref_slice %arg4[%add3A_18, %dma_start3A_174] : memref<5120x64xi32, #tpu.memory_space<hbm>> -> memref<40x64xi32, #tpu.memory_space<hbm>>
      %dma_start3A_176 = arith.constant 0 : i32
      %dma_start3A_177 = tpu.memref_slice %arg4[%add3A_18, %dma_start3A_176] : memref<5120x64xi32, #tpu.memory_space<hbm>> -> memref<40x64xi32, #tpu.memory_space<hbm>>
      tpu.enqueue_dma source(%dma_start3A_177 : memref<40x64xi32, #tpu.memory_space<hbm>>) target(%arg7 : memref<40x64xi32, #tpu.memory_space<vmem>>) target_semaphore(%run_scoped3A : memref<!tpu.dma_semaphore, #tpu.memory_space<semaphore_mem>>)
      %dma_wait3A_178 = arith.constant 0 : i32
      %dma_wait3A_179 = tpu.memref_slice %arg4[%add3A_18, %dma_wait3A_178] : memref<5120x64xi32, #tpu.memory_space<hbm>> -> memref<40x64xi32, #tpu.memory_space<hbm>>
      %dma_wait3A_180 = arith.constant 0 : i32
      %dma_wait3A_181 = tpu.memref_slice %arg4[%add3A_18, %dma_wait3A_180] : memref<5120x64xi32, #tpu.memory_space<hbm>> -> memref<40x64xi32, #tpu.memory_space<hbm>>
      tpu.wait_dma2 semaphore(%run_scoped3A : memref<!tpu.dma_semaphore, #tpu.memory_space<semaphore_mem>>) src(%dma_wait3A_181 : memref<40x64xi32, #tpu.memory_space<hbm>>) dst(%arg7 : memref<40x64xi32, #tpu.memory_space<vmem>>)
      tpu.yield
    }) : () -> ()
    %dma_start3A = arith.constant 0 : i32
    %dma_start3A_19 = arith.constant 0 : i32
    %dma_start3A_20 = tpu.memref_slice %arg6[%dma_start3A, %dma_start3A_19] : memref<40x64xi32, #tpu.memory_space<vmem>> -> memref<1x64xi32, #tpu.memory_space<vmem>>
    %dma_start3A_21 = tpu.memref_squeeze %dma_start3A_20 : memref<1x64xi32, #tpu.memory_space<vmem>> -> memref<64xi32, #tpu.memory_space<vmem>>
    %dma_start3A_22 = arith.constant 0 : i32
    %dma_start3A_23 = arith.constant 0 : i32
    %dma_start3A_24 = tpu.memref_slice %arg2[%dma_start3A_22, %dma_start3A_23] : memref<10240x128xf32, #tpu.memory_space<hbm>> -> memref<10240x128xf32, #tpu.memory_space<hbm>>
    tpu.enqueue_indirect_dma source(%dma_start3A_24 : memref<10240x128xf32, #tpu.memory_space<hbm>>) target(%arg8 : memref<64x128xf32, #tpu.memory_space<vmem>>) offsets(%dma_start3A_21 : memref<64xi32, #tpu.memory_space<vmem>>) semaphore(%arg13 : memref<!tpu.dma_semaphore, #tpu.memory_space<semaphore_mem>>)
    %dma_start3A_25 = arith.constant 1 : i32
    %dma_start3A_26 = arith.constant 0 : i32
    %dma_start3A_27 = tpu.memref_slice %arg6[%dma_start3A_25, %dma_start3A_26] : memref<40x64xi32, #tpu.memory_space<vmem>> -> memref<1x64xi32, #tpu.memory_space<vmem>>
    %dma_start3A_28 = tpu.memref_squeeze %dma_start3A_27 : memref<1x64xi32, #tpu.memory_space<vmem>> -> memref<64xi32, #tpu.memory_space<vmem>>
    %dma_start3A_29 = arith.constant 0 : i32
    %dma_start3A_30 = arith.constant 0 : i32
    %dma_start3A_31 = tpu.memref_slice %arg2[%dma_start3A_29, %dma_start3A_30] : memref<10240x128xf32, #tpu.memory_space<hbm>> -> memref<10240x128xf32, #tpu.memory_space<hbm>>
    tpu.enqueue_indirect_dma source(%dma_start3A_31 : memref<10240x128xf32, #tpu.memory_space<hbm>>) target(%arg9 : memref<64x128xf32, #tpu.memory_space<vmem>>) offsets(%dma_start3A_28 : memref<64xi32, #tpu.memory_space<vmem>>) semaphore(%arg14 : memref<!tpu.dma_semaphore, #tpu.memory_space<semaphore_mem>>)
    %scan3A_32 = arith.constant 0 : i32
    %scan3A_33 = arith.constant 0 : i32
    %scan3A_34 = arith.constant 10 : i32
    %scan3A_35 = arith.addi %scan3A_33, %scan3A_34 : i32
    %scan3A_36 = arith.constant 1 : i32
    %scan3A_37 = scf.for %scan3A_174 = %scan3A_33 to %scan3A_35 step %scan3A_36 iter_args(%scan3A_175 = %scan3A_32) -> (i32)  : i32 {
      %mul3A_176 = arith.constant 4 : i32
      %mul3A_177 = arith.muli %mul3A_176, %scan3A_174 : i32
      %dma_wait3A_178 = arith.constant 0 : i32
      %dma_wait3A_179 = arith.constant 0 : i32
      %dma_wait3A_180 = tpu.memref_slice %arg6[%dma_wait3A_178, %dma_wait3A_179] : memref<40x64xi32, #tpu.memory_space<vmem>> -> memref<1x64xi32, #tpu.memory_space<vmem>>
      %dma_wait3A_181 = tpu.memref_squeeze %dma_wait3A_180 : memref<1x64xi32, #tpu.memory_space<vmem>> -> memref<64xi32, #tpu.memory_space<vmem>>
      %dma_wait3A_182 = arith.constant 0 : i32
      %dma_wait3A_183 = arith.constant 0 : i32
      %dma_wait3A_184 = tpu.memref_slice %arg2[%dma_wait3A_182, %dma_wait3A_183] : memref<10240x128xf32, #tpu.memory_space<hbm>> -> memref<10240x128xf32, #tpu.memory_space<hbm>>
      tpu.wait_indirect_dma semaphore(%arg13 : memref<!tpu.dma_semaphore, #tpu.memory_space<semaphore_mem>>) src(%dma_wait3A_184 : memref<10240x128xf32, #tpu.memory_space<hbm>>) dst(%arg8 : memref<64x128xf32, #tpu.memory_space<vmem>>)
      %dma_start3A_185 = arith.constant 0 : i32
      %dma_start3A_186 = tpu.memref_slice %arg7[%mul3A_177, %dma_start3A_185] : memref<40x64xi32, #tpu.memory_space<vmem>> -> memref<1x64xi32, #tpu.memory_space<vmem>>
      %dma_start3A_187 = tpu.memref_squeeze %dma_start3A_186 : memref<1x64xi32, #tpu.memory_space<vmem>> -> memref<64xi32, #tpu.memory_space<vmem>>
      %dma_start3A_188 = arith.constant 0 : i32
      %dma_start3A_189 = arith.constant 0 : i32
      %dma_start3A_190 = tpu.memref_slice %arg12[%dma_start3A_188, %dma_start3A_189] : memref<10240x128xf32, #tpu.memory_space<vmem_shared>> -> memref<10240x128xf32, #tpu.memory_space<vmem_shared>>
      tpu.enqueue_indirect_dma source(%arg8 : memref<64x128xf32, #tpu.memory_space<vmem>>) target(%dma_start3A_190 : memref<10240x128xf32, #tpu.memory_space<vmem_shared>>) offsets(%dma_start3A_187 : memref<64xi32, #tpu.memory_space<vmem>>) semaphore(%arg17 : memref<!tpu.dma_semaphore, #tpu.memory_space<semaphore_mem>>) {add = true}
      %gt3A = arith.constant 0 : i32
      %gt3A_191 = arith.cmpi sgt, %scan3A_174, %gt3A : i32
      %convert_element_type3A = arith.extui %gt3A_191 : i1 to i32
      %cond3A = arith.constant 0 : i32
      %cond3A_192 = arith.cmpi ne, %convert_element_type3A, %cond3A : i32
      scf.if %cond3A_192 {
        %dma_wait3A_283 = arith.constant 0 : i32
        %dma_wait3A_284 = arith.constant 0 : i32
        %dma_wait3A_285 = tpu.memref_slice %arg7[%dma_wait3A_283, %dma_wait3A_284] : memref<40x64xi32, #tpu.memory_space<vmem>> -> memref<1x64xi32, #tpu.memory_space<vmem>>
        %dma_wait3A_286 = tpu.memref_squeeze %dma_wait3A_285 : memref<1x64xi32, #tpu.memory_space<vmem>> -> memref<64xi32, #tpu.memory_space<vmem>>
        %dma_wait3A_287 = arith.constant 0 : i32
        %dma_wait3A_288 = arith.constant 0 : i32
        %dma_wait3A_289 = tpu.memref_slice %arg12[%dma_wait3A_287, %dma_wait3A_288] : memref<10240x128xf32, #tpu.memory_space<vmem_shared>> -> memref<10240x128xf32, #tpu.memory_space<vmem_shared>>
        tpu.wait_indirect_dma semaphore(%arg19 : memref<!tpu.dma_semaphore, #tpu.memory_space<semaphore_mem>>) src(%arg10 : memref<64x128xf32, #tpu.memory_space<vmem>>) dst(%dma_wait3A_289 : memref<10240x128xf32, #tpu.memory_space<vmem_shared>>)
      } else {
      }
      %add3A_193 = arith.constant 2 : i32
      %add3A_194 = arith.addi %mul3A_177, %add3A_193 : i32
      %dma_start3A_195 = arith.constant 0 : i32
      %dma_start3A_196 = tpu.memref_slice %arg6[%add3A_194, %dma_start3A_195] : memref<40x64xi32, #tpu.memory_space<vmem>> -> memref<1x64xi32, #tpu.memory_space<vmem>>
      %dma_start3A_197 = tpu.memref_squeeze %dma_start3A_196 : memref<1x64xi32, #tpu.memory_space<vmem>> -> memref<64xi32, #tpu.memory_space<vmem>>
      %dma_start3A_198 = arith.constant 0 : i32
      %dma_start3A_199 = arith.constant 0 : i32
      %dma_start3A_200 = tpu.memref_slice %arg2[%dma_start3A_198, %dma_start3A_199] : memref<10240x128xf32, #tpu.memory_space<hbm>> -> memref<10240x128xf32, #tpu.memory_space<hbm>>
      tpu.enqueue_indirect_dma source(%dma_start3A_200 : memref<10240x128xf32, #tpu.memory_space<hbm>>) target(%arg10 : memref<64x128xf32, #tpu.memory_space<vmem>>) offsets(%dma_start3A_197 : memref<64xi32, #tpu.memory_space<vmem>>) semaphore(%arg15 : memref<!tpu.dma_semaphore, #tpu.memory_space<semaphore_mem>>)
      %dma_wait3A_201 = arith.constant 0 : i32
      %dma_wait3A_202 = arith.constant 0 : i32
      %dma_wait3A_203 = tpu.memref_slice %arg6[%dma_wait3A_201, %dma_wait3A_202] : memref<40x64xi32, #tpu.memory_space<vmem>> -> memref<1x64xi32, #tpu.memory_space<vmem>>
      %dma_wait3A_204 = tpu.memref_squeeze %dma_wait3A_203 : memref<1x64xi32, #tpu.memory_space<vmem>> -> memref<64xi32, #tpu.memory_space<vmem>>
      %dma_wait3A_205 = arith.constant 0 : i32
      %dma_wait3A_206 = arith.constant 0 : i32
      %dma_wait3A_207 = tpu.memref_slice %arg2[%dma_wait3A_205, %dma_wait3A_206] : memref<10240x128xf32, #tpu.memory_space<hbm>> -> memref<10240x128xf32, #tpu.memory_space<hbm>>
      tpu.wait_indirect_dma semaphore(%arg14 : memref<!tpu.dma_semaphore, #tpu.memory_space<semaphore_mem>>) src(%dma_wait3A_207 : memref<10240x128xf32, #tpu.memory_space<hbm>>) dst(%arg9 : memref<64x128xf32, #tpu.memory_space<vmem>>)
      %add3A_208 = arith.constant 1 : i32
      %add3A_209 = arith.addi %mul3A_177, %add3A_208 : i32
      %dma_start3A_210 = arith.constant 0 : i32
      %dma_start3A_211 = tpu.memref_slice %arg7[%add3A_209, %dma_start3A_210] : memref<40x64xi32, #tpu.memory_space<vmem>> -> memref<1x64xi32, #tpu.memory_space<vmem>>
      %dma_start3A_212 = tpu.memref_squeeze %dma_start3A_211 : memref<1x64xi32, #tpu.memory_space<vmem>> -> memref<64xi32, #tpu.memory_space<vmem>>
      %dma_start3A_213 = arith.constant 0 : i32
      %dma_start3A_214 = arith.constant 0 : i32
      %dma_start3A_215 = tpu.memref_slice %arg12[%dma_start3A_213, %dma_start3A_214] : memref<10240x128xf32, #tpu.memory_space<vmem_shared>> -> memref<10240x128xf32, #tpu.memory_space<vmem_shared>>
      tpu.enqueue_indirect_dma source(%arg9 : memref<64x128xf32, #tpu.memory_space<vmem>>) target(%dma_start3A_215 : memref<10240x128xf32, #tpu.memory_space<vmem_shared>>) offsets(%dma_start3A_212 : memref<64xi32, #tpu.memory_space<vmem>>) semaphore(%arg18 : memref<!tpu.dma_semaphore, #tpu.memory_space<semaphore_mem>>) {add = true}
      %gt3A_216 = arith.constant 0 : i32
      %gt3A_217 = arith.cmpi sgt, %scan3A_174, %gt3A_216 : i32
      %convert_element_type3A_218 = arith.extui %gt3A_217 : i1 to i32
      %cond3A_219 = arith.constant 0 : i32
      %cond3A_220 = arith.cmpi ne, %convert_element_type3A_218, %cond3A_219 : i32
      scf.if %cond3A_220 {
        %dma_wait3A_283 = arith.constant 0 : i32
        %dma_wait3A_284 = arith.constant 0 : i32
        %dma_wait3A_285 = tpu.memref_slice %arg7[%dma_wait3A_283, %dma_wait3A_284] : memref<40x64xi32, #tpu.memory_space<vmem>> -> memref<1x64xi32, #tpu.memory_space<vmem>>
        %dma_wait3A_286 = tpu.memref_squeeze %dma_wait3A_285 : memref<1x64xi32, #tpu.memory_space<vmem>> -> memref<64xi32, #tpu.memory_space<vmem>>
        %dma_wait3A_287 = arith.constant 0 : i32
        %dma_wait3A_288 = arith.constant 0 : i32
        %dma_wait3A_289 = tpu.memref_slice %arg12[%dma_wait3A_287, %dma_wait3A_288] : memref<10240x128xf32, #tpu.memory_space<vmem_shared>> -> memref<10240x128xf32, #tpu.memory_space<vmem_shared>>
        tpu.wait_indirect_dma semaphore(%arg20 : memref<!tpu.dma_semaphore, #tpu.memory_space<semaphore_mem>>) src(%arg11 : memref<64x128xf32, #tpu.memory_space<vmem>>) dst(%dma_wait3A_289 : memref<10240x128xf32, #tpu.memory_space<vmem_shared>>)
      } else {
      }
      %add3A_221 = arith.constant 3 : i32
      %add3A_222 = arith.addi %mul3A_177, %add3A_221 : i32
      %dma_start3A_223 = arith.constant 0 : i32
      %dma_start3A_224 = tpu.memref_slice %arg6[%add3A_222, %dma_start3A_223] : memref<40x64xi32, #tpu.memory_space<vmem>> -> memref<1x64xi32, #tpu.memory_space<vmem>>
      %dma_start3A_225 = tpu.memref_squeeze %dma_start3A_224 : memref<1x64xi32, #tpu.memory_space<vmem>> -> memref<64xi32, #tpu.memory_space<vmem>>
      %dma_start3A_226 = arith.constant 0 : i32
      %dma_start3A_227 = arith.constant 0 : i32
      %dma_start3A_228 = tpu.memref_slice %arg2[%dma_start3A_226, %dma_start3A_227] : memref<10240x128xf32, #tpu.memory_space<hbm>> -> memref<10240x128xf32, #tpu.memory_space<hbm>>
      tpu.enqueue_indirect_dma source(%dma_start3A_228 : memref<10240x128xf32, #tpu.memory_space<hbm>>) target(%arg11 : memref<64x128xf32, #tpu.memory_space<vmem>>) offsets(%dma_start3A_225 : memref<64xi32, #tpu.memory_space<vmem>>) semaphore(%arg16 : memref<!tpu.dma_semaphore, #tpu.memory_space<semaphore_mem>>)
      %dma_wait3A_229 = arith.constant 0 : i32
      %dma_wait3A_230 = arith.constant 0 : i32
      %dma_wait3A_231 = tpu.memref_slice %arg6[%dma_wait3A_229, %dma_wait3A_230] : memref<40x64xi32, #tpu.memory_space<vmem>> -> memref<1x64xi32, #tpu.memory_space<vmem>>
      %dma_wait3A_232 = tpu.memref_squeeze %dma_wait3A_231 : memref<1x64xi32, #tpu.memory_space<vmem>> -> memref<64xi32, #tpu.memory_space<vmem>>
      %dma_wait3A_233 = arith.constant 0 : i32
      %dma_wait3A_234 = arith.constant 0 : i32
      %dma_wait3A_235 = tpu.memref_slice %arg2[%dma_wait3A_233, %dma_wait3A_234] : memref<10240x128xf32, #tpu.memory_space<hbm>> -> memref<10240x128xf32, #tpu.memory_space<hbm>>
      tpu.wait_indirect_dma semaphore(%arg15 : memref<!tpu.dma_semaphore, #tpu.memory_space<semaphore_mem>>) src(%dma_wait3A_235 : memref<10240x128xf32, #tpu.memory_space<hbm>>) dst(%arg10 : memref<64x128xf32, #tpu.memory_space<vmem>>)
      %add3A_236 = arith.constant 2 : i32
      %add3A_237 = arith.addi %mul3A_177, %add3A_236 : i32
      %dma_start3A_238 = arith.constant 0 : i32
      %dma_start3A_239 = tpu.memref_slice %arg7[%add3A_237, %dma_start3A_238] : memref<40x64xi32, #tpu.memory_space<vmem>> -> memref<1x64xi32, #tpu.memory_space<vmem>>
      %dma_start3A_240 = tpu.memref_squeeze %dma_start3A_239 : memref<1x64xi32, #tpu.memory_space<vmem>> -> memref<64xi32, #tpu.memory_space<vmem>>
      %dma_start3A_241 = arith.constant 0 : i32
      %dma_start3A_242 = arith.constant 0 : i32
      %dma_start3A_243 = tpu.memref_slice %arg12[%dma_start3A_241, %dma_start3A_242] : memref<10240x128xf32, #tpu.memory_space<vmem_shared>> -> memref<10240x128xf32, #tpu.memory_space<vmem_shared>>
      tpu.enqueue_indirect_dma source(%arg10 : memref<64x128xf32, #tpu.memory_space<vmem>>) target(%dma_start3A_243 : memref<10240x128xf32, #tpu.memory_space<vmem_shared>>) offsets(%dma_start3A_240 : memref<64xi32, #tpu.memory_space<vmem>>) semaphore(%arg19 : memref<!tpu.dma_semaphore, #tpu.memory_space<semaphore_mem>>) {add = true}
      %dma_wait3A_244 = arith.constant 0 : i32
      %dma_wait3A_245 = arith.constant 0 : i32
      %dma_wait3A_246 = tpu.memref_slice %arg7[%dma_wait3A_244, %dma_wait3A_245] : memref<40x64xi32, #tpu.memory_space<vmem>> -> memref<1x64xi32, #tpu.memory_space<vmem>>
      %dma_wait3A_247 = tpu.memref_squeeze %dma_wait3A_246 : memref<1x64xi32, #tpu.memory_space<vmem>> -> memref<64xi32, #tpu.memory_space<vmem>>
      %dma_wait3A_248 = arith.constant 0 : i32
      %dma_wait3A_249 = arith.constant 0 : i32
      %dma_wait3A_250 = tpu.memref_slice %arg12[%dma_wait3A_248, %dma_wait3A_249] : memref<10240x128xf32, #tpu.memory_space<vmem_shared>> -> memref<10240x128xf32, #tpu.memory_space<vmem_shared>>
      tpu.wait_indirect_dma semaphore(%arg17 : memref<!tpu.dma_semaphore, #tpu.memory_space<semaphore_mem>>) src(%arg8 : memref<64x128xf32, #tpu.memory_space<vmem>>) dst(%dma_wait3A_250 : memref<10240x128xf32, #tpu.memory_space<vmem_shared>>)
      %lt3A = arith.constant 9 : i32
      %lt3A_251 = arith.cmpi slt, %scan3A_174, %lt3A : i32
      %convert_element_type3A_252 = arith.extui %lt3A_251 : i1 to i32
      %cond3A_253 = arith.constant 0 : i32
      %cond3A_254 = arith.cmpi ne, %convert_element_type3A_252, %cond3A_253 : i32
      scf.if %cond3A_254 {
        %add3A_283 = arith.constant 4 : i32
        %add3A_284 = arith.addi %mul3A_177, %add3A_283 : i32
        %dma_start3A_285 = arith.constant 0 : i32
        %dma_start3A_286 = tpu.memref_slice %arg6[%add3A_284, %dma_start3A_285] : memref<40x64xi32, #tpu.memory_space<vmem>> -> memref<1x64xi32, #tpu.memory_space<vmem>>
        %dma_start3A_287 = tpu.memref_squeeze %dma_start3A_286 : memref<1x64xi32, #tpu.memory_space<vmem>> -> memref<64xi32, #tpu.memory_space<vmem>>
        %dma_start3A_288 = arith.constant 0 : i32
        %dma_start3A_289 = arith.constant 0 : i32
        %dma_start3A_290 = tpu.memref_slice %arg2[%dma_start3A_288, %dma_start3A_289] : memref<10240x128xf32, #tpu.memory_space<hbm>> -> memref<10240x128xf32, #tpu.memory_space<hbm>>
        tpu.enqueue_indirect_dma source(%dma_start3A_290 : memref<10240x128xf32, #tpu.memory_space<hbm>>) target(%arg8 : memref<64x128xf32, #tpu.memory_space<vmem>>) offsets(%dma_start3A_287 : memref<64xi32, #tpu.memory_space<vmem>>) semaphore(%arg13 : memref<!tpu.dma_semaphore, #tpu.memory_space<semaphore_mem>>)
      } else {
      }
      %dma_wait3A_255 = arith.constant 0 : i32
      %dma_wait3A_256 = arith.constant 0 : i32
      %dma_wait3A_257 = tpu.memref_slice %arg6[%dma_wait3A_255, %dma_wait3A_256] : memref<40x64xi32, #tpu.memory_space<vmem>> -> memref<1x64xi32, #tpu.memory_space<vmem>>
      %dma_wait3A_258 = tpu.memref_squeeze %dma_wait3A_257 : memref<1x64xi32, #tpu.memory_space<vmem>> -> memref<64xi32, #tpu.memory_space<vmem>>
      %dma_wait3A_259 = arith.constant 0 : i32
      %dma_wait3A_260 = arith.constant 0 : i32
      %dma_wait3A_261 = tpu.memref_slice %arg2[%dma_wait3A_259, %dma_wait3A_260] : memref<10240x128xf32, #tpu.memory_space<hbm>> -> memref<10240x128xf32, #tpu.memory_space<hbm>>
      tpu.wait_indirect_dma semaphore(%arg16 : memref<!tpu.dma_semaphore, #tpu.memory_space<semaphore_mem>>) src(%dma_wait3A_261 : memref<10240x128xf32, #tpu.memory_space<hbm>>) dst(%arg11 : memref<64x128xf32, #tpu.memory_space<vmem>>)
      %add3A_262 = arith.constant 3 : i32
      %add3A_263 = arith.addi %mul3A_177, %add3A_262 : i32
      %dma_start3A_264 = arith.constant 0 : i32
      %dma_start3A_265 = tpu.memref_slice %arg7[%add3A_263, %dma_start3A_264] : memref<40x64xi32, #tpu.memory_space<vmem>> -> memref<1x64xi32, #tpu.memory_space<vmem>>
      %dma_start3A_266 = tpu.memref_squeeze %dma_start3A_265 : memref<1x64xi32, #tpu.memory_space<vmem>> -> memref<64xi32, #tpu.memory_space<vmem>>
      %dma_start3A_267 = arith.constant 0 : i32
      %dma_start3A_268 = arith.constant 0 : i32
      %dma_start3A_269 = tpu.memref_slice %arg12[%dma_start3A_267, %dma_start3A_268] : memref<10240x128xf32, #tpu.memory_space<vmem_shared>> -> memref<10240x128xf32, #tpu.memory_space<vmem_shared>>
      tpu.enqueue_indirect_dma source(%arg11 : memref<64x128xf32, #tpu.memory_space<vmem>>) target(%dma_start3A_269 : memref<10240x128xf32, #tpu.memory_space<vmem_shared>>) offsets(%dma_start3A_266 : memref<64xi32, #tpu.memory_space<vmem>>) semaphore(%arg20 : memref<!tpu.dma_semaphore, #tpu.memory_space<semaphore_mem>>) {add = true}
      %dma_wait3A_270 = arith.constant 0 : i32
      %dma_wait3A_271 = arith.constant 0 : i32
      %dma_wait3A_272 = tpu.memref_slice %arg7[%dma_wait3A_270, %dma_wait3A_271] : memref<40x64xi32, #tpu.memory_space<vmem>> -> memref<1x64xi32, #tpu.memory_space<vmem>>
      %dma_wait3A_273 = tpu.memref_squeeze %dma_wait3A_272 : memref<1x64xi32, #tpu.memory_space<vmem>> -> memref<64xi32, #tpu.memory_space<vmem>>
      %dma_wait3A_274 = arith.constant 0 : i32
      %dma_wait3A_275 = arith.constant 0 : i32
      %dma_wait3A_276 = tpu.memref_slice %arg12[%dma_wait3A_274, %dma_wait3A_275] : memref<10240x128xf32, #tpu.memory_space<vmem_shared>> -> memref<10240x128xf32, #tpu.memory_space<vmem_shared>>
      tpu.wait_indirect_dma semaphore(%arg18 : memref<!tpu.dma_semaphore, #tpu.memory_space<semaphore_mem>>) src(%arg9 : memref<64x128xf32, #tpu.memory_space<vmem>>) dst(%dma_wait3A_276 : memref<10240x128xf32, #tpu.memory_space<vmem_shared>>)
      %lt3A_277 = arith.constant 9 : i32
      %lt3A_278 = arith.cmpi slt, %scan3A_174, %lt3A_277 : i32
      %convert_element_type3A_279 = arith.extui %lt3A_278 : i1 to i32
      %cond3A_280 = arith.constant 0 : i32
      %cond3A_281 = arith.cmpi ne, %convert_element_type3A_279, %cond3A_280 : i32
      scf.if %cond3A_281 {
        %add3A_283 = arith.constant 5 : i32
        %add3A_284 = arith.addi %mul3A_177, %add3A_283 : i32
        %dma_start3A_285 = arith.constant 0 : i32
        %dma_start3A_286 = tpu.memref_slice %arg6[%add3A_284, %dma_start3A_285] : memref<40x64xi32, #tpu.memory_space<vmem>> -> memref<1x64xi32, #tpu.memory_space<vmem>>
        %dma_start3A_287 = tpu.memref_squeeze %dma_start3A_286 : memref<1x64xi32, #tpu.memory_space<vmem>> -> memref<64xi32, #tpu.memory_space<vmem>>
        %dma_start3A_288 = arith.constant 0 : i32
        %dma_start3A_289 = arith.constant 0 : i32
        %dma_start3A_290 = tpu.memref_slice %arg2[%dma_start3A_288, %dma_start3A_289] : memref<10240x128xf32, #tpu.memory_space<hbm>> -> memref<10240x128xf32, #tpu.memory_space<hbm>>
        tpu.enqueue_indirect_dma source(%dma_start3A_290 : memref<10240x128xf32, #tpu.memory_space<hbm>>) target(%arg9 : memref<64x128xf32, #tpu.memory_space<vmem>>) offsets(%dma_start3A_287 : memref<64xi32, #tpu.memory_space<vmem>>) semaphore(%arg14 : memref<!tpu.dma_semaphore, #tpu.memory_space<semaphore_mem>>)
      } else {
      }
      %scan3A_282 = arith.constant 0 : i32
      scf.yield %scan3A_282 : i32
    }
    %scan3A_38 = arith.constant 10 : i32
    %dma_wait3A = arith.constant 0 : i32
    %dma_wait3A_39 = arith.constant 0 : i32
    %dma_wait3A_40 = tpu.memref_slice %arg7[%dma_wait3A, %dma_wait3A_39] : memref<40x64xi32, #tpu.memory_space<vmem>> -> memref<1x64xi32, #tpu.memory_space<vmem>>
    %dma_wait3A_41 = tpu.memref_squeeze %dma_wait3A_40 : memref<1x64xi32, #tpu.memory_space<vmem>> -> memref<64xi32, #tpu.memory_space<vmem>>
    %dma_wait3A_42 = arith.constant 0 : i32
    %dma_wait3A_43 = arith.constant 0 : i32
    %dma_wait3A_44 = tpu.memref_slice %arg12[%dma_wait3A_42, %dma_wait3A_43] : memref<10240x128xf32, #tpu.memory_space<vmem_shared>> -> memref<10240x128xf32, #tpu.memory_space<vmem_shared>>
    tpu.wait_indirect_dma semaphore(%arg19 : memref<!tpu.dma_semaphore, #tpu.memory_space<semaphore_mem>>) src(%arg10 : memref<64x128xf32, #tpu.memory_space<vmem>>) dst(%dma_wait3A_44 : memref<10240x128xf32, #tpu.memory_space<vmem_shared>>)
    %dma_wait3A_45 = arith.constant 0 : i32
    %dma_wait3A_46 = arith.constant 0 : i32
    %dma_wait3A_47 = tpu.memref_slice %arg7[%dma_wait3A_45, %dma_wait3A_46] : memref<40x64xi32, #tpu.memory_space<vmem>> -> memref<1x64xi32, #tpu.memory_space<vmem>>
    %dma_wait3A_48 = tpu.memref_squeeze %dma_wait3A_47 : memref<1x64xi32, #tpu.memory_space<vmem>> -> memref<64xi32, #tpu.memory_space<vmem>>
    %dma_wait3A_49 = arith.constant 0 : i32
    %dma_wait3A_50 = arith.constant 0 : i32
    %dma_wait3A_51 = tpu.memref_slice %arg12[%dma_wait3A_49, %dma_wait3A_50] : memref<10240x128xf32, #tpu.memory_space<vmem_shared>> -> memref<10240x128xf32, #tpu.memory_space<vmem_shared>>
    tpu.wait_indirect_dma semaphore(%arg20 : memref<!tpu.dma_semaphore, #tpu.memory_space<semaphore_mem>>) src(%arg11 : memref<64x128xf32, #tpu.memory_space<vmem>>) dst(%dma_wait3A_51 : memref<10240x128xf32, #tpu.memory_space<vmem_shared>>)
    %mul3A_52 = arith.constant 160 : i32
    %mul3A_53 = arith.muli %add3A, %mul3A_52 : i32
    %add3A_54 = arith.constant 40 : i32
    %add3A_55 = arith.addi %mul3A_53, %add3A_54 : i32
    "tpu.region"() ({
      %run_scoped3A = tpu.sem_alloc : memref<!tpu.dma_semaphore, #tpu.memory_space<semaphore_mem>>
      %dma_start3A_174 = arith.constant 0 : i32
      %dma_start3A_175 = tpu.memref_slice %arg3[%add3A_55, %dma_start3A_174] : memref<5120x64xi32, #tpu.memory_space<hbm>> -> memref<40x64xi32, #tpu.memory_space<hbm>>
      %dma_start3A_176 = arith.constant 0 : i32
      %dma_start3A_177 = tpu.memref_slice %arg3[%add3A_55, %dma_start3A_176] : memref<5120x64xi32, #tpu.memory_space<hbm>> -> memref<40x64xi32, #tpu.memory_space<hbm>>
      tpu.enqueue_dma source(%dma_start3A_177 : memref<40x64xi32, #tpu.memory_space<hbm>>) target(%arg6 : memref<40x64xi32, #tpu.memory_space<vmem>>) target_semaphore(%run_scoped3A : memref<!tpu.dma_semaphore, #tpu.memory_space<semaphore_mem>>)
      %dma_wait3A_178 = arith.constant 0 : i32
      %dma_wait3A_179 = tpu.memref_slice %arg3[%add3A_55, %dma_wait3A_178] : memref<5120x64xi32, #tpu.memory_space<hbm>> -> memref<40x64xi32, #tpu.memory_space<hbm>>
      %dma_wait3A_180 = arith.constant 0 : i32
      %dma_wait3A_181 = tpu.memref_slice %arg3[%add3A_55, %dma_wait3A_180] : memref<5120x64xi32, #tpu.memory_space<hbm>> -> memref<40x64xi32, #tpu.memory_space<hbm>>
      tpu.wait_dma2 semaphore(%run_scoped3A : memref<!tpu.dma_semaphore, #tpu.memory_space<semaphore_mem>>) src(%dma_wait3A_181 : memref<40x64xi32, #tpu.memory_space<hbm>>) dst(%arg6 : memref<40x64xi32, #tpu.memory_space<vmem>>)
      tpu.yield
    }) : () -> ()
    "tpu.region"() ({
      %run_scoped3A = tpu.sem_alloc : memref<!tpu.dma_semaphore, #tpu.memory_space<semaphore_mem>>
      %dma_start3A_174 = arith.constant 0 : i32
      %dma_start3A_175 = tpu.memref_slice %arg4[%add3A_55, %dma_start3A_174] : memref<5120x64xi32, #tpu.memory_space<hbm>> -> memref<40x64xi32, #tpu.memory_space<hbm>>
      %dma_start3A_176 = arith.constant 0 : i32
      %dma_start3A_177 = tpu.memref_slice %arg4[%add3A_55, %dma_start3A_176] : memref<5120x64xi32, #tpu.memory_space<hbm>> -> memref<40x64xi32, #tpu.memory_space<hbm>>
      tpu.enqueue_dma source(%dma_start3A_177 : memref<40x64xi32, #tpu.memory_space<hbm>>) target(%arg7 : memref<40x64xi32, #tpu.memory_space<vmem>>) target_semaphore(%run_scoped3A : memref<!tpu.dma_semaphore, #tpu.memory_space<semaphore_mem>>)
      %dma_wait3A_178 = arith.constant 0 : i32
      %dma_wait3A_179 = tpu.memref_slice %arg4[%add3A_55, %dma_wait3A_178] : memref<5120x64xi32, #tpu.memory_space<hbm>> -> memref<40x64xi32, #tpu.memory_space<hbm>>
      %dma_wait3A_180 = arith.constant 0 : i32
      %dma_wait3A_181 = tpu.memref_slice %arg4[%add3A_55, %dma_wait3A_180] : memref<5120x64xi32, #tpu.memory_space<hbm>> -> memref<40x64xi32, #tpu.memory_space<hbm>>
      tpu.wait_dma2 semaphore(%run_scoped3A : memref<!tpu.dma_semaphore, #tpu.memory_space<semaphore_mem>>) src(%dma_wait3A_181 : memref<40x64xi32, #tpu.memory_space<hbm>>) dst(%arg7 : memref<40x64xi32, #tpu.memory_space<vmem>>)
      tpu.yield
    }) : () -> ()
    %dma_start3A_56 = arith.constant 0 : i32
    %dma_start3A_57 = arith.constant 0 : i32
    %dma_start3A_58 = tpu.memref_slice %arg6[%dma_start3A_56, %dma_start3A_57] : memref<40x64xi32, #tpu.memory_space<vmem>> -> memref<1x64xi32, #tpu.memory_space<vmem>>
    %dma_start3A_59 = tpu.memref_squeeze %dma_start3A_58 : memref<1x64xi32, #tpu.memory_space<vmem>> -> memref<64xi32, #tpu.memory_space<vmem>>
    %dma_start3A_60 = arith.constant 0 : i32
    %dma_start3A_61 = arith.constant 0 : i32
    %dma_start3A_62 = tpu.memref_slice %arg2[%dma_start3A_60, %dma_start3A_61] : memref<10240x128xf32, #tpu.memory_space<hbm>> -> memref<10240x128xf32, #tpu.memory_space<hbm>>
    tpu.enqueue_indirect_dma source(%dma_start3A_62 : memref<10240x128xf32, #tpu.memory_space<hbm>>) target(%arg8 : memref<64x128xf32, #tpu.memory_space<vmem>>) offsets(%dma_start3A_59 : memref<64xi32, #tpu.memory_space<vmem>>) semaphore(%arg13 : memref<!tpu.dma_semaphore, #tpu.memory_space<semaphore_mem>>)
    %dma_start3A_63 = arith.constant 1 : i32
    %dma_start3A_64 = arith.constant 0 : i32
    %dma_start3A_65 = tpu.memref_slice %arg6[%dma_start3A_63, %dma_start3A_64] : memref<40x64xi32, #tpu.memory_space<vmem>> -> memref<1x64xi32, #tpu.memory_space<vmem>>
    %dma_start3A_66 = tpu.memref_squeeze %dma_start3A_65 : memref<1x64xi32, #tpu.memory_space<vmem>> -> memref<64xi32, #tpu.memory_space<vmem>>
    %dma_start3A_67 = arith.constant 0 : i32
    %dma_start3A_68 = arith.constant 0 : i32
    %dma_start3A_69 = tpu.memref_slice %arg2[%dma_start3A_67, %dma_start3A_68] : memref<10240x128xf32, #tpu.memory_space<hbm>> -> memref<10240x128xf32, #tpu.memory_space<hbm>>
    tpu.enqueue_indirect_dma source(%dma_start3A_69 : memref<10240x128xf32, #tpu.memory_space<hbm>>) target(%arg9 : memref<64x128xf32, #tpu.memory_space<vmem>>) offsets(%dma_start3A_66 : memref<64xi32, #tpu.memory_space<vmem>>) semaphore(%arg14 : memref<!tpu.dma_semaphore, #tpu.memory_space<semaphore_mem>>)
    %scan3A_70 = arith.constant 0 : i32
    %scan3A_71 = arith.constant 0 : i32
    %scan3A_72 = arith.constant 10 : i32
    %scan3A_73 = arith.addi %scan3A_71, %scan3A_72 : i32
    %scan3A_74 = arith.constant 1 : i32
    %scan3A_75 = scf.for %scan3A_174 = %scan3A_71 to %scan3A_73 step %scan3A_74 iter_args(%scan3A_175 = %scan3A_70) -> (i32)  : i32 {
      %mul3A_176 = arith.constant 4 : i32
      %mul3A_177 = arith.muli %mul3A_176, %scan3A_174 : i32
      %dma_wait3A_178 = arith.constant 0 : i32
      %dma_wait3A_179 = arith.constant 0 : i32
      %dma_wait3A_180 = tpu.memref_slice %arg6[%dma_wait3A_178, %dma_wait3A_179] : memref<40x64xi32, #tpu.memory_space<vmem>> -> memref<1x64xi32, #tpu.memory_space<vmem>>
      %dma_wait3A_181 = tpu.memref_squeeze %dma_wait3A_180 : memref<1x64xi32, #tpu.memory_space<vmem>> -> memref<64xi32, #tpu.memory_space<vmem>>
      %dma_wait3A_182 = arith.constant 0 : i32
      %dma_wait3A_183 = arith.constant 0 : i32
      %dma_wait3A_184 = tpu.memref_slice %arg2[%dma_wait3A_182, %dma_wait3A_183] : memref<10240x128xf32, #tpu.memory_space<hbm>> -> memref<10240x128xf32, #tpu.memory_space<hbm>>
      tpu.wait_indirect_dma semaphore(%arg13 : memref<!tpu.dma_semaphore, #tpu.memory_space<semaphore_mem>>) src(%dma_wait3A_184 : memref<10240x128xf32, #tpu.memory_space<hbm>>) dst(%arg8 : memref<64x128xf32, #tpu.memory_space<vmem>>)
      %dma_start3A_185 = arith.constant 0 : i32
      %dma_start3A_186 = tpu.memref_slice %arg7[%mul3A_177, %dma_start3A_185] : memref<40x64xi32, #tpu.memory_space<vmem>> -> memref<1x64xi32, #tpu.memory_space<vmem>>
      %dma_start3A_187 = tpu.memref_squeeze %dma_start3A_186 : memref<1x64xi32, #tpu.memory_space<vmem>> -> memref<64xi32, #tpu.memory_space<vmem>>
      %dma_start3A_188 = arith.constant 0 : i32
      %dma_start3A_189 = arith.constant 0 : i32
      %dma_start3A_190 = tpu.memref_slice %arg12[%dma_start3A_188, %dma_start3A_189] : memref<10240x128xf32, #tpu.memory_space<vmem_shared>> -> memref<10240x128xf32, #tpu.memory_space<vmem_shared>>
      tpu.enqueue_indirect_dma source(%arg8 : memref<64x128xf32, #tpu.memory_space<vmem>>) target(%dma_start3A_190 : memref<10240x128xf32, #tpu.memory_space<vmem_shared>>) offsets(%dma_start3A_187 : memref<64xi32, #tpu.memory_space<vmem>>) semaphore(%arg17 : memref<!tpu.dma_semaphore, #tpu.memory_space<semaphore_mem>>) {add = true}
      %gt3A = arith.constant 0 : i32
      %gt3A_191 = arith.cmpi sgt, %scan3A_174, %gt3A : i32
      %convert_element_type3A = arith.extui %gt3A_191 : i1 to i32
      %cond3A = arith.constant 0 : i32
      %cond3A_192 = arith.cmpi ne, %convert_element_type3A, %cond3A : i32
      scf.if %cond3A_192 {
        %dma_wait3A_283 = arith.constant 0 : i32
        %dma_wait3A_284 = arith.constant 0 : i32
        %dma_wait3A_285 = tpu.memref_slice %arg7[%dma_wait3A_283, %dma_wait3A_284] : memref<40x64xi32, #tpu.memory_space<vmem>> -> memref<1x64xi32, #tpu.memory_space<vmem>>
        %dma_wait3A_286 = tpu.memref_squeeze %dma_wait3A_285 : memref<1x64xi32, #tpu.memory_space<vmem>> -> memref<64xi32, #tpu.memory_space<vmem>>
        %dma_wait3A_287 = arith.constant 0 : i32
        %dma_wait3A_288 = arith.constant 0 : i32
        %dma_wait3A_289 = tpu.memref_slice %arg12[%dma_wait3A_287, %dma_wait3A_288] : memref<10240x128xf32, #tpu.memory_space<vmem_shared>> -> memref<10240x128xf32, #tpu.memory_space<vmem_shared>>
        tpu.wait_indirect_dma semaphore(%arg19 : memref<!tpu.dma_semaphore, #tpu.memory_space<semaphore_mem>>) src(%arg10 : memref<64x128xf32, #tpu.memory_space<vmem>>) dst(%dma_wait3A_289 : memref<10240x128xf32, #tpu.memory_space<vmem_shared>>)
      } else {
      }
      %add3A_193 = arith.constant 2 : i32
      %add3A_194 = arith.addi %mul3A_177, %add3A_193 : i32
      %dma_start3A_195 = arith.constant 0 : i32
      %dma_start3A_196 = tpu.memref_slice %arg6[%add3A_194, %dma_start3A_195] : memref<40x64xi32, #tpu.memory_space<vmem>> -> memref<1x64xi32, #tpu.memory_space<vmem>>
      %dma_start3A_197 = tpu.memref_squeeze %dma_start3A_196 : memref<1x64xi32, #tpu.memory_space<vmem>> -> memref<64xi32, #tpu.memory_space<vmem>>
      %dma_start3A_198 = arith.constant 0 : i32
      %dma_start3A_199 = arith.constant 0 : i32
      %dma_start3A_200 = tpu.memref_slice %arg2[%dma_start3A_198, %dma_start3A_199] : memref<10240x128xf32, #tpu.memory_space<hbm>> -> memref<10240x128xf32, #tpu.memory_space<hbm>>
      tpu.enqueue_indirect_dma source(%dma_start3A_200 : memref<10240x128xf32, #tpu.memory_space<hbm>>) target(%arg10 : memref<64x128xf32, #tpu.memory_space<vmem>>) offsets(%dma_start3A_197 : memref<64xi32, #tpu.memory_space<vmem>>) semaphore(%arg15 : memref<!tpu.dma_semaphore, #tpu.memory_space<semaphore_mem>>)
      %dma_wait3A_201 = arith.constant 0 : i32
      %dma_wait3A_202 = arith.constant 0 : i32
      %dma_wait3A_203 = tpu.memref_slice %arg6[%dma_wait3A_201, %dma_wait3A_202] : memref<40x64xi32, #tpu.memory_space<vmem>> -> memref<1x64xi32, #tpu.memory_space<vmem>>
      %dma_wait3A_204 = tpu.memref_squeeze %dma_wait3A_203 : memref<1x64xi32, #tpu.memory_space<vmem>> -> memref<64xi32, #tpu.memory_space<vmem>>
      %dma_wait3A_205 = arith.constant 0 : i32
      %dma_wait3A_206 = arith.constant 0 : i32
      %dma_wait3A_207 = tpu.memref_slice %arg2[%dma_wait3A_205, %dma_wait3A_206] : memref<10240x128xf32, #tpu.memory_space<hbm>> -> memref<10240x128xf32, #tpu.memory_space<hbm>>
      tpu.wait_indirect_dma semaphore(%arg14 : memref<!tpu.dma_semaphore, #tpu.memory_space<semaphore_mem>>) src(%dma_wait3A_207 : memref<10240x128xf32, #tpu.memory_space<hbm>>) dst(%arg9 : memref<64x128xf32, #tpu.memory_space<vmem>>)
      %add3A_208 = arith.constant 1 : i32
      %add3A_209 = arith.addi %mul3A_177, %add3A_208 : i32
      %dma_start3A_210 = arith.constant 0 : i32
      %dma_start3A_211 = tpu.memref_slice %arg7[%add3A_209, %dma_start3A_210] : memref<40x64xi32, #tpu.memory_space<vmem>> -> memref<1x64xi32, #tpu.memory_space<vmem>>
      %dma_start3A_212 = tpu.memref_squeeze %dma_start3A_211 : memref<1x64xi32, #tpu.memory_space<vmem>> -> memref<64xi32, #tpu.memory_space<vmem>>
      %dma_start3A_213 = arith.constant 0 : i32
      %dma_start3A_214 = arith.constant 0 : i32
      %dma_start3A_215 = tpu.memref_slice %arg12[%dma_start3A_213, %dma_start3A_214] : memref<10240x128xf32, #tpu.memory_space<vmem_shared>> -> memref<10240x128xf32, #tpu.memory_space<vmem_shared>>
      tpu.enqueue_indirect_dma source(%arg9 : memref<64x128xf32, #tpu.memory_space<vmem>>) target(%dma_start3A_215 : memref<10240x128xf32, #tpu.memory_space<vmem_shared>>) offsets(%dma_start3A_212 : memref<64xi32, #tpu.memory_space<vmem>>) semaphore(%arg18 : memref<!tpu.dma_semaphore, #tpu.memory_space<semaphore_mem>>) {add = true}
      %gt3A_216 = arith.constant 0 : i32
      %gt3A_217 = arith.cmpi sgt, %scan3A_174, %gt3A_216 : i32
      %convert_element_type3A_218 = arith.extui %gt3A_217 : i1 to i32
      %cond3A_219 = arith.constant 0 : i32
      %cond3A_220 = arith.cmpi ne, %convert_element_type3A_218, %cond3A_219 : i32
      scf.if %cond3A_220 {
        %dma_wait3A_283 = arith.constant 0 : i32
        %dma_wait3A_284 = arith.constant 0 : i32
        %dma_wait3A_285 = tpu.memref_slice %arg7[%dma_wait3A_283, %dma_wait3A_284] : memref<40x64xi32, #tpu.memory_space<vmem>> -> memref<1x64xi32, #tpu.memory_space<vmem>>
        %dma_wait3A_286 = tpu.memref_squeeze %dma_wait3A_285 : memref<1x64xi32, #tpu.memory_space<vmem>> -> memref<64xi32, #tpu.memory_space<vmem>>
        %dma_wait3A_287 = arith.constant 0 : i32
        %dma_wait3A_288 = arith.constant 0 : i32
        %dma_wait3A_289 = tpu.memref_slice %arg12[%dma_wait3A_287, %dma_wait3A_288] : memref<10240x128xf32, #tpu.memory_space<vmem_shared>> -> memref<10240x128xf32, #tpu.memory_space<vmem_shared>>
        tpu.wait_indirect_dma semaphore(%arg20 : memref<!tpu.dma_semaphore, #tpu.memory_space<semaphore_mem>>) src(%arg11 : memref<64x128xf32, #tpu.memory_space<vmem>>) dst(%dma_wait3A_289 : memref<10240x128xf32, #tpu.memory_space<vmem_shared>>)
      } else {
      }
      %add3A_221 = arith.constant 3 : i32
      %add3A_222 = arith.addi %mul3A_177, %add3A_221 : i32
      %dma_start3A_223 = arith.constant 0 : i32
      %dma_start3A_224 = tpu.memref_slice %arg6[%add3A_222, %dma_start3A_223] : memref<40x64xi32, #tpu.memory_space<vmem>> -> memref<1x64xi32, #tpu.memory_space<vmem>>
      %dma_start3A_225 = tpu.memref_squeeze %dma_start3A_224 : memref<1x64xi32, #tpu.memory_space<vmem>> -> memref<64xi32, #tpu.memory_space<vmem>>
      %dma_start3A_226 = arith.constant 0 : i32
      %dma_start3A_227 = arith.constant 0 : i32
      %dma_start3A_228 = tpu.memref_slice %arg2[%dma_start3A_226, %dma_start3A_227] : memref<10240x128xf32, #tpu.memory_space<hbm>> -> memref<10240x128xf32, #tpu.memory_space<hbm>>
      tpu.enqueue_indirect_dma source(%dma_start3A_228 : memref<10240x128xf32, #tpu.memory_space<hbm>>) target(%arg11 : memref<64x128xf32, #tpu.memory_space<vmem>>) offsets(%dma_start3A_225 : memref<64xi32, #tpu.memory_space<vmem>>) semaphore(%arg16 : memref<!tpu.dma_semaphore, #tpu.memory_space<semaphore_mem>>)
      %dma_wait3A_229 = arith.constant 0 : i32
      %dma_wait3A_230 = arith.constant 0 : i32
      %dma_wait3A_231 = tpu.memref_slice %arg6[%dma_wait3A_229, %dma_wait3A_230] : memref<40x64xi32, #tpu.memory_space<vmem>> -> memref<1x64xi32, #tpu.memory_space<vmem>>
      %dma_wait3A_232 = tpu.memref_squeeze %dma_wait3A_231 : memref<1x64xi32, #tpu.memory_space<vmem>> -> memref<64xi32, #tpu.memory_space<vmem>>
      %dma_wait3A_233 = arith.constant 0 : i32
      %dma_wait3A_234 = arith.constant 0 : i32
      %dma_wait3A_235 = tpu.memref_slice %arg2[%dma_wait3A_233, %dma_wait3A_234] : memref<10240x128xf32, #tpu.memory_space<hbm>> -> memref<10240x128xf32, #tpu.memory_space<hbm>>
      tpu.wait_indirect_dma semaphore(%arg15 : memref<!tpu.dma_semaphore, #tpu.memory_space<semaphore_mem>>) src(%dma_wait3A_235 : memref<10240x128xf32, #tpu.memory_space<hbm>>) dst(%arg10 : memref<64x128xf32, #tpu.memory_space<vmem>>)
      %add3A_236 = arith.constant 2 : i32
      %add3A_237 = arith.addi %mul3A_177, %add3A_236 : i32
      %dma_start3A_238 = arith.constant 0 : i32
      %dma_start3A_239 = tpu.memref_slice %arg7[%add3A_237, %dma_start3A_238] : memref<40x64xi32, #tpu.memory_space<vmem>> -> memref<1x64xi32, #tpu.memory_space<vmem>>
      %dma_start3A_240 = tpu.memref_squeeze %dma_start3A_239 : memref<1x64xi32, #tpu.memory_space<vmem>> -> memref<64xi32, #tpu.memory_space<vmem>>
      %dma_start3A_241 = arith.constant 0 : i32
      %dma_start3A_242 = arith.constant 0 : i32
      %dma_start3A_243 = tpu.memref_slice %arg12[%dma_start3A_241, %dma_start3A_242] : memref<10240x128xf32, #tpu.memory_space<vmem_shared>> -> memref<10240x128xf32, #tpu.memory_space<vmem_shared>>
      tpu.enqueue_indirect_dma source(%arg10 : memref<64x128xf32, #tpu.memory_space<vmem>>) target(%dma_start3A_243 : memref<10240x128xf32, #tpu.memory_space<vmem_shared>>) offsets(%dma_start3A_240 : memref<64xi32, #tpu.memory_space<vmem>>) semaphore(%arg19 : memref<!tpu.dma_semaphore, #tpu.memory_space<semaphore_mem>>) {add = true}
      %dma_wait3A_244 = arith.constant 0 : i32
      %dma_wait3A_245 = arith.constant 0 : i32
      %dma_wait3A_246 = tpu.memref_slice %arg7[%dma_wait3A_244, %dma_wait3A_245] : memref<40x64xi32, #tpu.memory_space<vmem>> -> memref<1x64xi32, #tpu.memory_space<vmem>>
      %dma_wait3A_247 = tpu.memref_squeeze %dma_wait3A_246 : memref<1x64xi32, #tpu.memory_space<vmem>> -> memref<64xi32, #tpu.memory_space<vmem>>
      %dma_wait3A_248 = arith.constant 0 : i32
      %dma_wait3A_249 = arith.constant 0 : i32
      %dma_wait3A_250 = tpu.memref_slice %arg12[%dma_wait3A_248, %dma_wait3A_249] : memref<10240x128xf32, #tpu.memory_space<vmem_shared>> -> memref<10240x128xf32, #tpu.memory_space<vmem_shared>>
      tpu.wait_indirect_dma semaphore(%arg17 : memref<!tpu.dma_semaphore, #tpu.memory_space<semaphore_mem>>) src(%arg8 : memref<64x128xf32, #tpu.memory_space<vmem>>) dst(%dma_wait3A_250 : memref<10240x128xf32, #tpu.memory_space<vmem_shared>>)
      %lt3A = arith.constant 9 : i32
      %lt3A_251 = arith.cmpi slt, %scan3A_174, %lt3A : i32
      %convert_element_type3A_252 = arith.extui %lt3A_251 : i1 to i32
      %cond3A_253 = arith.constant 0 : i32
      %cond3A_254 = arith.cmpi ne, %convert_element_type3A_252, %cond3A_253 : i32
      scf.if %cond3A_254 {
        %add3A_283 = arith.constant 4 : i32
        %add3A_284 = arith.addi %mul3A_177, %add3A_283 : i32
        %dma_start3A_285 = arith.constant 0 : i32
        %dma_start3A_286 = tpu.memref_slice %arg6[%add3A_284, %dma_start3A_285] : memref<40x64xi32, #tpu.memory_space<vmem>> -> memref<1x64xi32, #tpu.memory_space<vmem>>
        %dma_start3A_287 = tpu.memref_squeeze %dma_start3A_286 : memref<1x64xi32, #tpu.memory_space<vmem>> -> memref<64xi32, #tpu.memory_space<vmem>>
        %dma_start3A_288 = arith.constant 0 : i32
        %dma_start3A_289 = arith.constant 0 : i32
        %dma_start3A_290 = tpu.memref_slice %arg2[%dma_start3A_288, %dma_start3A_289] : memref<10240x128xf32, #tpu.memory_space<hbm>> -> memref<10240x128xf32, #tpu.memory_space<hbm>>
        tpu.enqueue_indirect_dma source(%dma_start3A_290 : memref<10240x128xf32, #tpu.memory_space<hbm>>) target(%arg8 : memref<64x128xf32, #tpu.memory_space<vmem>>) offsets(%dma_start3A_287 : memref<64xi32, #tpu.memory_space<vmem>>) semaphore(%arg13 : memref<!tpu.dma_semaphore, #tpu.memory_space<semaphore_mem>>)
      } else {
      }
      %dma_wait3A_255 = arith.constant 0 : i32
      %dma_wait3A_256 = arith.constant 0 : i32
      %dma_wait3A_257 = tpu.memref_slice %arg6[%dma_wait3A_255, %dma_wait3A_256] : memref<40x64xi32, #tpu.memory_space<vmem>> -> memref<1x64xi32, #tpu.memory_space<vmem>>
      %dma_wait3A_258 = tpu.memref_squeeze %dma_wait3A_257 : memref<1x64xi32, #tpu.memory_space<vmem>> -> memref<64xi32, #tpu.memory_space<vmem>>
      %dma_wait3A_259 = arith.constant 0 : i32
      %dma_wait3A_260 = arith.constant 0 : i32
      %dma_wait3A_261 = tpu.memref_slice %arg2[%dma_wait3A_259, %dma_wait3A_260] : memref<10240x128xf32, #tpu.memory_space<hbm>> -> memref<10240x128xf32, #tpu.memory_space<hbm>>
      tpu.wait_indirect_dma semaphore(%arg16 : memref<!tpu.dma_semaphore, #tpu.memory_space<semaphore_mem>>) src(%dma_wait3A_261 : memref<10240x128xf32, #tpu.memory_space<hbm>>) dst(%arg11 : memref<64x128xf32, #tpu.memory_space<vmem>>)
      %add3A_262 = arith.constant 3 : i32
      %add3A_263 = arith.addi %mul3A_177, %add3A_262 : i32
      %dma_start3A_264 = arith.constant 0 : i32
      %dma_start3A_265 = tpu.memref_slice %arg7[%add3A_263, %dma_start3A_264] : memref<40x64xi32, #tpu.memory_space<vmem>> -> memref<1x64xi32, #tpu.memory_space<vmem>>
      %dma_start3A_266 = tpu.memref_squeeze %dma_start3A_265 : memref<1x64xi32, #tpu.memory_space<vmem>> -> memref<64xi32, #tpu.memory_space<vmem>>
      %dma_start3A_267 = arith.constant 0 : i32
      %dma_start3A_268 = arith.constant 0 : i32
      %dma_start3A_269 = tpu.memref_slice %arg12[%dma_start3A_267, %dma_start3A_268] : memref<10240x128xf32, #tpu.memory_space<vmem_shared>> -> memref<10240x128xf32, #tpu.memory_space<vmem_shared>>
      tpu.enqueue_indirect_dma source(%arg11 : memref<64x128xf32, #tpu.memory_space<vmem>>) target(%dma_start3A_269 : memref<10240x128xf32, #tpu.memory_space<vmem_shared>>) offsets(%dma_start3A_266 : memref<64xi32, #tpu.memory_space<vmem>>) semaphore(%arg20 : memref<!tpu.dma_semaphore, #tpu.memory_space<semaphore_mem>>) {add = true}
      %dma_wait3A_270 = arith.constant 0 : i32
      %dma_wait3A_271 = arith.constant 0 : i32
      %dma_wait3A_272 = tpu.memref_slice %arg7[%dma_wait3A_270, %dma_wait3A_271] : memref<40x64xi32, #tpu.memory_space<vmem>> -> memref<1x64xi32, #tpu.memory_space<vmem>>
      %dma_wait3A_273 = tpu.memref_squeeze %dma_wait3A_272 : memref<1x64xi32, #tpu.memory_space<vmem>> -> memref<64xi32, #tpu.memory_space<vmem>>
      %dma_wait3A_274 = arith.constant 0 : i32
      %dma_wait3A_275 = arith.constant 0 : i32
      %dma_wait3A_276 = tpu.memref_slice %arg12[%dma_wait3A_274, %dma_wait3A_275] : memref<10240x128xf32, #tpu.memory_space<vmem_shared>> -> memref<10240x128xf32, #tpu.memory_space<vmem_shared>>
      tpu.wait_indirect_dma semaphore(%arg18 : memref<!tpu.dma_semaphore, #tpu.memory_space<semaphore_mem>>) src(%arg9 : memref<64x128xf32, #tpu.memory_space<vmem>>) dst(%dma_wait3A_276 : memref<10240x128xf32, #tpu.memory_space<vmem_shared>>)
      %lt3A_277 = arith.constant 9 : i32
      %lt3A_278 = arith.cmpi slt, %scan3A_174, %lt3A_277 : i32
      %convert_element_type3A_279 = arith.extui %lt3A_278 : i1 to i32
      %cond3A_280 = arith.constant 0 : i32
      %cond3A_281 = arith.cmpi ne, %convert_element_type3A_279, %cond3A_280 : i32
      scf.if %cond3A_281 {
        %add3A_283 = arith.constant 5 : i32
        %add3A_284 = arith.addi %mul3A_177, %add3A_283 : i32
        %dma_start3A_285 = arith.constant 0 : i32
        %dma_start3A_286 = tpu.memref_slice %arg6[%add3A_284, %dma_start3A_285] : memref<40x64xi32, #tpu.memory_space<vmem>> -> memref<1x64xi32, #tpu.memory_space<vmem>>
        %dma_start3A_287 = tpu.memref_squeeze %dma_start3A_286 : memref<1x64xi32, #tpu.memory_space<vmem>> -> memref<64xi32, #tpu.memory_space<vmem>>
        %dma_start3A_288 = arith.constant 0 : i32
        %dma_start3A_289 = arith.constant 0 : i32
        %dma_start3A_290 = tpu.memref_slice %arg2[%dma_start3A_288, %dma_start3A_289] : memref<10240x128xf32, #tpu.memory_space<hbm>> -> memref<10240x128xf32, #tpu.memory_space<hbm>>
        tpu.enqueue_indirect_dma source(%dma_start3A_290 : memref<10240x128xf32, #tpu.memory_space<hbm>>) target(%arg9 : memref<64x128xf32, #tpu.memory_space<vmem>>) offsets(%dma_start3A_287 : memref<64xi32, #tpu.memory_space<vmem>>) semaphore(%arg14 : memref<!tpu.dma_semaphore, #tpu.memory_space<semaphore_mem>>)
      } else {
      }
      %scan3A_282 = arith.constant 0 : i32
      scf.yield %scan3A_282 : i32
    }
    %scan3A_76 = arith.constant 10 : i32
    %dma_wait3A_77 = arith.constant 0 : i32
    %dma_wait3A_78 = arith.constant 0 : i32
    %dma_wait3A_79 = tpu.memref_slice %arg7[%dma_wait3A_77, %dma_wait3A_78] : memref<40x64xi32, #tpu.memory_space<vmem>> -> memref<1x64xi32, #tpu.memory_space<vmem>>
    %dma_wait3A_80 = tpu.memref_squeeze %dma_wait3A_79 : memref<1x64xi32, #tpu.memory_space<vmem>> -> memref<64xi32, #tpu.memory_space<vmem>>
    %dma_wait3A_81 = arith.constant 0 : i32
    %dma_wait3A_82 = arith.constant 0 : i32
    %dma_wait3A_83 = tpu.memref_slice %arg12[%dma_wait3A_81, %dma_wait3A_82] : memref<10240x128xf32, #tpu.memory_space<vmem_shared>> -> memref<10240x128xf32, #tpu.memory_space<vmem_shared>>
    tpu.wait_indirect_dma semaphore(%arg19 : memref<!tpu.dma_semaphore, #tpu.memory_space<semaphore_mem>>) src(%arg10 : memref<64x128xf32, #tpu.memory_space<vmem>>) dst(%dma_wait3A_83 : memref<10240x128xf32, #tpu.memory_space<vmem_shared>>)
    %dma_wait3A_84 = arith.constant 0 : i32
    %dma_wait3A_85 = arith.constant 0 : i32
    %dma_wait3A_86 = tpu.memref_slice %arg7[%dma_wait3A_84, %dma_wait3A_85] : memref<40x64xi32, #tpu.memory_space<vmem>> -> memref<1x64xi32, #tpu.memory_space<vmem>>
    %dma_wait3A_87 = tpu.memref_squeeze %dma_wait3A_86 : memref<1x64xi32, #tpu.memory_space<vmem>> -> memref<64xi32, #tpu.memory_space<vmem>>
    %dma_wait3A_88 = arith.constant 0 : i32
    %dma_wait3A_89 = arith.constant 0 : i32
    %dma_wait3A_90 = tpu.memref_slice %arg12[%dma_wait3A_88, %dma_wait3A_89] : memref<10240x128xf32, #tpu.memory_space<vmem_shared>> -> memref<10240x128xf32, #tpu.memory_space<vmem_shared>>
    tpu.wait_indirect_dma semaphore(%arg20 : memref<!tpu.dma_semaphore, #tpu.memory_space<semaphore_mem>>) src(%arg11 : memref<64x128xf32, #tpu.memory_space<vmem>>) dst(%dma_wait3A_90 : memref<10240x128xf32, #tpu.memory_space<vmem_shared>>)
    %mul3A_91 = arith.constant 160 : i32
    %mul3A_92 = arith.muli %add3A, %mul3A_91 : i32
    %add3A_93 = arith.constant 80 : i32
    %add3A_94 = arith.addi %mul3A_92, %add3A_93 : i32
    "tpu.region"() ({
      %run_scoped3A = tpu.sem_alloc : memref<!tpu.dma_semaphore, #tpu.memory_space<semaphore_mem>>
      %dma_start3A_174 = arith.constant 0 : i32
      %dma_start3A_175 = tpu.memref_slice %arg3[%add3A_94, %dma_start3A_174] : memref<5120x64xi32, #tpu.memory_space<hbm>> -> memref<40x64xi32, #tpu.memory_space<hbm>>
      %dma_start3A_176 = arith.constant 0 : i32
      %dma_start3A_177 = tpu.memref_slice %arg3[%add3A_94, %dma_start3A_176] : memref<5120x64xi32, #tpu.memory_space<hbm>> -> memref<40x64xi32, #tpu.memory_space<hbm>>
      tpu.enqueue_dma source(%dma_start3A_177 : memref<40x64xi32, #tpu.memory_space<hbm>>) target(%arg6 : memref<40x64xi32, #tpu.memory_space<vmem>>) target_semaphore(%run_scoped3A : memref<!tpu.dma_semaphore, #tpu.memory_space<semaphore_mem>>)
      %dma_wait3A_178 = arith.constant 0 : i32
      %dma_wait3A_179 = tpu.memref_slice %arg3[%add3A_94, %dma_wait3A_178] : memref<5120x64xi32, #tpu.memory_space<hbm>> -> memref<40x64xi32, #tpu.memory_space<hbm>>
      %dma_wait3A_180 = arith.constant 0 : i32
      %dma_wait3A_181 = tpu.memref_slice %arg3[%add3A_94, %dma_wait3A_180] : memref<5120x64xi32, #tpu.memory_space<hbm>> -> memref<40x64xi32, #tpu.memory_space<hbm>>
      tpu.wait_dma2 semaphore(%run_scoped3A : memref<!tpu.dma_semaphore, #tpu.memory_space<semaphore_mem>>) src(%dma_wait3A_181 : memref<40x64xi32, #tpu.memory_space<hbm>>) dst(%arg6 : memref<40x64xi32, #tpu.memory_space<vmem>>)
      tpu.yield
    }) : () -> ()
    "tpu.region"() ({
      %run_scoped3A = tpu.sem_alloc : memref<!tpu.dma_semaphore, #tpu.memory_space<semaphore_mem>>
      %dma_start3A_174 = arith.constant 0 : i32
      %dma_start3A_175 = tpu.memref_slice %arg4[%add3A_94, %dma_start3A_174] : memref<5120x64xi32, #tpu.memory_space<hbm>> -> memref<40x64xi32, #tpu.memory_space<hbm>>
      %dma_start3A_176 = arith.constant 0 : i32
      %dma_start3A_177 = tpu.memref_slice %arg4[%add3A_94, %dma_start3A_176] : memref<5120x64xi32, #tpu.memory_space<hbm>> -> memref<40x64xi32, #tpu.memory_space<hbm>>
      tpu.enqueue_dma source(%dma_start3A_177 : memref<40x64xi32, #tpu.memory_space<hbm>>) target(%arg7 : memref<40x64xi32, #tpu.memory_space<vmem>>) target_semaphore(%run_scoped3A : memref<!tpu.dma_semaphore, #tpu.memory_space<semaphore_mem>>)
      %dma_wait3A_178 = arith.constant 0 : i32
      %dma_wait3A_179 = tpu.memref_slice %arg4[%add3A_94, %dma_wait3A_178] : memref<5120x64xi32, #tpu.memory_space<hbm>> -> memref<40x64xi32, #tpu.memory_space<hbm>>
      %dma_wait3A_180 = arith.constant 0 : i32
      %dma_wait3A_181 = tpu.memref_slice %arg4[%add3A_94, %dma_wait3A_180] : memref<5120x64xi32, #tpu.memory_space<hbm>> -> memref<40x64xi32, #tpu.memory_space<hbm>>
      tpu.wait_dma2 semaphore(%run_scoped3A : memref<!tpu.dma_semaphore, #tpu.memory_space<semaphore_mem>>) src(%dma_wait3A_181 : memref<40x64xi32, #tpu.memory_space<hbm>>) dst(%arg7 : memref<40x64xi32, #tpu.memory_space<vmem>>)
      tpu.yield
    }) : () -> ()
    %dma_start3A_95 = arith.constant 0 : i32
    %dma_start3A_96 = arith.constant 0 : i32
    %dma_start3A_97 = tpu.memref_slice %arg6[%dma_start3A_95, %dma_start3A_96] : memref<40x64xi32, #tpu.memory_space<vmem>> -> memref<1x64xi32, #tpu.memory_space<vmem>>
    %dma_start3A_98 = tpu.memref_squeeze %dma_start3A_97 : memref<1x64xi32, #tpu.memory_space<vmem>> -> memref<64xi32, #tpu.memory_space<vmem>>
    %dma_start3A_99 = arith.constant 0 : i32
    %dma_start3A_100 = arith.constant 0 : i32
    %dma_start3A_101 = tpu.memref_slice %arg2[%dma_start3A_99, %dma_start3A_100] : memref<10240x128xf32, #tpu.memory_space<hbm>> -> memref<10240x128xf32, #tpu.memory_space<hbm>>
    tpu.enqueue_indirect_dma source(%dma_start3A_101 : memref<10240x128xf32, #tpu.memory_space<hbm>>) target(%arg8 : memref<64x128xf32, #tpu.memory_space<vmem>>) offsets(%dma_start3A_98 : memref<64xi32, #tpu.memory_space<vmem>>) semaphore(%arg13 : memref<!tpu.dma_semaphore, #tpu.memory_space<semaphore_mem>>)
    %dma_start3A_102 = arith.constant 1 : i32
    %dma_start3A_103 = arith.constant 0 : i32
    %dma_start3A_104 = tpu.memref_slice %arg6[%dma_start3A_102, %dma_start3A_103] : memref<40x64xi32, #tpu.memory_space<vmem>> -> memref<1x64xi32, #tpu.memory_space<vmem>>
    %dma_start3A_105 = tpu.memref_squeeze %dma_start3A_104 : memref<1x64xi32, #tpu.memory_space<vmem>> -> memref<64xi32, #tpu.memory_space<vmem>>
    %dma_start3A_106 = arith.constant 0 : i32
    %dma_start3A_107 = arith.constant 0 : i32
    %dma_start3A_108 = tpu.memref_slice %arg2[%dma_start3A_106, %dma_start3A_107] : memref<10240x128xf32, #tpu.memory_space<hbm>> -> memref<10240x128xf32, #tpu.memory_space<hbm>>
    tpu.enqueue_indirect_dma source(%dma_start3A_108 : memref<10240x128xf32, #tpu.memory_space<hbm>>) target(%arg9 : memref<64x128xf32, #tpu.memory_space<vmem>>) offsets(%dma_start3A_105 : memref<64xi32, #tpu.memory_space<vmem>>) semaphore(%arg14 : memref<!tpu.dma_semaphore, #tpu.memory_space<semaphore_mem>>)
    %scan3A_109 = arith.constant 0 : i32
    %scan3A_110 = arith.constant 0 : i32
    %scan3A_111 = arith.constant 10 : i32
    %scan3A_112 = arith.addi %scan3A_110, %scan3A_111 : i32
    %scan3A_113 = arith.constant 1 : i32
    %scan3A_114 = scf.for %scan3A_174 = %scan3A_110 to %scan3A_112 step %scan3A_113 iter_args(%scan3A_175 = %scan3A_109) -> (i32)  : i32 {
      %mul3A_176 = arith.constant 4 : i32
      %mul3A_177 = arith.muli %mul3A_176, %scan3A_174 : i32
      %dma_wait3A_178 = arith.constant 0 : i32
      %dma_wait3A_179 = arith.constant 0 : i32
      %dma_wait3A_180 = tpu.memref_slice %arg6[%dma_wait3A_178, %dma_wait3A_179] : memref<40x64xi32, #tpu.memory_space<vmem>> -> memref<1x64xi32, #tpu.memory_space<vmem>>
      %dma_wait3A_181 = tpu.memref_squeeze %dma_wait3A_180 : memref<1x64xi32, #tpu.memory_space<vmem>> -> memref<64xi32, #tpu.memory_space<vmem>>
      %dma_wait3A_182 = arith.constant 0 : i32
      %dma_wait3A_183 = arith.constant 0 : i32
      %dma_wait3A_184 = tpu.memref_slice %arg2[%dma_wait3A_182, %dma_wait3A_183] : memref<10240x128xf32, #tpu.memory_space<hbm>> -> memref<10240x128xf32, #tpu.memory_space<hbm>>
      tpu.wait_indirect_dma semaphore(%arg13 : memref<!tpu.dma_semaphore, #tpu.memory_space<semaphore_mem>>) src(%dma_wait3A_184 : memref<10240x128xf32, #tpu.memory_space<hbm>>) dst(%arg8 : memref<64x128xf32, #tpu.memory_space<vmem>>)
      %dma_start3A_185 = arith.constant 0 : i32
      %dma_start3A_186 = tpu.memref_slice %arg7[%mul3A_177, %dma_start3A_185] : memref<40x64xi32, #tpu.memory_space<vmem>> -> memref<1x64xi32, #tpu.memory_space<vmem>>
      %dma_start3A_187 = tpu.memref_squeeze %dma_start3A_186 : memref<1x64xi32, #tpu.memory_space<vmem>> -> memref<64xi32, #tpu.memory_space<vmem>>
      %dma_start3A_188 = arith.constant 0 : i32
      %dma_start3A_189 = arith.constant 0 : i32
      %dma_start3A_190 = tpu.memref_slice %arg12[%dma_start3A_188, %dma_start3A_189] : memref<10240x128xf32, #tpu.memory_space<vmem_shared>> -> memref<10240x128xf32, #tpu.memory_space<vmem_shared>>
      tpu.enqueue_indirect_dma source(%arg8 : memref<64x128xf32, #tpu.memory_space<vmem>>) target(%dma_start3A_190 : memref<10240x128xf32, #tpu.memory_space<vmem_shared>>) offsets(%dma_start3A_187 : memref<64xi32, #tpu.memory_space<vmem>>) semaphore(%arg17 : memref<!tpu.dma_semaphore, #tpu.memory_space<semaphore_mem>>) {add = true}
      %gt3A = arith.constant 0 : i32
      %gt3A_191 = arith.cmpi sgt, %scan3A_174, %gt3A : i32
      %convert_element_type3A = arith.extui %gt3A_191 : i1 to i32
      %cond3A = arith.constant 0 : i32
      %cond3A_192 = arith.cmpi ne, %convert_element_type3A, %cond3A : i32
      scf.if %cond3A_192 {
        %dma_wait3A_283 = arith.constant 0 : i32
        %dma_wait3A_284 = arith.constant 0 : i32
        %dma_wait3A_285 = tpu.memref_slice %arg7[%dma_wait3A_283, %dma_wait3A_284] : memref<40x64xi32, #tpu.memory_space<vmem>> -> memref<1x64xi32, #tpu.memory_space<vmem>>
        %dma_wait3A_286 = tpu.memref_squeeze %dma_wait3A_285 : memref<1x64xi32, #tpu.memory_space<vmem>> -> memref<64xi32, #tpu.memory_space<vmem>>
        %dma_wait3A_287 = arith.constant 0 : i32
        %dma_wait3A_288 = arith.constant 0 : i32
        %dma_wait3A_289 = tpu.memref_slice %arg12[%dma_wait3A_287, %dma_wait3A_288] : memref<10240x128xf32, #tpu.memory_space<vmem_shared>> -> memref<10240x128xf32, #tpu.memory_space<vmem_shared>>
        tpu.wait_indirect_dma semaphore(%arg19 : memref<!tpu.dma_semaphore, #tpu.memory_space<semaphore_mem>>) src(%arg10 : memref<64x128xf32, #tpu.memory_space<vmem>>) dst(%dma_wait3A_289 : memref<10240x128xf32, #tpu.memory_space<vmem_shared>>)
      } else {
      }
      %add3A_193 = arith.constant 2 : i32
      %add3A_194 = arith.addi %mul3A_177, %add3A_193 : i32
      %dma_start3A_195 = arith.constant 0 : i32
      %dma_start3A_196 = tpu.memref_slice %arg6[%add3A_194, %dma_start3A_195] : memref<40x64xi32, #tpu.memory_space<vmem>> -> memref<1x64xi32, #tpu.memory_space<vmem>>
      %dma_start3A_197 = tpu.memref_squeeze %dma_start3A_196 : memref<1x64xi32, #tpu.memory_space<vmem>> -> memref<64xi32, #tpu.memory_space<vmem>>
      %dma_start3A_198 = arith.constant 0 : i32
      %dma_start3A_199 = arith.constant 0 : i32
      %dma_start3A_200 = tpu.memref_slice %arg2[%dma_start3A_198, %dma_start3A_199] : memref<10240x128xf32, #tpu.memory_space<hbm>> -> memref<10240x128xf32, #tpu.memory_space<hbm>>
      tpu.enqueue_indirect_dma source(%dma_start3A_200 : memref<10240x128xf32, #tpu.memory_space<hbm>>) target(%arg10 : memref<64x128xf32, #tpu.memory_space<vmem>>) offsets(%dma_start3A_197 : memref<64xi32, #tpu.memory_space<vmem>>) semaphore(%arg15 : memref<!tpu.dma_semaphore, #tpu.memory_space<semaphore_mem>>)
      %dma_wait3A_201 = arith.constant 0 : i32
      %dma_wait3A_202 = arith.constant 0 : i32
      %dma_wait3A_203 = tpu.memref_slice %arg6[%dma_wait3A_201, %dma_wait3A_202] : memref<40x64xi32, #tpu.memory_space<vmem>> -> memref<1x64xi32, #tpu.memory_space<vmem>>
      %dma_wait3A_204 = tpu.memref_squeeze %dma_wait3A_203 : memref<1x64xi32, #tpu.memory_space<vmem>> -> memref<64xi32, #tpu.memory_space<vmem>>
      %dma_wait3A_205 = arith.constant 0 : i32
      %dma_wait3A_206 = arith.constant 0 : i32
      %dma_wait3A_207 = tpu.memref_slice %arg2[%dma_wait3A_205, %dma_wait3A_206] : memref<10240x128xf32, #tpu.memory_space<hbm>> -> memref<10240x128xf32, #tpu.memory_space<hbm>>
      tpu.wait_indirect_dma semaphore(%arg14 : memref<!tpu.dma_semaphore, #tpu.memory_space<semaphore_mem>>) src(%dma_wait3A_207 : memref<10240x128xf32, #tpu.memory_space<hbm>>) dst(%arg9 : memref<64x128xf32, #tpu.memory_space<vmem>>)
      %add3A_208 = arith.constant 1 : i32
      %add3A_209 = arith.addi %mul3A_177, %add3A_208 : i32
      %dma_start3A_210 = arith.constant 0 : i32
      %dma_start3A_211 = tpu.memref_slice %arg7[%add3A_209, %dma_start3A_210] : memref<40x64xi32, #tpu.memory_space<vmem>> -> memref<1x64xi32, #tpu.memory_space<vmem>>
      %dma_start3A_212 = tpu.memref_squeeze %dma_start3A_211 : memref<1x64xi32, #tpu.memory_space<vmem>> -> memref<64xi32, #tpu.memory_space<vmem>>
      %dma_start3A_213 = arith.constant 0 : i32
      %dma_start3A_214 = arith.constant 0 : i32
      %dma_start3A_215 = tpu.memref_slice %arg12[%dma_start3A_213, %dma_start3A_214] : memref<10240x128xf32, #tpu.memory_space<vmem_shared>> -> memref<10240x128xf32, #tpu.memory_space<vmem_shared>>
      tpu.enqueue_indirect_dma source(%arg9 : memref<64x128xf32, #tpu.memory_space<vmem>>) target(%dma_start3A_215 : memref<10240x128xf32, #tpu.memory_space<vmem_shared>>) offsets(%dma_start3A_212 : memref<64xi32, #tpu.memory_space<vmem>>) semaphore(%arg18 : memref<!tpu.dma_semaphore, #tpu.memory_space<semaphore_mem>>) {add = true}
      %gt3A_216 = arith.constant 0 : i32
      %gt3A_217 = arith.cmpi sgt, %scan3A_174, %gt3A_216 : i32
      %convert_element_type3A_218 = arith.extui %gt3A_217 : i1 to i32
      %cond3A_219 = arith.constant 0 : i32
      %cond3A_220 = arith.cmpi ne, %convert_element_type3A_218, %cond3A_219 : i32
      scf.if %cond3A_220 {
        %dma_wait3A_283 = arith.constant 0 : i32
        %dma_wait3A_284 = arith.constant 0 : i32
        %dma_wait3A_285 = tpu.memref_slice %arg7[%dma_wait3A_283, %dma_wait3A_284] : memref<40x64xi32, #tpu.memory_space<vmem>> -> memref<1x64xi32, #tpu.memory_space<vmem>>
        %dma_wait3A_286 = tpu.memref_squeeze %dma_wait3A_285 : memref<1x64xi32, #tpu.memory_space<vmem>> -> memref<64xi32, #tpu.memory_space<vmem>>
        %dma_wait3A_287 = arith.constant 0 : i32
        %dma_wait3A_288 = arith.constant 0 : i32
        %dma_wait3A_289 = tpu.memref_slice %arg12[%dma_wait3A_287, %dma_wait3A_288] : memref<10240x128xf32, #tpu.memory_space<vmem_shared>> -> memref<10240x128xf32, #tpu.memory_space<vmem_shared>>
        tpu.wait_indirect_dma semaphore(%arg20 : memref<!tpu.dma_semaphore, #tpu.memory_space<semaphore_mem>>) src(%arg11 : memref<64x128xf32, #tpu.memory_space<vmem>>) dst(%dma_wait3A_289 : memref<10240x128xf32, #tpu.memory_space<vmem_shared>>)
      } else {
      }
      %add3A_221 = arith.constant 3 : i32
      %add3A_222 = arith.addi %mul3A_177, %add3A_221 : i32
      %dma_start3A_223 = arith.constant 0 : i32
      %dma_start3A_224 = tpu.memref_slice %arg6[%add3A_222, %dma_start3A_223] : memref<40x64xi32, #tpu.memory_space<vmem>> -> memref<1x64xi32, #tpu.memory_space<vmem>>
      %dma_start3A_225 = tpu.memref_squeeze %dma_start3A_224 : memref<1x64xi32, #tpu.memory_space<vmem>> -> memref<64xi32, #tpu.memory_space<vmem>>
      %dma_start3A_226 = arith.constant 0 : i32
      %dma_start3A_227 = arith.constant 0 : i32
      %dma_start3A_228 = tpu.memref_slice %arg2[%dma_start3A_226, %dma_start3A_227] : memref<10240x128xf32, #tpu.memory_space<hbm>> -> memref<10240x128xf32, #tpu.memory_space<hbm>>
      tpu.enqueue_indirect_dma source(%dma_start3A_228 : memref<10240x128xf32, #tpu.memory_space<hbm>>) target(%arg11 : memref<64x128xf32, #tpu.memory_space<vmem>>) offsets(%dma_start3A_225 : memref<64xi32, #tpu.memory_space<vmem>>) semaphore(%arg16 : memref<!tpu.dma_semaphore, #tpu.memory_space<semaphore_mem>>)
      %dma_wait3A_229 = arith.constant 0 : i32
      %dma_wait3A_230 = arith.constant 0 : i32
      %dma_wait3A_231 = tpu.memref_slice %arg6[%dma_wait3A_229, %dma_wait3A_230] : memref<40x64xi32, #tpu.memory_space<vmem>> -> memref<1x64xi32, #tpu.memory_space<vmem>>
      %dma_wait3A_232 = tpu.memref_squeeze %dma_wait3A_231 : memref<1x64xi32, #tpu.memory_space<vmem>> -> memref<64xi32, #tpu.memory_space<vmem>>
      %dma_wait3A_233 = arith.constant 0 : i32
      %dma_wait3A_234 = arith.constant 0 : i32
      %dma_wait3A_235 = tpu.memref_slice %arg2[%dma_wait3A_233, %dma_wait3A_234] : memref<10240x128xf32, #tpu.memory_space<hbm>> -> memref<10240x128xf32, #tpu.memory_space<hbm>>
      tpu.wait_indirect_dma semaphore(%arg15 : memref<!tpu.dma_semaphore, #tpu.memory_space<semaphore_mem>>) src(%dma_wait3A_235 : memref<10240x128xf32, #tpu.memory_space<hbm>>) dst(%arg10 : memref<64x128xf32, #tpu.memory_space<vmem>>)
      %add3A_236 = arith.constant 2 : i32
      %add3A_237 = arith.addi %mul3A_177, %add3A_236 : i32
      %dma_start3A_238 = arith.constant 0 : i32
      %dma_start3A_239 = tpu.memref_slice %arg7[%add3A_237, %dma_start3A_238] : memref<40x64xi32, #tpu.memory_space<vmem>> -> memref<1x64xi32, #tpu.memory_space<vmem>>
      %dma_start3A_240 = tpu.memref_squeeze %dma_start3A_239 : memref<1x64xi32, #tpu.memory_space<vmem>> -> memref<64xi32, #tpu.memory_space<vmem>>
      %dma_start3A_241 = arith.constant 0 : i32
      %dma_start3A_242 = arith.constant 0 : i32
      %dma_start3A_243 = tpu.memref_slice %arg12[%dma_start3A_241, %dma_start3A_242] : memref<10240x128xf32, #tpu.memory_space<vmem_shared>> -> memref<10240x128xf32, #tpu.memory_space<vmem_shared>>
      tpu.enqueue_indirect_dma source(%arg10 : memref<64x128xf32, #tpu.memory_space<vmem>>) target(%dma_start3A_243 : memref<10240x128xf32, #tpu.memory_space<vmem_shared>>) offsets(%dma_start3A_240 : memref<64xi32, #tpu.memory_space<vmem>>) semaphore(%arg19 : memref<!tpu.dma_semaphore, #tpu.memory_space<semaphore_mem>>) {add = true}
      %dma_wait3A_244 = arith.constant 0 : i32
      %dma_wait3A_245 = arith.constant 0 : i32
      %dma_wait3A_246 = tpu.memref_slice %arg7[%dma_wait3A_244, %dma_wait3A_245] : memref<40x64xi32, #tpu.memory_space<vmem>> -> memref<1x64xi32, #tpu.memory_space<vmem>>
      %dma_wait3A_247 = tpu.memref_squeeze %dma_wait3A_246 : memref<1x64xi32, #tpu.memory_space<vmem>> -> memref<64xi32, #tpu.memory_space<vmem>>
      %dma_wait3A_248 = arith.constant 0 : i32
      %dma_wait3A_249 = arith.constant 0 : i32
      %dma_wait3A_250 = tpu.memref_slice %arg12[%dma_wait3A_248, %dma_wait3A_249] : memref<10240x128xf32, #tpu.memory_space<vmem_shared>> -> memref<10240x128xf32, #tpu.memory_space<vmem_shared>>
      tpu.wait_indirect_dma semaphore(%arg17 : memref<!tpu.dma_semaphore, #tpu.memory_space<semaphore_mem>>) src(%arg8 : memref<64x128xf32, #tpu.memory_space<vmem>>) dst(%dma_wait3A_250 : memref<10240x128xf32, #tpu.memory_space<vmem_shared>>)
      %lt3A = arith.constant 9 : i32
      %lt3A_251 = arith.cmpi slt, %scan3A_174, %lt3A : i32
      %convert_element_type3A_252 = arith.extui %lt3A_251 : i1 to i32
      %cond3A_253 = arith.constant 0 : i32
      %cond3A_254 = arith.cmpi ne, %convert_element_type3A_252, %cond3A_253 : i32
      scf.if %cond3A_254 {
        %add3A_283 = arith.constant 4 : i32
        %add3A_284 = arith.addi %mul3A_177, %add3A_283 : i32
        %dma_start3A_285 = arith.constant 0 : i32
        %dma_start3A_286 = tpu.memref_slice %arg6[%add3A_284, %dma_start3A_285] : memref<40x64xi32, #tpu.memory_space<vmem>> -> memref<1x64xi32, #tpu.memory_space<vmem>>
        %dma_start3A_287 = tpu.memref_squeeze %dma_start3A_286 : memref<1x64xi32, #tpu.memory_space<vmem>> -> memref<64xi32, #tpu.memory_space<vmem>>
        %dma_start3A_288 = arith.constant 0 : i32
        %dma_start3A_289 = arith.constant 0 : i32
        %dma_start3A_290 = tpu.memref_slice %arg2[%dma_start3A_288, %dma_start3A_289] : memref<10240x128xf32, #tpu.memory_space<hbm>> -> memref<10240x128xf32, #tpu.memory_space<hbm>>
        tpu.enqueue_indirect_dma source(%dma_start3A_290 : memref<10240x128xf32, #tpu.memory_space<hbm>>) target(%arg8 : memref<64x128xf32, #tpu.memory_space<vmem>>) offsets(%dma_start3A_287 : memref<64xi32, #tpu.memory_space<vmem>>) semaphore(%arg13 : memref<!tpu.dma_semaphore, #tpu.memory_space<semaphore_mem>>)
      } else {
      }
      %dma_wait3A_255 = arith.constant 0 : i32
      %dma_wait3A_256 = arith.constant 0 : i32
      %dma_wait3A_257 = tpu.memref_slice %arg6[%dma_wait3A_255, %dma_wait3A_256] : memref<40x64xi32, #tpu.memory_space<vmem>> -> memref<1x64xi32, #tpu.memory_space<vmem>>
      %dma_wait3A_258 = tpu.memref_squeeze %dma_wait3A_257 : memref<1x64xi32, #tpu.memory_space<vmem>> -> memref<64xi32, #tpu.memory_space<vmem>>
      %dma_wait3A_259 = arith.constant 0 : i32
      %dma_wait3A_260 = arith.constant 0 : i32
      %dma_wait3A_261 = tpu.memref_slice %arg2[%dma_wait3A_259, %dma_wait3A_260] : memref<10240x128xf32, #tpu.memory_space<hbm>> -> memref<10240x128xf32, #tpu.memory_space<hbm>>
      tpu.wait_indirect_dma semaphore(%arg16 : memref<!tpu.dma_semaphore, #tpu.memory_space<semaphore_mem>>) src(%dma_wait3A_261 : memref<10240x128xf32, #tpu.memory_space<hbm>>) dst(%arg11 : memref<64x128xf32, #tpu.memory_space<vmem>>)
      %add3A_262 = arith.constant 3 : i32
      %add3A_263 = arith.addi %mul3A_177, %add3A_262 : i32
      %dma_start3A_264 = arith.constant 0 : i32
      %dma_start3A_265 = tpu.memref_slice %arg7[%add3A_263, %dma_start3A_264] : memref<40x64xi32, #tpu.memory_space<vmem>> -> memref<1x64xi32, #tpu.memory_space<vmem>>
      %dma_start3A_266 = tpu.memref_squeeze %dma_start3A_265 : memref<1x64xi32, #tpu.memory_space<vmem>> -> memref<64xi32, #tpu.memory_space<vmem>>
      %dma_start3A_267 = arith.constant 0 : i32
      %dma_start3A_268 = arith.constant 0 : i32
      %dma_start3A_269 = tpu.memref_slice %arg12[%dma_start3A_267, %dma_start3A_268] : memref<10240x128xf32, #tpu.memory_space<vmem_shared>> -> memref<10240x128xf32, #tpu.memory_space<vmem_shared>>
      tpu.enqueue_indirect_dma source(%arg11 : memref<64x128xf32, #tpu.memory_space<vmem>>) target(%dma_start3A_269 : memref<10240x128xf32, #tpu.memory_space<vmem_shared>>) offsets(%dma_start3A_266 : memref<64xi32, #tpu.memory_space<vmem>>) semaphore(%arg20 : memref<!tpu.dma_semaphore, #tpu.memory_space<semaphore_mem>>) {add = true}
      %dma_wait3A_270 = arith.constant 0 : i32
      %dma_wait3A_271 = arith.constant 0 : i32
      %dma_wait3A_272 = tpu.memref_slice %arg7[%dma_wait3A_270, %dma_wait3A_271] : memref<40x64xi32, #tpu.memory_space<vmem>> -> memref<1x64xi32, #tpu.memory_space<vmem>>
      %dma_wait3A_273 = tpu.memref_squeeze %dma_wait3A_272 : memref<1x64xi32, #tpu.memory_space<vmem>> -> memref<64xi32, #tpu.memory_space<vmem>>
      %dma_wait3A_274 = arith.constant 0 : i32
      %dma_wait3A_275 = arith.constant 0 : i32
      %dma_wait3A_276 = tpu.memref_slice %arg12[%dma_wait3A_274, %dma_wait3A_275] : memref<10240x128xf32, #tpu.memory_space<vmem_shared>> -> memref<10240x128xf32, #tpu.memory_space<vmem_shared>>
      tpu.wait_indirect_dma semaphore(%arg18 : memref<!tpu.dma_semaphore, #tpu.memory_space<semaphore_mem>>) src(%arg9 : memref<64x128xf32, #tpu.memory_space<vmem>>) dst(%dma_wait3A_276 : memref<10240x128xf32, #tpu.memory_space<vmem_shared>>)
      %lt3A_277 = arith.constant 9 : i32
      %lt3A_278 = arith.cmpi slt, %scan3A_174, %lt3A_277 : i32
      %convert_element_type3A_279 = arith.extui %lt3A_278 : i1 to i32
      %cond3A_280 = arith.constant 0 : i32
      %cond3A_281 = arith.cmpi ne, %convert_element_type3A_279, %cond3A_280 : i32
      scf.if %cond3A_281 {
        %add3A_283 = arith.constant 5 : i32
        %add3A_284 = arith.addi %mul3A_177, %add3A_283 : i32
        %dma_start3A_285 = arith.constant 0 : i32
        %dma_start3A_286 = tpu.memref_slice %arg6[%add3A_284, %dma_start3A_285] : memref<40x64xi32, #tpu.memory_space<vmem>> -> memref<1x64xi32, #tpu.memory_space<vmem>>
        %dma_start3A_287 = tpu.memref_squeeze %dma_start3A_286 : memref<1x64xi32, #tpu.memory_space<vmem>> -> memref<64xi32, #tpu.memory_space<vmem>>
        %dma_start3A_288 = arith.constant 0 : i32
        %dma_start3A_289 = arith.constant 0 : i32
        %dma_start3A_290 = tpu.memref_slice %arg2[%dma_start3A_288, %dma_start3A_289] : memref<10240x128xf32, #tpu.memory_space<hbm>> -> memref<10240x128xf32, #tpu.memory_space<hbm>>
        tpu.enqueue_indirect_dma source(%dma_start3A_290 : memref<10240x128xf32, #tpu.memory_space<hbm>>) target(%arg9 : memref<64x128xf32, #tpu.memory_space<vmem>>) offsets(%dma_start3A_287 : memref<64xi32, #tpu.memory_space<vmem>>) semaphore(%arg14 : memref<!tpu.dma_semaphore, #tpu.memory_space<semaphore_mem>>)
      } else {
      }
      %scan3A_282 = arith.constant 0 : i32
      scf.yield %scan3A_282 : i32
    }
    %scan3A_115 = arith.constant 10 : i32
    %dma_wait3A_116 = arith.constant 0 : i32
    %dma_wait3A_117 = arith.constant 0 : i32
    %dma_wait3A_118 = tpu.memref_slice %arg7[%dma_wait3A_116, %dma_wait3A_117] : memref<40x64xi32, #tpu.memory_space<vmem>> -> memref<1x64xi32, #tpu.memory_space<vmem>>
    %dma_wait3A_119 = tpu.memref_squeeze %dma_wait3A_118 : memref<1x64xi32, #tpu.memory_space<vmem>> -> memref<64xi32, #tpu.memory_space<vmem>>
    %dma_wait3A_120 = arith.constant 0 : i32
    %dma_wait3A_121 = arith.constant 0 : i32
    %dma_wait3A_122 = tpu.memref_slice %arg12[%dma_wait3A_120, %dma_wait3A_121] : memref<10240x128xf32, #tpu.memory_space<vmem_shared>> -> memref<10240x128xf32, #tpu.memory_space<vmem_shared>>
    tpu.wait_indirect_dma semaphore(%arg19 : memref<!tpu.dma_semaphore, #tpu.memory_space<semaphore_mem>>) src(%arg10 : memref<64x128xf32, #tpu.memory_space<vmem>>) dst(%dma_wait3A_122 : memref<10240x128xf32, #tpu.memory_space<vmem_shared>>)
    %dma_wait3A_123 = arith.constant 0 : i32
    %dma_wait3A_124 = arith.constant 0 : i32
    %dma_wait3A_125 = tpu.memref_slice %arg7[%dma_wait3A_123, %dma_wait3A_124] : memref<40x64xi32, #tpu.memory_space<vmem>> -> memref<1x64xi32, #tpu.memory_space<vmem>>
    %dma_wait3A_126 = tpu.memref_squeeze %dma_wait3A_125 : memref<1x64xi32, #tpu.memory_space<vmem>> -> memref<64xi32, #tpu.memory_space<vmem>>
    %dma_wait3A_127 = arith.constant 0 : i32
    %dma_wait3A_128 = arith.constant 0 : i32
    %dma_wait3A_129 = tpu.memref_slice %arg12[%dma_wait3A_127, %dma_wait3A_128] : memref<10240x128xf32, #tpu.memory_space<vmem_shared>> -> memref<10240x128xf32, #tpu.memory_space<vmem_shared>>
    tpu.wait_indirect_dma semaphore(%arg20 : memref<!tpu.dma_semaphore, #tpu.memory_space<semaphore_mem>>) src(%arg11 : memref<64x128xf32, #tpu.memory_space<vmem>>) dst(%dma_wait3A_129 : memref<10240x128xf32, #tpu.memory_space<vmem_shared>>)
    %mul3A_130 = arith.constant 160 : i32
    %mul3A_131 = arith.muli %add3A, %mul3A_130 : i32
    %add3A_132 = arith.constant 120 : i32
    %add3A_133 = arith.addi %mul3A_131, %add3A_132 : i32
    "tpu.region"() ({
      %run_scoped3A = tpu.sem_alloc : memref<!tpu.dma_semaphore, #tpu.memory_space<semaphore_mem>>
      %dma_start3A_174 = arith.constant 0 : i32
      %dma_start3A_175 = tpu.memref_slice %arg3[%add3A_133, %dma_start3A_174] : memref<5120x64xi32, #tpu.memory_space<hbm>> -> memref<40x64xi32, #tpu.memory_space<hbm>>
      %dma_start3A_176 = arith.constant 0 : i32
      %dma_start3A_177 = tpu.memref_slice %arg3[%add3A_133, %dma_start3A_176] : memref<5120x64xi32, #tpu.memory_space<hbm>> -> memref<40x64xi32, #tpu.memory_space<hbm>>
      tpu.enqueue_dma source(%dma_start3A_177 : memref<40x64xi32, #tpu.memory_space<hbm>>) target(%arg6 : memref<40x64xi32, #tpu.memory_space<vmem>>) target_semaphore(%run_scoped3A : memref<!tpu.dma_semaphore, #tpu.memory_space<semaphore_mem>>)
      %dma_wait3A_178 = arith.constant 0 : i32
      %dma_wait3A_179 = tpu.memref_slice %arg3[%add3A_133, %dma_wait3A_178] : memref<5120x64xi32, #tpu.memory_space<hbm>> -> memref<40x64xi32, #tpu.memory_space<hbm>>
      %dma_wait3A_180 = arith.constant 0 : i32
      %dma_wait3A_181 = tpu.memref_slice %arg3[%add3A_133, %dma_wait3A_180] : memref<5120x64xi32, #tpu.memory_space<hbm>> -> memref<40x64xi32, #tpu.memory_space<hbm>>
      tpu.wait_dma2 semaphore(%run_scoped3A : memref<!tpu.dma_semaphore, #tpu.memory_space<semaphore_mem>>) src(%dma_wait3A_181 : memref<40x64xi32, #tpu.memory_space<hbm>>) dst(%arg6 : memref<40x64xi32, #tpu.memory_space<vmem>>)
      tpu.yield
    }) : () -> ()
    "tpu.region"() ({
      %run_scoped3A = tpu.sem_alloc : memref<!tpu.dma_semaphore, #tpu.memory_space<semaphore_mem>>
      %dma_start3A_174 = arith.constant 0 : i32
      %dma_start3A_175 = tpu.memref_slice %arg4[%add3A_133, %dma_start3A_174] : memref<5120x64xi32, #tpu.memory_space<hbm>> -> memref<40x64xi32, #tpu.memory_space<hbm>>
      %dma_start3A_176 = arith.constant 0 : i32
      %dma_start3A_177 = tpu.memref_slice %arg4[%add3A_133, %dma_start3A_176] : memref<5120x64xi32, #tpu.memory_space<hbm>> -> memref<40x64xi32, #tpu.memory_space<hbm>>
      tpu.enqueue_dma source(%dma_start3A_177 : memref<40x64xi32, #tpu.memory_space<hbm>>) target(%arg7 : memref<40x64xi32, #tpu.memory_space<vmem>>) target_semaphore(%run_scoped3A : memref<!tpu.dma_semaphore, #tpu.memory_space<semaphore_mem>>)
      %dma_wait3A_178 = arith.constant 0 : i32
      %dma_wait3A_179 = tpu.memref_slice %arg4[%add3A_133, %dma_wait3A_178] : memref<5120x64xi32, #tpu.memory_space<hbm>> -> memref<40x64xi32, #tpu.memory_space<hbm>>
      %dma_wait3A_180 = arith.constant 0 : i32
      %dma_wait3A_181 = tpu.memref_slice %arg4[%add3A_133, %dma_wait3A_180] : memref<5120x64xi32, #tpu.memory_space<hbm>> -> memref<40x64xi32, #tpu.memory_space<hbm>>
      tpu.wait_dma2 semaphore(%run_scoped3A : memref<!tpu.dma_semaphore, #tpu.memory_space<semaphore_mem>>) src(%dma_wait3A_181 : memref<40x64xi32, #tpu.memory_space<hbm>>) dst(%arg7 : memref<40x64xi32, #tpu.memory_space<vmem>>)
      tpu.yield
    }) : () -> ()
    %dma_start3A_134 = arith.constant 0 : i32
    %dma_start3A_135 = arith.constant 0 : i32
    %dma_start3A_136 = tpu.memref_slice %arg6[%dma_start3A_134, %dma_start3A_135] : memref<40x64xi32, #tpu.memory_space<vmem>> -> memref<1x64xi32, #tpu.memory_space<vmem>>
    %dma_start3A_137 = tpu.memref_squeeze %dma_start3A_136 : memref<1x64xi32, #tpu.memory_space<vmem>> -> memref<64xi32, #tpu.memory_space<vmem>>
    %dma_start3A_138 = arith.constant 0 : i32
    %dma_start3A_139 = arith.constant 0 : i32
    %dma_start3A_140 = tpu.memref_slice %arg2[%dma_start3A_138, %dma_start3A_139] : memref<10240x128xf32, #tpu.memory_space<hbm>> -> memref<10240x128xf32, #tpu.memory_space<hbm>>
    tpu.enqueue_indirect_dma source(%dma_start3A_140 : memref<10240x128xf32, #tpu.memory_space<hbm>>) target(%arg8 : memref<64x128xf32, #tpu.memory_space<vmem>>) offsets(%dma_start3A_137 : memref<64xi32, #tpu.memory_space<vmem>>) semaphore(%arg13 : memref<!tpu.dma_semaphore, #tpu.memory_space<semaphore_mem>>)
    %dma_start3A_141 = arith.constant 1 : i32
    %dma_start3A_142 = arith.constant 0 : i32
    %dma_start3A_143 = tpu.memref_slice %arg6[%dma_start3A_141, %dma_start3A_142] : memref<40x64xi32, #tpu.memory_space<vmem>> -> memref<1x64xi32, #tpu.memory_space<vmem>>
    %dma_start3A_144 = tpu.memref_squeeze %dma_start3A_143 : memref<1x64xi32, #tpu.memory_space<vmem>> -> memref<64xi32, #tpu.memory_space<vmem>>
    %dma_start3A_145 = arith.constant 0 : i32
    %dma_start3A_146 = arith.constant 0 : i32
    %dma_start3A_147 = tpu.memref_slice %arg2[%dma_start3A_145, %dma_start3A_146] : memref<10240x128xf32, #tpu.memory_space<hbm>> -> memref<10240x128xf32, #tpu.memory_space<hbm>>
    tpu.enqueue_indirect_dma source(%dma_start3A_147 : memref<10240x128xf32, #tpu.memory_space<hbm>>) target(%arg9 : memref<64x128xf32, #tpu.memory_space<vmem>>) offsets(%dma_start3A_144 : memref<64xi32, #tpu.memory_space<vmem>>) semaphore(%arg14 : memref<!tpu.dma_semaphore, #tpu.memory_space<semaphore_mem>>)
    %scan3A_148 = arith.constant 0 : i32
    %scan3A_149 = arith.constant 0 : i32
    %scan3A_150 = arith.constant 10 : i32
    %scan3A_151 = arith.addi %scan3A_149, %scan3A_150 : i32
    %scan3A_152 = arith.constant 1 : i32
    %scan3A_153 = scf.for %scan3A_174 = %scan3A_149 to %scan3A_151 step %scan3A_152 iter_args(%scan3A_175 = %scan3A_148) -> (i32)  : i32 {
      %mul3A_176 = arith.constant 4 : i32
      %mul3A_177 = arith.muli %mul3A_176, %scan3A_174 : i32
      %dma_wait3A_178 = arith.constant 0 : i32
      %dma_wait3A_179 = arith.constant 0 : i32
      %dma_wait3A_180 = tpu.memref_slice %arg6[%dma_wait3A_178, %dma_wait3A_179] : memref<40x64xi32, #tpu.memory_space<vmem>> -> memref<1x64xi32, #tpu.memory_space<vmem>>
      %dma_wait3A_181 = tpu.memref_squeeze %dma_wait3A_180 : memref<1x64xi32, #tpu.memory_space<vmem>> -> memref<64xi32, #tpu.memory_space<vmem>>
      %dma_wait3A_182 = arith.constant 0 : i32
      %dma_wait3A_183 = arith.constant 0 : i32
      %dma_wait3A_184 = tpu.memref_slice %arg2[%dma_wait3A_182, %dma_wait3A_183] : memref<10240x128xf32, #tpu.memory_space<hbm>> -> memref<10240x128xf32, #tpu.memory_space<hbm>>
      tpu.wait_indirect_dma semaphore(%arg13 : memref<!tpu.dma_semaphore, #tpu.memory_space<semaphore_mem>>) src(%dma_wait3A_184 : memref<10240x128xf32, #tpu.memory_space<hbm>>) dst(%arg8 : memref<64x128xf32, #tpu.memory_space<vmem>>)
      %dma_start3A_185 = arith.constant 0 : i32
      %dma_start3A_186 = tpu.memref_slice %arg7[%mul3A_177, %dma_start3A_185] : memref<40x64xi32, #tpu.memory_space<vmem>> -> memref<1x64xi32, #tpu.memory_space<vmem>>
      %dma_start3A_187 = tpu.memref_squeeze %dma_start3A_186 : memref<1x64xi32, #tpu.memory_space<vmem>> -> memref<64xi32, #tpu.memory_space<vmem>>
      %dma_start3A_188 = arith.constant 0 : i32
      %dma_start3A_189 = arith.constant 0 : i32
      %dma_start3A_190 = tpu.memref_slice %arg12[%dma_start3A_188, %dma_start3A_189] : memref<10240x128xf32, #tpu.memory_space<vmem_shared>> -> memref<10240x128xf32, #tpu.memory_space<vmem_shared>>
      tpu.enqueue_indirect_dma source(%arg8 : memref<64x128xf32, #tpu.memory_space<vmem>>) target(%dma_start3A_190 : memref<10240x128xf32, #tpu.memory_space<vmem_shared>>) offsets(%dma_start3A_187 : memref<64xi32, #tpu.memory_space<vmem>>) semaphore(%arg17 : memref<!tpu.dma_semaphore, #tpu.memory_space<semaphore_mem>>) {add = true}
      %gt3A = arith.constant 0 : i32
      %gt3A_191 = arith.cmpi sgt, %scan3A_174, %gt3A : i32
      %convert_element_type3A = arith.extui %gt3A_191 : i1 to i32
      %cond3A = arith.constant 0 : i32
      %cond3A_192 = arith.cmpi ne, %convert_element_type3A, %cond3A : i32
      scf.if %cond3A_192 {
        %dma_wait3A_283 = arith.constant 0 : i32
        %dma_wait3A_284 = arith.constant 0 : i32
        %dma_wait3A_285 = tpu.memref_slice %arg7[%dma_wait3A_283, %dma_wait3A_284] : memref<40x64xi32, #tpu.memory_space<vmem>> -> memref<1x64xi32, #tpu.memory_space<vmem>>
        %dma_wait3A_286 = tpu.memref_squeeze %dma_wait3A_285 : memref<1x64xi32, #tpu.memory_space<vmem>> -> memref<64xi32, #tpu.memory_space<vmem>>
        %dma_wait3A_287 = arith.constant 0 : i32
        %dma_wait3A_288 = arith.constant 0 : i32
        %dma_wait3A_289 = tpu.memref_slice %arg12[%dma_wait3A_287, %dma_wait3A_288] : memref<10240x128xf32, #tpu.memory_space<vmem_shared>> -> memref<10240x128xf32, #tpu.memory_space<vmem_shared>>
        tpu.wait_indirect_dma semaphore(%arg19 : memref<!tpu.dma_semaphore, #tpu.memory_space<semaphore_mem>>) src(%arg10 : memref<64x128xf32, #tpu.memory_space<vmem>>) dst(%dma_wait3A_289 : memref<10240x128xf32, #tpu.memory_space<vmem_shared>>)
      } else {
      }
      %add3A_193 = arith.constant 2 : i32
      %add3A_194 = arith.addi %mul3A_177, %add3A_193 : i32
      %dma_start3A_195 = arith.constant 0 : i32
      %dma_start3A_196 = tpu.memref_slice %arg6[%add3A_194, %dma_start3A_195] : memref<40x64xi32, #tpu.memory_space<vmem>> -> memref<1x64xi32, #tpu.memory_space<vmem>>
      %dma_start3A_197 = tpu.memref_squeeze %dma_start3A_196 : memref<1x64xi32, #tpu.memory_space<vmem>> -> memref<64xi32, #tpu.memory_space<vmem>>
      %dma_start3A_198 = arith.constant 0 : i32
      %dma_start3A_199 = arith.constant 0 : i32
      %dma_start3A_200 = tpu.memref_slice %arg2[%dma_start3A_198, %dma_start3A_199] : memref<10240x128xf32, #tpu.memory_space<hbm>> -> memref<10240x128xf32, #tpu.memory_space<hbm>>
      tpu.enqueue_indirect_dma source(%dma_start3A_200 : memref<10240x128xf32, #tpu.memory_space<hbm>>) target(%arg10 : memref<64x128xf32, #tpu.memory_space<vmem>>) offsets(%dma_start3A_197 : memref<64xi32, #tpu.memory_space<vmem>>) semaphore(%arg15 : memref<!tpu.dma_semaphore, #tpu.memory_space<semaphore_mem>>)
      %dma_wait3A_201 = arith.constant 0 : i32
      %dma_wait3A_202 = arith.constant 0 : i32
      %dma_wait3A_203 = tpu.memref_slice %arg6[%dma_wait3A_201, %dma_wait3A_202] : memref<40x64xi32, #tpu.memory_space<vmem>> -> memref<1x64xi32, #tpu.memory_space<vmem>>
      %dma_wait3A_204 = tpu.memref_squeeze %dma_wait3A_203 : memref<1x64xi32, #tpu.memory_space<vmem>> -> memref<64xi32, #tpu.memory_space<vmem>>
      %dma_wait3A_205 = arith.constant 0 : i32
      %dma_wait3A_206 = arith.constant 0 : i32
      %dma_wait3A_207 = tpu.memref_slice %arg2[%dma_wait3A_205, %dma_wait3A_206] : memref<10240x128xf32, #tpu.memory_space<hbm>> -> memref<10240x128xf32, #tpu.memory_space<hbm>>
      tpu.wait_indirect_dma semaphore(%arg14 : memref<!tpu.dma_semaphore, #tpu.memory_space<semaphore_mem>>) src(%dma_wait3A_207 : memref<10240x128xf32, #tpu.memory_space<hbm>>) dst(%arg9 : memref<64x128xf32, #tpu.memory_space<vmem>>)
      %add3A_208 = arith.constant 1 : i32
      %add3A_209 = arith.addi %mul3A_177, %add3A_208 : i32
      %dma_start3A_210 = arith.constant 0 : i32
      %dma_start3A_211 = tpu.memref_slice %arg7[%add3A_209, %dma_start3A_210] : memref<40x64xi32, #tpu.memory_space<vmem>> -> memref<1x64xi32, #tpu.memory_space<vmem>>
      %dma_start3A_212 = tpu.memref_squeeze %dma_start3A_211 : memref<1x64xi32, #tpu.memory_space<vmem>> -> memref<64xi32, #tpu.memory_space<vmem>>
      %dma_start3A_213 = arith.constant 0 : i32
      %dma_start3A_214 = arith.constant 0 : i32
      %dma_start3A_215 = tpu.memref_slice %arg12[%dma_start3A_213, %dma_start3A_214] : memref<10240x128xf32, #tpu.memory_space<vmem_shared>> -> memref<10240x128xf32, #tpu.memory_space<vmem_shared>>
      tpu.enqueue_indirect_dma source(%arg9 : memref<64x128xf32, #tpu.memory_space<vmem>>) target(%dma_start3A_215 : memref<10240x128xf32, #tpu.memory_space<vmem_shared>>) offsets(%dma_start3A_212 : memref<64xi32, #tpu.memory_space<vmem>>) semaphore(%arg18 : memref<!tpu.dma_semaphore, #tpu.memory_space<semaphore_mem>>) {add = true}
      %gt3A_216 = arith.constant 0 : i32
      %gt3A_217 = arith.cmpi sgt, %scan3A_174, %gt3A_216 : i32
      %convert_element_type3A_218 = arith.extui %gt3A_217 : i1 to i32
      %cond3A_219 = arith.constant 0 : i32
      %cond3A_220 = arith.cmpi ne, %convert_element_type3A_218, %cond3A_219 : i32
      scf.if %cond3A_220 {
        %dma_wait3A_283 = arith.constant 0 : i32
        %dma_wait3A_284 = arith.constant 0 : i32
        %dma_wait3A_285 = tpu.memref_slice %arg7[%dma_wait3A_283, %dma_wait3A_284] : memref<40x64xi32, #tpu.memory_space<vmem>> -> memref<1x64xi32, #tpu.memory_space<vmem>>
        %dma_wait3A_286 = tpu.memref_squeeze %dma_wait3A_285 : memref<1x64xi32, #tpu.memory_space<vmem>> -> memref<64xi32, #tpu.memory_space<vmem>>
        %dma_wait3A_287 = arith.constant 0 : i32
        %dma_wait3A_288 = arith.constant 0 : i32
        %dma_wait3A_289 = tpu.memref_slice %arg12[%dma_wait3A_287, %dma_wait3A_288] : memref<10240x128xf32, #tpu.memory_space<vmem_shared>> -> memref<10240x128xf32, #tpu.memory_space<vmem_shared>>
        tpu.wait_indirect_dma semaphore(%arg20 : memref<!tpu.dma_semaphore, #tpu.memory_space<semaphore_mem>>) src(%arg11 : memref<64x128xf32, #tpu.memory_space<vmem>>) dst(%dma_wait3A_289 : memref<10240x128xf32, #tpu.memory_space<vmem_shared>>)
      } else {
      }
      %add3A_221 = arith.constant 3 : i32
      %add3A_222 = arith.addi %mul3A_177, %add3A_221 : i32
      %dma_start3A_223 = arith.constant 0 : i32
      %dma_start3A_224 = tpu.memref_slice %arg6[%add3A_222, %dma_start3A_223] : memref<40x64xi32, #tpu.memory_space<vmem>> -> memref<1x64xi32, #tpu.memory_space<vmem>>
      %dma_start3A_225 = tpu.memref_squeeze %dma_start3A_224 : memref<1x64xi32, #tpu.memory_space<vmem>> -> memref<64xi32, #tpu.memory_space<vmem>>
      %dma_start3A_226 = arith.constant 0 : i32
      %dma_start3A_227 = arith.constant 0 : i32
      %dma_start3A_228 = tpu.memref_slice %arg2[%dma_start3A_226, %dma_start3A_227] : memref<10240x128xf32, #tpu.memory_space<hbm>> -> memref<10240x128xf32, #tpu.memory_space<hbm>>
      tpu.enqueue_indirect_dma source(%dma_start3A_228 : memref<10240x128xf32, #tpu.memory_space<hbm>>) target(%arg11 : memref<64x128xf32, #tpu.memory_space<vmem>>) offsets(%dma_start3A_225 : memref<64xi32, #tpu.memory_space<vmem>>) semaphore(%arg16 : memref<!tpu.dma_semaphore, #tpu.memory_space<semaphore_mem>>)
      %dma_wait3A_229 = arith.constant 0 : i32
      %dma_wait3A_230 = arith.constant 0 : i32
      %dma_wait3A_231 = tpu.memref_slice %arg6[%dma_wait3A_229, %dma_wait3A_230] : memref<40x64xi32, #tpu.memory_space<vmem>> -> memref<1x64xi32, #tpu.memory_space<vmem>>
      %dma_wait3A_232 = tpu.memref_squeeze %dma_wait3A_231 : memref<1x64xi32, #tpu.memory_space<vmem>> -> memref<64xi32, #tpu.memory_space<vmem>>
      %dma_wait3A_233 = arith.constant 0 : i32
      %dma_wait3A_234 = arith.constant 0 : i32
      %dma_wait3A_235 = tpu.memref_slice %arg2[%dma_wait3A_233, %dma_wait3A_234] : memref<10240x128xf32, #tpu.memory_space<hbm>> -> memref<10240x128xf32, #tpu.memory_space<hbm>>
      tpu.wait_indirect_dma semaphore(%arg15 : memref<!tpu.dma_semaphore, #tpu.memory_space<semaphore_mem>>) src(%dma_wait3A_235 : memref<10240x128xf32, #tpu.memory_space<hbm>>) dst(%arg10 : memref<64x128xf32, #tpu.memory_space<vmem>>)
      %add3A_236 = arith.constant 2 : i32
      %add3A_237 = arith.addi %mul3A_177, %add3A_236 : i32
      %dma_start3A_238 = arith.constant 0 : i32
      %dma_start3A_239 = tpu.memref_slice %arg7[%add3A_237, %dma_start3A_238] : memref<40x64xi32, #tpu.memory_space<vmem>> -> memref<1x64xi32, #tpu.memory_space<vmem>>
      %dma_start3A_240 = tpu.memref_squeeze %dma_start3A_239 : memref<1x64xi32, #tpu.memory_space<vmem>> -> memref<64xi32, #tpu.memory_space<vmem>>
      %dma_start3A_241 = arith.constant 0 : i32
      %dma_start3A_242 = arith.constant 0 : i32
      %dma_start3A_243 = tpu.memref_slice %arg12[%dma_start3A_241, %dma_start3A_242] : memref<10240x128xf32, #tpu.memory_space<vmem_shared>> -> memref<10240x128xf32, #tpu.memory_space<vmem_shared>>
      tpu.enqueue_indirect_dma source(%arg10 : memref<64x128xf32, #tpu.memory_space<vmem>>) target(%dma_start3A_243 : memref<10240x128xf32, #tpu.memory_space<vmem_shared>>) offsets(%dma_start3A_240 : memref<64xi32, #tpu.memory_space<vmem>>) semaphore(%arg19 : memref<!tpu.dma_semaphore, #tpu.memory_space<semaphore_mem>>) {add = true}
      %dma_wait3A_244 = arith.constant 0 : i32
      %dma_wait3A_245 = arith.constant 0 : i32
      %dma_wait3A_246 = tpu.memref_slice %arg7[%dma_wait3A_244, %dma_wait3A_245] : memref<40x64xi32, #tpu.memory_space<vmem>> -> memref<1x64xi32, #tpu.memory_space<vmem>>
      %dma_wait3A_247 = tpu.memref_squeeze %dma_wait3A_246 : memref<1x64xi32, #tpu.memory_space<vmem>> -> memref<64xi32, #tpu.memory_space<vmem>>
      %dma_wait3A_248 = arith.constant 0 : i32
      %dma_wait3A_249 = arith.constant 0 : i32
      %dma_wait3A_250 = tpu.memref_slice %arg12[%dma_wait3A_248, %dma_wait3A_249] : memref<10240x128xf32, #tpu.memory_space<vmem_shared>> -> memref<10240x128xf32, #tpu.memory_space<vmem_shared>>
      tpu.wait_indirect_dma semaphore(%arg17 : memref<!tpu.dma_semaphore, #tpu.memory_space<semaphore_mem>>) src(%arg8 : memref<64x128xf32, #tpu.memory_space<vmem>>) dst(%dma_wait3A_250 : memref<10240x128xf32, #tpu.memory_space<vmem_shared>>)
      %lt3A = arith.constant 9 : i32
      %lt3A_251 = arith.cmpi slt, %scan3A_174, %lt3A : i32
      %convert_element_type3A_252 = arith.extui %lt3A_251 : i1 to i32
      %cond3A_253 = arith.constant 0 : i32
      %cond3A_254 = arith.cmpi ne, %convert_element_type3A_252, %cond3A_253 : i32
      scf.if %cond3A_254 {
        %add3A_283 = arith.constant 4 : i32
        %add3A_284 = arith.addi %mul3A_177, %add3A_283 : i32
        %dma_start3A_285 = arith.constant 0 : i32
        %dma_start3A_286 = tpu.memref_slice %arg6[%add3A_284, %dma_start3A_285] : memref<40x64xi32, #tpu.memory_space<vmem>> -> memref<1x64xi32, #tpu.memory_space<vmem>>
        %dma_start3A_287 = tpu.memref_squeeze %dma_start3A_286 : memref<1x64xi32, #tpu.memory_space<vmem>> -> memref<64xi32, #tpu.memory_space<vmem>>
        %dma_start3A_288 = arith.constant 0 : i32
        %dma_start3A_289 = arith.constant 0 : i32
        %dma_start3A_290 = tpu.memref_slice %arg2[%dma_start3A_288, %dma_start3A_289] : memref<10240x128xf32, #tpu.memory_space<hbm>> -> memref<10240x128xf32, #tpu.memory_space<hbm>>
        tpu.enqueue_indirect_dma source(%dma_start3A_290 : memref<10240x128xf32, #tpu.memory_space<hbm>>) target(%arg8 : memref<64x128xf32, #tpu.memory_space<vmem>>) offsets(%dma_start3A_287 : memref<64xi32, #tpu.memory_space<vmem>>) semaphore(%arg13 : memref<!tpu.dma_semaphore, #tpu.memory_space<semaphore_mem>>)
      } else {
      }
      %dma_wait3A_255 = arith.constant 0 : i32
      %dma_wait3A_256 = arith.constant 0 : i32
      %dma_wait3A_257 = tpu.memref_slice %arg6[%dma_wait3A_255, %dma_wait3A_256] : memref<40x64xi32, #tpu.memory_space<vmem>> -> memref<1x64xi32, #tpu.memory_space<vmem>>
      %dma_wait3A_258 = tpu.memref_squeeze %dma_wait3A_257 : memref<1x64xi32, #tpu.memory_space<vmem>> -> memref<64xi32, #tpu.memory_space<vmem>>
      %dma_wait3A_259 = arith.constant 0 : i32
      %dma_wait3A_260 = arith.constant 0 : i32
      %dma_wait3A_261 = tpu.memref_slice %arg2[%dma_wait3A_259, %dma_wait3A_260] : memref<10240x128xf32, #tpu.memory_space<hbm>> -> memref<10240x128xf32, #tpu.memory_space<hbm>>
      tpu.wait_indirect_dma semaphore(%arg16 : memref<!tpu.dma_semaphore, #tpu.memory_space<semaphore_mem>>) src(%dma_wait3A_261 : memref<10240x128xf32, #tpu.memory_space<hbm>>) dst(%arg11 : memref<64x128xf32, #tpu.memory_space<vmem>>)
      %add3A_262 = arith.constant 3 : i32
      %add3A_263 = arith.addi %mul3A_177, %add3A_262 : i32
      %dma_start3A_264 = arith.constant 0 : i32
      %dma_start3A_265 = tpu.memref_slice %arg7[%add3A_263, %dma_start3A_264] : memref<40x64xi32, #tpu.memory_space<vmem>> -> memref<1x64xi32, #tpu.memory_space<vmem>>
      %dma_start3A_266 = tpu.memref_squeeze %dma_start3A_265 : memref<1x64xi32, #tpu.memory_space<vmem>> -> memref<64xi32, #tpu.memory_space<vmem>>
      %dma_start3A_267 = arith.constant 0 : i32
      %dma_start3A_268 = arith.constant 0 : i32
      %dma_start3A_269 = tpu.memref_slice %arg12[%dma_start3A_267, %dma_start3A_268] : memref<10240x128xf32, #tpu.memory_space<vmem_shared>> -> memref<10240x128xf32, #tpu.memory_space<vmem_shared>>
      tpu.enqueue_indirect_dma source(%arg11 : memref<64x128xf32, #tpu.memory_space<vmem>>) target(%dma_start3A_269 : memref<10240x128xf32, #tpu.memory_space<vmem_shared>>) offsets(%dma_start3A_266 : memref<64xi32, #tpu.memory_space<vmem>>) semaphore(%arg20 : memref<!tpu.dma_semaphore, #tpu.memory_space<semaphore_mem>>) {add = true}
      %dma_wait3A_270 = arith.constant 0 : i32
      %dma_wait3A_271 = arith.constant 0 : i32
      %dma_wait3A_272 = tpu.memref_slice %arg7[%dma_wait3A_270, %dma_wait3A_271] : memref<40x64xi32, #tpu.memory_space<vmem>> -> memref<1x64xi32, #tpu.memory_space<vmem>>
      %dma_wait3A_273 = tpu.memref_squeeze %dma_wait3A_272 : memref<1x64xi32, #tpu.memory_space<vmem>> -> memref<64xi32, #tpu.memory_space<vmem>>
      %dma_wait3A_274 = arith.constant 0 : i32
      %dma_wait3A_275 = arith.constant 0 : i32
      %dma_wait3A_276 = tpu.memref_slice %arg12[%dma_wait3A_274, %dma_wait3A_275] : memref<10240x128xf32, #tpu.memory_space<vmem_shared>> -> memref<10240x128xf32, #tpu.memory_space<vmem_shared>>
      tpu.wait_indirect_dma semaphore(%arg18 : memref<!tpu.dma_semaphore, #tpu.memory_space<semaphore_mem>>) src(%arg9 : memref<64x128xf32, #tpu.memory_space<vmem>>) dst(%dma_wait3A_276 : memref<10240x128xf32, #tpu.memory_space<vmem_shared>>)
      %lt3A_277 = arith.constant 9 : i32
      %lt3A_278 = arith.cmpi slt, %scan3A_174, %lt3A_277 : i32
      %convert_element_type3A_279 = arith.extui %lt3A_278 : i1 to i32
      %cond3A_280 = arith.constant 0 : i32
      %cond3A_281 = arith.cmpi ne, %convert_element_type3A_279, %cond3A_280 : i32
      scf.if %cond3A_281 {
        %add3A_283 = arith.constant 5 : i32
        %add3A_284 = arith.addi %mul3A_177, %add3A_283 : i32
        %dma_start3A_285 = arith.constant 0 : i32
        %dma_start3A_286 = tpu.memref_slice %arg6[%add3A_284, %dma_start3A_285] : memref<40x64xi32, #tpu.memory_space<vmem>> -> memref<1x64xi32, #tpu.memory_space<vmem>>
        %dma_start3A_287 = tpu.memref_squeeze %dma_start3A_286 : memref<1x64xi32, #tpu.memory_space<vmem>> -> memref<64xi32, #tpu.memory_space<vmem>>
        %dma_start3A_288 = arith.constant 0 : i32
        %dma_start3A_289 = arith.constant 0 : i32
        %dma_start3A_290 = tpu.memref_slice %arg2[%dma_start3A_288, %dma_start3A_289] : memref<10240x128xf32, #tpu.memory_space<hbm>> -> memref<10240x128xf32, #tpu.memory_space<hbm>>
        tpu.enqueue_indirect_dma source(%dma_start3A_290 : memref<10240x128xf32, #tpu.memory_space<hbm>>) target(%arg9 : memref<64x128xf32, #tpu.memory_space<vmem>>) offsets(%dma_start3A_287 : memref<64xi32, #tpu.memory_space<vmem>>) semaphore(%arg14 : memref<!tpu.dma_semaphore, #tpu.memory_space<semaphore_mem>>)
      } else {
      }
      %scan3A_282 = arith.constant 0 : i32
      scf.yield %scan3A_282 : i32
    }
    %scan3A_154 = arith.constant 10 : i32
    %dma_wait3A_155 = arith.constant 0 : i32
    %dma_wait3A_156 = arith.constant 0 : i32
    %dma_wait3A_157 = tpu.memref_slice %arg7[%dma_wait3A_155, %dma_wait3A_156] : memref<40x64xi32, #tpu.memory_space<vmem>> -> memref<1x64xi32, #tpu.memory_space<vmem>>
    %dma_wait3A_158 = tpu.memref_squeeze %dma_wait3A_157 : memref<1x64xi32, #tpu.memory_space<vmem>> -> memref<64xi32, #tpu.memory_space<vmem>>
    %dma_wait3A_159 = arith.constant 0 : i32
    %dma_wait3A_160 = arith.constant 0 : i32
    %dma_wait3A_161 = tpu.memref_slice %arg12[%dma_wait3A_159, %dma_wait3A_160] : memref<10240x128xf32, #tpu.memory_space<vmem_shared>> -> memref<10240x128xf32, #tpu.memory_space<vmem_shared>>
    tpu.wait_indirect_dma semaphore(%arg19 : memref<!tpu.dma_semaphore, #tpu.memory_space<semaphore_mem>>) src(%arg10 : memref<64x128xf32, #tpu.memory_space<vmem>>) dst(%dma_wait3A_161 : memref<10240x128xf32, #tpu.memory_space<vmem_shared>>)
    %dma_wait3A_162 = arith.constant 0 : i32
    %dma_wait3A_163 = arith.constant 0 : i32
    %dma_wait3A_164 = tpu.memref_slice %arg7[%dma_wait3A_162, %dma_wait3A_163] : memref<40x64xi32, #tpu.memory_space<vmem>> -> memref<1x64xi32, #tpu.memory_space<vmem>>
    %dma_wait3A_165 = tpu.memref_squeeze %dma_wait3A_164 : memref<1x64xi32, #tpu.memory_space<vmem>> -> memref<64xi32, #tpu.memory_space<vmem>>
    %dma_wait3A_166 = arith.constant 0 : i32
    %dma_wait3A_167 = arith.constant 0 : i32
    %dma_wait3A_168 = tpu.memref_slice %arg12[%dma_wait3A_166, %dma_wait3A_167] : memref<10240x128xf32, #tpu.memory_space<vmem_shared>> -> memref<10240x128xf32, #tpu.memory_space<vmem_shared>>
    tpu.wait_indirect_dma semaphore(%arg20 : memref<!tpu.dma_semaphore, #tpu.memory_space<semaphore_mem>>) src(%arg11 : memref<64x128xf32, #tpu.memory_space<vmem>>) dst(%dma_wait3A_168 : memref<10240x128xf32, #tpu.memory_space<vmem_shared>>)
    %barrier3A_169 = arith.constant 0 : index
    tpu.barrier barrier_id(%barrier3A_169)
    %mul3A_170 = arith.constant 640 : i32
    %mul3A_171 = arith.muli %arg1, %mul3A_170 : i32
    %mul3A_172 = arith.constant 640 : i32
    %mul3A_173 = arith.muli %arg1, %mul3A_172 : i32
    "tpu.region"() ({
      %run_scoped3A = tpu.sem_alloc : memref<!tpu.dma_semaphore, #tpu.memory_space<semaphore_mem>>
      %dma_start3A_174 = arith.constant 0 : i32
      %dma_start3A_175 = tpu.memref_slice %arg5[%arg0, %mul3A_173, %dma_start3A_174] : memref<2x10240x128xf32, #tpu.memory_space<hbm>> -> memref<1x640x128xf32, #tpu.memory_space<hbm>>
      %dma_start3A_176 = tpu.memref_squeeze %dma_start3A_175 : memref<1x640x128xf32, #tpu.memory_space<hbm>> -> memref<640x128xf32, #tpu.memory_space<hbm>>
      %dma_start3A_177 = arith.constant 0 : i32
      %dma_start3A_178 = tpu.memref_slice %arg12[%mul3A_171, %dma_start3A_177] : memref<10240x128xf32, #tpu.memory_space<vmem_shared>> -> memref<640x128xf32, #tpu.memory_space<vmem_shared>>
      tpu.enqueue_dma source(%dma_start3A_178 : memref<640x128xf32, #tpu.memory_space<vmem_shared>>) target(%dma_start3A_176 : memref<640x128xf32, #tpu.memory_space<hbm>>) target_semaphore(%run_scoped3A : memref<!tpu.dma_semaphore, #tpu.memory_space<semaphore_mem>>)
      %dma_wait3A_179 = arith.constant 0 : i32
      %dma_wait3A_180 = tpu.memref_slice %arg5[%arg0, %mul3A_173, %dma_wait3A_179] : memref<2x10240x128xf32, #tpu.memory_space<hbm>> -> memref<1x640x128xf32, #tpu.memory_space<hbm>>
      %dma_wait3A_181 = tpu.memref_squeeze %dma_wait3A_180 : memref<1x640x128xf32, #tpu.memory_space<hbm>> -> memref<640x128xf32, #tpu.memory_space<hbm>>
      %dma_wait3A_182 = arith.constant 0 : i32
      %dma_wait3A_183 = tpu.memref_slice %arg12[%mul3A_171, %dma_wait3A_182] : memref<10240x128xf32, #tpu.memory_space<vmem_shared>> -> memref<640x128xf32, #tpu.memory_space<vmem_shared>>
      tpu.wait_dma2 semaphore(%run_scoped3A : memref<!tpu.dma_semaphore, #tpu.memory_space<semaphore_mem>>) src(%dma_wait3A_183 : memref<640x128xf32, #tpu.memory_space<vmem_shared>>) dst(%dma_wait3A_181 : memref<640x128xf32, #tpu.memory_space<hbm>>)
      tpu.yield
    }) : () -> ()
    return
  }
}

#map = affine_map<(d0, d1) -> (0, 0)>
#map1 = affine_map<(d0, d1) -> (0, 0, 0)>
module attributes {stable_mosaic.version = 14 : i64} {
  func.func @_agg_kernel(%arg0: i32, %arg1: i32, %arg2: memref<10240x128xf32, #tpu.memory_space<hbm>>, %arg3: memref<5120x64xi32, #tpu.memory_space<hbm>>, %arg4: memref<5120x64xi32, #tpu.memory_space<hbm>>, %arg5: memref<2x10240x128xf32, #tpu.memory_space<hbm>>, %arg6: memref<40x64xi32, #tpu.memory_space<vmem>>, %arg7: memref<40x64xi32, #tpu.memory_space<vmem>>, %arg8: memref<64x128xf32, #tpu.memory_space<vmem>>, %arg9: memref<64x128xf32, #tpu.memory_space<vmem>>, %arg10: memref<64x128xf32, #tpu.memory_space<vmem>>, %arg11: memref<64x128xf32, #tpu.memory_space<vmem>>, %arg12: memref<10240x128xf32, #tpu.memory_space<vmem_shared>>, %arg13: memref<!tpu.dma_semaphore, #tpu.memory_space<semaphore_mem>>, %arg14: memref<!tpu.dma_semaphore, #tpu.memory_space<semaphore_mem>>, %arg15: memref<!tpu.dma_semaphore, #tpu.memory_space<semaphore_mem>>, %arg16: memref<!tpu.dma_semaphore, #tpu.memory_space<semaphore_mem>>, %arg17: memref<!tpu.dma_semaphore, #tpu.memory_space<semaphore_mem>>, %arg18: memref<!tpu.dma_semaphore, #tpu.memory_space<semaphore_mem>>, %arg19: memref<!tpu.dma_semaphore, #tpu.memory_space<semaphore_mem>>, %arg20: memref<!tpu.dma_semaphore, #tpu.memory_space<semaphore_mem>>) attributes {dimension_semantics = [#tpu.dimension_semantics<core_parallel>, #tpu.dimension_semantics<subcore_parallel>], iteration_bounds = array<i64: 2, 16>, scalar_prefetch = 0 : i64, scratch_operands = 15 : i64, tpu.core_type = #tpu.core_type<sc_vector_subcore>, window_params = [{transform_indices = #map}, {transform_indices = #map}, {transform_indices = #map}, {transform_indices = #map1}]} {
    %mul3A = arith.constant 16 : i32
    %mul3A_0 = arith.muli %arg0, %mul3A : i32
    %add3A = arith.addi %mul3A_0, %arg1 : i32
    %broadcast_in_dim3A = arith.constant 0.000000e+00 : f32
    %broadcast_in_dim3A_1 = vector.broadcast %broadcast_in_dim3A : f32 to vector<16xf32>
    %scan3A = arith.constant 0 : i32
    %scan3A_2 = arith.constant 0 : i32
    %scan3A_3 = arith.constant 512 : i32
    %scan3A_4 = arith.addi %scan3A_2, %scan3A_3 : i32
    %scan3A_5 = arith.constant 1 : i32
    %scan3A_6 = scf.for %scan3A_174 = %scan3A_2 to %scan3A_4 step %scan3A_5 iter_args(%scan3A_175 = %scan3A) -> (i32)  : i32 {
      %jit3A = arith.constant 8 : i32
      %div3A = arith.divsi %scan3A_174, %jit3A : i32
      %sign3A = arith.constant 0 : i32
      %sign3A_176 = arith.cmpi sgt, %scan3A_174, %sign3A : i32
      %sign3A_177 = arith.extui %sign3A_176 : i1 to i32
      %sign3A_178 = arith.constant 0 : i32
      %sign3A_179 = arith.cmpi slt, %scan3A_174, %sign3A_178 : i32
      %sign3A_180 = arith.extui %sign3A_179 : i1 to i32
      %sign3A_181 = arith.subi %sign3A_177, %sign3A_180 : i32
      %sign3A_182 = arith.constant 0 : i32
      %sign3A_183 = arith.cmpi sgt, %jit3A, %sign3A_182 : i32
      %sign3A_184 = arith.extui %sign3A_183 : i1 to i32
      %sign3A_185 = arith.constant 0 : i32
      %sign3A_186 = arith.cmpi slt, %jit3A, %sign3A_185 : i32
      %sign3A_187 = arith.extui %sign3A_186 : i1 to i32
      %sign3A_188 = arith.subi %sign3A_184, %sign3A_187 : i32
      %ne3A = arith.cmpi ne, %sign3A_181, %sign3A_188 : i32
      %rem3A = arith.remsi %scan3A_174, %jit3A : i32
      %ne3A_189 = arith.constant 0 : i32
      %ne3A_190 = arith.cmpi ne, %rem3A, %ne3A_189 : i32
      %and3A = arith.andi %ne3A, %ne3A_190 : i1
      %sub3A = arith.constant 1 : i32
      %sub3A_191 = arith.subi %div3A, %sub3A : i32
      %select_n3A = arith.select %and3A, %sub3A_191, %div3A : i32
      %mul3A_192 = arith.constant 8 : i32
      %mul3A_193 = arith.muli %select_n3A, %mul3A_192 : i32
      %sub3A_194 = arith.subi %scan3A_174, %mul3A_193 : i32
      %mul3A_195 = arith.constant 16 : i32
      %mul3A_196 = arith.muli %sub3A_194, %mul3A_195 : i32
      %swap3A = arith.index_cast %select_n3A : i32 to index
      %swap3A_197 = arith.index_cast %mul3A_196 : i32 to index
      %swap3A_198 = tpu.vector_load %arg8[%swap3A, %swap3A_197] {strides = array<i32>} : memref<64x128xf32, #tpu.memory_space<vmem>>, vector<16xf32>,
      tpu.vector_store %arg8[%swap3A, %swap3A_197], %broadcast_in_dim3A_1 {strides = array<i32>} : memref<64x128xf32, #tpu.memory_space<vmem>>, vector<16xf32>,
      %scan3A_199 = arith.constant 0 : i32
      scf.yield %scan3A_199 : i32
    }
    %scan3A_7 = arith.constant 512 : i32
    %scan3A_8 = arith.constant 0 : i32
    %scan3A_9 = arith.constant 0 : i32
    %scan3A_10 = arith.constant 10 : i32
    %scan3A_11 = arith.addi %scan3A_9, %scan3A_10 : i32
    %scan3A_12 = arith.constant 1 : i32
    %scan3A_13 = scf.for %scan3A_174 = %scan3A_9 to %scan3A_11 step %scan3A_12 iter_args(%scan3A_175 = %scan3A_8) -> (i32)  : i32 {
      %mul3A_176 = arith.constant 640 : i32
      %mul3A_177 = arith.muli %arg1, %mul3A_176 : i32
      %mul3A_178 = arith.constant 64 : i32
      %mul3A_179 = arith.muli %scan3A_174, %mul3A_178 : i32
      %add3A_180 = arith.addi %mul3A_177, %mul3A_179 : i32
      "tpu.region"() ({
        %run_scoped3A = tpu.sem_alloc : memref<!tpu.dma_semaphore, #tpu.memory_space<semaphore_mem>>
        %dma_start3A_182 = arith.constant 0 : i32
        %dma_start3A_183 = tpu.memref_slice %arg12[%add3A_180, %dma_start3A_182] : memref<10240x128xf32, #tpu.memory_space<vmem_shared>> -> memref<64x128xf32, #tpu.memory_space<vmem_shared>>
        %dma_start3A_184 = arith.constant 0 : i32
        %dma_start3A_185 = tpu.memref_slice %arg12[%add3A_180, %dma_start3A_184] : memref<10240x128xf32, #tpu.memory_space<vmem_shared>> -> memref<64x128xf32, #tpu.memory_space<vmem_shared>>
        tpu.enqueue_dma source(%arg8 : memref<64x128xf32, #tpu.memory_space<vmem>>) target(%dma_start3A_185 : memref<64x128xf32, #tpu.memory_space<vmem_shared>>) target_semaphore(%run_scoped3A : memref<!tpu.dma_semaphore, #tpu.memory_space<semaphore_mem>>)
        %dma_wait3A_186 = arith.constant 0 : i32
        %dma_wait3A_187 = tpu.memref_slice %arg12[%add3A_180, %dma_wait3A_186] : memref<10240x128xf32, #tpu.memory_space<vmem_shared>> -> memref<64x128xf32, #tpu.memory_space<vmem_shared>>
        %dma_wait3A_188 = arith.constant 0 : i32
        %dma_wait3A_189 = tpu.memref_slice %arg12[%add3A_180, %dma_wait3A_188] : memref<10240x128xf32, #tpu.memory_space<vmem_shared>> -> memref<64x128xf32, #tpu.memory_space<vmem_shared>>
        tpu.wait_dma2 semaphore(%run_scoped3A : memref<!tpu.dma_semaphore, #tpu.memory_space<semaphore_mem>>) src(%arg8 : memref<64x128xf32, #tpu.memory_space<vmem>>) dst(%dma_wait3A_189 : memref<64x128xf32, #tpu.memory_space<vmem_shared>>)
        tpu.yield
      }) : () -> ()
      %scan3A_181 = arith.constant 0 : i32
      scf.yield %scan3A_181 : i32
    }
    %scan3A_14 = arith.constant 10 : i32
    %barrier3A = arith.constant 0 : index
    tpu.barrier barrier_id(%barrier3A)
    %mul3A_15 = arith.constant 160 : i32
    %mul3A_16 = arith.muli %add3A, %mul3A_15 : i32
    %add3A_17 = arith.constant 0 : i32
    %add3A_18 = arith.addi %mul3A_16, %add3A_17 : i32
    "tpu.region"() ({
      %run_scoped3A = tpu.sem_alloc : memref<!tpu.dma_semaphore, #tpu.memory_space<semaphore_mem>>
      %dma_start3A_174 = arith.constant 0 : i32
      %dma_start3A_175 = tpu.memref_slice %arg3[%add3A_18, %dma_start3A_174] : memref<5120x64xi32, #tpu.memory_space<hbm>> -> memref<40x64xi32, #tpu.memory_space<hbm>>
      %dma_start3A_176 = arith.constant 0 : i32
      %dma_start3A_177 = tpu.memref_slice %arg3[%add3A_18, %dma_start3A_176] : memref<5120x64xi32, #tpu.memory_space<hbm>> -> memref<40x64xi32, #tpu.memory_space<hbm>>
      tpu.enqueue_dma source(%dma_start3A_177 : memref<40x64xi32, #tpu.memory_space<hbm>>) target(%arg6 : memref<40x64xi32, #tpu.memory_space<vmem>>) target_semaphore(%run_scoped3A : memref<!tpu.dma_semaphore, #tpu.memory_space<semaphore_mem>>)
      %dma_wait3A_178 = arith.constant 0 : i32
      %dma_wait3A_179 = tpu.memref_slice %arg3[%add3A_18, %dma_wait3A_178] : memref<5120x64xi32, #tpu.memory_space<hbm>> -> memref<40x64xi32, #tpu.memory_space<hbm>>
      %dma_wait3A_180 = arith.constant 0 : i32
      %dma_wait3A_181 = tpu.memref_slice %arg3[%add3A_18, %dma_wait3A_180] : memref<5120x64xi32, #tpu.memory_space<hbm>> -> memref<40x64xi32, #tpu.memory_space<hbm>>
      tpu.wait_dma2 semaphore(%run_scoped3A : memref<!tpu.dma_semaphore, #tpu.memory_space<semaphore_mem>>) src(%dma_wait3A_181 : memref<40x64xi32, #tpu.memory_space<hbm>>) dst(%arg6 : memref<40x64xi32, #tpu.memory_space<vmem>>)
      tpu.yield
    }) : () -> ()
    "tpu.region"() ({
      %run_scoped3A = tpu.sem_alloc : memref<!tpu.dma_semaphore, #tpu.memory_space<semaphore_mem>>
      %dma_start3A_174 = arith.constant 0 : i32
      %dma_start3A_175 = tpu.memref_slice %arg4[%add3A_18, %dma_start3A_174] : memref<5120x64xi32, #tpu.memory_space<hbm>> -> memref<40x64xi32, #tpu.memory_space<hbm>>
      %dma_start3A_176 = arith.constant 0 : i32
      %dma_start3A_177 = tpu.memref_slice %arg4[%add3A_18, %dma_start3A_176] : memref<5120x64xi32, #tpu.memory_space<hbm>> -> memref<40x64xi32, #tpu.memory_space<hbm>>
      tpu.enqueue_dma source(%dma_start3A_177 : memref<40x64xi32, #tpu.memory_space<hbm>>) target(%arg7 : memref<40x64xi32, #tpu.memory_space<vmem>>) target_semaphore(%run_scoped3A : memref<!tpu.dma_semaphore, #tpu.memory_space<semaphore_mem>>)
      %dma_wait3A_178 = arith.constant 0 : i32
      %dma_wait3A_179 = tpu.memref_slice %arg4[%add3A_18, %dma_wait3A_178] : memref<5120x64xi32, #tpu.memory_space<hbm>> -> memref<40x64xi32, #tpu.memory_space<hbm>>
      %dma_wait3A_180 = arith.constant 0 : i32
      %dma_wait3A_181 = tpu.memref_slice %arg4[%add3A_18, %dma_wait3A_180] : memref<5120x64xi32, #tpu.memory_space<hbm>> -> memref<40x64xi32, #tpu.memory_space<hbm>>
      tpu.wait_dma2 semaphore(%run_scoped3A : memref<!tpu.dma_semaphore, #tpu.memory_space<semaphore_mem>>) src(%dma_wait3A_181 : memref<40x64xi32, #tpu.memory_space<hbm>>) dst(%arg7 : memref<40x64xi32, #tpu.memory_space<vmem>>)
      tpu.yield
    }) : () -> ()
    %dma_start3A = arith.constant 0 : i32
    %dma_start3A_19 = arith.constant 0 : i32
    %dma_start3A_20 = tpu.memref_slice %arg6[%dma_start3A, %dma_start3A_19] : memref<40x64xi32, #tpu.memory_space<vmem>> -> memref<1x64xi32, #tpu.memory_space<vmem>>
    %dma_start3A_21 = tpu.memref_squeeze %dma_start3A_20 : memref<1x64xi32, #tpu.memory_space<vmem>> -> memref<64xi32, #tpu.memory_space<vmem>>
    %dma_start3A_22 = arith.constant 0 : i32
    %dma_start3A_23 = arith.constant 0 : i32
    %dma_start3A_24 = tpu.memref_slice %arg2[%dma_start3A_22, %dma_start3A_23] : memref<10240x128xf32, #tpu.memory_space<hbm>> -> memref<10240x128xf32, #tpu.memory_space<hbm>>
    tpu.enqueue_indirect_dma source(%dma_start3A_24 : memref<10240x128xf32, #tpu.memory_space<hbm>>) target(%arg8 : memref<64x128xf32, #tpu.memory_space<vmem>>) offsets(%dma_start3A_21 : memref<64xi32, #tpu.memory_space<vmem>>) semaphore(%arg13 : memref<!tpu.dma_semaphore, #tpu.memory_space<semaphore_mem>>)
    %dma_start3A_25 = arith.constant 1 : i32
    %dma_start3A_26 = arith.constant 0 : i32
    %dma_start3A_27 = tpu.memref_slice %arg6[%dma_start3A_25, %dma_start3A_26] : memref<40x64xi32, #tpu.memory_space<vmem>> -> memref<1x64xi32, #tpu.memory_space<vmem>>
    %dma_start3A_28 = tpu.memref_squeeze %dma_start3A_27 : memref<1x64xi32, #tpu.memory_space<vmem>> -> memref<64xi32, #tpu.memory_space<vmem>>
    %dma_start3A_29 = arith.constant 0 : i32
    %dma_start3A_30 = arith.constant 0 : i32
    %dma_start3A_31 = tpu.memref_slice %arg2[%dma_start3A_29, %dma_start3A_30] : memref<10240x128xf32, #tpu.memory_space<hbm>> -> memref<10240x128xf32, #tpu.memory_space<hbm>>
    tpu.enqueue_indirect_dma source(%dma_start3A_31 : memref<10240x128xf32, #tpu.memory_space<hbm>>) target(%arg9 : memref<64x128xf32, #tpu.memory_space<vmem>>) offsets(%dma_start3A_28 : memref<64xi32, #tpu.memory_space<vmem>>) semaphore(%arg14 : memref<!tpu.dma_semaphore, #tpu.memory_space<semaphore_mem>>)
    %scan3A_32 = arith.constant 0 : i32
    %scan3A_33 = arith.constant 0 : i32
    %scan3A_34 = arith.constant 10 : i32
    %scan3A_35 = arith.addi %scan3A_33, %scan3A_34 : i32
    %scan3A_36 = arith.constant 1 : i32
    %scan3A_37 = scf.for %scan3A_174 = %scan3A_33 to %scan3A_35 step %scan3A_36 iter_args(%scan3A_175 = %scan3A_32) -> (i32)  : i32 {
      %mul3A_176 = arith.constant 4 : i32
      %mul3A_177 = arith.muli %mul3A_176, %scan3A_174 : i32
      %dma_wait3A_178 = arith.constant 0 : i32
      %dma_wait3A_179 = arith.constant 0 : i32
      %dma_wait3A_180 = tpu.memref_slice %arg6[%dma_wait3A_178, %dma_wait3A_179] : memref<40x64xi32, #tpu.memory_space<vmem>> -> memref<1x64xi32, #tpu.memory_space<vmem>>
      %dma_wait3A_181 = tpu.memref_squeeze %dma_wait3A_180 : memref<1x64xi32, #tpu.memory_space<vmem>> -> memref<64xi32, #tpu.memory_space<vmem>>
      %dma_wait3A_182 = arith.constant 0 : i32
      %dma_wait3A_183 = arith.constant 0 : i32
      %dma_wait3A_184 = tpu.memref_slice %arg2[%dma_wait3A_182, %dma_wait3A_183] : memref<10240x128xf32, #tpu.memory_space<hbm>> -> memref<10240x128xf32, #tpu.memory_space<hbm>>
      tpu.wait_indirect_dma semaphore(%arg13 : memref<!tpu.dma_semaphore, #tpu.memory_space<semaphore_mem>>) src(%dma_wait3A_184 : memref<10240x128xf32, #tpu.memory_space<hbm>>) dst(%arg8 : memref<64x128xf32, #tpu.memory_space<vmem>>)
      %dma_start3A_185 = arith.constant 0 : i32
      %dma_start3A_186 = tpu.memref_slice %arg7[%mul3A_177, %dma_start3A_185] : memref<40x64xi32, #tpu.memory_space<vmem>> -> memref<1x64xi32, #tpu.memory_space<vmem>>
      %dma_start3A_187 = tpu.memref_squeeze %dma_start3A_186 : memref<1x64xi32, #tpu.memory_space<vmem>> -> memref<64xi32, #tpu.memory_space<vmem>>
      %dma_start3A_188 = arith.constant 0 : i32
      %dma_start3A_189 = arith.constant 0 : i32
      %dma_start3A_190 = tpu.memref_slice %arg12[%dma_start3A_188, %dma_start3A_189] : memref<10240x128xf32, #tpu.memory_space<vmem_shared>> -> memref<10240x128xf32, #tpu.memory_space<vmem_shared>>
      tpu.enqueue_indirect_dma source(%arg8 : memref<64x128xf32, #tpu.memory_space<vmem>>) target(%dma_start3A_190 : memref<10240x128xf32, #tpu.memory_space<vmem_shared>>) offsets(%dma_start3A_187 : memref<64xi32, #tpu.memory_space<vmem>>) semaphore(%arg17 : memref<!tpu.dma_semaphore, #tpu.memory_space<semaphore_mem>>) {add = true}
      %gt3A = arith.constant 0 : i32
      %gt3A_191 = arith.cmpi sgt, %scan3A_174, %gt3A : i32
      %convert_element_type3A = arith.extui %gt3A_191 : i1 to i32
      %cond3A = arith.constant 0 : i32
      %cond3A_192 = arith.cmpi ne, %convert_element_type3A, %cond3A : i32
      scf.if %cond3A_192 {
        %dma_wait3A_283 = arith.constant 0 : i32
        %dma_wait3A_284 = arith.constant 0 : i32
        %dma_wait3A_285 = tpu.memref_slice %arg7[%dma_wait3A_283, %dma_wait3A_284] : memref<40x64xi32, #tpu.memory_space<vmem>> -> memref<1x64xi32, #tpu.memory_space<vmem>>
        %dma_wait3A_286 = tpu.memref_squeeze %dma_wait3A_285 : memref<1x64xi32, #tpu.memory_space<vmem>> -> memref<64xi32, #tpu.memory_space<vmem>>
        %dma_wait3A_287 = arith.constant 0 : i32
        %dma_wait3A_288 = arith.constant 0 : i32
        %dma_wait3A_289 = tpu.memref_slice %arg12[%dma_wait3A_287, %dma_wait3A_288] : memref<10240x128xf32, #tpu.memory_space<vmem_shared>> -> memref<10240x128xf32, #tpu.memory_space<vmem_shared>>
        tpu.wait_indirect_dma semaphore(%arg19 : memref<!tpu.dma_semaphore, #tpu.memory_space<semaphore_mem>>) src(%arg10 : memref<64x128xf32, #tpu.memory_space<vmem>>) dst(%dma_wait3A_289 : memref<10240x128xf32, #tpu.memory_space<vmem_shared>>)
      } else {
      }
      %add3A_193 = arith.constant 2 : i32
      %add3A_194 = arith.addi %mul3A_177, %add3A_193 : i32
      %dma_start3A_195 = arith.constant 0 : i32
      %dma_start3A_196 = tpu.memref_slice %arg6[%add3A_194, %dma_start3A_195] : memref<40x64xi32, #tpu.memory_space<vmem>> -> memref<1x64xi32, #tpu.memory_space<vmem>>
      %dma_start3A_197 = tpu.memref_squeeze %dma_start3A_196 : memref<1x64xi32, #tpu.memory_space<vmem>> -> memref<64xi32, #tpu.memory_space<vmem>>
      %dma_start3A_198 = arith.constant 0 : i32
      %dma_start3A_199 = arith.constant 0 : i32
      %dma_start3A_200 = tpu.memref_slice %arg2[%dma_start3A_198, %dma_start3A_199] : memref<10240x128xf32, #tpu.memory_space<hbm>> -> memref<10240x128xf32, #tpu.memory_space<hbm>>
      tpu.enqueue_indirect_dma source(%dma_start3A_200 : memref<10240x128xf32, #tpu.memory_space<hbm>>) target(%arg10 : memref<64x128xf32, #tpu.memory_space<vmem>>) offsets(%dma_start3A_197 : memref<64xi32, #tpu.memory_space<vmem>>) semaphore(%arg15 : memref<!tpu.dma_semaphore, #tpu.memory_space<semaphore_mem>>)
      %dma_wait3A_201 = arith.constant 0 : i32
      %dma_wait3A_202 = arith.constant 0 : i32
      %dma_wait3A_203 = tpu.memref_slice %arg6[%dma_wait3A_201, %dma_wait3A_202] : memref<40x64xi32, #tpu.memory_space<vmem>> -> memref<1x64xi32, #tpu.memory_space<vmem>>
      %dma_wait3A_204 = tpu.memref_squeeze %dma_wait3A_203 : memref<1x64xi32, #tpu.memory_space<vmem>> -> memref<64xi32, #tpu.memory_space<vmem>>
      %dma_wait3A_205 = arith.constant 0 : i32
      %dma_wait3A_206 = arith.constant 0 : i32
      %dma_wait3A_207 = tpu.memref_slice %arg2[%dma_wait3A_205, %dma_wait3A_206] : memref<10240x128xf32, #tpu.memory_space<hbm>> -> memref<10240x128xf32, #tpu.memory_space<hbm>>
      tpu.wait_indirect_dma semaphore(%arg14 : memref<!tpu.dma_semaphore, #tpu.memory_space<semaphore_mem>>) src(%dma_wait3A_207 : memref<10240x128xf32, #tpu.memory_space<hbm>>) dst(%arg9 : memref<64x128xf32, #tpu.memory_space<vmem>>)
      %add3A_208 = arith.constant 1 : i32
      %add3A_209 = arith.addi %mul3A_177, %add3A_208 : i32
      %dma_start3A_210 = arith.constant 0 : i32
      %dma_start3A_211 = tpu.memref_slice %arg7[%add3A_209, %dma_start3A_210] : memref<40x64xi32, #tpu.memory_space<vmem>> -> memref<1x64xi32, #tpu.memory_space<vmem>>
      %dma_start3A_212 = tpu.memref_squeeze %dma_start3A_211 : memref<1x64xi32, #tpu.memory_space<vmem>> -> memref<64xi32, #tpu.memory_space<vmem>>
      %dma_start3A_213 = arith.constant 0 : i32
      %dma_start3A_214 = arith.constant 0 : i32
      %dma_start3A_215 = tpu.memref_slice %arg12[%dma_start3A_213, %dma_start3A_214] : memref<10240x128xf32, #tpu.memory_space<vmem_shared>> -> memref<10240x128xf32, #tpu.memory_space<vmem_shared>>
      tpu.enqueue_indirect_dma source(%arg9 : memref<64x128xf32, #tpu.memory_space<vmem>>) target(%dma_start3A_215 : memref<10240x128xf32, #tpu.memory_space<vmem_shared>>) offsets(%dma_start3A_212 : memref<64xi32, #tpu.memory_space<vmem>>) semaphore(%arg18 : memref<!tpu.dma_semaphore, #tpu.memory_space<semaphore_mem>>) {add = true}
      %gt3A_216 = arith.constant 0 : i32
      %gt3A_217 = arith.cmpi sgt, %scan3A_174, %gt3A_216 : i32
      %convert_element_type3A_218 = arith.extui %gt3A_217 : i1 to i32
      %cond3A_219 = arith.constant 0 : i32
      %cond3A_220 = arith.cmpi ne, %convert_element_type3A_218, %cond3A_219 : i32
      scf.if %cond3A_220 {
        %dma_wait3A_283 = arith.constant 0 : i32
        %dma_wait3A_284 = arith.constant 0 : i32
        %dma_wait3A_285 = tpu.memref_slice %arg7[%dma_wait3A_283, %dma_wait3A_284] : memref<40x64xi32, #tpu.memory_space<vmem>> -> memref<1x64xi32, #tpu.memory_space<vmem>>
        %dma_wait3A_286 = tpu.memref_squeeze %dma_wait3A_285 : memref<1x64xi32, #tpu.memory_space<vmem>> -> memref<64xi32, #tpu.memory_space<vmem>>
        %dma_wait3A_287 = arith.constant 0 : i32
        %dma_wait3A_288 = arith.constant 0 : i32
        %dma_wait3A_289 = tpu.memref_slice %arg12[%dma_wait3A_287, %dma_wait3A_288] : memref<10240x128xf32, #tpu.memory_space<vmem_shared>> -> memref<10240x128xf32, #tpu.memory_space<vmem_shared>>
        tpu.wait_indirect_dma semaphore(%arg20 : memref<!tpu.dma_semaphore, #tpu.memory_space<semaphore_mem>>) src(%arg11 : memref<64x128xf32, #tpu.memory_space<vmem>>) dst(%dma_wait3A_289 : memref<10240x128xf32, #tpu.memory_space<vmem_shared>>)
      } else {
      }
      %add3A_221 = arith.constant 3 : i32
      %add3A_222 = arith.addi %mul3A_177, %add3A_221 : i32
      %dma_start3A_223 = arith.constant 0 : i32
      %dma_start3A_224 = tpu.memref_slice %arg6[%add3A_222, %dma_start3A_223] : memref<40x64xi32, #tpu.memory_space<vmem>> -> memref<1x64xi32, #tpu.memory_space<vmem>>
      %dma_start3A_225 = tpu.memref_squeeze %dma_start3A_224 : memref<1x64xi32, #tpu.memory_space<vmem>> -> memref<64xi32, #tpu.memory_space<vmem>>
      %dma_start3A_226 = arith.constant 0 : i32
      %dma_start3A_227 = arith.constant 0 : i32
      %dma_start3A_228 = tpu.memref_slice %arg2[%dma_start3A_226, %dma_start3A_227] : memref<10240x128xf32, #tpu.memory_space<hbm>> -> memref<10240x128xf32, #tpu.memory_space<hbm>>
      tpu.enqueue_indirect_dma source(%dma_start3A_228 : memref<10240x128xf32, #tpu.memory_space<hbm>>) target(%arg11 : memref<64x128xf32, #tpu.memory_space<vmem>>) offsets(%dma_start3A_225 : memref<64xi32, #tpu.memory_space<vmem>>) semaphore(%arg16 : memref<!tpu.dma_semaphore, #tpu.memory_space<semaphore_mem>>)
      %dma_wait3A_229 = arith.constant 0 : i32
      %dma_wait3A_230 = arith.constant 0 : i32
      %dma_wait3A_231 = tpu.memref_slice %arg6[%dma_wait3A_229, %dma_wait3A_230] : memref<40x64xi32, #tpu.memory_space<vmem>> -> memref<1x64xi32, #tpu.memory_space<vmem>>
      %dma_wait3A_232 = tpu.memref_squeeze %dma_wait3A_231 : memref<1x64xi32, #tpu.memory_space<vmem>> -> memref<64xi32, #tpu.memory_space<vmem>>
      %dma_wait3A_233 = arith.constant 0 : i32
      %dma_wait3A_234 = arith.constant 0 : i32
      %dma_wait3A_235 = tpu.memref_slice %arg2[%dma_wait3A_233, %dma_wait3A_234] : memref<10240x128xf32, #tpu.memory_space<hbm>> -> memref<10240x128xf32, #tpu.memory_space<hbm>>
      tpu.wait_indirect_dma semaphore(%arg15 : memref<!tpu.dma_semaphore, #tpu.memory_space<semaphore_mem>>) src(%dma_wait3A_235 : memref<10240x128xf32, #tpu.memory_space<hbm>>) dst(%arg10 : memref<64x128xf32, #tpu.memory_space<vmem>>)
      %add3A_236 = arith.constant 2 : i32
      %add3A_237 = arith.addi %mul3A_177, %add3A_236 : i32
      %dma_start3A_238 = arith.constant 0 : i32
      %dma_start3A_239 = tpu.memref_slice %arg7[%add3A_237, %dma_start3A_238] : memref<40x64xi32, #tpu.memory_space<vmem>> -> memref<1x64xi32, #tpu.memory_space<vmem>>
      %dma_start3A_240 = tpu.memref_squeeze %dma_start3A_239 : memref<1x64xi32, #tpu.memory_space<vmem>> -> memref<64xi32, #tpu.memory_space<vmem>>
      %dma_start3A_241 = arith.constant 0 : i32
      %dma_start3A_242 = arith.constant 0 : i32
      %dma_start3A_243 = tpu.memref_slice %arg12[%dma_start3A_241, %dma_start3A_242] : memref<10240x128xf32, #tpu.memory_space<vmem_shared>> -> memref<10240x128xf32, #tpu.memory_space<vmem_shared>>
      tpu.enqueue_indirect_dma source(%arg10 : memref<64x128xf32, #tpu.memory_space<vmem>>) target(%dma_start3A_243 : memref<10240x128xf32, #tpu.memory_space<vmem_shared>>) offsets(%dma_start3A_240 : memref<64xi32, #tpu.memory_space<vmem>>) semaphore(%arg19 : memref<!tpu.dma_semaphore, #tpu.memory_space<semaphore_mem>>) {add = true}
      %dma_wait3A_244 = arith.constant 0 : i32
      %dma_wait3A_245 = arith.constant 0 : i32
      %dma_wait3A_246 = tpu.memref_slice %arg7[%dma_wait3A_244, %dma_wait3A_245] : memref<40x64xi32, #tpu.memory_space<vmem>> -> memref<1x64xi32, #tpu.memory_space<vmem>>
      %dma_wait3A_247 = tpu.memref_squeeze %dma_wait3A_246 : memref<1x64xi32, #tpu.memory_space<vmem>> -> memref<64xi32, #tpu.memory_space<vmem>>
      %dma_wait3A_248 = arith.constant 0 : i32
      %dma_wait3A_249 = arith.constant 0 : i32
      %dma_wait3A_250 = tpu.memref_slice %arg12[%dma_wait3A_248, %dma_wait3A_249] : memref<10240x128xf32, #tpu.memory_space<vmem_shared>> -> memref<10240x128xf32, #tpu.memory_space<vmem_shared>>
      tpu.wait_indirect_dma semaphore(%arg17 : memref<!tpu.dma_semaphore, #tpu.memory_space<semaphore_mem>>) src(%arg8 : memref<64x128xf32, #tpu.memory_space<vmem>>) dst(%dma_wait3A_250 : memref<10240x128xf32, #tpu.memory_space<vmem_shared>>)
      %lt3A = arith.constant 9 : i32
      %lt3A_251 = arith.cmpi slt, %scan3A_174, %lt3A : i32
      %convert_element_type3A_252 = arith.extui %lt3A_251 : i1 to i32
      %cond3A_253 = arith.constant 0 : i32
      %cond3A_254 = arith.cmpi ne, %convert_element_type3A_252, %cond3A_253 : i32
      scf.if %cond3A_254 {
        %add3A_283 = arith.constant 4 : i32
        %add3A_284 = arith.addi %mul3A_177, %add3A_283 : i32
        %dma_start3A_285 = arith.constant 0 : i32
        %dma_start3A_286 = tpu.memref_slice %arg6[%add3A_284, %dma_start3A_285] : memref<40x64xi32, #tpu.memory_space<vmem>> -> memref<1x64xi32, #tpu.memory_space<vmem>>
        %dma_start3A_287 = tpu.memref_squeeze %dma_start3A_286 : memref<1x64xi32, #tpu.memory_space<vmem>> -> memref<64xi32, #tpu.memory_space<vmem>>
        %dma_start3A_288 = arith.constant 0 : i32
        %dma_start3A_289 = arith.constant 0 : i32
        %dma_start3A_290 = tpu.memref_slice %arg2[%dma_start3A_288, %dma_start3A_289] : memref<10240x128xf32, #tpu.memory_space<hbm>> -> memref<10240x128xf32, #tpu.memory_space<hbm>>
        tpu.enqueue_indirect_dma source(%dma_start3A_290 : memref<10240x128xf32, #tpu.memory_space<hbm>>) target(%arg8 : memref<64x128xf32, #tpu.memory_space<vmem>>) offsets(%dma_start3A_287 : memref<64xi32, #tpu.memory_space<vmem>>) semaphore(%arg13 : memref<!tpu.dma_semaphore, #tpu.memory_space<semaphore_mem>>)
      } else {
      }
      %dma_wait3A_255 = arith.constant 0 : i32
      %dma_wait3A_256 = arith.constant 0 : i32
      %dma_wait3A_257 = tpu.memref_slice %arg6[%dma_wait3A_255, %dma_wait3A_256] : memref<40x64xi32, #tpu.memory_space<vmem>> -> memref<1x64xi32, #tpu.memory_space<vmem>>
      %dma_wait3A_258 = tpu.memref_squeeze %dma_wait3A_257 : memref<1x64xi32, #tpu.memory_space<vmem>> -> memref<64xi32, #tpu.memory_space<vmem>>
      %dma_wait3A_259 = arith.constant 0 : i32
      %dma_wait3A_260 = arith.constant 0 : i32
      %dma_wait3A_261 = tpu.memref_slice %arg2[%dma_wait3A_259, %dma_wait3A_260] : memref<10240x128xf32, #tpu.memory_space<hbm>> -> memref<10240x128xf32, #tpu.memory_space<hbm>>
      tpu.wait_indirect_dma semaphore(%arg16 : memref<!tpu.dma_semaphore, #tpu.memory_space<semaphore_mem>>) src(%dma_wait3A_261 : memref<10240x128xf32, #tpu.memory_space<hbm>>) dst(%arg11 : memref<64x128xf32, #tpu.memory_space<vmem>>)
      %add3A_262 = arith.constant 3 : i32
      %add3A_263 = arith.addi %mul3A_177, %add3A_262 : i32
      %dma_start3A_264 = arith.constant 0 : i32
      %dma_start3A_265 = tpu.memref_slice %arg7[%add3A_263, %dma_start3A_264] : memref<40x64xi32, #tpu.memory_space<vmem>> -> memref<1x64xi32, #tpu.memory_space<vmem>>
      %dma_start3A_266 = tpu.memref_squeeze %dma_start3A_265 : memref<1x64xi32, #tpu.memory_space<vmem>> -> memref<64xi32, #tpu.memory_space<vmem>>
      %dma_start3A_267 = arith.constant 0 : i32
      %dma_start3A_268 = arith.constant 0 : i32
      %dma_start3A_269 = tpu.memref_slice %arg12[%dma_start3A_267, %dma_start3A_268] : memref<10240x128xf32, #tpu.memory_space<vmem_shared>> -> memref<10240x128xf32, #tpu.memory_space<vmem_shared>>
      tpu.enqueue_indirect_dma source(%arg11 : memref<64x128xf32, #tpu.memory_space<vmem>>) target(%dma_start3A_269 : memref<10240x128xf32, #tpu.memory_space<vmem_shared>>) offsets(%dma_start3A_266 : memref<64xi32, #tpu.memory_space<vmem>>) semaphore(%arg20 : memref<!tpu.dma_semaphore, #tpu.memory_space<semaphore_mem>>) {add = true}
      %dma_wait3A_270 = arith.constant 0 : i32
      %dma_wait3A_271 = arith.constant 0 : i32
      %dma_wait3A_272 = tpu.memref_slice %arg7[%dma_wait3A_270, %dma_wait3A_271] : memref<40x64xi32, #tpu.memory_space<vmem>> -> memref<1x64xi32, #tpu.memory_space<vmem>>
      %dma_wait3A_273 = tpu.memref_squeeze %dma_wait3A_272 : memref<1x64xi32, #tpu.memory_space<vmem>> -> memref<64xi32, #tpu.memory_space<vmem>>
      %dma_wait3A_274 = arith.constant 0 : i32
      %dma_wait3A_275 = arith.constant 0 : i32
      %dma_wait3A_276 = tpu.memref_slice %arg12[%dma_wait3A_274, %dma_wait3A_275] : memref<10240x128xf32, #tpu.memory_space<vmem_shared>> -> memref<10240x128xf32, #tpu.memory_space<vmem_shared>>
      tpu.wait_indirect_dma semaphore(%arg18 : memref<!tpu.dma_semaphore, #tpu.memory_space<semaphore_mem>>) src(%arg9 : memref<64x128xf32, #tpu.memory_space<vmem>>) dst(%dma_wait3A_276 : memref<10240x128xf32, #tpu.memory_space<vmem_shared>>)
      %lt3A_277 = arith.constant 9 : i32
      %lt3A_278 = arith.cmpi slt, %scan3A_174, %lt3A_277 : i32
      %convert_element_type3A_279 = arith.extui %lt3A_278 : i1 to i32
      %cond3A_280 = arith.constant 0 : i32
      %cond3A_281 = arith.cmpi ne, %convert_element_type3A_279, %cond3A_280 : i32
      scf.if %cond3A_281 {
        %add3A_283 = arith.constant 5 : i32
        %add3A_284 = arith.addi %mul3A_177, %add3A_283 : i32
        %dma_start3A_285 = arith.constant 0 : i32
        %dma_start3A_286 = tpu.memref_slice %arg6[%add3A_284, %dma_start3A_285] : memref<40x64xi32, #tpu.memory_space<vmem>> -> memref<1x64xi32, #tpu.memory_space<vmem>>
        %dma_start3A_287 = tpu.memref_squeeze %dma_start3A_286 : memref<1x64xi32, #tpu.memory_space<vmem>> -> memref<64xi32, #tpu.memory_space<vmem>>
        %dma_start3A_288 = arith.constant 0 : i32
        %dma_start3A_289 = arith.constant 0 : i32
        %dma_start3A_290 = tpu.memref_slice %arg2[%dma_start3A_288, %dma_start3A_289] : memref<10240x128xf32, #tpu.memory_space<hbm>> -> memref<10240x128xf32, #tpu.memory_space<hbm>>
        tpu.enqueue_indirect_dma source(%dma_start3A_290 : memref<10240x128xf32, #tpu.memory_space<hbm>>) target(%arg9 : memref<64x128xf32, #tpu.memory_space<vmem>>) offsets(%dma_start3A_287 : memref<64xi32, #tpu.memory_space<vmem>>) semaphore(%arg14 : memref<!tpu.dma_semaphore, #tpu.memory_space<semaphore_mem>>)
      } else {
      }
      %scan3A_282 = arith.constant 0 : i32
      scf.yield %scan3A_282 : i32
    }
    %scan3A_38 = arith.constant 10 : i32
    %dma_wait3A = arith.constant 0 : i32
    %dma_wait3A_39 = arith.constant 0 : i32
    %dma_wait3A_40 = tpu.memref_slice %arg7[%dma_wait3A, %dma_wait3A_39] : memref<40x64xi32, #tpu.memory_space<vmem>> -> memref<1x64xi32, #tpu.memory_space<vmem>>
    %dma_wait3A_41 = tpu.memref_squeeze %dma_wait3A_40 : memref<1x64xi32, #tpu.memory_space<vmem>> -> memref<64xi32, #tpu.memory_space<vmem>>
    %dma_wait3A_42 = arith.constant 0 : i32
    %dma_wait3A_43 = arith.constant 0 : i32
    %dma_wait3A_44 = tpu.memref_slice %arg12[%dma_wait3A_42, %dma_wait3A_43] : memref<10240x128xf32, #tpu.memory_space<vmem_shared>> -> memref<10240x128xf32, #tpu.memory_space<vmem_shared>>
    tpu.wait_indirect_dma semaphore(%arg19 : memref<!tpu.dma_semaphore, #tpu.memory_space<semaphore_mem>>) src(%arg10 : memref<64x128xf32, #tpu.memory_space<vmem>>) dst(%dma_wait3A_44 : memref<10240x128xf32, #tpu.memory_space<vmem_shared>>)
    %dma_wait3A_45 = arith.constant 0 : i32
    %dma_wait3A_46 = arith.constant 0 : i32
    %dma_wait3A_47 = tpu.memref_slice %arg7[%dma_wait3A_45, %dma_wait3A_46] : memref<40x64xi32, #tpu.memory_space<vmem>> -> memref<1x64xi32, #tpu.memory_space<vmem>>
    %dma_wait3A_48 = tpu.memref_squeeze %dma_wait3A_47 : memref<1x64xi32, #tpu.memory_space<vmem>> -> memref<64xi32, #tpu.memory_space<vmem>>
    %dma_wait3A_49 = arith.constant 0 : i32
    %dma_wait3A_50 = arith.constant 0 : i32
    %dma_wait3A_51 = tpu.memref_slice %arg12[%dma_wait3A_49, %dma_wait3A_50] : memref<10240x128xf32, #tpu.memory_space<vmem_shared>> -> memref<10240x128xf32, #tpu.memory_space<vmem_shared>>
    tpu.wait_indirect_dma semaphore(%arg20 : memref<!tpu.dma_semaphore, #tpu.memory_space<semaphore_mem>>) src(%arg11 : memref<64x128xf32, #tpu.memory_space<vmem>>) dst(%dma_wait3A_51 : memref<10240x128xf32, #tpu.memory_space<vmem_shared>>)
    %mul3A_52 = arith.constant 160 : i32
    %mul3A_53 = arith.muli %add3A, %mul3A_52 : i32
    %add3A_54 = arith.constant 40 : i32
    %add3A_55 = arith.addi %mul3A_53, %add3A_54 : i32
    "tpu.region"() ({
      %run_scoped3A = tpu.sem_alloc : memref<!tpu.dma_semaphore, #tpu.memory_space<semaphore_mem>>
      %dma_start3A_174 = arith.constant 0 : i32
      %dma_start3A_175 = tpu.memref_slice %arg3[%add3A_55, %dma_start3A_174] : memref<5120x64xi32, #tpu.memory_space<hbm>> -> memref<40x64xi32, #tpu.memory_space<hbm>>
      %dma_start3A_176 = arith.constant 0 : i32
      %dma_start3A_177 = tpu.memref_slice %arg3[%add3A_55, %dma_start3A_176] : memref<5120x64xi32, #tpu.memory_space<hbm>> -> memref<40x64xi32, #tpu.memory_space<hbm>>
      tpu.enqueue_dma source(%dma_start3A_177 : memref<40x64xi32, #tpu.memory_space<hbm>>) target(%arg6 : memref<40x64xi32, #tpu.memory_space<vmem>>) target_semaphore(%run_scoped3A : memref<!tpu.dma_semaphore, #tpu.memory_space<semaphore_mem>>)
      %dma_wait3A_178 = arith.constant 0 : i32
      %dma_wait3A_179 = tpu.memref_slice %arg3[%add3A_55, %dma_wait3A_178] : memref<5120x64xi32, #tpu.memory_space<hbm>> -> memref<40x64xi32, #tpu.memory_space<hbm>>
      %dma_wait3A_180 = arith.constant 0 : i32
      %dma_wait3A_181 = tpu.memref_slice %arg3[%add3A_55, %dma_wait3A_180] : memref<5120x64xi32, #tpu.memory_space<hbm>> -> memref<40x64xi32, #tpu.memory_space<hbm>>
      tpu.wait_dma2 semaphore(%run_scoped3A : memref<!tpu.dma_semaphore, #tpu.memory_space<semaphore_mem>>) src(%dma_wait3A_181 : memref<40x64xi32, #tpu.memory_space<hbm>>) dst(%arg6 : memref<40x64xi32, #tpu.memory_space<vmem>>)
      tpu.yield
    }) : () -> ()
    "tpu.region"() ({
      %run_scoped3A = tpu.sem_alloc : memref<!tpu.dma_semaphore, #tpu.memory_space<semaphore_mem>>
      %dma_start3A_174 = arith.constant 0 : i32
      %dma_start3A_175 = tpu.memref_slice %arg4[%add3A_55, %dma_start3A_174] : memref<5120x64xi32, #tpu.memory_space<hbm>> -> memref<40x64xi32, #tpu.memory_space<hbm>>
      %dma_start3A_176 = arith.constant 0 : i32
      %dma_start3A_177 = tpu.memref_slice %arg4[%add3A_55, %dma_start3A_176] : memref<5120x64xi32, #tpu.memory_space<hbm>> -> memref<40x64xi32, #tpu.memory_space<hbm>>
      tpu.enqueue_dma source(%dma_start3A_177 : memref<40x64xi32, #tpu.memory_space<hbm>>) target(%arg7 : memref<40x64xi32, #tpu.memory_space<vmem>>) target_semaphore(%run_scoped3A : memref<!tpu.dma_semaphore, #tpu.memory_space<semaphore_mem>>)
      %dma_wait3A_178 = arith.constant 0 : i32
      %dma_wait3A_179 = tpu.memref_slice %arg4[%add3A_55, %dma_wait3A_178] : memref<5120x64xi32, #tpu.memory_space<hbm>> -> memref<40x64xi32, #tpu.memory_space<hbm>>
      %dma_wait3A_180 = arith.constant 0 : i32
      %dma_wait3A_181 = tpu.memref_slice %arg4[%add3A_55, %dma_wait3A_180] : memref<5120x64xi32, #tpu.memory_space<hbm>> -> memref<40x64xi32, #tpu.memory_space<hbm>>
      tpu.wait_dma2 semaphore(%run_scoped3A : memref<!tpu.dma_semaphore, #tpu.memory_space<semaphore_mem>>) src(%dma_wait3A_181 : memref<40x64xi32, #tpu.memory_space<hbm>>) dst(%arg7 : memref<40x64xi32, #tpu.memory_space<vmem>>)
      tpu.yield
    }) : () -> ()
    %dma_start3A_56 = arith.constant 0 : i32
    %dma_start3A_57 = arith.constant 0 : i32
    %dma_start3A_58 = tpu.memref_slice %arg6[%dma_start3A_56, %dma_start3A_57] : memref<40x64xi32, #tpu.memory_space<vmem>> -> memref<1x64xi32, #tpu.memory_space<vmem>>
    %dma_start3A_59 = tpu.memref_squeeze %dma_start3A_58 : memref<1x64xi32, #tpu.memory_space<vmem>> -> memref<64xi32, #tpu.memory_space<vmem>>
    %dma_start3A_60 = arith.constant 0 : i32
    %dma_start3A_61 = arith.constant 0 : i32
    %dma_start3A_62 = tpu.memref_slice %arg2[%dma_start3A_60, %dma_start3A_61] : memref<10240x128xf32, #tpu.memory_space<hbm>> -> memref<10240x128xf32, #tpu.memory_space<hbm>>
    tpu.enqueue_indirect_dma source(%dma_start3A_62 : memref<10240x128xf32, #tpu.memory_space<hbm>>) target(%arg8 : memref<64x128xf32, #tpu.memory_space<vmem>>) offsets(%dma_start3A_59 : memref<64xi32, #tpu.memory_space<vmem>>) semaphore(%arg13 : memref<!tpu.dma_semaphore, #tpu.memory_space<semaphore_mem>>)
    %dma_start3A_63 = arith.constant 1 : i32
    %dma_start3A_64 = arith.constant 0 : i32
    %dma_start3A_65 = tpu.memref_slice %arg6[%dma_start3A_63, %dma_start3A_64] : memref<40x64xi32, #tpu.memory_space<vmem>> -> memref<1x64xi32, #tpu.memory_space<vmem>>
    %dma_start3A_66 = tpu.memref_squeeze %dma_start3A_65 : memref<1x64xi32, #tpu.memory_space<vmem>> -> memref<64xi32, #tpu.memory_space<vmem>>
    %dma_start3A_67 = arith.constant 0 : i32
    %dma_start3A_68 = arith.constant 0 : i32
    %dma_start3A_69 = tpu.memref_slice %arg2[%dma_start3A_67, %dma_start3A_68] : memref<10240x128xf32, #tpu.memory_space<hbm>> -> memref<10240x128xf32, #tpu.memory_space<hbm>>
    tpu.enqueue_indirect_dma source(%dma_start3A_69 : memref<10240x128xf32, #tpu.memory_space<hbm>>) target(%arg9 : memref<64x128xf32, #tpu.memory_space<vmem>>) offsets(%dma_start3A_66 : memref<64xi32, #tpu.memory_space<vmem>>) semaphore(%arg14 : memref<!tpu.dma_semaphore, #tpu.memory_space<semaphore_mem>>)
    %scan3A_70 = arith.constant 0 : i32
    %scan3A_71 = arith.constant 0 : i32
    %scan3A_72 = arith.constant 10 : i32
    %scan3A_73 = arith.addi %scan3A_71, %scan3A_72 : i32
    %scan3A_74 = arith.constant 1 : i32
    %scan3A_75 = scf.for %scan3A_174 = %scan3A_71 to %scan3A_73 step %scan3A_74 iter_args(%scan3A_175 = %scan3A_70) -> (i32)  : i32 {
      %mul3A_176 = arith.constant 4 : i32
      %mul3A_177 = arith.muli %mul3A_176, %scan3A_174 : i32
      %dma_wait3A_178 = arith.constant 0 : i32
      %dma_wait3A_179 = arith.constant 0 : i32
      %dma_wait3A_180 = tpu.memref_slice %arg6[%dma_wait3A_178, %dma_wait3A_179] : memref<40x64xi32, #tpu.memory_space<vmem>> -> memref<1x64xi32, #tpu.memory_space<vmem>>
      %dma_wait3A_181 = tpu.memref_squeeze %dma_wait3A_180 : memref<1x64xi32, #tpu.memory_space<vmem>> -> memref<64xi32, #tpu.memory_space<vmem>>
      %dma_wait3A_182 = arith.constant 0 : i32
      %dma_wait3A_183 = arith.constant 0 : i32
      %dma_wait3A_184 = tpu.memref_slice %arg2[%dma_wait3A_182, %dma_wait3A_183] : memref<10240x128xf32, #tpu.memory_space<hbm>> -> memref<10240x128xf32, #tpu.memory_space<hbm>>
      tpu.wait_indirect_dma semaphore(%arg13 : memref<!tpu.dma_semaphore, #tpu.memory_space<semaphore_mem>>) src(%dma_wait3A_184 : memref<10240x128xf32, #tpu.memory_space<hbm>>) dst(%arg8 : memref<64x128xf32, #tpu.memory_space<vmem>>)
      %dma_start3A_185 = arith.constant 0 : i32
      %dma_start3A_186 = tpu.memref_slice %arg7[%mul3A_177, %dma_start3A_185] : memref<40x64xi32, #tpu.memory_space<vmem>> -> memref<1x64xi32, #tpu.memory_space<vmem>>
      %dma_start3A_187 = tpu.memref_squeeze %dma_start3A_186 : memref<1x64xi32, #tpu.memory_space<vmem>> -> memref<64xi32, #tpu.memory_space<vmem>>
      %dma_start3A_188 = arith.constant 0 : i32
      %dma_start3A_189 = arith.constant 0 : i32
      %dma_start3A_190 = tpu.memref_slice %arg12[%dma_start3A_188, %dma_start3A_189] : memref<10240x128xf32, #tpu.memory_space<vmem_shared>> -> memref<10240x128xf32, #tpu.memory_space<vmem_shared>>
      tpu.enqueue_indirect_dma source(%arg8 : memref<64x128xf32, #tpu.memory_space<vmem>>) target(%dma_start3A_190 : memref<10240x128xf32, #tpu.memory_space<vmem_shared>>) offsets(%dma_start3A_187 : memref<64xi32, #tpu.memory_space<vmem>>) semaphore(%arg17 : memref<!tpu.dma_semaphore, #tpu.memory_space<semaphore_mem>>) {add = true}
      %gt3A = arith.constant 0 : i32
      %gt3A_191 = arith.cmpi sgt, %scan3A_174, %gt3A : i32
      %convert_element_type3A = arith.extui %gt3A_191 : i1 to i32
      %cond3A = arith.constant 0 : i32
      %cond3A_192 = arith.cmpi ne, %convert_element_type3A, %cond3A : i32
      scf.if %cond3A_192 {
        %dma_wait3A_283 = arith.constant 0 : i32
        %dma_wait3A_284 = arith.constant 0 : i32
        %dma_wait3A_285 = tpu.memref_slice %arg7[%dma_wait3A_283, %dma_wait3A_284] : memref<40x64xi32, #tpu.memory_space<vmem>> -> memref<1x64xi32, #tpu.memory_space<vmem>>
        %dma_wait3A_286 = tpu.memref_squeeze %dma_wait3A_285 : memref<1x64xi32, #tpu.memory_space<vmem>> -> memref<64xi32, #tpu.memory_space<vmem>>
        %dma_wait3A_287 = arith.constant 0 : i32
        %dma_wait3A_288 = arith.constant 0 : i32
        %dma_wait3A_289 = tpu.memref_slice %arg12[%dma_wait3A_287, %dma_wait3A_288] : memref<10240x128xf32, #tpu.memory_space<vmem_shared>> -> memref<10240x128xf32, #tpu.memory_space<vmem_shared>>
        tpu.wait_indirect_dma semaphore(%arg19 : memref<!tpu.dma_semaphore, #tpu.memory_space<semaphore_mem>>) src(%arg10 : memref<64x128xf32, #tpu.memory_space<vmem>>) dst(%dma_wait3A_289 : memref<10240x128xf32, #tpu.memory_space<vmem_shared>>)
      } else {
      }
      %add3A_193 = arith.constant 2 : i32
      %add3A_194 = arith.addi %mul3A_177, %add3A_193 : i32
      %dma_start3A_195 = arith.constant 0 : i32
      %dma_start3A_196 = tpu.memref_slice %arg6[%add3A_194, %dma_start3A_195] : memref<40x64xi32, #tpu.memory_space<vmem>> -> memref<1x64xi32, #tpu.memory_space<vmem>>
      %dma_start3A_197 = tpu.memref_squeeze %dma_start3A_196 : memref<1x64xi32, #tpu.memory_space<vmem>> -> memref<64xi32, #tpu.memory_space<vmem>>
      %dma_start3A_198 = arith.constant 0 : i32
      %dma_start3A_199 = arith.constant 0 : i32
      %dma_start3A_200 = tpu.memref_slice %arg2[%dma_start3A_198, %dma_start3A_199] : memref<10240x128xf32, #tpu.memory_space<hbm>> -> memref<10240x128xf32, #tpu.memory_space<hbm>>
      tpu.enqueue_indirect_dma source(%dma_start3A_200 : memref<10240x128xf32, #tpu.memory_space<hbm>>) target(%arg10 : memref<64x128xf32, #tpu.memory_space<vmem>>) offsets(%dma_start3A_197 : memref<64xi32, #tpu.memory_space<vmem>>) semaphore(%arg15 : memref<!tpu.dma_semaphore, #tpu.memory_space<semaphore_mem>>)
      %dma_wait3A_201 = arith.constant 0 : i32
      %dma_wait3A_202 = arith.constant 0 : i32
      %dma_wait3A_203 = tpu.memref_slice %arg6[%dma_wait3A_201, %dma_wait3A_202] : memref<40x64xi32, #tpu.memory_space<vmem>> -> memref<1x64xi32, #tpu.memory_space<vmem>>
      %dma_wait3A_204 = tpu.memref_squeeze %dma_wait3A_203 : memref<1x64xi32, #tpu.memory_space<vmem>> -> memref<64xi32, #tpu.memory_space<vmem>>
      %dma_wait3A_205 = arith.constant 0 : i32
      %dma_wait3A_206 = arith.constant 0 : i32
      %dma_wait3A_207 = tpu.memref_slice %arg2[%dma_wait3A_205, %dma_wait3A_206] : memref<10240x128xf32, #tpu.memory_space<hbm>> -> memref<10240x128xf32, #tpu.memory_space<hbm>>
      tpu.wait_indirect_dma semaphore(%arg14 : memref<!tpu.dma_semaphore, #tpu.memory_space<semaphore_mem>>) src(%dma_wait3A_207 : memref<10240x128xf32, #tpu.memory_space<hbm>>) dst(%arg9 : memref<64x128xf32, #tpu.memory_space<vmem>>)
      %add3A_208 = arith.constant 1 : i32
      %add3A_209 = arith.addi %mul3A_177, %add3A_208 : i32
      %dma_start3A_210 = arith.constant 0 : i32
      %dma_start3A_211 = tpu.memref_slice %arg7[%add3A_209, %dma_start3A_210] : memref<40x64xi32, #tpu.memory_space<vmem>> -> memref<1x64xi32, #tpu.memory_space<vmem>>
      %dma_start3A_212 = tpu.memref_squeeze %dma_start3A_211 : memref<1x64xi32, #tpu.memory_space<vmem>> -> memref<64xi32, #tpu.memory_space<vmem>>
      %dma_start3A_213 = arith.constant 0 : i32
      %dma_start3A_214 = arith.constant 0 : i32
      %dma_start3A_215 = tpu.memref_slice %arg12[%dma_start3A_213, %dma_start3A_214] : memref<10240x128xf32, #tpu.memory_space<vmem_shared>> -> memref<10240x128xf32, #tpu.memory_space<vmem_shared>>
      tpu.enqueue_indirect_dma source(%arg9 : memref<64x128xf32, #tpu.memory_space<vmem>>) target(%dma_start3A_215 : memref<10240x128xf32, #tpu.memory_space<vmem_shared>>) offsets(%dma_start3A_212 : memref<64xi32, #tpu.memory_space<vmem>>) semaphore(%arg18 : memref<!tpu.dma_semaphore, #tpu.memory_space<semaphore_mem>>) {add = true}
      %gt3A_216 = arith.constant 0 : i32
      %gt3A_217 = arith.cmpi sgt, %scan3A_174, %gt3A_216 : i32
      %convert_element_type3A_218 = arith.extui %gt3A_217 : i1 to i32
      %cond3A_219 = arith.constant 0 : i32
      %cond3A_220 = arith.cmpi ne, %convert_element_type3A_218, %cond3A_219 : i32
      scf.if %cond3A_220 {
        %dma_wait3A_283 = arith.constant 0 : i32
        %dma_wait3A_284 = arith.constant 0 : i32
        %dma_wait3A_285 = tpu.memref_slice %arg7[%dma_wait3A_283, %dma_wait3A_284] : memref<40x64xi32, #tpu.memory_space<vmem>> -> memref<1x64xi32, #tpu.memory_space<vmem>>
        %dma_wait3A_286 = tpu.memref_squeeze %dma_wait3A_285 : memref<1x64xi32, #tpu.memory_space<vmem>> -> memref<64xi32, #tpu.memory_space<vmem>>
        %dma_wait3A_287 = arith.constant 0 : i32
        %dma_wait3A_288 = arith.constant 0 : i32
        %dma_wait3A_289 = tpu.memref_slice %arg12[%dma_wait3A_287, %dma_wait3A_288] : memref<10240x128xf32, #tpu.memory_space<vmem_shared>> -> memref<10240x128xf32, #tpu.memory_space<vmem_shared>>
        tpu.wait_indirect_dma semaphore(%arg20 : memref<!tpu.dma_semaphore, #tpu.memory_space<semaphore_mem>>) src(%arg11 : memref<64x128xf32, #tpu.memory_space<vmem>>) dst(%dma_wait3A_289 : memref<10240x128xf32, #tpu.memory_space<vmem_shared>>)
      } else {
      }
      %add3A_221 = arith.constant 3 : i32
      %add3A_222 = arith.addi %mul3A_177, %add3A_221 : i32
      %dma_start3A_223 = arith.constant 0 : i32
      %dma_start3A_224 = tpu.memref_slice %arg6[%add3A_222, %dma_start3A_223] : memref<40x64xi32, #tpu.memory_space<vmem>> -> memref<1x64xi32, #tpu.memory_space<vmem>>
      %dma_start3A_225 = tpu.memref_squeeze %dma_start3A_224 : memref<1x64xi32, #tpu.memory_space<vmem>> -> memref<64xi32, #tpu.memory_space<vmem>>
      %dma_start3A_226 = arith.constant 0 : i32
      %dma_start3A_227 = arith.constant 0 : i32
      %dma_start3A_228 = tpu.memref_slice %arg2[%dma_start3A_226, %dma_start3A_227] : memref<10240x128xf32, #tpu.memory_space<hbm>> -> memref<10240x128xf32, #tpu.memory_space<hbm>>
      tpu.enqueue_indirect_dma source(%dma_start3A_228 : memref<10240x128xf32, #tpu.memory_space<hbm>>) target(%arg11 : memref<64x128xf32, #tpu.memory_space<vmem>>) offsets(%dma_start3A_225 : memref<64xi32, #tpu.memory_space<vmem>>) semaphore(%arg16 : memref<!tpu.dma_semaphore, #tpu.memory_space<semaphore_mem>>)
      %dma_wait3A_229 = arith.constant 0 : i32
      %dma_wait3A_230 = arith.constant 0 : i32
      %dma_wait3A_231 = tpu.memref_slice %arg6[%dma_wait3A_229, %dma_wait3A_230] : memref<40x64xi32, #tpu.memory_space<vmem>> -> memref<1x64xi32, #tpu.memory_space<vmem>>
      %dma_wait3A_232 = tpu.memref_squeeze %dma_wait3A_231 : memref<1x64xi32, #tpu.memory_space<vmem>> -> memref<64xi32, #tpu.memory_space<vmem>>
      %dma_wait3A_233 = arith.constant 0 : i32
      %dma_wait3A_234 = arith.constant 0 : i32
      %dma_wait3A_235 = tpu.memref_slice %arg2[%dma_wait3A_233, %dma_wait3A_234] : memref<10240x128xf32, #tpu.memory_space<hbm>> -> memref<10240x128xf32, #tpu.memory_space<hbm>>
      tpu.wait_indirect_dma semaphore(%arg15 : memref<!tpu.dma_semaphore, #tpu.memory_space<semaphore_mem>>) src(%dma_wait3A_235 : memref<10240x128xf32, #tpu.memory_space<hbm>>) dst(%arg10 : memref<64x128xf32, #tpu.memory_space<vmem>>)
      %add3A_236 = arith.constant 2 : i32
      %add3A_237 = arith.addi %mul3A_177, %add3A_236 : i32
      %dma_start3A_238 = arith.constant 0 : i32
      %dma_start3A_239 = tpu.memref_slice %arg7[%add3A_237, %dma_start3A_238] : memref<40x64xi32, #tpu.memory_space<vmem>> -> memref<1x64xi32, #tpu.memory_space<vmem>>
      %dma_start3A_240 = tpu.memref_squeeze %dma_start3A_239 : memref<1x64xi32, #tpu.memory_space<vmem>> -> memref<64xi32, #tpu.memory_space<vmem>>
      %dma_start3A_241 = arith.constant 0 : i32
      %dma_start3A_242 = arith.constant 0 : i32
      %dma_start3A_243 = tpu.memref_slice %arg12[%dma_start3A_241, %dma_start3A_242] : memref<10240x128xf32, #tpu.memory_space<vmem_shared>> -> memref<10240x128xf32, #tpu.memory_space<vmem_shared>>
      tpu.enqueue_indirect_dma source(%arg10 : memref<64x128xf32, #tpu.memory_space<vmem>>) target(%dma_start3A_243 : memref<10240x128xf32, #tpu.memory_space<vmem_shared>>) offsets(%dma_start3A_240 : memref<64xi32, #tpu.memory_space<vmem>>) semaphore(%arg19 : memref<!tpu.dma_semaphore, #tpu.memory_space<semaphore_mem>>) {add = true}
      %dma_wait3A_244 = arith.constant 0 : i32
      %dma_wait3A_245 = arith.constant 0 : i32
      %dma_wait3A_246 = tpu.memref_slice %arg7[%dma_wait3A_244, %dma_wait3A_245] : memref<40x64xi32, #tpu.memory_space<vmem>> -> memref<1x64xi32, #tpu.memory_space<vmem>>
      %dma_wait3A_247 = tpu.memref_squeeze %dma_wait3A_246 : memref<1x64xi32, #tpu.memory_space<vmem>> -> memref<64xi32, #tpu.memory_space<vmem>>
      %dma_wait3A_248 = arith.constant 0 : i32
      %dma_wait3A_249 = arith.constant 0 : i32
      %dma_wait3A_250 = tpu.memref_slice %arg12[%dma_wait3A_248, %dma_wait3A_249] : memref<10240x128xf32, #tpu.memory_space<vmem_shared>> -> memref<10240x128xf32, #tpu.memory_space<vmem_shared>>
      tpu.wait_indirect_dma semaphore(%arg17 : memref<!tpu.dma_semaphore, #tpu.memory_space<semaphore_mem>>) src(%arg8 : memref<64x128xf32, #tpu.memory_space<vmem>>) dst(%dma_wait3A_250 : memref<10240x128xf32, #tpu.memory_space<vmem_shared>>)
      %lt3A = arith.constant 9 : i32
      %lt3A_251 = arith.cmpi slt, %scan3A_174, %lt3A : i32
      %convert_element_type3A_252 = arith.extui %lt3A_251 : i1 to i32
      %cond3A_253 = arith.constant 0 : i32
      %cond3A_254 = arith.cmpi ne, %convert_element_type3A_252, %cond3A_253 : i32
      scf.if %cond3A_254 {
        %add3A_283 = arith.constant 4 : i32
        %add3A_284 = arith.addi %mul3A_177, %add3A_283 : i32
        %dma_start3A_285 = arith.constant 0 : i32
        %dma_start3A_286 = tpu.memref_slice %arg6[%add3A_284, %dma_start3A_285] : memref<40x64xi32, #tpu.memory_space<vmem>> -> memref<1x64xi32, #tpu.memory_space<vmem>>
        %dma_start3A_287 = tpu.memref_squeeze %dma_start3A_286 : memref<1x64xi32, #tpu.memory_space<vmem>> -> memref<64xi32, #tpu.memory_space<vmem>>
        %dma_start3A_288 = arith.constant 0 : i32
        %dma_start3A_289 = arith.constant 0 : i32
        %dma_start3A_290 = tpu.memref_slice %arg2[%dma_start3A_288, %dma_start3A_289] : memref<10240x128xf32, #tpu.memory_space<hbm>> -> memref<10240x128xf32, #tpu.memory_space<hbm>>
        tpu.enqueue_indirect_dma source(%dma_start3A_290 : memref<10240x128xf32, #tpu.memory_space<hbm>>) target(%arg8 : memref<64x128xf32, #tpu.memory_space<vmem>>) offsets(%dma_start3A_287 : memref<64xi32, #tpu.memory_space<vmem>>) semaphore(%arg13 : memref<!tpu.dma_semaphore, #tpu.memory_space<semaphore_mem>>)
      } else {
      }
      %dma_wait3A_255 = arith.constant 0 : i32
      %dma_wait3A_256 = arith.constant 0 : i32
      %dma_wait3A_257 = tpu.memref_slice %arg6[%dma_wait3A_255, %dma_wait3A_256] : memref<40x64xi32, #tpu.memory_space<vmem>> -> memref<1x64xi32, #tpu.memory_space<vmem>>
      %dma_wait3A_258 = tpu.memref_squeeze %dma_wait3A_257 : memref<1x64xi32, #tpu.memory_space<vmem>> -> memref<64xi32, #tpu.memory_space<vmem>>
      %dma_wait3A_259 = arith.constant 0 : i32
      %dma_wait3A_260 = arith.constant 0 : i32
      %dma_wait3A_261 = tpu.memref_slice %arg2[%dma_wait3A_259, %dma_wait3A_260] : memref<10240x128xf32, #tpu.memory_space<hbm>> -> memref<10240x128xf32, #tpu.memory_space<hbm>>
      tpu.wait_indirect_dma semaphore(%arg16 : memref<!tpu.dma_semaphore, #tpu.memory_space<semaphore_mem>>) src(%dma_wait3A_261 : memref<10240x128xf32, #tpu.memory_space<hbm>>) dst(%arg11 : memref<64x128xf32, #tpu.memory_space<vmem>>)
      %add3A_262 = arith.constant 3 : i32
      %add3A_263 = arith.addi %mul3A_177, %add3A_262 : i32
      %dma_start3A_264 = arith.constant 0 : i32
      %dma_start3A_265 = tpu.memref_slice %arg7[%add3A_263, %dma_start3A_264] : memref<40x64xi32, #tpu.memory_space<vmem>> -> memref<1x64xi32, #tpu.memory_space<vmem>>
      %dma_start3A_266 = tpu.memref_squeeze %dma_start3A_265 : memref<1x64xi32, #tpu.memory_space<vmem>> -> memref<64xi32, #tpu.memory_space<vmem>>
      %dma_start3A_267 = arith.constant 0 : i32
      %dma_start3A_268 = arith.constant 0 : i32
      %dma_start3A_269 = tpu.memref_slice %arg12[%dma_start3A_267, %dma_start3A_268] : memref<10240x128xf32, #tpu.memory_space<vmem_shared>> -> memref<10240x128xf32, #tpu.memory_space<vmem_shared>>
      tpu.enqueue_indirect_dma source(%arg11 : memref<64x128xf32, #tpu.memory_space<vmem>>) target(%dma_start3A_269 : memref<10240x128xf32, #tpu.memory_space<vmem_shared>>) offsets(%dma_start3A_266 : memref<64xi32, #tpu.memory_space<vmem>>) semaphore(%arg20 : memref<!tpu.dma_semaphore, #tpu.memory_space<semaphore_mem>>) {add = true}
      %dma_wait3A_270 = arith.constant 0 : i32
      %dma_wait3A_271 = arith.constant 0 : i32
      %dma_wait3A_272 = tpu.memref_slice %arg7[%dma_wait3A_270, %dma_wait3A_271] : memref<40x64xi32, #tpu.memory_space<vmem>> -> memref<1x64xi32, #tpu.memory_space<vmem>>
      %dma_wait3A_273 = tpu.memref_squeeze %dma_wait3A_272 : memref<1x64xi32, #tpu.memory_space<vmem>> -> memref<64xi32, #tpu.memory_space<vmem>>
      %dma_wait3A_274 = arith.constant 0 : i32
      %dma_wait3A_275 = arith.constant 0 : i32
      %dma_wait3A_276 = tpu.memref_slice %arg12[%dma_wait3A_274, %dma_wait3A_275] : memref<10240x128xf32, #tpu.memory_space<vmem_shared>> -> memref<10240x128xf32, #tpu.memory_space<vmem_shared>>
      tpu.wait_indirect_dma semaphore(%arg18 : memref<!tpu.dma_semaphore, #tpu.memory_space<semaphore_mem>>) src(%arg9 : memref<64x128xf32, #tpu.memory_space<vmem>>) dst(%dma_wait3A_276 : memref<10240x128xf32, #tpu.memory_space<vmem_shared>>)
      %lt3A_277 = arith.constant 9 : i32
      %lt3A_278 = arith.cmpi slt, %scan3A_174, %lt3A_277 : i32
      %convert_element_type3A_279 = arith.extui %lt3A_278 : i1 to i32
      %cond3A_280 = arith.constant 0 : i32
      %cond3A_281 = arith.cmpi ne, %convert_element_type3A_279, %cond3A_280 : i32
      scf.if %cond3A_281 {
        %add3A_283 = arith.constant 5 : i32
        %add3A_284 = arith.addi %mul3A_177, %add3A_283 : i32
        %dma_start3A_285 = arith.constant 0 : i32
        %dma_start3A_286 = tpu.memref_slice %arg6[%add3A_284, %dma_start3A_285] : memref<40x64xi32, #tpu.memory_space<vmem>> -> memref<1x64xi32, #tpu.memory_space<vmem>>
        %dma_start3A_287 = tpu.memref_squeeze %dma_start3A_286 : memref<1x64xi32, #tpu.memory_space<vmem>> -> memref<64xi32, #tpu.memory_space<vmem>>
        %dma_start3A_288 = arith.constant 0 : i32
        %dma_start3A_289 = arith.constant 0 : i32
        %dma_start3A_290 = tpu.memref_slice %arg2[%dma_start3A_288, %dma_start3A_289] : memref<10240x128xf32, #tpu.memory_space<hbm>> -> memref<10240x128xf32, #tpu.memory_space<hbm>>
        tpu.enqueue_indirect_dma source(%dma_start3A_290 : memref<10240x128xf32, #tpu.memory_space<hbm>>) target(%arg9 : memref<64x128xf32, #tpu.memory_space<vmem>>) offsets(%dma_start3A_287 : memref<64xi32, #tpu.memory_space<vmem>>) semaphore(%arg14 : memref<!tpu.dma_semaphore, #tpu.memory_space<semaphore_mem>>)
      } else {
      }
      %scan3A_282 = arith.constant 0 : i32
      scf.yield %scan3A_282 : i32
    }
    %scan3A_76 = arith.constant 10 : i32
    %dma_wait3A_77 = arith.constant 0 : i32
    %dma_wait3A_78 = arith.constant 0 : i32
    %dma_wait3A_79 = tpu.memref_slice %arg7[%dma_wait3A_77, %dma_wait3A_78] : memref<40x64xi32, #tpu.memory_space<vmem>> -> memref<1x64xi32, #tpu.memory_space<vmem>>
    %dma_wait3A_80 = tpu.memref_squeeze %dma_wait3A_79 : memref<1x64xi32, #tpu.memory_space<vmem>> -> memref<64xi32, #tpu.memory_space<vmem>>
    %dma_wait3A_81 = arith.constant 0 : i32
    %dma_wait3A_82 = arith.constant 0 : i32
    %dma_wait3A_83 = tpu.memref_slice %arg12[%dma_wait3A_81, %dma_wait3A_82] : memref<10240x128xf32, #tpu.memory_space<vmem_shared>> -> memref<10240x128xf32, #tpu.memory_space<vmem_shared>>
    tpu.wait_indirect_dma semaphore(%arg19 : memref<!tpu.dma_semaphore, #tpu.memory_space<semaphore_mem>>) src(%arg10 : memref<64x128xf32, #tpu.memory_space<vmem>>) dst(%dma_wait3A_83 : memref<10240x128xf32, #tpu.memory_space<vmem_shared>>)
    %dma_wait3A_84 = arith.constant 0 : i32
    %dma_wait3A_85 = arith.constant 0 : i32
    %dma_wait3A_86 = tpu.memref_slice %arg7[%dma_wait3A_84, %dma_wait3A_85] : memref<40x64xi32, #tpu.memory_space<vmem>> -> memref<1x64xi32, #tpu.memory_space<vmem>>
    %dma_wait3A_87 = tpu.memref_squeeze %dma_wait3A_86 : memref<1x64xi32, #tpu.memory_space<vmem>> -> memref<64xi32, #tpu.memory_space<vmem>>
    %dma_wait3A_88 = arith.constant 0 : i32
    %dma_wait3A_89 = arith.constant 0 : i32
    %dma_wait3A_90 = tpu.memref_slice %arg12[%dma_wait3A_88, %dma_wait3A_89] : memref<10240x128xf32, #tpu.memory_space<vmem_shared>> -> memref<10240x128xf32, #tpu.memory_space<vmem_shared>>
    tpu.wait_indirect_dma semaphore(%arg20 : memref<!tpu.dma_semaphore, #tpu.memory_space<semaphore_mem>>) src(%arg11 : memref<64x128xf32, #tpu.memory_space<vmem>>) dst(%dma_wait3A_90 : memref<10240x128xf32, #tpu.memory_space<vmem_shared>>)
    %mul3A_91 = arith.constant 160 : i32
    %mul3A_92 = arith.muli %add3A, %mul3A_91 : i32
    %add3A_93 = arith.constant 80 : i32
    %add3A_94 = arith.addi %mul3A_92, %add3A_93 : i32
    "tpu.region"() ({
      %run_scoped3A = tpu.sem_alloc : memref<!tpu.dma_semaphore, #tpu.memory_space<semaphore_mem>>
      %dma_start3A_174 = arith.constant 0 : i32
      %dma_start3A_175 = tpu.memref_slice %arg3[%add3A_94, %dma_start3A_174] : memref<5120x64xi32, #tpu.memory_space<hbm>> -> memref<40x64xi32, #tpu.memory_space<hbm>>
      %dma_start3A_176 = arith.constant 0 : i32
      %dma_start3A_177 = tpu.memref_slice %arg3[%add3A_94, %dma_start3A_176] : memref<5120x64xi32, #tpu.memory_space<hbm>> -> memref<40x64xi32, #tpu.memory_space<hbm>>
      tpu.enqueue_dma source(%dma_start3A_177 : memref<40x64xi32, #tpu.memory_space<hbm>>) target(%arg6 : memref<40x64xi32, #tpu.memory_space<vmem>>) target_semaphore(%run_scoped3A : memref<!tpu.dma_semaphore, #tpu.memory_space<semaphore_mem>>)
      %dma_wait3A_178 = arith.constant 0 : i32
      %dma_wait3A_179 = tpu.memref_slice %arg3[%add3A_94, %dma_wait3A_178] : memref<5120x64xi32, #tpu.memory_space<hbm>> -> memref<40x64xi32, #tpu.memory_space<hbm>>
      %dma_wait3A_180 = arith.constant 0 : i32
      %dma_wait3A_181 = tpu.memref_slice %arg3[%add3A_94, %dma_wait3A_180] : memref<5120x64xi32, #tpu.memory_space<hbm>> -> memref<40x64xi32, #tpu.memory_space<hbm>>
      tpu.wait_dma2 semaphore(%run_scoped3A : memref<!tpu.dma_semaphore, #tpu.memory_space<semaphore_mem>>) src(%dma_wait3A_181 : memref<40x64xi32, #tpu.memory_space<hbm>>) dst(%arg6 : memref<40x64xi32, #tpu.memory_space<vmem>>)
      tpu.yield
    }) : () -> ()
    "tpu.region"() ({
      %run_scoped3A = tpu.sem_alloc : memref<!tpu.dma_semaphore, #tpu.memory_space<semaphore_mem>>
      %dma_start3A_174 = arith.constant 0 : i32
      %dma_start3A_175 = tpu.memref_slice %arg4[%add3A_94, %dma_start3A_174] : memref<5120x64xi32, #tpu.memory_space<hbm>> -> memref<40x64xi32, #tpu.memory_space<hbm>>
      %dma_start3A_176 = arith.constant 0 : i32
      %dma_start3A_177 = tpu.memref_slice %arg4[%add3A_94, %dma_start3A_176] : memref<5120x64xi32, #tpu.memory_space<hbm>> -> memref<40x64xi32, #tpu.memory_space<hbm>>
      tpu.enqueue_dma source(%dma_start3A_177 : memref<40x64xi32, #tpu.memory_space<hbm>>) target(%arg7 : memref<40x64xi32, #tpu.memory_space<vmem>>) target_semaphore(%run_scoped3A : memref<!tpu.dma_semaphore, #tpu.memory_space<semaphore_mem>>)
      %dma_wait3A_178 = arith.constant 0 : i32
      %dma_wait3A_179 = tpu.memref_slice %arg4[%add3A_94, %dma_wait3A_178] : memref<5120x64xi32, #tpu.memory_space<hbm>> -> memref<40x64xi32, #tpu.memory_space<hbm>>
      %dma_wait3A_180 = arith.constant 0 : i32
      %dma_wait3A_181 = tpu.memref_slice %arg4[%add3A_94, %dma_wait3A_180] : memref<5120x64xi32, #tpu.memory_space<hbm>> -> memref<40x64xi32, #tpu.memory_space<hbm>>
      tpu.wait_dma2 semaphore(%run_scoped3A : memref<!tpu.dma_semaphore, #tpu.memory_space<semaphore_mem>>) src(%dma_wait3A_181 : memref<40x64xi32, #tpu.memory_space<hbm>>) dst(%arg7 : memref<40x64xi32, #tpu.memory_space<vmem>>)
      tpu.yield
    }) : () -> ()
    %dma_start3A_95 = arith.constant 0 : i32
    %dma_start3A_96 = arith.constant 0 : i32
    %dma_start3A_97 = tpu.memref_slice %arg6[%dma_start3A_95, %dma_start3A_96] : memref<40x64xi32, #tpu.memory_space<vmem>> -> memref<1x64xi32, #tpu.memory_space<vmem>>
    %dma_start3A_98 = tpu.memref_squeeze %dma_start3A_97 : memref<1x64xi32, #tpu.memory_space<vmem>> -> memref<64xi32, #tpu.memory_space<vmem>>
    %dma_start3A_99 = arith.constant 0 : i32
    %dma_start3A_100 = arith.constant 0 : i32
    %dma_start3A_101 = tpu.memref_slice %arg2[%dma_start3A_99, %dma_start3A_100] : memref<10240x128xf32, #tpu.memory_space<hbm>> -> memref<10240x128xf32, #tpu.memory_space<hbm>>
    tpu.enqueue_indirect_dma source(%dma_start3A_101 : memref<10240x128xf32, #tpu.memory_space<hbm>>) target(%arg8 : memref<64x128xf32, #tpu.memory_space<vmem>>) offsets(%dma_start3A_98 : memref<64xi32, #tpu.memory_space<vmem>>) semaphore(%arg13 : memref<!tpu.dma_semaphore, #tpu.memory_space<semaphore_mem>>)
    %dma_start3A_102 = arith.constant 1 : i32
    %dma_start3A_103 = arith.constant 0 : i32
    %dma_start3A_104 = tpu.memref_slice %arg6[%dma_start3A_102, %dma_start3A_103] : memref<40x64xi32, #tpu.memory_space<vmem>> -> memref<1x64xi32, #tpu.memory_space<vmem>>
    %dma_start3A_105 = tpu.memref_squeeze %dma_start3A_104 : memref<1x64xi32, #tpu.memory_space<vmem>> -> memref<64xi32, #tpu.memory_space<vmem>>
    %dma_start3A_106 = arith.constant 0 : i32
    %dma_start3A_107 = arith.constant 0 : i32
    %dma_start3A_108 = tpu.memref_slice %arg2[%dma_start3A_106, %dma_start3A_107] : memref<10240x128xf32, #tpu.memory_space<hbm>> -> memref<10240x128xf32, #tpu.memory_space<hbm>>
    tpu.enqueue_indirect_dma source(%dma_start3A_108 : memref<10240x128xf32, #tpu.memory_space<hbm>>) target(%arg9 : memref<64x128xf32, #tpu.memory_space<vmem>>) offsets(%dma_start3A_105 : memref<64xi32, #tpu.memory_space<vmem>>) semaphore(%arg14 : memref<!tpu.dma_semaphore, #tpu.memory_space<semaphore_mem>>)
    %scan3A_109 = arith.constant 0 : i32
    %scan3A_110 = arith.constant 0 : i32
    %scan3A_111 = arith.constant 10 : i32
    %scan3A_112 = arith.addi %scan3A_110, %scan3A_111 : i32
    %scan3A_113 = arith.constant 1 : i32
    %scan3A_114 = scf.for %scan3A_174 = %scan3A_110 to %scan3A_112 step %scan3A_113 iter_args(%scan3A_175 = %scan3A_109) -> (i32)  : i32 {
      %mul3A_176 = arith.constant 4 : i32
      %mul3A_177 = arith.muli %mul3A_176, %scan3A_174 : i32
      %dma_wait3A_178 = arith.constant 0 : i32
      %dma_wait3A_179 = arith.constant 0 : i32
      %dma_wait3A_180 = tpu.memref_slice %arg6[%dma_wait3A_178, %dma_wait3A_179] : memref<40x64xi32, #tpu.memory_space<vmem>> -> memref<1x64xi32, #tpu.memory_space<vmem>>
      %dma_wait3A_181 = tpu.memref_squeeze %dma_wait3A_180 : memref<1x64xi32, #tpu.memory_space<vmem>> -> memref<64xi32, #tpu.memory_space<vmem>>
      %dma_wait3A_182 = arith.constant 0 : i32
      %dma_wait3A_183 = arith.constant 0 : i32
      %dma_wait3A_184 = tpu.memref_slice %arg2[%dma_wait3A_182, %dma_wait3A_183] : memref<10240x128xf32, #tpu.memory_space<hbm>> -> memref<10240x128xf32, #tpu.memory_space<hbm>>
      tpu.wait_indirect_dma semaphore(%arg13 : memref<!tpu.dma_semaphore, #tpu.memory_space<semaphore_mem>>) src(%dma_wait3A_184 : memref<10240x128xf32, #tpu.memory_space<hbm>>) dst(%arg8 : memref<64x128xf32, #tpu.memory_space<vmem>>)
      %dma_start3A_185 = arith.constant 0 : i32
      %dma_start3A_186 = tpu.memref_slice %arg7[%mul3A_177, %dma_start3A_185] : memref<40x64xi32, #tpu.memory_space<vmem>> -> memref<1x64xi32, #tpu.memory_space<vmem>>
      %dma_start3A_187 = tpu.memref_squeeze %dma_start3A_186 : memref<1x64xi32, #tpu.memory_space<vmem>> -> memref<64xi32, #tpu.memory_space<vmem>>
      %dma_start3A_188 = arith.constant 0 : i32
      %dma_start3A_189 = arith.constant 0 : i32
      %dma_start3A_190 = tpu.memref_slice %arg12[%dma_start3A_188, %dma_start3A_189] : memref<10240x128xf32, #tpu.memory_space<vmem_shared>> -> memref<10240x128xf32, #tpu.memory_space<vmem_shared>>
      tpu.enqueue_indirect_dma source(%arg8 : memref<64x128xf32, #tpu.memory_space<vmem>>) target(%dma_start3A_190 : memref<10240x128xf32, #tpu.memory_space<vmem_shared>>) offsets(%dma_start3A_187 : memref<64xi32, #tpu.memory_space<vmem>>) semaphore(%arg17 : memref<!tpu.dma_semaphore, #tpu.memory_space<semaphore_mem>>) {add = true}
      %gt3A = arith.constant 0 : i32
      %gt3A_191 = arith.cmpi sgt, %scan3A_174, %gt3A : i32
      %convert_element_type3A = arith.extui %gt3A_191 : i1 to i32
      %cond3A = arith.constant 0 : i32
      %cond3A_192 = arith.cmpi ne, %convert_element_type3A, %cond3A : i32
      scf.if %cond3A_192 {
        %dma_wait3A_283 = arith.constant 0 : i32
        %dma_wait3A_284 = arith.constant 0 : i32
        %dma_wait3A_285 = tpu.memref_slice %arg7[%dma_wait3A_283, %dma_wait3A_284] : memref<40x64xi32, #tpu.memory_space<vmem>> -> memref<1x64xi32, #tpu.memory_space<vmem>>
        %dma_wait3A_286 = tpu.memref_squeeze %dma_wait3A_285 : memref<1x64xi32, #tpu.memory_space<vmem>> -> memref<64xi32, #tpu.memory_space<vmem>>
        %dma_wait3A_287 = arith.constant 0 : i32
        %dma_wait3A_288 = arith.constant 0 : i32
        %dma_wait3A_289 = tpu.memref_slice %arg12[%dma_wait3A_287, %dma_wait3A_288] : memref<10240x128xf32, #tpu.memory_space<vmem_shared>> -> memref<10240x128xf32, #tpu.memory_space<vmem_shared>>
        tpu.wait_indirect_dma semaphore(%arg19 : memref<!tpu.dma_semaphore, #tpu.memory_space<semaphore_mem>>) src(%arg10 : memref<64x128xf32, #tpu.memory_space<vmem>>) dst(%dma_wait3A_289 : memref<10240x128xf32, #tpu.memory_space<vmem_shared>>)
      } else {
      }
      %add3A_193 = arith.constant 2 : i32
      %add3A_194 = arith.addi %mul3A_177, %add3A_193 : i32
      %dma_start3A_195 = arith.constant 0 : i32
      %dma_start3A_196 = tpu.memref_slice %arg6[%add3A_194, %dma_start3A_195] : memref<40x64xi32, #tpu.memory_space<vmem>> -> memref<1x64xi32, #tpu.memory_space<vmem>>
      %dma_start3A_197 = tpu.memref_squeeze %dma_start3A_196 : memref<1x64xi32, #tpu.memory_space<vmem>> -> memref<64xi32, #tpu.memory_space<vmem>>
      %dma_start3A_198 = arith.constant 0 : i32
      %dma_start3A_199 = arith.constant 0 : i32
      %dma_start3A_200 = tpu.memref_slice %arg2[%dma_start3A_198, %dma_start3A_199] : memref<10240x128xf32, #tpu.memory_space<hbm>> -> memref<10240x128xf32, #tpu.memory_space<hbm>>
      tpu.enqueue_indirect_dma source(%dma_start3A_200 : memref<10240x128xf32, #tpu.memory_space<hbm>>) target(%arg10 : memref<64x128xf32, #tpu.memory_space<vmem>>) offsets(%dma_start3A_197 : memref<64xi32, #tpu.memory_space<vmem>>) semaphore(%arg15 : memref<!tpu.dma_semaphore, #tpu.memory_space<semaphore_mem>>)
      %dma_wait3A_201 = arith.constant 0 : i32
      %dma_wait3A_202 = arith.constant 0 : i32
      %dma_wait3A_203 = tpu.memref_slice %arg6[%dma_wait3A_201, %dma_wait3A_202] : memref<40x64xi32, #tpu.memory_space<vmem>> -> memref<1x64xi32, #tpu.memory_space<vmem>>
      %dma_wait3A_204 = tpu.memref_squeeze %dma_wait3A_203 : memref<1x64xi32, #tpu.memory_space<vmem>> -> memref<64xi32, #tpu.memory_space<vmem>>
      %dma_wait3A_205 = arith.constant 0 : i32
      %dma_wait3A_206 = arith.constant 0 : i32
      %dma_wait3A_207 = tpu.memref_slice %arg2[%dma_wait3A_205, %dma_wait3A_206] : memref<10240x128xf32, #tpu.memory_space<hbm>> -> memref<10240x128xf32, #tpu.memory_space<hbm>>
      tpu.wait_indirect_dma semaphore(%arg14 : memref<!tpu.dma_semaphore, #tpu.memory_space<semaphore_mem>>) src(%dma_wait3A_207 : memref<10240x128xf32, #tpu.memory_space<hbm>>) dst(%arg9 : memref<64x128xf32, #tpu.memory_space<vmem>>)
      %add3A_208 = arith.constant 1 : i32
      %add3A_209 = arith.addi %mul3A_177, %add3A_208 : i32
      %dma_start3A_210 = arith.constant 0 : i32
      %dma_start3A_211 = tpu.memref_slice %arg7[%add3A_209, %dma_start3A_210] : memref<40x64xi32, #tpu.memory_space<vmem>> -> memref<1x64xi32, #tpu.memory_space<vmem>>
      %dma_start3A_212 = tpu.memref_squeeze %dma_start3A_211 : memref<1x64xi32, #tpu.memory_space<vmem>> -> memref<64xi32, #tpu.memory_space<vmem>>
      %dma_start3A_213 = arith.constant 0 : i32
      %dma_start3A_214 = arith.constant 0 : i32
      %dma_start3A_215 = tpu.memref_slice %arg12[%dma_start3A_213, %dma_start3A_214] : memref<10240x128xf32, #tpu.memory_space<vmem_shared>> -> memref<10240x128xf32, #tpu.memory_space<vmem_shared>>
      tpu.enqueue_indirect_dma source(%arg9 : memref<64x128xf32, #tpu.memory_space<vmem>>) target(%dma_start3A_215 : memref<10240x128xf32, #tpu.memory_space<vmem_shared>>) offsets(%dma_start3A_212 : memref<64xi32, #tpu.memory_space<vmem>>) semaphore(%arg18 : memref<!tpu.dma_semaphore, #tpu.memory_space<semaphore_mem>>) {add = true}
      %gt3A_216 = arith.constant 0 : i32
      %gt3A_217 = arith.cmpi sgt, %scan3A_174, %gt3A_216 : i32
      %convert_element_type3A_218 = arith.extui %gt3A_217 : i1 to i32
      %cond3A_219 = arith.constant 0 : i32
      %cond3A_220 = arith.cmpi ne, %convert_element_type3A_218, %cond3A_219 : i32
      scf.if %cond3A_220 {
        %dma_wait3A_283 = arith.constant 0 : i32
        %dma_wait3A_284 = arith.constant 0 : i32
        %dma_wait3A_285 = tpu.memref_slice %arg7[%dma_wait3A_283, %dma_wait3A_284] : memref<40x64xi32, #tpu.memory_space<vmem>> -> memref<1x64xi32, #tpu.memory_space<vmem>>
        %dma_wait3A_286 = tpu.memref_squeeze %dma_wait3A_285 : memref<1x64xi32, #tpu.memory_space<vmem>> -> memref<64xi32, #tpu.memory_space<vmem>>
        %dma_wait3A_287 = arith.constant 0 : i32
        %dma_wait3A_288 = arith.constant 0 : i32
        %dma_wait3A_289 = tpu.memref_slice %arg12[%dma_wait3A_287, %dma_wait3A_288] : memref<10240x128xf32, #tpu.memory_space<vmem_shared>> -> memref<10240x128xf32, #tpu.memory_space<vmem_shared>>
        tpu.wait_indirect_dma semaphore(%arg20 : memref<!tpu.dma_semaphore, #tpu.memory_space<semaphore_mem>>) src(%arg11 : memref<64x128xf32, #tpu.memory_space<vmem>>) dst(%dma_wait3A_289 : memref<10240x128xf32, #tpu.memory_space<vmem_shared>>)
      } else {
      }
      %add3A_221 = arith.constant 3 : i32
      %add3A_222 = arith.addi %mul3A_177, %add3A_221 : i32
      %dma_start3A_223 = arith.constant 0 : i32
      %dma_start3A_224 = tpu.memref_slice %arg6[%add3A_222, %dma_start3A_223] : memref<40x64xi32, #tpu.memory_space<vmem>> -> memref<1x64xi32, #tpu.memory_space<vmem>>
      %dma_start3A_225 = tpu.memref_squeeze %dma_start3A_224 : memref<1x64xi32, #tpu.memory_space<vmem>> -> memref<64xi32, #tpu.memory_space<vmem>>
      %dma_start3A_226 = arith.constant 0 : i32
      %dma_start3A_227 = arith.constant 0 : i32
      %dma_start3A_228 = tpu.memref_slice %arg2[%dma_start3A_226, %dma_start3A_227] : memref<10240x128xf32, #tpu.memory_space<hbm>> -> memref<10240x128xf32, #tpu.memory_space<hbm>>
      tpu.enqueue_indirect_dma source(%dma_start3A_228 : memref<10240x128xf32, #tpu.memory_space<hbm>>) target(%arg11 : memref<64x128xf32, #tpu.memory_space<vmem>>) offsets(%dma_start3A_225 : memref<64xi32, #tpu.memory_space<vmem>>) semaphore(%arg16 : memref<!tpu.dma_semaphore, #tpu.memory_space<semaphore_mem>>)
      %dma_wait3A_229 = arith.constant 0 : i32
      %dma_wait3A_230 = arith.constant 0 : i32
      %dma_wait3A_231 = tpu.memref_slice %arg6[%dma_wait3A_229, %dma_wait3A_230] : memref<40x64xi32, #tpu.memory_space<vmem>> -> memref<1x64xi32, #tpu.memory_space<vmem>>
      %dma_wait3A_232 = tpu.memref_squeeze %dma_wait3A_231 : memref<1x64xi32, #tpu.memory_space<vmem>> -> memref<64xi32, #tpu.memory_space<vmem>>
      %dma_wait3A_233 = arith.constant 0 : i32
      %dma_wait3A_234 = arith.constant 0 : i32
      %dma_wait3A_235 = tpu.memref_slice %arg2[%dma_wait3A_233, %dma_wait3A_234] : memref<10240x128xf32, #tpu.memory_space<hbm>> -> memref<10240x128xf32, #tpu.memory_space<hbm>>
      tpu.wait_indirect_dma semaphore(%arg15 : memref<!tpu.dma_semaphore, #tpu.memory_space<semaphore_mem>>) src(%dma_wait3A_235 : memref<10240x128xf32, #tpu.memory_space<hbm>>) dst(%arg10 : memref<64x128xf32, #tpu.memory_space<vmem>>)
      %add3A_236 = arith.constant 2 : i32
      %add3A_237 = arith.addi %mul3A_177, %add3A_236 : i32
      %dma_start3A_238 = arith.constant 0 : i32
      %dma_start3A_239 = tpu.memref_slice %arg7[%add3A_237, %dma_start3A_238] : memref<40x64xi32, #tpu.memory_space<vmem>> -> memref<1x64xi32, #tpu.memory_space<vmem>>
      %dma_start3A_240 = tpu.memref_squeeze %dma_start3A_239 : memref<1x64xi32, #tpu.memory_space<vmem>> -> memref<64xi32, #tpu.memory_space<vmem>>
      %dma_start3A_241 = arith.constant 0 : i32
      %dma_start3A_242 = arith.constant 0 : i32
      %dma_start3A_243 = tpu.memref_slice %arg12[%dma_start3A_241, %dma_start3A_242] : memref<10240x128xf32, #tpu.memory_space<vmem_shared>> -> memref<10240x128xf32, #tpu.memory_space<vmem_shared>>
      tpu.enqueue_indirect_dma source(%arg10 : memref<64x128xf32, #tpu.memory_space<vmem>>) target(%dma_start3A_243 : memref<10240x128xf32, #tpu.memory_space<vmem_shared>>) offsets(%dma_start3A_240 : memref<64xi32, #tpu.memory_space<vmem>>) semaphore(%arg19 : memref<!tpu.dma_semaphore, #tpu.memory_space<semaphore_mem>>) {add = true}
      %dma_wait3A_244 = arith.constant 0 : i32
      %dma_wait3A_245 = arith.constant 0 : i32
      %dma_wait3A_246 = tpu.memref_slice %arg7[%dma_wait3A_244, %dma_wait3A_245] : memref<40x64xi32, #tpu.memory_space<vmem>> -> memref<1x64xi32, #tpu.memory_space<vmem>>
      %dma_wait3A_247 = tpu.memref_squeeze %dma_wait3A_246 : memref<1x64xi32, #tpu.memory_space<vmem>> -> memref<64xi32, #tpu.memory_space<vmem>>
      %dma_wait3A_248 = arith.constant 0 : i32
      %dma_wait3A_249 = arith.constant 0 : i32
      %dma_wait3A_250 = tpu.memref_slice %arg12[%dma_wait3A_248, %dma_wait3A_249] : memref<10240x128xf32, #tpu.memory_space<vmem_shared>> -> memref<10240x128xf32, #tpu.memory_space<vmem_shared>>
      tpu.wait_indirect_dma semaphore(%arg17 : memref<!tpu.dma_semaphore, #tpu.memory_space<semaphore_mem>>) src(%arg8 : memref<64x128xf32, #tpu.memory_space<vmem>>) dst(%dma_wait3A_250 : memref<10240x128xf32, #tpu.memory_space<vmem_shared>>)
      %lt3A = arith.constant 9 : i32
      %lt3A_251 = arith.cmpi slt, %scan3A_174, %lt3A : i32
      %convert_element_type3A_252 = arith.extui %lt3A_251 : i1 to i32
      %cond3A_253 = arith.constant 0 : i32
      %cond3A_254 = arith.cmpi ne, %convert_element_type3A_252, %cond3A_253 : i32
      scf.if %cond3A_254 {
        %add3A_283 = arith.constant 4 : i32
        %add3A_284 = arith.addi %mul3A_177, %add3A_283 : i32
        %dma_start3A_285 = arith.constant 0 : i32
        %dma_start3A_286 = tpu.memref_slice %arg6[%add3A_284, %dma_start3A_285] : memref<40x64xi32, #tpu.memory_space<vmem>> -> memref<1x64xi32, #tpu.memory_space<vmem>>
        %dma_start3A_287 = tpu.memref_squeeze %dma_start3A_286 : memref<1x64xi32, #tpu.memory_space<vmem>> -> memref<64xi32, #tpu.memory_space<vmem>>
        %dma_start3A_288 = arith.constant 0 : i32
        %dma_start3A_289 = arith.constant 0 : i32
        %dma_start3A_290 = tpu.memref_slice %arg2[%dma_start3A_288, %dma_start3A_289] : memref<10240x128xf32, #tpu.memory_space<hbm>> -> memref<10240x128xf32, #tpu.memory_space<hbm>>
        tpu.enqueue_indirect_dma source(%dma_start3A_290 : memref<10240x128xf32, #tpu.memory_space<hbm>>) target(%arg8 : memref<64x128xf32, #tpu.memory_space<vmem>>) offsets(%dma_start3A_287 : memref<64xi32, #tpu.memory_space<vmem>>) semaphore(%arg13 : memref<!tpu.dma_semaphore, #tpu.memory_space<semaphore_mem>>)
      } else {
      }
      %dma_wait3A_255 = arith.constant 0 : i32
      %dma_wait3A_256 = arith.constant 0 : i32
      %dma_wait3A_257 = tpu.memref_slice %arg6[%dma_wait3A_255, %dma_wait3A_256] : memref<40x64xi32, #tpu.memory_space<vmem>> -> memref<1x64xi32, #tpu.memory_space<vmem>>
      %dma_wait3A_258 = tpu.memref_squeeze %dma_wait3A_257 : memref<1x64xi32, #tpu.memory_space<vmem>> -> memref<64xi32, #tpu.memory_space<vmem>>
      %dma_wait3A_259 = arith.constant 0 : i32
      %dma_wait3A_260 = arith.constant 0 : i32
      %dma_wait3A_261 = tpu.memref_slice %arg2[%dma_wait3A_259, %dma_wait3A_260] : memref<10240x128xf32, #tpu.memory_space<hbm>> -> memref<10240x128xf32, #tpu.memory_space<hbm>>
      tpu.wait_indirect_dma semaphore(%arg16 : memref<!tpu.dma_semaphore, #tpu.memory_space<semaphore_mem>>) src(%dma_wait3A_261 : memref<10240x128xf32, #tpu.memory_space<hbm>>) dst(%arg11 : memref<64x128xf32, #tpu.memory_space<vmem>>)
      %add3A_262 = arith.constant 3 : i32
      %add3A_263 = arith.addi %mul3A_177, %add3A_262 : i32
      %dma_start3A_264 = arith.constant 0 : i32
      %dma_start3A_265 = tpu.memref_slice %arg7[%add3A_263, %dma_start3A_264] : memref<40x64xi32, #tpu.memory_space<vmem>> -> memref<1x64xi32, #tpu.memory_space<vmem>>
      %dma_start3A_266 = tpu.memref_squeeze %dma_start3A_265 : memref<1x64xi32, #tpu.memory_space<vmem>> -> memref<64xi32, #tpu.memory_space<vmem>>
      %dma_start3A_267 = arith.constant 0 : i32
      %dma_start3A_268 = arith.constant 0 : i32
      %dma_start3A_269 = tpu.memref_slice %arg12[%dma_start3A_267, %dma_start3A_268] : memref<10240x128xf32, #tpu.memory_space<vmem_shared>> -> memref<10240x128xf32, #tpu.memory_space<vmem_shared>>
      tpu.enqueue_indirect_dma source(%arg11 : memref<64x128xf32, #tpu.memory_space<vmem>>) target(%dma_start3A_269 : memref<10240x128xf32, #tpu.memory_space<vmem_shared>>) offsets(%dma_start3A_266 : memref<64xi32, #tpu.memory_space<vmem>>) semaphore(%arg20 : memref<!tpu.dma_semaphore, #tpu.memory_space<semaphore_mem>>) {add = true}
      %dma_wait3A_270 = arith.constant 0 : i32
      %dma_wait3A_271 = arith.constant 0 : i32
      %dma_wait3A_272 = tpu.memref_slice %arg7[%dma_wait3A_270, %dma_wait3A_271] : memref<40x64xi32, #tpu.memory_space<vmem>> -> memref<1x64xi32, #tpu.memory_space<vmem>>
      %dma_wait3A_273 = tpu.memref_squeeze %dma_wait3A_272 : memref<1x64xi32, #tpu.memory_space<vmem>> -> memref<64xi32, #tpu.memory_space<vmem>>
      %dma_wait3A_274 = arith.constant 0 : i32
      %dma_wait3A_275 = arith.constant 0 : i32
      %dma_wait3A_276 = tpu.memref_slice %arg12[%dma_wait3A_274, %dma_wait3A_275] : memref<10240x128xf32, #tpu.memory_space<vmem_shared>> -> memref<10240x128xf32, #tpu.memory_space<vmem_shared>>
      tpu.wait_indirect_dma semaphore(%arg18 : memref<!tpu.dma_semaphore, #tpu.memory_space<semaphore_mem>>) src(%arg9 : memref<64x128xf32, #tpu.memory_space<vmem>>) dst(%dma_wait3A_276 : memref<10240x128xf32, #tpu.memory_space<vmem_shared>>)
      %lt3A_277 = arith.constant 9 : i32
      %lt3A_278 = arith.cmpi slt, %scan3A_174, %lt3A_277 : i32
      %convert_element_type3A_279 = arith.extui %lt3A_278 : i1 to i32
      %cond3A_280 = arith.constant 0 : i32
      %cond3A_281 = arith.cmpi ne, %convert_element_type3A_279, %cond3A_280 : i32
      scf.if %cond3A_281 {
        %add3A_283 = arith.constant 5 : i32
        %add3A_284 = arith.addi %mul3A_177, %add3A_283 : i32
        %dma_start3A_285 = arith.constant 0 : i32
        %dma_start3A_286 = tpu.memref_slice %arg6[%add3A_284, %dma_start3A_285] : memref<40x64xi32, #tpu.memory_space<vmem>> -> memref<1x64xi32, #tpu.memory_space<vmem>>
        %dma_start3A_287 = tpu.memref_squeeze %dma_start3A_286 : memref<1x64xi32, #tpu.memory_space<vmem>> -> memref<64xi32, #tpu.memory_space<vmem>>
        %dma_start3A_288 = arith.constant 0 : i32
        %dma_start3A_289 = arith.constant 0 : i32
        %dma_start3A_290 = tpu.memref_slice %arg2[%dma_start3A_288, %dma_start3A_289] : memref<10240x128xf32, #tpu.memory_space<hbm>> -> memref<10240x128xf32, #tpu.memory_space<hbm>>
        tpu.enqueue_indirect_dma source(%dma_start3A_290 : memref<10240x128xf32, #tpu.memory_space<hbm>>) target(%arg9 : memref<64x128xf32, #tpu.memory_space<vmem>>) offsets(%dma_start3A_287 : memref<64xi32, #tpu.memory_space<vmem>>) semaphore(%arg14 : memref<!tpu.dma_semaphore, #tpu.memory_space<semaphore_mem>>)
      } else {
      }
      %scan3A_282 = arith.constant 0 : i32
      scf.yield %scan3A_282 : i32
    }
    %scan3A_115 = arith.constant 10 : i32
    %dma_wait3A_116 = arith.constant 0 : i32
    %dma_wait3A_117 = arith.constant 0 : i32
    %dma_wait3A_118 = tpu.memref_slice %arg7[%dma_wait3A_116, %dma_wait3A_117] : memref<40x64xi32, #tpu.memory_space<vmem>> -> memref<1x64xi32, #tpu.memory_space<vmem>>
    %dma_wait3A_119 = tpu.memref_squeeze %dma_wait3A_118 : memref<1x64xi32, #tpu.memory_space<vmem>> -> memref<64xi32, #tpu.memory_space<vmem>>
    %dma_wait3A_120 = arith.constant 0 : i32
    %dma_wait3A_121 = arith.constant 0 : i32
    %dma_wait3A_122 = tpu.memref_slice %arg12[%dma_wait3A_120, %dma_wait3A_121] : memref<10240x128xf32, #tpu.memory_space<vmem_shared>> -> memref<10240x128xf32, #tpu.memory_space<vmem_shared>>
    tpu.wait_indirect_dma semaphore(%arg19 : memref<!tpu.dma_semaphore, #tpu.memory_space<semaphore_mem>>) src(%arg10 : memref<64x128xf32, #tpu.memory_space<vmem>>) dst(%dma_wait3A_122 : memref<10240x128xf32, #tpu.memory_space<vmem_shared>>)
    %dma_wait3A_123 = arith.constant 0 : i32
    %dma_wait3A_124 = arith.constant 0 : i32
    %dma_wait3A_125 = tpu.memref_slice %arg7[%dma_wait3A_123, %dma_wait3A_124] : memref<40x64xi32, #tpu.memory_space<vmem>> -> memref<1x64xi32, #tpu.memory_space<vmem>>
    %dma_wait3A_126 = tpu.memref_squeeze %dma_wait3A_125 : memref<1x64xi32, #tpu.memory_space<vmem>> -> memref<64xi32, #tpu.memory_space<vmem>>
    %dma_wait3A_127 = arith.constant 0 : i32
    %dma_wait3A_128 = arith.constant 0 : i32
    %dma_wait3A_129 = tpu.memref_slice %arg12[%dma_wait3A_127, %dma_wait3A_128] : memref<10240x128xf32, #tpu.memory_space<vmem_shared>> -> memref<10240x128xf32, #tpu.memory_space<vmem_shared>>
    tpu.wait_indirect_dma semaphore(%arg20 : memref<!tpu.dma_semaphore, #tpu.memory_space<semaphore_mem>>) src(%arg11 : memref<64x128xf32, #tpu.memory_space<vmem>>) dst(%dma_wait3A_129 : memref<10240x128xf32, #tpu.memory_space<vmem_shared>>)
    %mul3A_130 = arith.constant 160 : i32
    %mul3A_131 = arith.muli %add3A, %mul3A_130 : i32
    %add3A_132 = arith.constant 120 : i32
    %add3A_133 = arith.addi %mul3A_131, %add3A_132 : i32
    "tpu.region"() ({
      %run_scoped3A = tpu.sem_alloc : memref<!tpu.dma_semaphore, #tpu.memory_space<semaphore_mem>>
      %dma_start3A_174 = arith.constant 0 : i32
      %dma_start3A_175 = tpu.memref_slice %arg3[%add3A_133, %dma_start3A_174] : memref<5120x64xi32, #tpu.memory_space<hbm>> -> memref<40x64xi32, #tpu.memory_space<hbm>>
      %dma_start3A_176 = arith.constant 0 : i32
      %dma_start3A_177 = tpu.memref_slice %arg3[%add3A_133, %dma_start3A_176] : memref<5120x64xi32, #tpu.memory_space<hbm>> -> memref<40x64xi32, #tpu.memory_space<hbm>>
      tpu.enqueue_dma source(%dma_start3A_177 : memref<40x64xi32, #tpu.memory_space<hbm>>) target(%arg6 : memref<40x64xi32, #tpu.memory_space<vmem>>) target_semaphore(%run_scoped3A : memref<!tpu.dma_semaphore, #tpu.memory_space<semaphore_mem>>)
      %dma_wait3A_178 = arith.constant 0 : i32
      %dma_wait3A_179 = tpu.memref_slice %arg3[%add3A_133, %dma_wait3A_178] : memref<5120x64xi32, #tpu.memory_space<hbm>> -> memref<40x64xi32, #tpu.memory_space<hbm>>
      %dma_wait3A_180 = arith.constant 0 : i32
      %dma_wait3A_181 = tpu.memref_slice %arg3[%add3A_133, %dma_wait3A_180] : memref<5120x64xi32, #tpu.memory_space<hbm>> -> memref<40x64xi32, #tpu.memory_space<hbm>>
      tpu.wait_dma2 semaphore(%run_scoped3A : memref<!tpu.dma_semaphore, #tpu.memory_space<semaphore_mem>>) src(%dma_wait3A_181 : memref<40x64xi32, #tpu.memory_space<hbm>>) dst(%arg6 : memref<40x64xi32, #tpu.memory_space<vmem>>)
      tpu.yield
    }) : () -> ()
    "tpu.region"() ({
      %run_scoped3A = tpu.sem_alloc : memref<!tpu.dma_semaphore, #tpu.memory_space<semaphore_mem>>
      %dma_start3A_174 = arith.constant 0 : i32
      %dma_start3A_175 = tpu.memref_slice %arg4[%add3A_133, %dma_start3A_174] : memref<5120x64xi32, #tpu.memory_space<hbm>> -> memref<40x64xi32, #tpu.memory_space<hbm>>
      %dma_start3A_176 = arith.constant 0 : i32
      %dma_start3A_177 = tpu.memref_slice %arg4[%add3A_133, %dma_start3A_176] : memref<5120x64xi32, #tpu.memory_space<hbm>> -> memref<40x64xi32, #tpu.memory_space<hbm>>
      tpu.enqueue_dma source(%dma_start3A_177 : memref<40x64xi32, #tpu.memory_space<hbm>>) target(%arg7 : memref<40x64xi32, #tpu.memory_space<vmem>>) target_semaphore(%run_scoped3A : memref<!tpu.dma_semaphore, #tpu.memory_space<semaphore_mem>>)
      %dma_wait3A_178 = arith.constant 0 : i32
      %dma_wait3A_179 = tpu.memref_slice %arg4[%add3A_133, %dma_wait3A_178] : memref<5120x64xi32, #tpu.memory_space<hbm>> -> memref<40x64xi32, #tpu.memory_space<hbm>>
      %dma_wait3A_180 = arith.constant 0 : i32
      %dma_wait3A_181 = tpu.memref_slice %arg4[%add3A_133, %dma_wait3A_180] : memref<5120x64xi32, #tpu.memory_space<hbm>> -> memref<40x64xi32, #tpu.memory_space<hbm>>
      tpu.wait_dma2 semaphore(%run_scoped3A : memref<!tpu.dma_semaphore, #tpu.memory_space<semaphore_mem>>) src(%dma_wait3A_181 : memref<40x64xi32, #tpu.memory_space<hbm>>) dst(%arg7 : memref<40x64xi32, #tpu.memory_space<vmem>>)
      tpu.yield
    }) : () -> ()
    %dma_start3A_134 = arith.constant 0 : i32
    %dma_start3A_135 = arith.constant 0 : i32
    %dma_start3A_136 = tpu.memref_slice %arg6[%dma_start3A_134, %dma_start3A_135] : memref<40x64xi32, #tpu.memory_space<vmem>> -> memref<1x64xi32, #tpu.memory_space<vmem>>
    %dma_start3A_137 = tpu.memref_squeeze %dma_start3A_136 : memref<1x64xi32, #tpu.memory_space<vmem>> -> memref<64xi32, #tpu.memory_space<vmem>>
    %dma_start3A_138 = arith.constant 0 : i32
    %dma_start3A_139 = arith.constant 0 : i32
    %dma_start3A_140 = tpu.memref_slice %arg2[%dma_start3A_138, %dma_start3A_139] : memref<10240x128xf32, #tpu.memory_space<hbm>> -> memref<10240x128xf32, #tpu.memory_space<hbm>>
    tpu.enqueue_indirect_dma source(%dma_start3A_140 : memref<10240x128xf32, #tpu.memory_space<hbm>>) target(%arg8 : memref<64x128xf32, #tpu.memory_space<vmem>>) offsets(%dma_start3A_137 : memref<64xi32, #tpu.memory_space<vmem>>) semaphore(%arg13 : memref<!tpu.dma_semaphore, #tpu.memory_space<semaphore_mem>>)
    %dma_start3A_141 = arith.constant 1 : i32
    %dma_start3A_142 = arith.constant 0 : i32
    %dma_start3A_143 = tpu.memref_slice %arg6[%dma_start3A_141, %dma_start3A_142] : memref<40x64xi32, #tpu.memory_space<vmem>> -> memref<1x64xi32, #tpu.memory_space<vmem>>
    %dma_start3A_144 = tpu.memref_squeeze %dma_start3A_143 : memref<1x64xi32, #tpu.memory_space<vmem>> -> memref<64xi32, #tpu.memory_space<vmem>>
    %dma_start3A_145 = arith.constant 0 : i32
    %dma_start3A_146 = arith.constant 0 : i32
    %dma_start3A_147 = tpu.memref_slice %arg2[%dma_start3A_145, %dma_start3A_146] : memref<10240x128xf32, #tpu.memory_space<hbm>> -> memref<10240x128xf32, #tpu.memory_space<hbm>>
    tpu.enqueue_indirect_dma source(%dma_start3A_147 : memref<10240x128xf32, #tpu.memory_space<hbm>>) target(%arg9 : memref<64x128xf32, #tpu.memory_space<vmem>>) offsets(%dma_start3A_144 : memref<64xi32, #tpu.memory_space<vmem>>) semaphore(%arg14 : memref<!tpu.dma_semaphore, #tpu.memory_space<semaphore_mem>>)
    %scan3A_148 = arith.constant 0 : i32
    %scan3A_149 = arith.constant 0 : i32
    %scan3A_150 = arith.constant 10 : i32
    %scan3A_151 = arith.addi %scan3A_149, %scan3A_150 : i32
    %scan3A_152 = arith.constant 1 : i32
    %scan3A_153 = scf.for %scan3A_174 = %scan3A_149 to %scan3A_151 step %scan3A_152 iter_args(%scan3A_175 = %scan3A_148) -> (i32)  : i32 {
      %mul3A_176 = arith.constant 4 : i32
      %mul3A_177 = arith.muli %mul3A_176, %scan3A_174 : i32
      %dma_wait3A_178 = arith.constant 0 : i32
      %dma_wait3A_179 = arith.constant 0 : i32
      %dma_wait3A_180 = tpu.memref_slice %arg6[%dma_wait3A_178, %dma_wait3A_179] : memref<40x64xi32, #tpu.memory_space<vmem>> -> memref<1x64xi32, #tpu.memory_space<vmem>>
      %dma_wait3A_181 = tpu.memref_squeeze %dma_wait3A_180 : memref<1x64xi32, #tpu.memory_space<vmem>> -> memref<64xi32, #tpu.memory_space<vmem>>
      %dma_wait3A_182 = arith.constant 0 : i32
      %dma_wait3A_183 = arith.constant 0 : i32
      %dma_wait3A_184 = tpu.memref_slice %arg2[%dma_wait3A_182, %dma_wait3A_183] : memref<10240x128xf32, #tpu.memory_space<hbm>> -> memref<10240x128xf32, #tpu.memory_space<hbm>>
      tpu.wait_indirect_dma semaphore(%arg13 : memref<!tpu.dma_semaphore, #tpu.memory_space<semaphore_mem>>) src(%dma_wait3A_184 : memref<10240x128xf32, #tpu.memory_space<hbm>>) dst(%arg8 : memref<64x128xf32, #tpu.memory_space<vmem>>)
      %dma_start3A_185 = arith.constant 0 : i32
      %dma_start3A_186 = tpu.memref_slice %arg7[%mul3A_177, %dma_start3A_185] : memref<40x64xi32, #tpu.memory_space<vmem>> -> memref<1x64xi32, #tpu.memory_space<vmem>>
      %dma_start3A_187 = tpu.memref_squeeze %dma_start3A_186 : memref<1x64xi32, #tpu.memory_space<vmem>> -> memref<64xi32, #tpu.memory_space<vmem>>
      %dma_start3A_188 = arith.constant 0 : i32
      %dma_start3A_189 = arith.constant 0 : i32
      %dma_start3A_190 = tpu.memref_slice %arg12[%dma_start3A_188, %dma_start3A_189] : memref<10240x128xf32, #tpu.memory_space<vmem_shared>> -> memref<10240x128xf32, #tpu.memory_space<vmem_shared>>
      tpu.enqueue_indirect_dma source(%arg8 : memref<64x128xf32, #tpu.memory_space<vmem>>) target(%dma_start3A_190 : memref<10240x128xf32, #tpu.memory_space<vmem_shared>>) offsets(%dma_start3A_187 : memref<64xi32, #tpu.memory_space<vmem>>) semaphore(%arg17 : memref<!tpu.dma_semaphore, #tpu.memory_space<semaphore_mem>>) {add = true}
      %gt3A = arith.constant 0 : i32
      %gt3A_191 = arith.cmpi sgt, %scan3A_174, %gt3A : i32
      %convert_element_type3A = arith.extui %gt3A_191 : i1 to i32
      %cond3A = arith.constant 0 : i32
      %cond3A_192 = arith.cmpi ne, %convert_element_type3A, %cond3A : i32
      scf.if %cond3A_192 {
        %dma_wait3A_283 = arith.constant 0 : i32
        %dma_wait3A_284 = arith.constant 0 : i32
        %dma_wait3A_285 = tpu.memref_slice %arg7[%dma_wait3A_283, %dma_wait3A_284] : memref<40x64xi32, #tpu.memory_space<vmem>> -> memref<1x64xi32, #tpu.memory_space<vmem>>
        %dma_wait3A_286 = tpu.memref_squeeze %dma_wait3A_285 : memref<1x64xi32, #tpu.memory_space<vmem>> -> memref<64xi32, #tpu.memory_space<vmem>>
        %dma_wait3A_287 = arith.constant 0 : i32
        %dma_wait3A_288 = arith.constant 0 : i32
        %dma_wait3A_289 = tpu.memref_slice %arg12[%dma_wait3A_287, %dma_wait3A_288] : memref<10240x128xf32, #tpu.memory_space<vmem_shared>> -> memref<10240x128xf32, #tpu.memory_space<vmem_shared>>
        tpu.wait_indirect_dma semaphore(%arg19 : memref<!tpu.dma_semaphore, #tpu.memory_space<semaphore_mem>>) src(%arg10 : memref<64x128xf32, #tpu.memory_space<vmem>>) dst(%dma_wait3A_289 : memref<10240x128xf32, #tpu.memory_space<vmem_shared>>)
      } else {
      }
      %add3A_193 = arith.constant 2 : i32
      %add3A_194 = arith.addi %mul3A_177, %add3A_193 : i32
      %dma_start3A_195 = arith.constant 0 : i32
      %dma_start3A_196 = tpu.memref_slice %arg6[%add3A_194, %dma_start3A_195] : memref<40x64xi32, #tpu.memory_space<vmem>> -> memref<1x64xi32, #tpu.memory_space<vmem>>
      %dma_start3A_197 = tpu.memref_squeeze %dma_start3A_196 : memref<1x64xi32, #tpu.memory_space<vmem>> -> memref<64xi32, #tpu.memory_space<vmem>>
      %dma_start3A_198 = arith.constant 0 : i32
      %dma_start3A_199 = arith.constant 0 : i32
      %dma_start3A_200 = tpu.memref_slice %arg2[%dma_start3A_198, %dma_start3A_199] : memref<10240x128xf32, #tpu.memory_space<hbm>> -> memref<10240x128xf32, #tpu.memory_space<hbm>>
      tpu.enqueue_indirect_dma source(%dma_start3A_200 : memref<10240x128xf32, #tpu.memory_space<hbm>>) target(%arg10 : memref<64x128xf32, #tpu.memory_space<vmem>>) offsets(%dma_start3A_197 : memref<64xi32, #tpu.memory_space<vmem>>) semaphore(%arg15 : memref<!tpu.dma_semaphore, #tpu.memory_space<semaphore_mem>>)
      %dma_wait3A_201 = arith.constant 0 : i32
      %dma_wait3A_202 = arith.constant 0 : i32
      %dma_wait3A_203 = tpu.memref_slice %arg6[%dma_wait3A_201, %dma_wait3A_202] : memref<40x64xi32, #tpu.memory_space<vmem>> -> memref<1x64xi32, #tpu.memory_space<vmem>>
      %dma_wait3A_204 = tpu.memref_squeeze %dma_wait3A_203 : memref<1x64xi32, #tpu.memory_space<vmem>> -> memref<64xi32, #tpu.memory_space<vmem>>
      %dma_wait3A_205 = arith.constant 0 : i32
      %dma_wait3A_206 = arith.constant 0 : i32
      %dma_wait3A_207 = tpu.memref_slice %arg2[%dma_wait3A_205, %dma_wait3A_206] : memref<10240x128xf32, #tpu.memory_space<hbm>> -> memref<10240x128xf32, #tpu.memory_space<hbm>>
      tpu.wait_indirect_dma semaphore(%arg14 : memref<!tpu.dma_semaphore, #tpu.memory_space<semaphore_mem>>) src(%dma_wait3A_207 : memref<10240x128xf32, #tpu.memory_space<hbm>>) dst(%arg9 : memref<64x128xf32, #tpu.memory_space<vmem>>)
      %add3A_208 = arith.constant 1 : i32
      %add3A_209 = arith.addi %mul3A_177, %add3A_208 : i32
      %dma_start3A_210 = arith.constant 0 : i32
      %dma_start3A_211 = tpu.memref_slice %arg7[%add3A_209, %dma_start3A_210] : memref<40x64xi32, #tpu.memory_space<vmem>> -> memref<1x64xi32, #tpu.memory_space<vmem>>
      %dma_start3A_212 = tpu.memref_squeeze %dma_start3A_211 : memref<1x64xi32, #tpu.memory_space<vmem>> -> memref<64xi32, #tpu.memory_space<vmem>>
      %dma_start3A_213 = arith.constant 0 : i32
      %dma_start3A_214 = arith.constant 0 : i32
      %dma_start3A_215 = tpu.memref_slice %arg12[%dma_start3A_213, %dma_start3A_214] : memref<10240x128xf32, #tpu.memory_space<vmem_shared>> -> memref<10240x128xf32, #tpu.memory_space<vmem_shared>>
      tpu.enqueue_indirect_dma source(%arg9 : memref<64x128xf32, #tpu.memory_space<vmem>>) target(%dma_start3A_215 : memref<10240x128xf32, #tpu.memory_space<vmem_shared>>) offsets(%dma_start3A_212 : memref<64xi32, #tpu.memory_space<vmem>>) semaphore(%arg18 : memref<!tpu.dma_semaphore, #tpu.memory_space<semaphore_mem>>) {add = true}
      %gt3A_216 = arith.constant 0 : i32
      %gt3A_217 = arith.cmpi sgt, %scan3A_174, %gt3A_216 : i32
      %convert_element_type3A_218 = arith.extui %gt3A_217 : i1 to i32
      %cond3A_219 = arith.constant 0 : i32
      %cond3A_220 = arith.cmpi ne, %convert_element_type3A_218, %cond3A_219 : i32
      scf.if %cond3A_220 {
        %dma_wait3A_283 = arith.constant 0 : i32
        %dma_wait3A_284 = arith.constant 0 : i32
        %dma_wait3A_285 = tpu.memref_slice %arg7[%dma_wait3A_283, %dma_wait3A_284] : memref<40x64xi32, #tpu.memory_space<vmem>> -> memref<1x64xi32, #tpu.memory_space<vmem>>
        %dma_wait3A_286 = tpu.memref_squeeze %dma_wait3A_285 : memref<1x64xi32, #tpu.memory_space<vmem>> -> memref<64xi32, #tpu.memory_space<vmem>>
        %dma_wait3A_287 = arith.constant 0 : i32
        %dma_wait3A_288 = arith.constant 0 : i32
        %dma_wait3A_289 = tpu.memref_slice %arg12[%dma_wait3A_287, %dma_wait3A_288] : memref<10240x128xf32, #tpu.memory_space<vmem_shared>> -> memref<10240x128xf32, #tpu.memory_space<vmem_shared>>
        tpu.wait_indirect_dma semaphore(%arg20 : memref<!tpu.dma_semaphore, #tpu.memory_space<semaphore_mem>>) src(%arg11 : memref<64x128xf32, #tpu.memory_space<vmem>>) dst(%dma_wait3A_289 : memref<10240x128xf32, #tpu.memory_space<vmem_shared>>)
      } else {
      }
      %add3A_221 = arith.constant 3 : i32
      %add3A_222 = arith.addi %mul3A_177, %add3A_221 : i32
      %dma_start3A_223 = arith.constant 0 : i32
      %dma_start3A_224 = tpu.memref_slice %arg6[%add3A_222, %dma_start3A_223] : memref<40x64xi32, #tpu.memory_space<vmem>> -> memref<1x64xi32, #tpu.memory_space<vmem>>
      %dma_start3A_225 = tpu.memref_squeeze %dma_start3A_224 : memref<1x64xi32, #tpu.memory_space<vmem>> -> memref<64xi32, #tpu.memory_space<vmem>>
      %dma_start3A_226 = arith.constant 0 : i32
      %dma_start3A_227 = arith.constant 0 : i32
      %dma_start3A_228 = tpu.memref_slice %arg2[%dma_start3A_226, %dma_start3A_227] : memref<10240x128xf32, #tpu.memory_space<hbm>> -> memref<10240x128xf32, #tpu.memory_space<hbm>>
      tpu.enqueue_indirect_dma source(%dma_start3A_228 : memref<10240x128xf32, #tpu.memory_space<hbm>>) target(%arg11 : memref<64x128xf32, #tpu.memory_space<vmem>>) offsets(%dma_start3A_225 : memref<64xi32, #tpu.memory_space<vmem>>) semaphore(%arg16 : memref<!tpu.dma_semaphore, #tpu.memory_space<semaphore_mem>>)
      %dma_wait3A_229 = arith.constant 0 : i32
      %dma_wait3A_230 = arith.constant 0 : i32
      %dma_wait3A_231 = tpu.memref_slice %arg6[%dma_wait3A_229, %dma_wait3A_230] : memref<40x64xi32, #tpu.memory_space<vmem>> -> memref<1x64xi32, #tpu.memory_space<vmem>>
      %dma_wait3A_232 = tpu.memref_squeeze %dma_wait3A_231 : memref<1x64xi32, #tpu.memory_space<vmem>> -> memref<64xi32, #tpu.memory_space<vmem>>
      %dma_wait3A_233 = arith.constant 0 : i32
      %dma_wait3A_234 = arith.constant 0 : i32
      %dma_wait3A_235 = tpu.memref_slice %arg2[%dma_wait3A_233, %dma_wait3A_234] : memref<10240x128xf32, #tpu.memory_space<hbm>> -> memref<10240x128xf32, #tpu.memory_space<hbm>>
      tpu.wait_indirect_dma semaphore(%arg15 : memref<!tpu.dma_semaphore, #tpu.memory_space<semaphore_mem>>) src(%dma_wait3A_235 : memref<10240x128xf32, #tpu.memory_space<hbm>>) dst(%arg10 : memref<64x128xf32, #tpu.memory_space<vmem>>)
      %add3A_236 = arith.constant 2 : i32
      %add3A_237 = arith.addi %mul3A_177, %add3A_236 : i32
      %dma_start3A_238 = arith.constant 0 : i32
      %dma_start3A_239 = tpu.memref_slice %arg7[%add3A_237, %dma_start3A_238] : memref<40x64xi32, #tpu.memory_space<vmem>> -> memref<1x64xi32, #tpu.memory_space<vmem>>
      %dma_start3A_240 = tpu.memref_squeeze %dma_start3A_239 : memref<1x64xi32, #tpu.memory_space<vmem>> -> memref<64xi32, #tpu.memory_space<vmem>>
      %dma_start3A_241 = arith.constant 0 : i32
      %dma_start3A_242 = arith.constant 0 : i32
      %dma_start3A_243 = tpu.memref_slice %arg12[%dma_start3A_241, %dma_start3A_242] : memref<10240x128xf32, #tpu.memory_space<vmem_shared>> -> memref<10240x128xf32, #tpu.memory_space<vmem_shared>>
      tpu.enqueue_indirect_dma source(%arg10 : memref<64x128xf32, #tpu.memory_space<vmem>>) target(%dma_start3A_243 : memref<10240x128xf32, #tpu.memory_space<vmem_shared>>) offsets(%dma_start3A_240 : memref<64xi32, #tpu.memory_space<vmem>>) semaphore(%arg19 : memref<!tpu.dma_semaphore, #tpu.memory_space<semaphore_mem>>) {add = true}
      %dma_wait3A_244 = arith.constant 0 : i32
      %dma_wait3A_245 = arith.constant 0 : i32
      %dma_wait3A_246 = tpu.memref_slice %arg7[%dma_wait3A_244, %dma_wait3A_245] : memref<40x64xi32, #tpu.memory_space<vmem>> -> memref<1x64xi32, #tpu.memory_space<vmem>>
      %dma_wait3A_247 = tpu.memref_squeeze %dma_wait3A_246 : memref<1x64xi32, #tpu.memory_space<vmem>> -> memref<64xi32, #tpu.memory_space<vmem>>
      %dma_wait3A_248 = arith.constant 0 : i32
      %dma_wait3A_249 = arith.constant 0 : i32
      %dma_wait3A_250 = tpu.memref_slice %arg12[%dma_wait3A_248, %dma_wait3A_249] : memref<10240x128xf32, #tpu.memory_space<vmem_shared>> -> memref<10240x128xf32, #tpu.memory_space<vmem_shared>>
      tpu.wait_indirect_dma semaphore(%arg17 : memref<!tpu.dma_semaphore, #tpu.memory_space<semaphore_mem>>) src(%arg8 : memref<64x128xf32, #tpu.memory_space<vmem>>) dst(%dma_wait3A_250 : memref<10240x128xf32, #tpu.memory_space<vmem_shared>>)
      %lt3A = arith.constant 9 : i32
      %lt3A_251 = arith.cmpi slt, %scan3A_174, %lt3A : i32
      %convert_element_type3A_252 = arith.extui %lt3A_251 : i1 to i32
      %cond3A_253 = arith.constant 0 : i32
      %cond3A_254 = arith.cmpi ne, %convert_element_type3A_252, %cond3A_253 : i32
      scf.if %cond3A_254 {
        %add3A_283 = arith.constant 4 : i32
        %add3A_284 = arith.addi %mul3A_177, %add3A_283 : i32
        %dma_start3A_285 = arith.constant 0 : i32
        %dma_start3A_286 = tpu.memref_slice %arg6[%add3A_284, %dma_start3A_285] : memref<40x64xi32, #tpu.memory_space<vmem>> -> memref<1x64xi32, #tpu.memory_space<vmem>>
        %dma_start3A_287 = tpu.memref_squeeze %dma_start3A_286 : memref<1x64xi32, #tpu.memory_space<vmem>> -> memref<64xi32, #tpu.memory_space<vmem>>
        %dma_start3A_288 = arith.constant 0 : i32
        %dma_start3A_289 = arith.constant 0 : i32
        %dma_start3A_290 = tpu.memref_slice %arg2[%dma_start3A_288, %dma_start3A_289] : memref<10240x128xf32, #tpu.memory_space<hbm>> -> memref<10240x128xf32, #tpu.memory_space<hbm>>
        tpu.enqueue_indirect_dma source(%dma_start3A_290 : memref<10240x128xf32, #tpu.memory_space<hbm>>) target(%arg8 : memref<64x128xf32, #tpu.memory_space<vmem>>) offsets(%dma_start3A_287 : memref<64xi32, #tpu.memory_space<vmem>>) semaphore(%arg13 : memref<!tpu.dma_semaphore, #tpu.memory_space<semaphore_mem>>)
      } else {
      }
      %dma_wait3A_255 = arith.constant 0 : i32
      %dma_wait3A_256 = arith.constant 0 : i32
      %dma_wait3A_257 = tpu.memref_slice %arg6[%dma_wait3A_255, %dma_wait3A_256] : memref<40x64xi32, #tpu.memory_space<vmem>> -> memref<1x64xi32, #tpu.memory_space<vmem>>
      %dma_wait3A_258 = tpu.memref_squeeze %dma_wait3A_257 : memref<1x64xi32, #tpu.memory_space<vmem>> -> memref<64xi32, #tpu.memory_space<vmem>>
      %dma_wait3A_259 = arith.constant 0 : i32
      %dma_wait3A_260 = arith.constant 0 : i32
      %dma_wait3A_261 = tpu.memref_slice %arg2[%dma_wait3A_259, %dma_wait3A_260] : memref<10240x128xf32, #tpu.memory_space<hbm>> -> memref<10240x128xf32, #tpu.memory_space<hbm>>
      tpu.wait_indirect_dma semaphore(%arg16 : memref<!tpu.dma_semaphore, #tpu.memory_space<semaphore_mem>>) src(%dma_wait3A_261 : memref<10240x128xf32, #tpu.memory_space<hbm>>) dst(%arg11 : memref<64x128xf32, #tpu.memory_space<vmem>>)
      %add3A_262 = arith.constant 3 : i32
      %add3A_263 = arith.addi %mul3A_177, %add3A_262 : i32
      %dma_start3A_264 = arith.constant 0 : i32
      %dma_start3A_265 = tpu.memref_slice %arg7[%add3A_263, %dma_start3A_264] : memref<40x64xi32, #tpu.memory_space<vmem>> -> memref<1x64xi32, #tpu.memory_space<vmem>>
      %dma_start3A_266 = tpu.memref_squeeze %dma_start3A_265 : memref<1x64xi32, #tpu.memory_space<vmem>> -> memref<64xi32, #tpu.memory_space<vmem>>
      %dma_start3A_267 = arith.constant 0 : i32
      %dma_start3A_268 = arith.constant 0 : i32
      %dma_start3A_269 = tpu.memref_slice %arg12[%dma_start3A_267, %dma_start3A_268] : memref<10240x128xf32, #tpu.memory_space<vmem_shared>> -> memref<10240x128xf32, #tpu.memory_space<vmem_shared>>
      tpu.enqueue_indirect_dma source(%arg11 : memref<64x128xf32, #tpu.memory_space<vmem>>) target(%dma_start3A_269 : memref<10240x128xf32, #tpu.memory_space<vmem_shared>>) offsets(%dma_start3A_266 : memref<64xi32, #tpu.memory_space<vmem>>) semaphore(%arg20 : memref<!tpu.dma_semaphore, #tpu.memory_space<semaphore_mem>>) {add = true}
      %dma_wait3A_270 = arith.constant 0 : i32
      %dma_wait3A_271 = arith.constant 0 : i32
      %dma_wait3A_272 = tpu.memref_slice %arg7[%dma_wait3A_270, %dma_wait3A_271] : memref<40x64xi32, #tpu.memory_space<vmem>> -> memref<1x64xi32, #tpu.memory_space<vmem>>
      %dma_wait3A_273 = tpu.memref_squeeze %dma_wait3A_272 : memref<1x64xi32, #tpu.memory_space<vmem>> -> memref<64xi32, #tpu.memory_space<vmem>>
      %dma_wait3A_274 = arith.constant 0 : i32
      %dma_wait3A_275 = arith.constant 0 : i32
      %dma_wait3A_276 = tpu.memref_slice %arg12[%dma_wait3A_274, %dma_wait3A_275] : memref<10240x128xf32, #tpu.memory_space<vmem_shared>> -> memref<10240x128xf32, #tpu.memory_space<vmem_shared>>
      tpu.wait_indirect_dma semaphore(%arg18 : memref<!tpu.dma_semaphore, #tpu.memory_space<semaphore_mem>>) src(%arg9 : memref<64x128xf32, #tpu.memory_space<vmem>>) dst(%dma_wait3A_276 : memref<10240x128xf32, #tpu.memory_space<vmem_shared>>)
      %lt3A_277 = arith.constant 9 : i32
      %lt3A_278 = arith.cmpi slt, %scan3A_174, %lt3A_277 : i32
      %convert_element_type3A_279 = arith.extui %lt3A_278 : i1 to i32
      %cond3A_280 = arith.constant 0 : i32
      %cond3A_281 = arith.cmpi ne, %convert_element_type3A_279, %cond3A_280 : i32
      scf.if %cond3A_281 {
        %add3A_283 = arith.constant 5 : i32
        %add3A_284 = arith.addi %mul3A_177, %add3A_283 : i32
        %dma_start3A_285 = arith.constant 0 : i32
        %dma_start3A_286 = tpu.memref_slice %arg6[%add3A_284, %dma_start3A_285] : memref<40x64xi32, #tpu.memory_space<vmem>> -> memref<1x64xi32, #tpu.memory_space<vmem>>
        %dma_start3A_287 = tpu.memref_squeeze %dma_start3A_286 : memref<1x64xi32, #tpu.memory_space<vmem>> -> memref<64xi32, #tpu.memory_space<vmem>>
        %dma_start3A_288 = arith.constant 0 : i32
        %dma_start3A_289 = arith.constant 0 : i32
        %dma_start3A_290 = tpu.memref_slice %arg2[%dma_start3A_288, %dma_start3A_289] : memref<10240x128xf32, #tpu.memory_space<hbm>> -> memref<10240x128xf32, #tpu.memory_space<hbm>>
        tpu.enqueue_indirect_dma source(%dma_start3A_290 : memref<10240x128xf32, #tpu.memory_space<hbm>>) target(%arg9 : memref<64x128xf32, #tpu.memory_space<vmem>>) offsets(%dma_start3A_287 : memref<64xi32, #tpu.memory_space<vmem>>) semaphore(%arg14 : memref<!tpu.dma_semaphore, #tpu.memory_space<semaphore_mem>>)
      } else {
      }
      %scan3A_282 = arith.constant 0 : i32
      scf.yield %scan3A_282 : i32
    }
    %scan3A_154 = arith.constant 10 : i32
    %dma_wait3A_155 = arith.constant 0 : i32
    %dma_wait3A_156 = arith.constant 0 : i32
    %dma_wait3A_157 = tpu.memref_slice %arg7[%dma_wait3A_155, %dma_wait3A_156] : memref<40x64xi32, #tpu.memory_space<vmem>> -> memref<1x64xi32, #tpu.memory_space<vmem>>
    %dma_wait3A_158 = tpu.memref_squeeze %dma_wait3A_157 : memref<1x64xi32, #tpu.memory_space<vmem>> -> memref<64xi32, #tpu.memory_space<vmem>>
    %dma_wait3A_159 = arith.constant 0 : i32
    %dma_wait3A_160 = arith.constant 0 : i32
    %dma_wait3A_161 = tpu.memref_slice %arg12[%dma_wait3A_159, %dma_wait3A_160] : memref<10240x128xf32, #tpu.memory_space<vmem_shared>> -> memref<10240x128xf32, #tpu.memory_space<vmem_shared>>
    tpu.wait_indirect_dma semaphore(%arg19 : memref<!tpu.dma_semaphore, #tpu.memory_space<semaphore_mem>>) src(%arg10 : memref<64x128xf32, #tpu.memory_space<vmem>>) dst(%dma_wait3A_161 : memref<10240x128xf32, #tpu.memory_space<vmem_shared>>)
    %dma_wait3A_162 = arith.constant 0 : i32
    %dma_wait3A_163 = arith.constant 0 : i32
    %dma_wait3A_164 = tpu.memref_slice %arg7[%dma_wait3A_162, %dma_wait3A_163] : memref<40x64xi32, #tpu.memory_space<vmem>> -> memref<1x64xi32, #tpu.memory_space<vmem>>
    %dma_wait3A_165 = tpu.memref_squeeze %dma_wait3A_164 : memref<1x64xi32, #tpu.memory_space<vmem>> -> memref<64xi32, #tpu.memory_space<vmem>>
    %dma_wait3A_166 = arith.constant 0 : i32
    %dma_wait3A_167 = arith.constant 0 : i32
    %dma_wait3A_168 = tpu.memref_slice %arg12[%dma_wait3A_166, %dma_wait3A_167] : memref<10240x128xf32, #tpu.memory_space<vmem_shared>> -> memref<10240x128xf32, #tpu.memory_space<vmem_shared>>
    tpu.wait_indirect_dma semaphore(%arg20 : memref<!tpu.dma_semaphore, #tpu.memory_space<semaphore_mem>>) src(%arg11 : memref<64x128xf32, #tpu.memory_space<vmem>>) dst(%dma_wait3A_168 : memref<10240x128xf32, #tpu.memory_space<vmem_shared>>)
    %barrier3A_169 = arith.constant 0 : index
    tpu.barrier barrier_id(%barrier3A_169)
    %mul3A_170 = arith.constant 640 : i32
    %mul3A_171 = arith.muli %arg1, %mul3A_170 : i32
    %mul3A_172 = arith.constant 640 : i32
    %mul3A_173 = arith.muli %arg1, %mul3A_172 : i32
    "tpu.region"() ({
      %run_scoped3A = tpu.sem_alloc : memref<!tpu.dma_semaphore, #tpu.memory_space<semaphore_mem>>
      %dma_start3A_174 = arith.constant 0 : i32
      %dma_start3A_175 = tpu.memref_slice %arg5[%arg0, %mul3A_173, %dma_start3A_174] : memref<2x10240x128xf32, #tpu.memory_space<hbm>> -> memref<1x640x128xf32, #tpu.memory_space<hbm>>
      %dma_start3A_176 = tpu.memref_squeeze %dma_start3A_175 : memref<1x640x128xf32, #tpu.memory_space<hbm>> -> memref<640x128xf32, #tpu.memory_space<hbm>>
      %dma_start3A_177 = arith.constant 0 : i32
      %dma_start3A_178 = tpu.memref_slice %arg12[%mul3A_171, %dma_start3A_177] : memref<10240x128xf32, #tpu.memory_space<vmem_shared>> -> memref<640x128xf32, #tpu.memory_space<vmem_shared>>
      tpu.enqueue_dma source(%dma_start3A_178 : memref<640x128xf32, #tpu.memory_space<vmem_shared>>) target(%dma_start3A_176 : memref<640x128xf32, #tpu.memory_space<hbm>>) target_semaphore(%run_scoped3A : memref<!tpu.dma_semaphore, #tpu.memory_space<semaphore_mem>>)
      %dma_wait3A_179 = arith.constant 0 : i32
      %dma_wait3A_180 = tpu.memref_slice %arg5[%arg0, %mul3A_173, %dma_wait3A_179] : memref<2x10240x128xf32, #tpu.memory_space<hbm>> -> memref<1x640x128xf32, #tpu.memory_space<hbm>>
      %dma_wait3A_181 = tpu.memref_squeeze %dma_wait3A_180 : memref<1x640x128xf32, #tpu.memory_space<hbm>> -> memref<640x128xf32, #tpu.memory_space<hbm>>
      %dma_wait3A_182 = arith.constant 0 : i32
      %dma_wait3A_183 = tpu.memref_slice %arg12[%mul3A_171, %dma_wait3A_182] : memref<10240x128xf32, #tpu.memory_space<vmem_shared>> -> memref<640x128xf32, #tpu.memory_space<vmem_shared>>
      tpu.wait_dma2 semaphore(%run_scoped3A : memref<!tpu.dma_semaphore, #tpu.memory_space<semaphore_mem>>) src(%dma_wait3A_183 : memref<640x128xf32, #tpu.memory_space<vmem_shared>>) dst(%dma_wait3A_181 : memref<640x128xf32, #tpu.memory_space<hbm>>)
      tpu.yield
    }) : () -> ()
    return
  }
}

module attributes {stable_mosaic.version = 14 : i64} {
  func.func @body(%arg0: memref<32x80x128xf32, #tpu.memory_space<vmem>>, %arg1: memref<80x128xf32, #tpu.memory_space<vmem>>) attributes {dimension_semantics = [], scalar_prefetch = 0 : i64, scratch_operands = 0 : i64, tpu.core_type = #tpu.core_type<tc>} {
    %get3A = arith.constant 0 : index
    %get3A_0 = arith.constant 0 : index
    %get3A_1 = arith.constant 0 : index
    %get3A_2 = vector.load %arg0[%get3A, %get3A_0, %get3A_1] : memref<32x80x128xf32, #tpu.memory_space<vmem>>, vector<32x80x128xf32>
    %reduce_sum3A = arith.constant dense<0.000000e+00> : vector<80x128xf32>
    %reduce_sum3A_3 = vector.multi_reduction <add>, %get3A_2, %reduce_sum3A [0] : vector<32x80x128xf32> to vector<80x128xf32>
    %swap3A = arith.constant 0 : index
    %swap3A_4 = arith.constant 0 : index
    %swap3A_5 = vector.load %arg1[%swap3A, %swap3A_4] : memref<80x128xf32, #tpu.memory_space<vmem>>, vector<80x128xf32>
    tpu.vector_store %arg1[%swap3A, %swap3A_4], %reduce_sum3A_3 {strides = array<i32>} : memref<80x128xf32, #tpu.memory_space<vmem>>, vector<80x128xf32>,
    return
  }
}

module attributes {stable_mosaic.version = 14 : i64} {
  func.func @body(%arg0: i32, %arg1: memref<1024x128xf32, #tpu.memory_space<vmem>>, %arg2: memref<128x128xf32, #tpu.memory_space<vmem>>, %arg3: memref<1024x1xf32, #tpu.memory_space<vmem>>, %arg4: memref<1024x128xf32, #tpu.memory_space<vmem>>) attributes {dimension_semantics = [#tpu.dimension_semantics<arbitrary>], iteration_bounds = array<i64: 10>, scalar_prefetch = 0 : i64, scratch_operands = 0 : i64, tpu.core_type = #tpu.core_type<tc>, window_params = [{transform_indices = @transform_0, window_bounds = array<i64: 1024, 128>}, {pipeline_mode = #tpu.pipeline_mode<synchronous>, transform_indices = @transform_1, window_bounds = array<i64: 128, 128>}, {transform_indices = @transform_2, window_bounds = array<i64: 1024, 1>}, {transform_indices = @transform_3, window_bounds = array<i64: 1024, 128>}]} {
    %get3A = arith.constant 0 : index
    %get3A_0 = arith.constant 0 : index
    %get3A_1 = vector.load %arg3[%get3A, %get3A_0] : memref<1024x1xf32, #tpu.memory_space<vmem>>, vector<1024x1xf32>
    %add3A = arith.constant 1.000000e+00 : f32
    %add3A_2 = vector.broadcast %add3A : f32 to vector<1024x1xf32>
    %add3A_3 = arith.addf %get3A_1, %add3A_2 : vector<1024x1xf32>
    %rsqrt3A = math.rsqrt %add3A_3 : vector<1024x1xf32>
    %get3A_4 = arith.constant 0 : index
    %get3A_5 = arith.constant 0 : index
    %get3A_6 = vector.load %arg1[%get3A_4, %get3A_5] : memref<1024x128xf32, #tpu.memory_space<vmem>>, vector<1024x128xf32>
    %get3A_7 = arith.constant 0 : index
    %get3A_8 = arith.constant 0 : index
    %get3A_9 = vector.load %arg2[%get3A_7, %get3A_8] : memref<128x128xf32, #tpu.memory_space<vmem>>, vector<128x128xf32>
    %dot_general3A = arith.constant dense<0.000000e+00> : vector<1024x128xf32>
    %dot_general3A_10 = tpu.matmul %get3A_6, %get3A_9, %dot_general3A {dimension_numbers = #tpu.dot_dimension_numbers<[1], [0], [0], [1], [0, 0, 1, 1], [], []>, transpose_lhs_hint = false} : vector<1024x128xf32>, vector<128x128xf32>, vector<1024x128xf32> -> vector<1024x128xf32>
    %mul3A = vector.broadcast %rsqrt3A : vector<1024x1xf32> to vector<1024x128xf32>
    %mul3A_11 = arith.mulf %dot_general3A_10, %mul3A : vector<1024x128xf32>
    %swap3A = arith.constant 0 : index
    %swap3A_12 = arith.constant 0 : index
    %swap3A_13 = vector.load %arg4[%swap3A, %swap3A_12] : memref<1024x128xf32, #tpu.memory_space<vmem>>, vector<1024x128xf32>
    tpu.vector_store %arg4[%swap3A, %swap3A_12], %mul3A_11 {strides = array<i32>} : memref<1024x128xf32, #tpu.memory_space<vmem>>, vector<1024x128xf32>,
    return
  }
  func.func @transform_0(%arg0: i32) -> (i32, i32) {
    %c0_i32 = arith.constant 0 : i32
    %c0_i32_0 = arith.constant 0 : i32
    return %arg0, %c0_i32 : i32, i32
  }
  func.func @transform_1(%arg0: i32) -> (i32, i32) {
    %c0_i32 = arith.constant 0 : i32
    %c0_i32_0 = arith.constant 0 : i32
    %c0_i32_1 = arith.constant 0 : i32
    return %c0_i32, %c0_i32_0 : i32, i32
  }
  func.func @transform_2(%arg0: i32) -> (i32, i32) {
    %c0_i32 = arith.constant 0 : i32
    %c0_i32_0 = arith.constant 0 : i32
    return %arg0, %c0_i32 : i32, i32
  }
  func.func @transform_3(%arg0: i32) -> (i32, i32) {
    %c0_i32 = arith.constant 0 : i32
    %c0_i32_0 = arith.constant 0 : i32
    return %arg0, %c0_i32 : i32, i32
  }
}

module attributes {stable_mosaic.version = 14 : i64} {
  func.func @body(%arg0: i32, %arg1: memref<2x1024x128xf32, #tpu.memory_space<vmem>>, %arg2: memref<1024x128xf32, #tpu.memory_space<vmem>>, %arg3: memref<1024x1xf32, #tpu.memory_space<vmem>>, %arg4: memref<128x128xf32, #tpu.memory_space<vmem>>, %arg5: memref<1x128xf32, #tpu.memory_space<vmem>>, %arg6: memref<1024x128xf32, #tpu.memory_space<vmem>>) attributes {dimension_semantics = [#tpu.dimension_semantics<arbitrary>], iteration_bounds = array<i64: 10>, scalar_prefetch = 0 : i64, scratch_operands = 0 : i64, tpu.core_type = #tpu.core_type<tc>, window_params = [{transform_indices = @transform_0, window_bounds = array<i64: 2, 1024, 128>}, {transform_indices = @transform_1, window_bounds = array<i64: 1024, 128>}, {transform_indices = @transform_2, window_bounds = array<i64: 1024, 1>}, {pipeline_mode = #tpu.pipeline_mode<synchronous>, transform_indices = @transform_3, window_bounds = array<i64: 128, 128>}, {pipeline_mode = #tpu.pipeline_mode<synchronous>, transform_indices = @transform_4, window_bounds = array<i64: 1, 128>}, {transform_indices = @transform_5, window_bounds = array<i64: 1024, 128>}]} {
    %get3A = arith.constant 0 : index
    %get3A_0 = arith.constant 0 : index
    %get3A_1 = vector.load %arg3[%get3A, %get3A_0] : memref<1024x1xf32, #tpu.memory_space<vmem>>, vector<1024x1xf32>
    %add3A = arith.constant 1.000000e+00 : f32
    %add3A_2 = vector.broadcast %add3A : f32 to vector<1024x1xf32>
    %add3A_3 = arith.addf %get3A_1, %add3A_2 : vector<1024x1xf32>
    %rsqrt3A = math.rsqrt %add3A_3 : vector<1024x1xf32>
    %get3A_4 = arith.constant 0 : index
    %get3A_5 = arith.constant 0 : index
    %get3A_6 = arith.constant 0 : index
    %get3A_7 = vector.load %arg1[%get3A_4, %get3A_5, %get3A_6] : memref<2x1024x128xf32, #tpu.memory_space<vmem>>, vector<1x1024x128xf32>
    %get3A_8 = vector.shape_cast %get3A_7 : vector<1x1024x128xf32> to vector<1024x128xf32>
    %get3A_9 = arith.constant 1 : index
    %get3A_10 = arith.constant 0 : index
    %get3A_11 = arith.constant 0 : index
    %get3A_12 = vector.load %arg1[%get3A_9, %get3A_10, %get3A_11] : memref<2x1024x128xf32, #tpu.memory_space<vmem>>, vector<1x1024x128xf32>
    %get3A_13 = vector.shape_cast %get3A_12 : vector<1x1024x128xf32> to vector<1024x128xf32>
    %add3A_14 = arith.addf %get3A_8, %get3A_13 : vector<1024x128xf32>
    %get3A_15 = arith.constant 0 : index
    %get3A_16 = arith.constant 0 : index
    %get3A_17 = vector.load %arg2[%get3A_15, %get3A_16] : memref<1024x128xf32, #tpu.memory_space<vmem>>, vector<1024x128xf32>
    %add3A_18 = arith.addf %add3A_14, %get3A_17 : vector<1024x128xf32>
    %mul3A = vector.broadcast %rsqrt3A : vector<1024x1xf32> to vector<1024x128xf32>
    %mul3A_19 = arith.mulf %add3A_18, %mul3A : vector<1024x128xf32>
    %get3A_20 = arith.constant 0 : index
    %get3A_21 = arith.constant 0 : index
    %get3A_22 = vector.load %arg5[%get3A_20, %get3A_21] : memref<1x128xf32, #tpu.memory_space<vmem>>, vector<1x128xf32>
    %add3A_23 = vector.broadcast %get3A_22 : vector<1x128xf32> to vector<1024x128xf32>
    %add3A_24 = arith.addf %mul3A_19, %add3A_23 : vector<1024x128xf32>
    %max3A = arith.constant 0.000000e+00 : f32
    %max3A_25 = vector.broadcast %max3A : f32 to vector<1024x128xf32>
    %max3A_26 = arith.maximumf %add3A_24, %max3A_25 : vector<1024x128xf32>
    %get3A_27 = arith.constant 0 : index
    %get3A_28 = arith.constant 0 : index
    %get3A_29 = vector.load %arg4[%get3A_27, %get3A_28] : memref<128x128xf32, #tpu.memory_space<vmem>>, vector<128x128xf32>
    %dot_general3A = arith.constant dense<0.000000e+00> : vector<1024x128xf32>
    %dot_general3A_30 = tpu.matmul %max3A_26, %get3A_29, %dot_general3A {dimension_numbers = #tpu.dot_dimension_numbers<[1], [0], [0], [1], [0, 0, 1, 1], [], []>, transpose_lhs_hint = false} : vector<1024x128xf32>, vector<128x128xf32>, vector<1024x128xf32> -> vector<1024x128xf32>
    %mul3A_31 = vector.broadcast %rsqrt3A : vector<1024x1xf32> to vector<1024x128xf32>
    %mul3A_32 = arith.mulf %dot_general3A_30, %mul3A_31 : vector<1024x128xf32>
    %swap3A = arith.constant 0 : index
    %swap3A_33 = arith.constant 0 : index
    %swap3A_34 = vector.load %arg6[%swap3A, %swap3A_33] : memref<1024x128xf32, #tpu.memory_space<vmem>>, vector<1024x128xf32>
    tpu.vector_store %arg6[%swap3A, %swap3A_33], %mul3A_32 {strides = array<i32>} : memref<1024x128xf32, #tpu.memory_space<vmem>>, vector<1024x128xf32>,
    return
  }
  func.func @transform_0(%arg0: i32) -> (i32, i32, i32) {
    %c0_i32 = arith.constant 0 : i32
    %c0_i32_0 = arith.constant 0 : i32
    %c0_i32_1 = arith.constant 0 : i32
    return %c0_i32, %arg0, %c0_i32_0 : i32, i32, i32
  }
  func.func @transform_1(%arg0: i32) -> (i32, i32) {
    %c0_i32 = arith.constant 0 : i32
    %c0_i32_0 = arith.constant 0 : i32
    return %arg0, %c0_i32 : i32, i32
  }
  func.func @transform_2(%arg0: i32) -> (i32, i32) {
    %c0_i32 = arith.constant 0 : i32
    %c0_i32_0 = arith.constant 0 : i32
    return %arg0, %c0_i32 : i32, i32
  }
  func.func @transform_3(%arg0: i32) -> (i32, i32) {
    %c0_i32 = arith.constant 0 : i32
    %c0_i32_0 = arith.constant 0 : i32
    %c0_i32_1 = arith.constant 0 : i32
    return %c0_i32, %c0_i32_0 : i32, i32
  }
  func.func @transform_4(%arg0: i32) -> (i32, i32) {
    %c0_i32 = arith.constant 0 : i32
    %c0_i32_0 = arith.constant 0 : i32
    %c0_i32_1 = arith.constant 0 : i32
    return %c0_i32, %c0_i32_0 : i32, i32
  }
  func.func @transform_5(%arg0: i32) -> (i32, i32) {
    %c0_i32 = arith.constant 0 : i32
    %c0_i32_0 = arith.constant 0 : i32
    return %arg0, %c0_i32 : i32, i32
  }
}

module attributes {stable_mosaic.version = 14 : i64} {
  func.func @body(%arg0: i32, %arg1: memref<2x1000x128xf32, #tpu.memory_space<vmem>>, %arg2: memref<1000x128xf32, #tpu.memory_space<vmem>>, %arg3: memref<1000x1xf32, #tpu.memory_space<vmem>>, %arg4: memref<1x128xf32, #tpu.memory_space<vmem>>, %arg5: memref<1000x128xf32, #tpu.memory_space<vmem>>) attributes {dimension_semantics = [#tpu.dimension_semantics<arbitrary>], iteration_bounds = array<i64: 10>, scalar_prefetch = 0 : i64, scratch_operands = 0 : i64, tpu.core_type = #tpu.core_type<tc>, window_params = [{transform_indices = @transform_0, window_bounds = array<i64: 2, 1000, 128>}, {transform_indices = @transform_1, window_bounds = array<i64: 1000, 128>}, {transform_indices = @transform_2, window_bounds = array<i64: 1000, 1>}, {pipeline_mode = #tpu.pipeline_mode<synchronous>, transform_indices = @transform_3, window_bounds = array<i64: 1, 128>}, {transform_indices = @transform_4, window_bounds = array<i64: 1000, 128>}]} {
    %get3A = arith.constant 0 : index
    %get3A_0 = arith.constant 0 : index
    %get3A_1 = vector.load %arg3[%get3A, %get3A_0] : memref<1000x1xf32, #tpu.memory_space<vmem>>, vector<1000x1xf32>
    %add3A = arith.constant 1.000000e+00 : f32
    %add3A_2 = vector.broadcast %add3A : f32 to vector<1000x1xf32>
    %add3A_3 = arith.addf %get3A_1, %add3A_2 : vector<1000x1xf32>
    %rsqrt3A = math.rsqrt %add3A_3 : vector<1000x1xf32>
    %get3A_4 = arith.constant 0 : index
    %get3A_5 = arith.constant 0 : index
    %get3A_6 = arith.constant 0 : index
    %get3A_7 = vector.load %arg1[%get3A_4, %get3A_5, %get3A_6] : memref<2x1000x128xf32, #tpu.memory_space<vmem>>, vector<1x1000x128xf32>
    %get3A_8 = vector.shape_cast %get3A_7 : vector<1x1000x128xf32> to vector<1000x128xf32>
    %get3A_9 = arith.constant 1 : index
    %get3A_10 = arith.constant 0 : index
    %get3A_11 = arith.constant 0 : index
    %get3A_12 = vector.load %arg1[%get3A_9, %get3A_10, %get3A_11] : memref<2x1000x128xf32, #tpu.memory_space<vmem>>, vector<1x1000x128xf32>
    %get3A_13 = vector.shape_cast %get3A_12 : vector<1x1000x128xf32> to vector<1000x128xf32>
    %add3A_14 = arith.addf %get3A_8, %get3A_13 : vector<1000x128xf32>
    %get3A_15 = arith.constant 0 : index
    %get3A_16 = arith.constant 0 : index
    %get3A_17 = vector.load %arg2[%get3A_15, %get3A_16] : memref<1000x128xf32, #tpu.memory_space<vmem>>, vector<1000x128xf32>
    %add3A_18 = arith.addf %add3A_14, %get3A_17 : vector<1000x128xf32>
    %mul3A = vector.broadcast %rsqrt3A : vector<1000x1xf32> to vector<1000x128xf32>
    %mul3A_19 = arith.mulf %add3A_18, %mul3A : vector<1000x128xf32>
    %get3A_20 = arith.constant 0 : index
    %get3A_21 = arith.constant 0 : index
    %get3A_22 = vector.load %arg4[%get3A_20, %get3A_21] : memref<1x128xf32, #tpu.memory_space<vmem>>, vector<1x128xf32>
    %add3A_23 = vector.broadcast %get3A_22 : vector<1x128xf32> to vector<1000x128xf32>
    %add3A_24 = arith.addf %mul3A_19, %add3A_23 : vector<1000x128xf32>
    %swap3A = arith.constant 0 : index
    %swap3A_25 = arith.constant 0 : index
    %swap3A_26 = vector.load %arg5[%swap3A, %swap3A_25] : memref<1000x128xf32, #tpu.memory_space<vmem>>, vector<1000x128xf32>
    tpu.vector_store %arg5[%swap3A, %swap3A_25], %add3A_24 {strides = array<i32>} : memref<1000x128xf32, #tpu.memory_space<vmem>>, vector<1000x128xf32>,
    return
  }
  func.func @transform_0(%arg0: i32) -> (i32, i32, i32) {
    %c0_i32 = arith.constant 0 : i32
    %c0_i32_0 = arith.constant 0 : i32
    %c0_i32_1 = arith.constant 0 : i32
    return %c0_i32, %arg0, %c0_i32_0 : i32, i32, i32
  }
  func.func @transform_1(%arg0: i32) -> (i32, i32) {
    %c0_i32 = arith.constant 0 : i32
    %c0_i32_0 = arith.constant 0 : i32
    return %arg0, %c0_i32 : i32, i32
  }
  func.func @transform_2(%arg0: i32) -> (i32, i32) {
    %c0_i32 = arith.constant 0 : i32
    %c0_i32_0 = arith.constant 0 : i32
    return %arg0, %c0_i32 : i32, i32
  }
  func.func @transform_3(%arg0: i32) -> (i32, i32) {
    %c0_i32 = arith.constant 0 : i32
    %c0_i32_0 = arith.constant 0 : i32
    %c0_i32_1 = arith.constant 0 : i32
    return %c0_i32, %c0_i32_0 : i32, i32
  }
  func.func @transform_4(%arg0: i32) -> (i32, i32) {
    %c0_i32 = arith.constant 0 : i32
    %c0_i32_0 = arith.constant 0 : i32
    return %arg0, %c0_i32 : i32, i32
  }
}

</mosaic_0001>

<sc_bundles>
// kernel: kernel.12.cloned.1.call-start
scs
__scs_entry_jumppad:
0x0: {  	(pc) =	sbr.rel $0x88, $3  }
0x1: {  	(tag) =	ssettag $0x0;
	lr =	simm.s32 $0x1  }
0x2: {  	[smem:$0x3F9B] =	sst lr;
	_ =	strace $0xD0000000  }
0x3: {  	_ = 	snop  }
0x4: {  	_ = 	snop  }
0x5: {  	_ = 	snop  }
0x6: {  	_ = 	snop  }
0x7: {  	_ = 	snop  }
__scs_overlays_trampoline_lowered:
0x8: {  	[smem:$0x3FAA] =	sst s0  }
0x9: {  	[smem:$0x3FAB] =	sst s1  }
0xa: {  	[smem:$0x3FAC] =	sst s2  }
0xb: {  	[smem:$0x3FAD] =	sst s3  }
0xc: {  	[smem:$0x3FAE] =	sst s4  }
0xd: {  	[smem:$0x3FAF] =	sst s5  }
0xe: {  	[smem:$0x3FB0] =	sst s6  }
0xf: {  	[smem:$0x3FB1] =	sst s7  }
0x10: {  	[smem:$0x3FB2] =	sst s8  }
0x11: {  	[smem:$0x3FB3] =	sst s9;
	s0 =	simm.s32 @!p0 $0x0  }
0x12: {  	s1 =	sld [smem:$0x3F99];
	s0 =	simm.s32 @p0 $0x1  }
0x13: {  	[smem:$0x3FB4] =	sst s0;
	s0 =	simm.s32 @!p1 $0x0  }
0x14: {  	s2 =	sld [smem:$0x3F98];
	s0 =	simm.s32 @p1 $0x1  }
0x15: {  	[smem:$0x3FB5] =	sst s0;
	s0 =	simm.s32 @!p2 $0x0  }
0x16: {  	s3 =	sld [smem:$0x3FDB];
	s0 =	simm.s32 @p2 $0x1  }
0x17: {  	s4 =	simm.s32 $0x1BF5;
	[smem:$0x3FB7] =	sst s0  }
0x18: {  	s0 =	sld [smem:$0x3F9A];
	_ =	swait.ge [sflag:s4], $0x0  }
0x19: {  	s7 =	sld [smem:$0x3F9B]  }
0x1a: {  	s8 =	sadd.s32 $0xFFFFE003, lr  }
0x1b: {  	s9 =	sadd.s32 $0xFFFFFEF7, lr;
	s5 =	simm.s32 $0xFFFFFFFF;
	p2 =	slt.u32 s8, $0xFFFFF086  }
0x1c: {  	p1 =	slt.u32 s9, $0xF7A;
	s5 =	simm.s32 @!p2 $0x0  }
0x1d: {  	s5 =	simm.s32 @p1 $0x1;
	p0 =	seq.s32 s7, s2  }
0x1e: {  	s7 =	smul.u32 @!p0 $0xF7A, s2;
	p2 =	seq.s32 @!p0 s5, $0x0  }
0x1f: {  	s9 =	smul.u32 $0xF7A, s1;
	s8 =	simm.s32 @!p0 $0x1BF5;
	p2 =	por !p2, p0  }
0x20: {  	[sflag:s8] =	ssyncset.s32 @!p0 $0xFFFFF086;
	s6 =	sadd.s32 @!p0 s3, s7;
	s7 =	simm.s32 @!p0 $0x108  }
0x21: {  	s3 =	sadd.s32 s3, s9;
	s6 =	sadd.s32 @!p0 $0x88, s6;
	s7 =	simm.s32 @p2 $0x1082  }
0x22: {  	[simem:s7], [sflag:s8] =	dma.local @!p0 [hbm:s6], $0xF7A  }
0x23: {  	s9 =	sor.u32 $0xD0000000, s2;
	s6 =	simm.s32 $0x108;
	_ =	swait.ge @!p0 [sflag:s8], $0x0  }
0x24: {  	s3 =	sadd.s32 $0x88, s3;
	s6 =	simm.s32 @!p1 $0x1082;
	[sflag:s4] =	ssyncset.s32 $0xFFFFF086  }
0x25: {  	[simem:s6], [sflag:s4] =	dma.local [hbm:s3], $0xF7A  }
0x26: {  	[smem:$0x3F9B] =	sst s1;
	(tag) =	ssettag s2;
	_ =	strace s9  }
0x27: {  	s1 =	sld [smem:$0x3FAB]  }
0x28: {  	s2 =	sld [smem:$0x3FAC]  }
0x29: {  	s4 =	sld [smem:$0x3FAE]  }
0x2a: {  	p0 =	seq.s32 s5, $0x0;
	s5 =	sld [smem:$0x3FAF]  }
0x2b: {  	s6 =	sld [smem:$0x3FB0]  }
0x2c: {  	s7 =	sld [smem:$0x3FB1]  }
0x2d: {  	s3 =	simm.s32 $0x108;
	s8 =	sld [smem:$0x3FB2]  }
0x2e: {  	s3 =	simm.s32 @!p0 $0x1082;
	s9 =	sld [smem:$0x3FB3]  }
0x2f: {  	lr =	sadd.s32 s0, s3;
	s0 =	sld [smem:$0x3FAA]  }
0x30: {  	s3 =	sld [smem:$0x3FAD]  }
0x31: {  	[smem:$0x3FB6] =	sst s10  }
0x32: {  	s10 =	sld [smem:$0x3FB4];
	_ =	sdelay $0x3  }
0x33: {  	p0 =	seq.s32 s10, $0x1;
	s10 =	sld [smem:$0x3FB6];
	_ =	sdelay $0x3  }
0x34: {  	[smem:$0x3FB6] =	sst s10  }
0x35: {  	s10 =	sld [smem:$0x3FB5];
	_ =	sdelay $0x3  }
0x36: {  	p1 =	seq.s32 s10, $0x1;
	s10 =	sld [smem:$0x3FB6];
	_ =	sdelay $0x3  }
0x37: {  	[smem:$0x3FB6] =	sst s10  }
0x38: {  	s10 =	sld [smem:$0x3FB7]  }
0x39: {  	_ = 	snop;
	(pc) =	sbr.ind lr, $3  }
0x3a: {  	_ = 	snop  }
0x3b: {  	_ = 	snop  }
0x3c: {  	p2 =	seq.s32 s10, $0x1;
	s10 =	sld [smem:$0x3FB6]  }
0x3d: {  	_ =	shalt  }
0x3e: {  	_ =	shalt  }
0x3f: {  	_ =	shalt  }
0x40: {  	_ =	shalt  }
0x41: {  	_ =	shalt  }
0x42: {  	_ =	shalt  }
0x43: {  	_ =	shalt  }
0x44: {  	_ =	shalt  }
0x45: {  	_ =	shalt  }
0x46: {  	_ =	shalt  }
0x47: {  	_ =	shalt  }
0x48: {  	_ =	shalt  }
0x49: {  	_ =	shalt  }
0x4a: {  	_ =	shalt  }
0x4b: {  	_ =	shalt  }
0x4c: {  	_ =	shalt  }
0x4d: {  	_ =	shalt  }
0x4e: {  	_ =	shalt  }
0x4f: {  	_ =	shalt  }
0x50: {  	_ =	shalt  }
0x51: {  	_ =	shalt  }
0x52: {  	_ =	shalt  }
0x53: {  	_ =	shalt  }
0x54: {  	_ =	shalt  }
0x55: {  	_ =	shalt  }
0x56: {  	_ =	shalt  }
0x57: {  	_ =	shalt  }
0x58: {  	_ =	shalt  }
0x59: {  	_ =	shalt  }
0x5a: {  	_ =	shalt  }
0x5b: {  	_ =	shalt  }
0x5c: {  	_ =	shalt  }
0x5d: {  	_ =	shalt  }
0x5e: {  	_ =	shalt  }
0x5f: {  	_ =	shalt  }
0x60: {  	_ =	shalt  }
0x61: {  	_ =	shalt  }
0x62: {  	_ =	shalt  }
0x63: {  	_ =	shalt  }
0x64: {  	_ =	shalt  }
0x65: {  	_ =	shalt  }
0x66: {  	_ =	shalt  }
0x67: {  	_ =	shalt  }
0x68: {  	_ =	shalt  }
0x69: {  	_ =	shalt  }
0x6a: {  	_ =	shalt  }
0x6b: {  	_ =	shalt  }
0x6c: {  	_ =	shalt  }
0x6d: {  	_ =	shalt  }
0x6e: {  	_ =	shalt  }
0x6f: {  	_ =	shalt  }
0x70: {  	_ =	shalt  }
0x71: {  	_ =	shalt  }
0x72: {  	_ =	shalt  }
0x73: {  	_ =	shalt  }
0x74: {  	_ =	shalt  }
0x75: {  	_ =	shalt  }
0x76: {  	_ =	shalt  }
0x77: {  	_ =	shalt  }
0x78: {  	_ =	shalt  }
0x79: {  	_ =	shalt  }
0x7a: {  	_ =	shalt  }
0x7b: {  	_ =	shalt  }
0x7c: {  	_ =	shalt  }
0x7d: {  	_ =	shalt  }
0x7e: {  	_ =	shalt  }
0x7f: {  	_ =	shalt  }
0x80: {  	_ =	shalt  }
0x81: {  	_ =	shalt  }
0x82: {  	_ =	shalt  }
0x83: {  	_ =	shalt  }
0x84: {  	_ =	shalt  }
0x85: {  	_ =	shalt  }
0x86: {  	_ =	shalt  }
0x87: {  	_ =	shalt  }
.Lfunc_end0:
.L_simem_size_0:
called_computation.1_lowered:
.L_overlay_start_0:
0x88: {  	s2 =	sld [smem:$0x3FD9]  }
0x89: {  	s3 =	sld [smem:$0x3FFE];
	_ =	sdelay $0x1  }
0x8a: {  	s1 =	srdreg.scid  }
0x8b: {  	s0 =	sand.u32 $0x1, s1  }
0x8c: {  	s17 =	sshll.u32 s0, $0xA;
	s2 =	sadd.s32 s3, s2  }
0x8d: {  	s2 =	sadd.s32 s2, s17  }
0x8e: {  	[smem:$0x3FC2] =	sst s2  }
0x8f: {  	_ = 	snop  }
0x90: {  	s2 =	sld [smem:$0x3FD0];
	(tm) =	ssettm $0x1  }
0x91: {  	s18 =	sld [smem:$0x3FFB];
	_ =	sdelay $0x3  }
0x92: {  	_ =	strace s18  }
0x93: {  	s3 =	sld [smem:$0x3FFC];
	_ =	sdelay $0x3  }
0x94: {  	_ =	strace s3  }
0x95: {  	s3 =	sld [smem:$0x3FFD];
	_ =	sdelay $0x3  }
0x96: {  	_ =	strace s3  }
0x97: {  	_ =	strace $0x8FFFFFFF  }
0x98: {  	s19 =	sld [smem:$0x3FDB];
	_ =	sdelay $0x1  }
0x99: {  	s4 =	simm.s32 $_scs_section_size  }
0x9a: {  	s5 =	simm.s32 $_size__tile_overlayer_lowered;
	s6 =	simm.s32 $_tile_overlayer_lowered  }
0x9b: {  	s22 =	simm.s32 $0x1BFF;
	s21 =	sshll.u32 s6, $0x1;
	s3 =	sadd.s32 s4, s19  }
0x9c: {  	s7 =	simm.s32 $0x0;
	s20 =	sshll.u32 s5, $0x1;
	s5 =	sadd.s32 s21, s3  }
0x9d: {  	[timem:s7], [sflag:s22] =	dma.local [hbm:s5], s20  }
0x9e: {  	_ =	swait.ge [sflag:s22], s20  }
0x9f: {  	s4 =	ssub.s32 $0x0, s20;
	[sflag:s22] =	ssyncset.done $0x0  }
0xa0: {  	[sflag:s22] =	ssyncadd.s32 s4;
	_ =	sdelay $0x1  }
0xa1: {  	s23 =	simm.s32 $0x1B8B  }
0xa2: {  	_ =	swait.ge [sflag:s23], $0x1  }
0xa3: {  	[sflag:s23] =	ssyncset.done $0x0  }
0xa4: {  	s25 =	simm.s32 $0x1B8E;
	s24 =	sld [smem:$0x3FFE];
	[sflag:s23] =	ssyncadd.s32 $0xFFFFFFFF  }
0xa5: {  	s26 =	simm.s32 $execute0_lowered;
	[smem:$0x3FD2] =	sst s25  }
0xa6: {  	s5 =	sshll.u32 s26, $0x1;
	_ =	strace $0x80000049;
	[dreg:$0x1] =	wrdreg $0xFFFFFFFF  }
0xa7: {  	s28 =	simm.s32 $_size_execute0_lowered;
	s3 =	sadd.s32 s3, s5;
	[dreg:$0x0] =	wrdreg $0x0  }
0xa8: {  	s5 =	sshll.u32 s28, $0x1;
	[dreg:$0x2] =	wrdreg s3  }
0xa9: {  	[dreg:$0x3] =	wrdreg s5  }
0xaa: {  	[dreg:$0x4] =	wrdreg $0xC0  }
0xab: {  	_ =	task [dreg:s7], $0x5FFFF  }
0xac: {  	[dreg:$0x1] =	wrdreg $0xFFFFFFFF  }
0xad: {  	[dreg:$0x0] =	wrdreg $0x60  }
0xae: {  	[dreg:$0x2] =	wrdreg s24  }
0xaf: {  	[dreg:$0x3] =	wrdreg s2  }
0xb0: {  	[dreg:$0x4] =	wrdreg $0xA8000  }
0xb1: {  	[dreg:$0x5] =	wrdreg $0x9  }
0xb2: {  	_ =	task.clear_ibuf [dreg:s7], $0x6FFFF;
	_ =	strace $0x90000049  }
0xb3: {  	s29 =	simm.s32 $0x9;
	_ =	strace $0x8000004B  }
0xb4: {  	_ =	swait.ge [sflag:s29], $0x1  }
0xb5: {  	[sflag:s29] =	ssyncadd.s32 $0xFFFFFFFF  }
0xb6: {  	_ =	strace $0x9000004B  }
0xb7: {  	_ =	sfence  }
0xb8: {  	s30 =	sld [smem:$0x0];
	_ =	sdelay $0x2  }
0xb9: {  	s31 =	sshll.u32 s1, $0xD;
	s1 =	sshrl.u32 s1, $0x2  }
0xba: {  	s3 =	sand.u32 $0x4000, s31;
	s1 =	sadd.s32 s1, s30  }
0xbb: {  	s0 =	sor.u32 s3, s0;
	s1 =	sshll.u32 s1, $0x11  }
0xbc: {  	s0 =	sor.u32 s1, s0  }
0xbd: {  	s0 =	sadd.s32 $0x8F2B, s0  }
0xbe: {  	[sflag:s0] =	ssyncadd.remote.s32 $0x1  }
0xbf: {  	_ =	sfence.sel $0xFFFF  }
0xc0: {  	[dreg:$0x0] =	wrdreg $0xFFFFFFFF;
	(pc) =	sbr.abs _section_cstart, $3  }
0xc1: {  	[dreg:$0x1] =	wrdreg $0xFFFFFFFF  }
0xc2: {  	_ =	task.clear_ibuf [dreg:s7], $0x2FFFF;
	_ =	strace $0x9FFFFFFF  }
0xc3: {  	(tm) =	ssettm $0x7FFFFFFF  }
tec
execute0_lowered:
.L_overlay_start_1:
0x0: {  	(tag) =	ssettag $0x1  }
0x1: {  	s0 =	rddreg [dreg:$0x0]  }
0x2: {  	s2 =	rddreg [dreg:$0x1]  }
0x3: {  	s1 =	rddreg [dreg:$0x2];
	s3 =	srdreg.scid;
	s4 =	simm.s32 $0x0  }
0x4: {  	s8 =	stileid.u32;
	s28 =	simm.s32 $0x1400;
	s29 =	simm.s32 $0x40  }
0x5: {  	s31 =	simm.s32 $0x4800;
	s3 =	sand.u32 $0x1, s3;
	s6 =	smul.u32 $0x14000, s8  }
0x6: {  	[smem:$0x7FF] =	sst s4;
	s4 =	sadd.s32 $0x20200, s0;
	s26 =	smul.u32 $0x50000, s8  }
0x7: {  	s9 =	sadd.s32 $0xC200, s0;
	s5 =	smul.u32 $0x140000, s3;
	s7 =	sshll.u32 s3, $0x4  }
0x8: {  	_ =	strace $0x8000004A;
	s3 =	ssub.s32 $0x2, s3;
	s25 =	sor.u32 s8, s7  }
0x9: {  	s10 =	sshrl.u32 s3, $0x1;
	s7 =	sshrl.u32 s26, $0x2;
	s30 =	smul.u32 $0x5000, s25  }
0xa: {  	s5 =	sadd.s32 s6, s5;
	s6 =	smul.u32 $0xA00, s25;
	s3 =	ssub.s32 s3, s10  }
0xb: {  	s5 =	sshrl.u32 s5, $0x3;
	s18 =	smax.u32 s3, $0x1;
	s3 =	simm.s32 $0x100  }
0xc: {  	s0 =	sadd.s32 s5, s0;
	s10 =	sadd.s32 s9, s6;
	[dreg:$0xd] =	wrdreg s18  }
0xd: {  	s8 =	sshrl.u32 s30, $0x3;
	s6 =	sadd.s32 s2, s6;
	[dreg:$0x4] =	wrdreg s10  }
0xe: {  	s5 =	sadd.s32 s7, s1;
	[dreg:$0x5] =	wrdreg s6;
	s0 =	sadd.s32 $0x48200, s0  }
0xf: {  	s7 =	simm.s32 $0x1480;
	s19 =	sadd.s32 $0x2000, s5;
	[dreg:$0xc] =	wrdreg s0  }
0x10: {  	s18 =	simm.s32 $0x7;
	s20 =	sadd.s32 $0x4000, s5;
	[dreg:$0xe] =	wrdreg s19  }
0x11: {  	s11 =	sadd.s32 $0x280, s8;
	s21 =	sadd.s32 $0x6000, s5;
	[dreg:$0xf] =	wrdreg s20  }
0x12: {  	s14 =	sadd.s32 $0x500, s8;
	s22 =	sadd.s32 $0x8000, s5;
	[dreg:$0x10] =	wrdreg s21  }
0x13: {  	s15 =	sadd.s32 $0x780, s8;
	s23 =	sadd.s32 $0xA000, s5;
	[dreg:$0x11] =	wrdreg s22  }
0x14: {  	s24 =	sadd.s32 $0xC000, s5;
	s25 =	sadd.s32 $0xE000, s5;
	[dreg:$0x12] =	wrdreg s23  }
0x15: {  	s26 =	sadd.s32 $0x10000, s5;
	s30 =	sadd.s32 $0x12000, s5;
	[dreg:$0x13] =	wrdreg s24  }
0x16: {  	s8 =	simm.s32 $0x180;
	s10 =	simm.s32 $0x3;
	[dreg:$0x14] =	wrdreg s25  }
0x17: {  	s12 =	sadd.s32 s9, s11;
	s13 =	sadd.s32 s2, s11;
	[dreg:$0x15] =	wrdreg s26  }
0x18: {  	s16 =	sadd.s32 s9, s14;
	s6 =	sadd.s32 s2, s14;
	[dreg:$0x16] =	wrdreg s30  }
0x19: {  	s17 =	sadd.s32 s9, s15;
	s2 =	sadd.s32 s2, s15;
	[dreg:$0x6] =	wrdreg s12  }
0x1a: {  	s25 =	simm.s32 $0x2800;
	s26 =	simm.s32 $0x9;
	[dreg:$0x7] =	wrdreg s13  }
0x1b: {  	s0 =	simm.s32 $0x1;
	s9 =	simm.s32 $0x8800;
	[dreg:$0x8] =	wrdreg s16  }
.Ltmp0:
0x1c: {  	s11 =	simm.s32 $0x1500;
	[dreg:$0x9] =	wrdreg s6;
	(pc) =	sbr.rel .LBB2_1-.Ltmp0, $4  }
0x1d: {  	s14 =	simm.s32 $0x4;
	s15 =	simm.s32 $0x1580;
	[dreg:$0xa] =	wrdreg s17  }
0x1e: {  	s19 =	simm.s32 $0x8;
	s20 =	simm.s32 $0x0;
	[dreg:$0xb] =	wrdreg s2  }
0x1f: {  	s2 =	simm.s32 $0x6800;
	s6 =	simm.s32 $0x2;
	s12 =	simm.s32 $0x5  }
0x20: {  	v0 =	vimm.f32 $0.0e+00;
	s13 =	simm.s32 $0x200;
	s16 =	simm.s32 $0x6;
	s17 =	simm.s32 $0x280  }
.LBB2_15:
0x21: {  	_ =	swait.ge [sflag:s14], $0x2000  }
0x22: {  	[sflag:s14] =	ssyncset.done $0x0  }
0x23: {  	[sflag:s14] =	ssyncadd.s32 $0xFFFFE000  }
0x24: {  	[spmem:s1] =	stream.indirect.scatter.add.f32 [tilespmem:s9], [sflag:$0x8], $0x80, s23, s29, $0xb8;
	[tilespmem:$0x1E800] =	vst v63  }
0x25: {  	_ =	swait.ge [sflag:s16], $0x2000  }
0x26: {  	[sflag:s16] =	ssyncset.done $0x0  }
0x27: {  	[sflag:s16] =	ssyncadd.s32 $0xFFFFE000  }
0x28: {  	_ =	swait.ge [sflag:s18], $0x2000  }
0x29: {  	[sflag:s18] =	ssyncset.done $0x0  }
0x2a: {  	[sflag:s18] =	ssyncadd.s32 $0xFFFFE000  }
0x2b: {  	_ =	swait.ge [sflag:s19], $0x2000  }
0x2c: {  	[sflag:s19] =	ssyncset.done $0x0  }
0x2d: {  	s21 =	stileid.u32;
	[sflag:s19] =	ssyncadd.s32 $0xFFFFE000  }
0x2e: {  	s21 =	sshll.u32 s21, $0x6;
	[bflag:$0x0] =	sbarrier.arrive $0xFFFF  }
0x2f: {  	s22 =	sshrl.u32 s5, $0x3;
	s21 =	sor.u32 $0x1C09, s21;
	s24 =	rddreg [dreg:$0xc]  }
0x30: {  	[hbm:s24], [sflag:s21] =	dma.local [spmem:s22], $0x2800  }
0x31: {  	_ =	swait.ge [sflag:s26], $0x2800  }
0x32: {  	s20 =	sadd.s32 $0x1, s20;
	s30 =	rddreg [dreg:$0xd]  }
0x33: {  	p0 =	sne.s32 s20, s30  }
.Ltmp1:
0x34: {  	_ = 	snop;
	(pc) =	sbr.rel @!p0 .LBB2_16-.Ltmp1, $3  }
0x35: {  	_ =	sdelay $0x1  }
0x36: {  	[sflag:s26] =	ssyncset.done $0x0  }
0x37: {  	[sflag:s26] =	ssyncadd.s32 $0xFFFFD800  }
.LBB2_1:
0x38: {  	s21 =	simm.s32 $0x0  }
0x39: {  	s22 =	sand.u32 $0xFFFFFF80, s21  }
0x3a: {  	s22 =	ssub.s32 $0x0, s22  }
0x3b: {  	s23 =	simm.s32 $0x0;
	s21 =	sand.u32 $0x3FFFFF80, s21;
	s22 =	sand.u32 $0xFFFFFF80, s22  }
0x3c: {  	s23 =	sand.u32 $0x70, s23;
	s22 =	sadd.s32 s22, s21  }
0x3d: {  	s21 =	simm.s32 $0x1;
	s23 =	sor.u32 s23, s22;
	s22 =	simm.s32 $0x0  }
.LBB2_2:
0x3e: {  	s24 =	sshll.u32 s21, $0x4;
	p0 =	sne.s32 s21, $0x1FF;
	s21 =	sadd.s32 $0x1, s21;
	[tilespmem:s23+$0x2800] =	vst v0  }
.Ltmp2:
0x3f: {  	s22 =	sadd.s32 $0x10, s22;
	s23 =	sand.u32 $0xFFFFFF80, s24;
	(pc) =	sbr.rel @p0 .LBB2_2-.Ltmp2, $4  }
0x40: {  	s23 =	ssub.s32 s22, s23  }
0x41: {  	s24 =	sand.u32 $0x3FFFFF80, s24;
	s23 =	sand.u32 $0xFFFFFF80, s23  }
0x42: {  	s30 =	sand.u32 $0x70, s22;
	s23 =	sadd.s32 s23, s24  }
0x43: {  	s23 =	sor.u32 s30, s23  }
0x44: {  	[tilespmem:s23+$0x2800] =	vst v0  }
0x45: {  	[spmem:s5] =	stream.linear.scatter [tilespmem:s25], [sflag:$0x9], $0x2000, $0x38;
	[tilespmem:$0x1E800] =	vst v63  }
0x46: {  	_ =	swait.ge [sflag:s26], $0x2000  }
0x47: {  	[sflag:s26] =	ssyncset.done $0x0  }
0x48: {  	s21 =	rddreg [dreg:$0xe];
	[sflag:s26] =	ssyncadd.s32 $0xFFFFE000  }
0x49: {  	[spmem:s21] =	stream.linear.scatter [tilespmem:s25], [sflag:$0x9], $0x2000, $0x38;
	[tilespmem:$0x1E800] =	vst v63  }
0x4a: {  	_ =	swait.ge [sflag:s26], $0x2000  }
0x4b: {  	[sflag:s26] =	ssyncset.done $0x0  }
0x4c: {  	s22 =	rddreg [dreg:$0xf];
	[sflag:s26] =	ssyncadd.s32 $0xFFFFE000  }
0x4d: {  	[spmem:s22] =	stream.linear.scatter [tilespmem:s25], [sflag:$0x9], $0x2000, $0x38;
	[tilespmem:$0x1E800] =	vst v63  }
0x4e: {  	_ =	swait.ge [sflag:s26], $0x2000  }
0x4f: {  	[sflag:s26] =	ssyncset.done $0x0  }
0x50: {  	s23 =	rddreg [dreg:$0x10];
	[sflag:s26] =	ssyncadd.s32 $0xFFFFE000  }
0x51: {  	[spmem:s23] =	stream.linear.scatter [tilespmem:s25], [sflag:$0x9], $0x2000, $0x38;
	[tilespmem:$0x1E800] =	vst v63  }
0x52: {  	_ =	swait.ge [sflag:s26], $0x2000  }
0x53: {  	[sflag:s26] =	ssyncset.done $0x0  }
0x54: {  	s24 =	rddreg [dreg:$0x11];
	[sflag:s26] =	ssyncadd.s32 $0xFFFFE000  }
0x55: {  	[spmem:s24] =	stream.linear.scatter [tilespmem:s25], [sflag:$0x9], $0x2000, $0x38;
	[tilespmem:$0x1E800] =	vst v63  }
0x56: {  	_ =	swait.ge [sflag:s26], $0x2000  }
0x57: {  	[sflag:s26] =	ssyncset.done $0x0  }
0x58: {  	s22 =	rddreg [dreg:$0x12];
	[sflag:s26] =	ssyncadd.s32 $0xFFFFE000  }
0x59: {  	[spmem:s22] =	stream.linear.scatter [tilespmem:s25], [sflag:$0x9], $0x2000, $0x38;
	[tilespmem:$0x1E800] =	vst v63  }
0x5a: {  	_ =	swait.ge [sflag:s26], $0x2000  }
0x5b: {  	[sflag:s26] =	ssyncset.done $0x0  }
0x5c: {  	s23 =	rddreg [dreg:$0x13];
	[sflag:s26] =	ssyncadd.s32 $0xFFFFE000  }
0x5d: {  	[spmem:s23] =	stream.linear.scatter [tilespmem:s25], [sflag:$0x9], $0x2000, $0x38;
	[tilespmem:$0x1E800] =	vst v63  }
0x5e: {  	_ =	swait.ge [sflag:s26], $0x2000  }
0x5f: {  	[sflag:s26] =	ssyncset.done $0x0  }
0x60: {  	s24 =	rddreg [dreg:$0x14];
	[sflag:s26] =	ssyncadd.s32 $0xFFFFE000  }
0x61: {  	[spmem:s24] =	stream.linear.scatter [tilespmem:s25], [sflag:$0x9], $0x2000, $0x38;
	[tilespmem:$0x1E800] =	vst v63  }
0x62: {  	_ =	swait.ge [sflag:s26], $0x2000  }
0x63: {  	[sflag:s26] =	ssyncset.done $0x0  }
0x64: {  	s22 =	rddreg [dreg:$0x15];
	[sflag:s26] =	ssyncadd.s32 $0xFFFFE000  }
0x65: {  	[spmem:s22] =	stream.linear.scatter [tilespmem:s25], [sflag:$0x9], $0x2000, $0x38;
	[tilespmem:$0x1E800] =	vst v63  }
0x66: {  	_ =	swait.ge [sflag:s26], $0x2000  }
0x67: {  	[sflag:s26] =	ssyncset.done $0x0  }
0x68: {  	s23 =	rddreg [dreg:$0x16];
	[sflag:s26] =	ssyncadd.s32 $0xFFFFE000  }
0x69: {  	[spmem:s23] =	stream.linear.scatter [tilespmem:s25], [sflag:$0x9], $0x2000, $0x38;
	[tilespmem:$0x1E800] =	vst v63  }
0x6a: {  	_ =	swait.ge [sflag:s26], $0x2000  }
0x6b: {  	[sflag:s26] =	ssyncset.done $0x0  }
0x6c: {  	[sflag:s26] =	ssyncadd.s32 $0xFFFFE000  }
0x6d: {  	[bflag:$0x0] =	sbarrier.arrive $0xFFFF  }
0x6e: {  	s21 =	simm.s32 $0x0;
	s22 =	rddreg [dreg:$0x4]  }
0x6f: {  	[tilespmem:s21], [sflag:$0x9] =	stream.linear.gather [hbm4b:s22+s21], $0x1400, $0x38;
	[tilespmem:$0x1E800] =	vst v63  }
0x70: {  	_ =	swait.ge [sflag:s26], $0x1400  }
0x71: {  	[sflag:s26] =	ssyncset.done $0x0  }
0x72: {  	s24 =	rddreg [dreg:$0x5];
	[sflag:s26] =	ssyncadd.s32 $0xFFFFEC00  }
0x73: {  	[tilespmem:s28], [sflag:$0x9] =	stream.linear.gather [hbm4b:s24+s21], $0x1400, $0x38;
	[tilespmem:$0x1E800] =	vst v63  }
0x74: {  	_ =	swait.ge [sflag:s26], $0x1400  }
0x75: {  	[sflag:s26] =	ssyncset.done $0x0  }
0x76: {  	[sflag:s26] =	ssyncadd.s32 $0xFFFFEC00  }
0x77: {  	[tilespmem:s25], [sflag:$0x1] =	stream.indirect.gather [hbm4b:s4+s29], $0x80, s21, s29, $0xb8;
	[tilespmem:$0x1E800] =	vst v63  }
0x78: {  	s30 =	simm.s32 $0x80  }
0x79: {  	[tilespmem:s31], [sflag:$0x2] =	stream.indirect.gather [hbm4b:s4+s29], $0x80, s30, s29, $0xb8;
	[tilespmem:$0x1E800] =	vst v63  }
0x7a: {  	_ =	swait.ge [sflag:s0], $0x2000  }
0x7b: {  	[sflag:s0] =	ssyncset.done $0x0  }
0x7c: {  	[sflag:s0] =	ssyncadd.s32 $0xFFFFE000  }
0x7d: {  	[spmem:s1] =	stream.indirect.scatter.add.f32 [tilespmem:s25], [sflag:$0x5], $0x80, s28, s29, $0xb8;
	[tilespmem:$0x1E800] =	vst v63  }
0x7e: {  	_ = 	snop  }
0x7f: {  	[tilespmem:s2], [sflag:$0x3] =	stream.indirect.gather [hbm4b:s4+s29], $0x80, s3, s29, $0xb8;
	[tilespmem:$0x1E800] =	vst v63  }
0x80: {  	_ =	swait.ge [sflag:s6], $0x2000  }
0x81: {  	[sflag:s6] =	ssyncset.done $0x0  }
0x82: {  	[sflag:s6] =	ssyncadd.s32 $0xFFFFE000  }
0x83: {  	[spmem:s1] =	stream.indirect.scatter.add.f32 [tilespmem:s31], [sflag:$0x6], $0x80, s7, s29, $0xb8;
	[tilespmem:$0x1E800] =	vst v63  }
0x84: {  	_ = 	snop  }
0x85: {  	[tilespmem:s9], [sflag:$0x4] =	stream.indirect.gather [hbm4b:s4+s29], $0x80, s8, s29, $0xb8;
	[tilespmem:$0x1E800] =	vst v63  }
0x86: {  	_ =	swait.ge [sflag:s10], $0x2000  }
0x87: {  	[sflag:s10] =	ssyncset.done $0x0  }
0x88: {  	[sflag:s10] =	ssyncadd.s32 $0xFFFFE000  }
0x89: {  	[spmem:s1] =	stream.indirect.scatter.add.f32 [tilespmem:s2], [sflag:$0x7], $0x80, s11, s29, $0xb8;
	[tilespmem:$0x1E800] =	vst v63  }
0x8a: {  	_ =	swait.ge [sflag:s12], $0x2000  }
0x8b: {  	[sflag:s12] =	ssyncset.done $0x0  }
0x8c: {  	[sflag:s12] =	ssyncadd.s32 $0xFFFFE000  }
0x8d: {  	[tilespmem:s25], [sflag:$0x1] =	stream.indirect.gather [hbm4b:s4+s29], $0x80, s13, s29, $0xb8;
	[tilespmem:$0x1E800] =	vst v63  }
0x8e: {  	_ =	swait.ge [sflag:s14], $0x2000  }
0x8f: {  	[sflag:s14] =	ssyncset.done $0x0  }
0x90: {  	[sflag:s14] =	ssyncadd.s32 $0xFFFFE000  }
0x91: {  	[spmem:s1] =	stream.indirect.scatter.add.f32 [tilespmem:s9], [sflag:$0x8], $0x80, s15, s29, $0xb8;
	[tilespmem:$0x1E800] =	vst v63  }
0x92: {  	_ =	swait.ge [sflag:s16], $0x2000  }
0x93: {  	[sflag:s16] =	ssyncset.done $0x0  }
0x94: {  	[sflag:s16] =	ssyncadd.s32 $0xFFFFE000  }
0x95: {  	[tilespmem:s31], [sflag:$0x2] =	stream.indirect.gather [hbm4b:s4+s29], $0x80, s17, s29, $0xb8;
	[tilespmem:$0x1E800] =	vst v63  }
.LBB2_4:
0x96: {  	_ =	swait.ge [sflag:s0], $0x2000  }
0x97: {  	s22 =	sshra.s32 s21, $0x2;
	[sflag:s0] =	ssyncset.done $0x0  }
0x98: {  	s23 =	sadd.s32 $0x1600, s22;
	[sflag:s0] =	ssyncadd.s32 $0xFFFFE000  }
0x99: {  	[spmem:s1] =	stream.indirect.scatter.add.f32 [tilespmem:s25], [sflag:$0x5], $0x80, s23, s29, $0xb8;
	[tilespmem:$0x1E800] =	vst v63  }
0x9a: {  	_ =	swait.ge [sflag:s18], $0x2000  }
0x9b: {  	[sflag:s18] =	ssyncset.done $0x0  }
0x9c: {  	s24 =	sadd.s32 $0x300, s22;
	[sflag:s18] =	ssyncadd.s32 $0xFFFFE000  }
0x9d: {  	[tilespmem:s2], [sflag:$0x3] =	stream.indirect.gather [hbm4b:s4+s29], $0x80, s24, s29, $0xb8;
	[tilespmem:$0x1E800] =	vst v63  }
0x9e: {  	_ =	swait.ge [sflag:s6], $0x2000  }
0x9f: {  	[sflag:s6] =	ssyncset.done $0x0  }
0xa0: {  	s24 =	sadd.s32 $0x1680, s22;
	[sflag:s6] =	ssyncadd.s32 $0xFFFFE000  }
0xa1: {  	[spmem:s1] =	stream.indirect.scatter.add.f32 [tilespmem:s31], [sflag:$0x6], $0x80, s24, s29, $0xb8;
	[tilespmem:$0x1E800] =	vst v63  }
0xa2: {  	_ =	swait.ge [sflag:s19], $0x2000  }
0xa3: {  	[sflag:s19] =	ssyncset.done $0x0  }
0xa4: {  	s24 =	sadd.s32 $0x380, s22;
	[sflag:s19] =	ssyncadd.s32 $0xFFFFE000  }
0xa5: {  	[tilespmem:s9], [sflag:$0x4] =	stream.indirect.gather [hbm4b:s4+s29], $0x80, s24, s29, $0xb8;
	[tilespmem:$0x1E800] =	vst v63  }
0xa6: {  	_ =	swait.ge [sflag:s10], $0x2000  }
0xa7: {  	p0 =	seq.s32 s21, $0x4000;
	[sflag:s10] =	ssyncset.done $0x0  }
.Ltmp3:
0xa8: {  	s24 =	sadd.s32 $0x1700, s22;
	[sflag:s10] =	ssyncadd.s32 $0xFFFFE000;
	(pc) =	sbr.rel @p0 .LBB2_6-.Ltmp3, $4  }
0xa9: {  	[spmem:s1] =	stream.indirect.scatter.add.f32 [tilespmem:s2], [sflag:$0x7], $0x80, s24, s29, $0xb8;
	[tilespmem:$0x1E800] =	vst v63  }
0xaa: {  	_ =	swait.ge [sflag:s12], $0x2000  }
0xab: {  	[sflag:s12] =	ssyncset.done $0x0  }
0xac: {  	s23 =	sadd.s32 $0x1780, s22;
	[sflag:s12] =	ssyncadd.s32 $0xFFFFE000  }
0xad: {  	s24 =	sadd.s32 $0x400, s22  }
0xae: {  	[tilespmem:s25], [sflag:$0x1] =	stream.indirect.gather [hbm4b:s4+s29], $0x80, s24, s29, $0xb8;
	[tilespmem:$0x1E800] =	vst v63  }
0xaf: {  	_ =	swait.ge [sflag:s14], $0x2000  }
0xb0: {  	[sflag:s14] =	ssyncset.done $0x0  }
0xb1: {  	[sflag:s14] =	ssyncadd.s32 $0xFFFFE000  }
0xb2: {  	[spmem:s1] =	stream.indirect.scatter.add.f32 [tilespmem:s9], [sflag:$0x8], $0x80, s23, s29, $0xb8;
	[tilespmem:$0x1E800] =	vst v63  }
.Ltmp4:
0xb3: {  	_ = 	snop;
	(pc) =	sbr.rel .LBB2_4-.Ltmp4, $4  }
0xb4: {  	_ =	swait.ge [sflag:s16], $0x2000  }
0xb5: {  	[sflag:s16] =	ssyncset.done $0x0  }
0xb6: {  	s21 =	sadd.s32 $0x800, s21;
	s24 =	sadd.s32 $0x480, s22;
	[sflag:s16] =	ssyncadd.s32 $0xFFFFE000  }
0xb7: {  	[tilespmem:s31], [sflag:$0x2] =	stream.indirect.gather [hbm4b:s4+s29], $0x80, s24, s29, $0xb8;
	[tilespmem:$0x1E800] =	vst v63  }
.LBB2_6:
0xb8: {  	_ =	swait.ge [sflag:s14], $0x2000  }
0xb9: {  	[sflag:s14] =	ssyncset.done $0x0  }
0xba: {  	[sflag:s14] =	ssyncadd.s32 $0xFFFFE000  }
0xbb: {  	[spmem:s1] =	stream.indirect.scatter.add.f32 [tilespmem:s9], [sflag:$0x8], $0x80, s23, s29, $0xb8;
	[tilespmem:$0x1E800] =	vst v63  }
0xbc: {  	_ =	swait.ge [sflag:s16], $0x2000  }
0xbd: {  	[sflag:s16] =	ssyncset.done $0x0  }
0xbe: {  	[sflag:s16] =	ssyncadd.s32 $0xFFFFE000  }
0xbf: {  	_ =	swait.ge [sflag:s18], $0x2000  }
0xc0: {  	[sflag:s18] =	ssyncset.done $0x0  }
0xc1: {  	[sflag:s18] =	ssyncadd.s32 $0xFFFFE000  }
0xc2: {  	_ =	swait.ge [sflag:s19], $0x2000  }
0xc3: {  	[sflag:s19] =	ssyncset.done $0x0  }
0xc4: {  	s21 =	simm.s32 $0x0;
	s22 =	rddreg [dreg:$0x6];
	[sflag:s19] =	ssyncadd.s32 $0xFFFFE000  }
0xc5: {  	[tilespmem:s21], [sflag:$0x9] =	stream.linear.gather [hbm4b:s22+s21], $0x1400, $0x38;
	[tilespmem:$0x1E800] =	vst v63  }
0xc6: {  	_ =	swait.ge [sflag:s26], $0x1400  }
0xc7: {  	[sflag:s26] =	ssyncset.done $0x0  }
0xc8: {  	s24 =	rddreg [dreg:$0x7];
	[sflag:s26] =	ssyncadd.s32 $0xFFFFEC00  }
0xc9: {  	[tilespmem:s28], [sflag:$0x9] =	stream.linear.gather [hbm4b:s24+s21], $0x1400, $0x38;
	[tilespmem:$0x1E800] =	vst v63  }
0xca: {  	_ =	swait.ge [sflag:s26], $0x1400  }
0xcb: {  	[sflag:s26] =	ssyncset.done $0x0  }
0xcc: {  	[sflag:s26] =	ssyncadd.s32 $0xFFFFEC00  }
0xcd: {  	[tilespmem:s25], [sflag:$0x1] =	stream.indirect.gather [hbm4b:s4+s29], $0x80, s21, s29, $0xb8;
	[tilespmem:$0x1E800] =	vst v63  }
0xce: {  	_ = 	snop  }
0xcf: {  	[tilespmem:s31], [sflag:$0x2] =	stream.indirect.gather [hbm4b:s4+s29], $0x80, s30, s29, $0xb8;
	[tilespmem:$0x1E800] =	vst v63  }
0xd0: {  	_ =	swait.ge [sflag:s0], $0x2000  }
0xd1: {  	[sflag:s0] =	ssyncset.done $0x0  }
0xd2: {  	[sflag:s0] =	ssyncadd.s32 $0xFFFFE000  }
0xd3: {  	[spmem:s1] =	stream.indirect.scatter.add.f32 [tilespmem:s25], [sflag:$0x5], $0x80, s28, s29, $0xb8;
	[tilespmem:$0x1E800] =	vst v63  }
0xd4: {  	_ = 	snop  }
0xd5: {  	[tilespmem:s2], [sflag:$0x3] =	stream.indirect.gather [hbm4b:s4+s29], $0x80, s3, s29, $0xb8;
	[tilespmem:$0x1E800] =	vst v63  }
0xd6: {  	_ =	swait.ge [sflag:s6], $0x2000  }
0xd7: {  	[sflag:s6] =	ssyncset.done $0x0  }
0xd8: {  	[sflag:s6] =	ssyncadd.s32 $0xFFFFE000  }
0xd9: {  	[spmem:s1] =	stream.indirect.scatter.add.f32 [tilespmem:s31], [sflag:$0x6], $0x80, s7, s29, $0xb8;
	[tilespmem:$0x1E800] =	vst v63  }
0xda: {  	_ = 	snop  }
0xdb: {  	[tilespmem:s9], [sflag:$0x4] =	stream.indirect.gather [hbm4b:s4+s29], $0x80, s8, s29, $0xb8;
	[tilespmem:$0x1E800] =	vst v63  }
0xdc: {  	_ =	swait.ge [sflag:s10], $0x2000  }
0xdd: {  	[sflag:s10] =	ssyncset.done $0x0  }
0xde: {  	[sflag:s10] =	ssyncadd.s32 $0xFFFFE000  }
0xdf: {  	[spmem:s1] =	stream.indirect.scatter.add.f32 [tilespmem:s2], [sflag:$0x7], $0x80, s11, s29, $0xb8;
	[tilespmem:$0x1E800] =	vst v63  }
0xe0: {  	_ =	swait.ge [sflag:s12], $0x2000  }
0xe1: {  	[sflag:s12] =	ssyncset.done $0x0  }
0xe2: {  	[sflag:s12] =	ssyncadd.s32 $0xFFFFE000  }
0xe3: {  	[tilespmem:s25], [sflag:$0x1] =	stream.indirect.gather [hbm4b:s4+s29], $0x80, s13, s29, $0xb8;
	[tilespmem:$0x1E800] =	vst v63  }
0xe4: {  	_ =	swait.ge [sflag:s14], $0x2000  }
0xe5: {  	[sflag:s14] =	ssyncset.done $0x0  }
0xe6: {  	[sflag:s14] =	ssyncadd.s32 $0xFFFFE000  }
0xe7: {  	[spmem:s1] =	stream.indirect.scatter.add.f32 [tilespmem:s9], [sflag:$0x8], $0x80, s15, s29, $0xb8;
	[tilespmem:$0x1E800] =	vst v63  }
0xe8: {  	_ =	swait.ge [sflag:s16], $0x2000  }
0xe9: {  	[sflag:s16] =	ssyncset.done $0x0  }
0xea: {  	[sflag:s16] =	ssyncadd.s32 $0xFFFFE000  }
0xeb: {  	[tilespmem:s31], [sflag:$0x2] =	stream.indirect.gather [hbm4b:s4+s29], $0x80, s17, s29, $0xb8;
	[tilespmem:$0x1E800] =	vst v63  }
.LBB2_7:
0xec: {  	_ =	swait.ge [sflag:s0], $0x2000  }
0xed: {  	s22 =	sshra.s32 s21, $0x2;
	[sflag:s0] =	ssyncset.done $0x0  }
0xee: {  	s23 =	sadd.s32 $0x1600, s22;
	[sflag:s0] =	ssyncadd.s32 $0xFFFFE000  }
0xef: {  	[spmem:s1] =	stream.indirect.scatter.add.f32 [tilespmem:s25], [sflag:$0x5], $0x80, s23, s29, $0xb8;
	[tilespmem:$0x1E800] =	vst v63  }
0xf0: {  	_ =	swait.ge [sflag:s18], $0x2000  }
0xf1: {  	[sflag:s18] =	ssyncset.done $0x0  }
0xf2: {  	s24 =	sadd.s32 $0x300, s22;
	[sflag:s18] =	ssyncadd.s32 $0xFFFFE000  }
0xf3: {  	[tilespmem:s2], [sflag:$0x3] =	stream.indirect.gather [hbm4b:s4+s29], $0x80, s24, s29, $0xb8;
	[tilespmem:$0x1E800] =	vst v63  }
0xf4: {  	_ =	swait.ge [sflag:s6], $0x2000  }
0xf5: {  	[sflag:s6] =	ssyncset.done $0x0  }
0xf6: {  	s24 =	sadd.s32 $0x1680, s22;
	[sflag:s6] =	ssyncadd.s32 $0xFFFFE000  }
0xf7: {  	[spmem:s1] =	stream.indirect.scatter.add.f32 [tilespmem:s31], [sflag:$0x6], $0x80, s24, s29, $0xb8;
	[tilespmem:$0x1E800] =	vst v63  }
0xf8: {  	_ =	swait.ge [sflag:s19], $0x2000  }
0xf9: {  	[sflag:s19] =	ssyncset.done $0x0  }
0xfa: {  	s24 =	sadd.s32 $0x380, s22;
	[sflag:s19] =	ssyncadd.s32 $0xFFFFE000  }
0xfb: {  	[tilespmem:s9], [sflag:$0x4] =	stream.indirect.gather [hbm4b:s4+s29], $0x80, s24, s29, $0xb8;
	[tilespmem:$0x1E800] =	vst v63  }
0xfc: {  	_ =	swait.ge [sflag:s10], $0x2000  }
0xfd: {  	p0 =	seq.s32 s21, $0x4000;
	[sflag:s10] =	ssyncset.done $0x0  }
.Ltmp5:
0xfe: {  	s24 =	sadd.s32 $0x1700, s22;
	[sflag:s10] =	ssyncadd.s32 $0xFFFFE000;
	(pc) =	sbr.rel @p0 .LBB2_9-.Ltmp5, $4  }
0xff: {  	[spmem:s1] =	stream.indirect.scatter.add.f32 [tilespmem:s2], [sflag:$0x7], $0x80, s24, s29, $0xb8;
	[tilespmem:$0x1E800] =	vst v63  }
0x100: {  	_ =	swait.ge [sflag:s12], $0x2000  }
0x101: {  	[sflag:s12] =	ssyncset.done $0x0  }
0x102: {  	s23 =	sadd.s32 $0x1780, s22;
	[sflag:s12] =	ssyncadd.s32 $0xFFFFE000  }
0x103: {  	s24 =	sadd.s32 $0x400, s22  }
0x104: {  	[tilespmem:s25], [sflag:$0x1] =	stream.indirect.gather [hbm4b:s4+s29], $0x80, s24, s29, $0xb8;
	[tilespmem:$0x1E800] =	vst v63  }
0x105: {  	_ =	swait.ge [sflag:s14], $0x2000  }
0x106: {  	[sflag:s14] =	ssyncset.done $0x0  }
0x107: {  	[sflag:s14] =	ssyncadd.s32 $0xFFFFE000  }
0x108: {  	[spmem:s1] =	stream.indirect.scatter.add.f32 [tilespmem:s9], [sflag:$0x8], $0x80, s23, s29, $0xb8;
	[tilespmem:$0x1E800] =	vst v63  }
.Ltmp6:
0x109: {  	_ = 	snop;
	(pc) =	sbr.rel .LBB2_7-.Ltmp6, $4  }
0x10a: {  	_ =	swait.ge [sflag:s16], $0x2000  }
0x10b: {  	[sflag:s16] =	ssyncset.done $0x0  }
0x10c: {  	s21 =	sadd.s32 $0x800, s21;
	s24 =	sadd.s32 $0x480, s22;
	[sflag:s16] =	ssyncadd.s32 $0xFFFFE000  }
0x10d: {  	[tilespmem:s31], [sflag:$0x2] =	stream.indirect.gather [hbm4b:s4+s29], $0x80, s24, s29, $0xb8;
	[tilespmem:$0x1E800] =	vst v63  }
.LBB2_9:
0x10e: {  	_ =	swait.ge [sflag:s14], $0x2000  }
0x10f: {  	[sflag:s14] =	ssyncset.done $0x0  }
0x110: {  	[sflag:s14] =	ssyncadd.s32 $0xFFFFE000  }
0x111: {  	[spmem:s1] =	stream.indirect.scatter.add.f32 [tilespmem:s9], [sflag:$0x8], $0x80, s23, s29, $0xb8;
	[tilespmem:$0x1E800] =	vst v63  }
0x112: {  	_ =	swait.ge [sflag:s16], $0x2000  }
0x113: {  	[sflag:s16] =	ssyncset.done $0x0  }
0x114: {  	[sflag:s16] =	ssyncadd.s32 $0xFFFFE000  }
0x115: {  	_ =	swait.ge [sflag:s18], $0x2000  }
0x116: {  	[sflag:s18] =	ssyncset.done $0x0  }
0x117: {  	[sflag:s18] =	ssyncadd.s32 $0xFFFFE000  }
0x118: {  	_ =	swait.ge [sflag:s19], $0x2000  }
0x119: {  	[sflag:s19] =	ssyncset.done $0x0  }
0x11a: {  	s21 =	simm.s32 $0x0;
	s22 =	rddreg [dreg:$0x8];
	[sflag:s19] =	ssyncadd.s32 $0xFFFFE000  }
0x11b: {  	[tilespmem:s21], [sflag:$0x9] =	stream.linear.gather [hbm4b:s22+s21], $0x1400, $0x38;
	[tilespmem:$0x1E800] =	vst v63  }
0x11c: {  	_ =	swait.ge [sflag:s26], $0x1400  }
0x11d: {  	[sflag:s26] =	ssyncset.done $0x0  }
0x11e: {  	s24 =	rddreg [dreg:$0x9];
	[sflag:s26] =	ssyncadd.s32 $0xFFFFEC00  }
0x11f: {  	[tilespmem:s28], [sflag:$0x9] =	stream.linear.gather [hbm4b:s24+s21], $0x1400, $0x38;
	[tilespmem:$0x1E800] =	vst v63  }
0x120: {  	_ =	swait.ge [sflag:s26], $0x1400  }
0x121: {  	[sflag:s26] =	ssyncset.done $0x0  }
0x122: {  	[sflag:s26] =	ssyncadd.s32 $0xFFFFEC00  }
0x123: {  	[tilespmem:s25], [sflag:$0x1] =	stream.indirect.gather [hbm4b:s4+s29], $0x80, s21, s29, $0xb8;
	[tilespmem:$0x1E800] =	vst v63  }
0x124: {  	_ = 	snop  }
0x125: {  	[tilespmem:s31], [sflag:$0x2] =	stream.indirect.gather [hbm4b:s4+s29], $0x80, s30, s29, $0xb8;
	[tilespmem:$0x1E800] =	vst v63  }
0x126: {  	_ =	swait.ge [sflag:s0], $0x2000  }
0x127: {  	[sflag:s0] =	ssyncset.done $0x0  }
0x128: {  	[sflag:s0] =	ssyncadd.s32 $0xFFFFE000  }
0x129: {  	[spmem:s1] =	stream.indirect.scatter.add.f32 [tilespmem:s25], [sflag:$0x5], $0x80, s28, s29, $0xb8;
	[tilespmem:$0x1E800] =	vst v63  }
0x12a: {  	_ = 	snop  }
0x12b: {  	[tilespmem:s2], [sflag:$0x3] =	stream.indirect.gather [hbm4b:s4+s29], $0x80, s3, s29, $0xb8;
	[tilespmem:$0x1E800] =	vst v63  }
0x12c: {  	_ =	swait.ge [sflag:s6], $0x2000  }
0x12d: {  	[sflag:s6] =	ssyncset.done $0x0  }
0x12e: {  	[sflag:s6] =	ssyncadd.s32 $0xFFFFE000  }
0x12f: {  	[spmem:s1] =	stream.indirect.scatter.add.f32 [tilespmem:s31], [sflag:$0x6], $0x80, s7, s29, $0xb8;
	[tilespmem:$0x1E800] =	vst v63  }
0x130: {  	_ = 	snop  }
0x131: {  	[tilespmem:s9], [sflag:$0x4] =	stream.indirect.gather [hbm4b:s4+s29], $0x80, s8, s29, $0xb8;
	[tilespmem:$0x1E800] =	vst v63  }
0x132: {  	_ =	swait.ge [sflag:s10], $0x2000  }
0x133: {  	[sflag:s10] =	ssyncset.done $0x0  }
0x134: {  	[sflag:s10] =	ssyncadd.s32 $0xFFFFE000  }
0x135: {  	[spmem:s1] =	stream.indirect.scatter.add.f32 [tilespmem:s2], [sflag:$0x7], $0x80, s11, s29, $0xb8;
	[tilespmem:$0x1E800] =	vst v63  }
0x136: {  	_ =	swait.ge [sflag:s12], $0x2000  }
0x137: {  	[sflag:s12] =	ssyncset.done $0x0  }
0x138: {  	[sflag:s12] =	ssyncadd.s32 $0xFFFFE000  }
0x139: {  	[tilespmem:s25], [sflag:$0x1] =	stream.indirect.gather [hbm4b:s4+s29], $0x80, s13, s29, $0xb8;
	[tilespmem:$0x1E800] =	vst v63  }
0x13a: {  	_ =	swait.ge [sflag:s14], $0x2000  }
0x13b: {  	[sflag:s14] =	ssyncset.done $0x0  }
0x13c: {  	[sflag:s14] =	ssyncadd.s32 $0xFFFFE000  }
0x13d: {  	[spmem:s1] =	stream.indirect.scatter.add.f32 [tilespmem:s9], [sflag:$0x8], $0x80, s15, s29, $0xb8;
	[tilespmem:$0x1E800] =	vst v63  }
0x13e: {  	_ =	swait.ge [sflag:s16], $0x2000  }
0x13f: {  	[sflag:s16] =	ssyncset.done $0x0  }
0x140: {  	[sflag:s16] =	ssyncadd.s32 $0xFFFFE000  }
0x141: {  	[tilespmem:s31], [sflag:$0x2] =	stream.indirect.gather [hbm4b:s4+s29], $0x80, s17, s29, $0xb8;
	[tilespmem:$0x1E800] =	vst v63  }
.LBB2_10:
0x142: {  	_ =	swait.ge [sflag:s0], $0x2000  }
0x143: {  	s22 =	sshra.s32 s21, $0x2;
	[sflag:s0] =	ssyncset.done $0x0  }
0x144: {  	s23 =	sadd.s32 $0x1600, s22;
	[sflag:s0] =	ssyncadd.s32 $0xFFFFE000  }
0x145: {  	[spmem:s1] =	stream.indirect.scatter.add.f32 [tilespmem:s25], [sflag:$0x5], $0x80, s23, s29, $0xb8;
	[tilespmem:$0x1E800] =	vst v63  }
0x146: {  	_ =	swait.ge [sflag:s18], $0x2000  }
0x147: {  	[sflag:s18] =	ssyncset.done $0x0  }
0x148: {  	s24 =	sadd.s32 $0x300, s22;
	[sflag:s18] =	ssyncadd.s32 $0xFFFFE000  }
0x149: {  	[tilespmem:s2], [sflag:$0x3] =	stream.indirect.gather [hbm4b:s4+s29], $0x80, s24, s29, $0xb8;
	[tilespmem:$0x1E800] =	vst v63  }
0x14a: {  	_ =	swait.ge [sflag:s6], $0x2000  }
0x14b: {  	[sflag:s6] =	ssyncset.done $0x0  }
0x14c: {  	s24 =	sadd.s32 $0x1680, s22;
	[sflag:s6] =	ssyncadd.s32 $0xFFFFE000  }
0x14d: {  	[spmem:s1] =	stream.indirect.scatter.add.f32 [tilespmem:s31], [sflag:$0x6], $0x80, s24, s29, $0xb8;
	[tilespmem:$0x1E800] =	vst v63  }
0x14e: {  	_ =	swait.ge [sflag:s19], $0x2000  }
0x14f: {  	[sflag:s19] =	ssyncset.done $0x0  }
0x150: {  	s24 =	sadd.s32 $0x380, s22;
	[sflag:s19] =	ssyncadd.s32 $0xFFFFE000  }
0x151: {  	[tilespmem:s9], [sflag:$0x4] =	stream.indirect.gather [hbm4b:s4+s29], $0x80, s24, s29, $0xb8;
	[tilespmem:$0x1E800] =	vst v63  }
0x152: {  	_ =	swait.ge [sflag:s10], $0x2000  }
0x153: {  	p0 =	seq.s32 s21, $0x4000;
	[sflag:s10] =	ssyncset.done $0x0  }
.Ltmp7:
0x154: {  	s24 =	sadd.s32 $0x1700, s22;
	[sflag:s10] =	ssyncadd.s32 $0xFFFFE000;
	(pc) =	sbr.rel @p0 .LBB2_12-.Ltmp7, $4  }
0x155: {  	[spmem:s1] =	stream.indirect.scatter.add.f32 [tilespmem:s2], [sflag:$0x7], $0x80, s24, s29, $0xb8;
	[tilespmem:$0x1E800] =	vst v63  }
0x156: {  	_ =	swait.ge [sflag:s12], $0x2000  }
0x157: {  	[sflag:s12] =	ssyncset.done $0x0  }
0x158: {  	s23 =	sadd.s32 $0x1780, s22;
	[sflag:s12] =	ssyncadd.s32 $0xFFFFE000  }
0x159: {  	s24 =	sadd.s32 $0x400, s22  }
0x15a: {  	[tilespmem:s25], [sflag:$0x1] =	stream.indirect.gather [hbm4b:s4+s29], $0x80, s24, s29, $0xb8;
	[tilespmem:$0x1E800] =	vst v63  }
0x15b: {  	_ =	swait.ge [sflag:s14], $0x2000  }
0x15c: {  	[sflag:s14] =	ssyncset.done $0x0  }
0x15d: {  	[sflag:s14] =	ssyncadd.s32 $0xFFFFE000  }
0x15e: {  	[spmem:s1] =	stream.indirect.scatter.add.f32 [tilespmem:s9], [sflag:$0x8], $0x80, s23, s29, $0xb8;
	[tilespmem:$0x1E800] =	vst v63  }
.Ltmp8:
0x15f: {  	_ = 	snop;
	(pc) =	sbr.rel .LBB2_10-.Ltmp8, $4  }
0x160: {  	_ =	swait.ge [sflag:s16], $0x2000  }
0x161: {  	[sflag:s16] =	ssyncset.done $0x0  }
0x162: {  	s21 =	sadd.s32 $0x800, s21;
	s24 =	sadd.s32 $0x480, s22;
	[sflag:s16] =	ssyncadd.s32 $0xFFFFE000  }
0x163: {  	[tilespmem:s31], [sflag:$0x2] =	stream.indirect.gather [hbm4b:s4+s29], $0x80, s24, s29, $0xb8;
	[tilespmem:$0x1E800] =	vst v63  }
.LBB2_12:
0x164: {  	_ =	swait.ge [sflag:s14], $0x2000  }
0x165: {  	[sflag:s14] =	ssyncset.done $0x0  }
0x166: {  	[sflag:s14] =	ssyncadd.s32 $0xFFFFE000  }
0x167: {  	[spmem:s1] =	stream.indirect.scatter.add.f32 [tilespmem:s9], [sflag:$0x8], $0x80, s23, s29, $0xb8;
	[tilespmem:$0x1E800] =	vst v63  }
0x168: {  	_ =	swait.ge [sflag:s16], $0x2000  }
0x169: {  	[sflag:s16] =	ssyncset.done $0x0  }
0x16a: {  	[sflag:s16] =	ssyncadd.s32 $0xFFFFE000  }
0x16b: {  	_ =	swait.ge [sflag:s18], $0x2000  }
0x16c: {  	[sflag:s18] =	ssyncset.done $0x0  }
0x16d: {  	[sflag:s18] =	ssyncadd.s32 $0xFFFFE000  }
0x16e: {  	_ =	swait.ge [sflag:s19], $0x2000  }
0x16f: {  	[sflag:s19] =	ssyncset.done $0x0  }
0x170: {  	s21 =	simm.s32 $0x0;
	s22 =	rddreg [dreg:$0xa];
	[sflag:s19] =	ssyncadd.s32 $0xFFFFE000  }
0x171: {  	[tilespmem:s21], [sflag:$0x9] =	stream.linear.gather [hbm4b:s22+s21], $0x1400, $0x38;
	[tilespmem:$0x1E800] =	vst v63  }
0x172: {  	_ =	swait.ge [sflag:s26], $0x1400  }
0x173: {  	[sflag:s26] =	ssyncset.done $0x0  }
0x174: {  	s24 =	rddreg [dreg:$0xb];
	[sflag:s26] =	ssyncadd.s32 $0xFFFFEC00  }
0x175: {  	[tilespmem:s28], [sflag:$0x9] =	stream.linear.gather [hbm4b:s24+s21], $0x1400, $0x38;
	[tilespmem:$0x1E800] =	vst v63  }
0x176: {  	_ =	swait.ge [sflag:s26], $0x1400  }
0x177: {  	[sflag:s26] =	ssyncset.done $0x0  }
0x178: {  	[sflag:s26] =	ssyncadd.s32 $0xFFFFEC00  }
0x179: {  	[tilespmem:s25], [sflag:$0x1] =	stream.indirect.gather [hbm4b:s4+s29], $0x80, s21, s29, $0xb8;
	[tilespmem:$0x1E800] =	vst v63  }
0x17a: {  	_ = 	snop  }
0x17b: {  	[tilespmem:s31], [sflag:$0x2] =	stream.indirect.gather [hbm4b:s4+s29], $0x80, s30, s29, $0xb8;
	[tilespmem:$0x1E800] =	vst v63  }
0x17c: {  	_ =	swait.ge [sflag:s0], $0x2000  }
0x17d: {  	[sflag:s0] =	ssyncset.done $0x0  }
0x17e: {  	[sflag:s0] =	ssyncadd.s32 $0xFFFFE000  }
0x17f: {  	[spmem:s1] =	stream.indirect.scatter.add.f32 [tilespmem:s25], [sflag:$0x5], $0x80, s28, s29, $0xb8;
	[tilespmem:$0x1E800] =	vst v63  }
0x180: {  	_ = 	snop  }
0x181: {  	[tilespmem:s2], [sflag:$0x3] =	stream.indirect.gather [hbm4b:s4+s29], $0x80, s3, s29, $0xb8;
	[tilespmem:$0x1E800] =	vst v63  }
0x182: {  	_ =	swait.ge [sflag:s6], $0x2000  }
0x183: {  	[sflag:s6] =	ssyncset.done $0x0  }
0x184: {  	[sflag:s6] =	ssyncadd.s32 $0xFFFFE000  }
0x185: {  	[spmem:s1] =	stream.indirect.scatter.add.f32 [tilespmem:s31], [sflag:$0x6], $0x80, s7, s29, $0xb8;
	[tilespmem:$0x1E800] =	vst v63  }
0x186: {  	_ = 	snop  }
0x187: {  	[tilespmem:s9], [sflag:$0x4] =	stream.indirect.gather [hbm4b:s4+s29], $0x80, s8, s29, $0xb8;
	[tilespmem:$0x1E800] =	vst v63  }
0x188: {  	_ =	swait.ge [sflag:s10], $0x2000  }
0x189: {  	[sflag:s10] =	ssyncset.done $0x0  }
0x18a: {  	[sflag:s10] =	ssyncadd.s32 $0xFFFFE000  }
0x18b: {  	[spmem:s1] =	stream.indirect.scatter.add.f32 [tilespmem:s2], [sflag:$0x7], $0x80, s11, s29, $0xb8;
	[tilespmem:$0x1E800] =	vst v63  }
0x18c: {  	_ =	swait.ge [sflag:s12], $0x2000  }
0x18d: {  	[sflag:s12] =	ssyncset.done $0x0  }
0x18e: {  	[sflag:s12] =	ssyncadd.s32 $0xFFFFE000  }
0x18f: {  	[tilespmem:s25], [sflag:$0x1] =	stream.indirect.gather [hbm4b:s4+s29], $0x80, s13, s29, $0xb8;
	[tilespmem:$0x1E800] =	vst v63  }
0x190: {  	_ =	swait.ge [sflag:s14], $0x2000  }
0x191: {  	[sflag:s14] =	ssyncset.done $0x0  }
0x192: {  	[sflag:s14] =	ssyncadd.s32 $0xFFFFE000  }
0x193: {  	[spmem:s1] =	stream.indirect.scatter.add.f32 [tilespmem:s9], [sflag:$0x8], $0x80, s15, s29, $0xb8;
	[tilespmem:$0x1E800] =	vst v63  }
0x194: {  	_ =	swait.ge [sflag:s16], $0x2000  }
0x195: {  	[sflag:s16] =	ssyncset.done $0x0  }
0x196: {  	[sflag:s16] =	ssyncadd.s32 $0xFFFFE000  }
0x197: {  	[tilespmem:s31], [sflag:$0x2] =	stream.indirect.gather [hbm4b:s4+s29], $0x80, s17, s29, $0xb8;
	[tilespmem:$0x1E800] =	vst v63  }
.LBB2_13:
0x198: {  	_ =	swait.ge [sflag:s0], $0x2000  }
0x199: {  	s22 =	sshra.s32 s21, $0x2;
	[sflag:s0] =	ssyncset.done $0x0  }
0x19a: {  	s23 =	sadd.s32 $0x1600, s22;
	[sflag:s0] =	ssyncadd.s32 $0xFFFFE000  }
0x19b: {  	[spmem:s1] =	stream.indirect.scatter.add.f32 [tilespmem:s25], [sflag:$0x5], $0x80, s23, s29, $0xb8;
	[tilespmem:$0x1E800] =	vst v63  }
0x19c: {  	_ =	swait.ge [sflag:s18], $0x2000  }
0x19d: {  	[sflag:s18] =	ssyncset.done $0x0  }
0x19e: {  	s24 =	sadd.s32 $0x300, s22;
	[sflag:s18] =	ssyncadd.s32 $0xFFFFE000  }
0x19f: {  	[tilespmem:s2], [sflag:$0x3] =	stream.indirect.gather [hbm4b:s4+s29], $0x80, s24, s29, $0xb8;
	[tilespmem:$0x1E800] =	vst v63  }
0x1a0: {  	_ =	swait.ge [sflag:s6], $0x2000  }
0x1a1: {  	[sflag:s6] =	ssyncset.done $0x0  }
0x1a2: {  	s30 =	sadd.s32 $0x1680, s22;
	[sflag:s6] =	ssyncadd.s32 $0xFFFFE000  }
0x1a3: {  	[spmem:s1] =	stream.indirect.scatter.add.f32 [tilespmem:s31], [sflag:$0x6], $0x80, s30, s29, $0xb8;
	[tilespmem:$0x1E800] =	vst v63  }
0x1a4: {  	_ =	swait.ge [sflag:s19], $0x2000  }
0x1a5: {  	[sflag:s19] =	ssyncset.done $0x0  }
0x1a6: {  	s24 =	sadd.s32 $0x380, s22;
	[sflag:s19] =	ssyncadd.s32 $0xFFFFE000  }
0x1a7: {  	[tilespmem:s9], [sflag:$0x4] =	stream.indirect.gather [hbm4b:s4+s29], $0x80, s24, s29, $0xb8;
	[tilespmem:$0x1E800] =	vst v63  }
0x1a8: {  	_ =	swait.ge [sflag:s10], $0x2000  }
0x1a9: {  	p0 =	seq.s32 s21, $0x4000;
	[sflag:s10] =	ssyncset.done $0x0  }
.Ltmp9:
0x1aa: {  	s30 =	sadd.s32 $0x1700, s22;
	[sflag:s10] =	ssyncadd.s32 $0xFFFFE000;
	(pc) =	sbr.rel @p0 .LBB2_15-.Ltmp9, $4  }
0x1ab: {  	[spmem:s1] =	stream.indirect.scatter.add.f32 [tilespmem:s2], [sflag:$0x7], $0x80, s30, s29, $0xb8;
	[tilespmem:$0x1E800] =	vst v63  }
0x1ac: {  	_ =	swait.ge [sflag:s12], $0x2000  }
0x1ad: {  	[sflag:s12] =	ssyncset.done $0x0  }
0x1ae: {  	s23 =	sadd.s32 $0x1780, s22;
	[sflag:s12] =	ssyncadd.s32 $0xFFFFE000  }
0x1af: {  	s24 =	sadd.s32 $0x400, s22  }
0x1b0: {  	[tilespmem:s25], [sflag:$0x1] =	stream.indirect.gather [hbm4b:s4+s29], $0x80, s24, s29, $0xb8;
	[tilespmem:$0x1E800] =	vst v63  }
0x1b1: {  	_ =	swait.ge [sflag:s14], $0x2000  }
0x1b2: {  	[sflag:s14] =	ssyncset.done $0x0  }
0x1b3: {  	[sflag:s14] =	ssyncadd.s32 $0xFFFFE000  }
0x1b4: {  	[spmem:s1] =	stream.indirect.scatter.add.f32 [tilespmem:s9], [sflag:$0x8], $0x80, s23, s29, $0xb8;
	[tilespmem:$0x1E800] =	vst v63  }
.Ltmp10:
0x1b5: {  	_ = 	snop;
	(pc) =	sbr.rel .LBB2_13-.Ltmp10, $4  }
0x1b6: {  	_ =	swait.ge [sflag:s16], $0x2000  }
0x1b7: {  	[sflag:s16] =	ssyncset.done $0x0  }
0x1b8: {  	s30 =	sadd.s32 $0x480, s22;
	s21 =	sadd.s32 $0x800, s21;
	[sflag:s16] =	ssyncadd.s32 $0xFFFFE000  }
0x1b9: {  	[tilespmem:s31], [sflag:$0x2] =	stream.indirect.gather [hbm4b:s4+s29], $0x80, s30, s29, $0xb8;
	[tilespmem:$0x1E800] =	vst v63  }
.LBB2_16:
0x1ba: {  	_ =	sfence.sel $0x180000  }
0x1bb: {  	[bflag:$0x0] =	sbarrier.arrive $0xFFFF  }
0x1bc: {  	_ =	strace $0x9000004A  }
0x1bd: {  	s0 =	stileid.u32;
	[bflag:$0x2] =	sbarrier.arrive $0xFFFF  }
0x1be: {  	p0 =	sne.s32 s0, $0x0;
	s0 =	rddreg [dreg:$0x3]  }
0x1bf: {  	s0 =	sadd.s32 @!p0 $0x100000, s0  }
0x1c0: {  	[sflag:s0] =	ssyncadd.tile.s32 @!p0 $0x1;
	_ =	shalt  }
.Lfunc_end2:
_tile_overlayer_lowered:
.L_overlay_start_2:
0x1c1: {  	(tag) =	ssettag $0x2  }
0x1c2: {  	s0 =	rddreg [dreg:$0x0];
	s2 =	stileid.u32  }
0x1c3: {  	s1 =	rddreg [dreg:$0x1];
	p0 =	sne.s32 s2, $0x0  }
0x1c4: {  	s3 =	rddreg [dreg:$0x2];
	[bflag:$0x3] =	sbarrier.arrive $0xFFFF;
	s2 =	simm.s32 @!p0 $0x1C09  }
0x1c5: {  	[timem:s3], [sflag:s2] =	dma.local @!p0 [hbm:s0], s1  }
0x1c6: {  	s0 =	simm.s32 @!p0 $0x9  }
0x1c7: {  	_ =	swait.ge @!p0 [sflag:s0], s1  }
0x1c8: {  	s1 =	ssub.s32 @!p0 $0x0, s1;
	[sflag:s0] =	ssyncset.done @!p0 $0x0  }
0x1c9: {  	[sflag:s0] =	ssyncadd.s32 @!p0 s1  }
0x1ca: {  	[bflag:$0x3] =	sbarrier.arrive $0xFFFF  }
0x1cb: {  	_ =	shalt  }

// kernel: kernel.15.cloned.1.call-start
scs
__scs_entry_jumppad:
0x0: {  	(pc) =	sbr.rel $0x88, $3  }
0x1: {  	(tag) =	ssettag $0x0;
	lr =	simm.s32 $0x1  }
0x2: {  	[smem:$0x3F9B] =	sst lr;
	_ =	strace $0xD0000000  }
0x3: {  	_ = 	snop  }
0x4: {  	_ = 	snop  }
0x5: {  	_ = 	snop  }
0x6: {  	_ = 	snop  }
0x7: {  	_ = 	snop  }
__scs_overlays_trampoline_lowered:
0x8: {  	[smem:$0x3FAA] =	sst s0  }
0x9: {  	[smem:$0x3FAB] =	sst s1  }
0xa: {  	[smem:$0x3FAC] =	sst s2  }
0xb: {  	[smem:$0x3FAD] =	sst s3  }
0xc: {  	[smem:$0x3FAE] =	sst s4  }
0xd: {  	[smem:$0x3FAF] =	sst s5  }
0xe: {  	[smem:$0x3FB0] =	sst s6  }
0xf: {  	[smem:$0x3FB1] =	sst s7  }
0x10: {  	[smem:$0x3FB2] =	sst s8  }
0x11: {  	[smem:$0x3FB3] =	sst s9;
	s0 =	simm.s32 @!p0 $0x0  }
0x12: {  	s1 =	sld [smem:$0x3F99];
	s0 =	simm.s32 @p0 $0x1  }
0x13: {  	[smem:$0x3FB4] =	sst s0;
	s0 =	simm.s32 @!p1 $0x0  }
0x14: {  	s2 =	sld [smem:$0x3F98];
	s0 =	simm.s32 @p1 $0x1  }
0x15: {  	[smem:$0x3FB5] =	sst s0;
	s0 =	simm.s32 @!p2 $0x0  }
0x16: {  	s3 =	sld [smem:$0x3FDB];
	s0 =	simm.s32 @p2 $0x1  }
0x17: {  	s4 =	simm.s32 $0x1BF5;
	[smem:$0x3FB7] =	sst s0  }
0x18: {  	s0 =	sld [smem:$0x3F9A];
	_ =	swait.ge [sflag:s4], $0x0  }
0x19: {  	s7 =	sld [smem:$0x3F9B]  }
0x1a: {  	s8 =	sadd.s32 $0xFFFFE003, lr  }
0x1b: {  	s9 =	sadd.s32 $0xFFFFFEF7, lr;
	s5 =	simm.s32 $0xFFFFFFFF;
	p2 =	slt.u32 s8, $0xFFFFF086  }
0x1c: {  	p1 =	slt.u32 s9, $0xF7A;
	s5 =	simm.s32 @!p2 $0x0  }
0x1d: {  	s5 =	simm.s32 @p1 $0x1;
	p0 =	seq.s32 s7, s2  }
0x1e: {  	s7 =	smul.u32 @!p0 $0xF7A, s2;
	p2 =	seq.s32 @!p0 s5, $0x0  }
0x1f: {  	s9 =	smul.u32 $0xF7A, s1;
	s8 =	simm.s32 @!p0 $0x1BF5;
	p2 =	por !p2, p0  }
0x20: {  	[sflag:s8] =	ssyncset.s32 @!p0 $0xFFFFF086;
	s6 =	sadd.s32 @!p0 s3, s7;
	s7 =	simm.s32 @!p0 $0x108  }
0x21: {  	s3 =	sadd.s32 s3, s9;
	s6 =	sadd.s32 @!p0 $0x88, s6;
	s7 =	simm.s32 @p2 $0x1082  }
0x22: {  	[simem:s7], [sflag:s8] =	dma.local @!p0 [hbm:s6], $0xF7A  }
0x23: {  	s9 =	sor.u32 $0xD0000000, s2;
	s6 =	simm.s32 $0x108;
	_ =	swait.ge @!p0 [sflag:s8], $0x0  }
0x24: {  	s3 =	sadd.s32 $0x88, s3;
	s6 =	simm.s32 @!p1 $0x1082;
	[sflag:s4] =	ssyncset.s32 $0xFFFFF086  }
0x25: {  	[simem:s6], [sflag:s4] =	dma.local [hbm:s3], $0xF7A  }
0x26: {  	[smem:$0x3F9B] =	sst s1;
	(tag) =	ssettag s2;
	_ =	strace s9  }
0x27: {  	s1 =	sld [smem:$0x3FAB]  }
0x28: {  	s2 =	sld [smem:$0x3FAC]  }
0x29: {  	s4 =	sld [smem:$0x3FAE]  }
0x2a: {  	p0 =	seq.s32 s5, $0x0;
	s5 =	sld [smem:$0x3FAF]  }
0x2b: {  	s6 =	sld [smem:$0x3FB0]  }
0x2c: {  	s7 =	sld [smem:$0x3FB1]  }
0x2d: {  	s3 =	simm.s32 $0x108;
	s8 =	sld [smem:$0x3FB2]  }
0x2e: {  	s3 =	simm.s32 @!p0 $0x1082;
	s9 =	sld [smem:$0x3FB3]  }
0x2f: {  	lr =	sadd.s32 s0, s3;
	s0 =	sld [smem:$0x3FAA]  }
0x30: {  	s3 =	sld [smem:$0x3FAD]  }
0x31: {  	[smem:$0x3FB6] =	sst s10  }
0x32: {  	s10 =	sld [smem:$0x3FB4];
	_ =	sdelay $0x3  }
0x33: {  	p0 =	seq.s32 s10, $0x1;
	s10 =	sld [smem:$0x3FB6];
	_ =	sdelay $0x3  }
0x34: {  	[smem:$0x3FB6] =	sst s10  }
0x35: {  	s10 =	sld [smem:$0x3FB5];
	_ =	sdelay $0x3  }
0x36: {  	p1 =	seq.s32 s10, $0x1;
	s10 =	sld [smem:$0x3FB6];
	_ =	sdelay $0x3  }
0x37: {  	[smem:$0x3FB6] =	sst s10  }
0x38: {  	s10 =	sld [smem:$0x3FB7]  }
0x39: {  	_ = 	snop;
	(pc) =	sbr.ind lr, $3  }
0x3a: {  	_ = 	snop  }
0x3b: {  	_ = 	snop  }
0x3c: {  	p2 =	seq.s32 s10, $0x1;
	s10 =	sld [smem:$0x3FB6]  }
0x3d: {  	_ =	shalt  }
0x3e: {  	_ =	shalt  }
0x3f: {  	_ =	shalt  }
0x40: {  	_ =	shalt  }
0x41: {  	_ =	shalt  }
0x42: {  	_ =	shalt  }
0x43: {  	_ =	shalt  }
0x44: {  	_ =	shalt  }
0x45: {  	_ =	shalt  }
0x46: {  	_ =	shalt  }
0x47: {  	_ =	shalt  }
0x48: {  	_ =	shalt  }
0x49: {  	_ =	shalt  }
0x4a: {  	_ =	shalt  }
0x4b: {  	_ =	shalt  }
0x4c: {  	_ =	shalt  }
0x4d: {  	_ =	shalt  }
0x4e: {  	_ =	shalt  }
0x4f: {  	_ =	shalt  }
0x50: {  	_ =	shalt  }
0x51: {  	_ =	shalt  }
0x52: {  	_ =	shalt  }
0x53: {  	_ =	shalt  }
0x54: {  	_ =	shalt  }
0x55: {  	_ =	shalt  }
0x56: {  	_ =	shalt  }
0x57: {  	_ =	shalt  }
0x58: {  	_ =	shalt  }
0x59: {  	_ =	shalt  }
0x5a: {  	_ =	shalt  }
0x5b: {  	_ =	shalt  }
0x5c: {  	_ =	shalt  }
0x5d: {  	_ =	shalt  }
0x5e: {  	_ =	shalt  }
0x5f: {  	_ =	shalt  }
0x60: {  	_ =	shalt  }
0x61: {  	_ =	shalt  }
0x62: {  	_ =	shalt  }
0x63: {  	_ =	shalt  }
0x64: {  	_ =	shalt  }
0x65: {  	_ =	shalt  }
0x66: {  	_ =	shalt  }
0x67: {  	_ =	shalt  }
0x68: {  	_ =	shalt  }
0x69: {  	_ =	shalt  }
0x6a: {  	_ =	shalt  }
0x6b: {  	_ =	shalt  }
0x6c: {  	_ =	shalt  }
0x6d: {  	_ =	shalt  }
0x6e: {  	_ =	shalt  }
0x6f: {  	_ =	shalt  }
0x70: {  	_ =	shalt  }
0x71: {  	_ =	shalt  }
0x72: {  	_ =	shalt  }
0x73: {  	_ =	shalt  }
0x74: {  	_ =	shalt  }
0x75: {  	_ =	shalt  }
0x76: {  	_ =	shalt  }
0x77: {  	_ =	shalt  }
0x78: {  	_ =	shalt  }
0x79: {  	_ =	shalt  }
0x7a: {  	_ =	shalt  }
0x7b: {  	_ =	shalt  }
0x7c: {  	_ =	shalt  }
0x7d: {  	_ =	shalt  }
0x7e: {  	_ =	shalt  }
0x7f: {  	_ =	shalt  }
0x80: {  	_ =	shalt  }
0x81: {  	_ =	shalt  }
0x82: {  	_ =	shalt  }
0x83: {  	_ =	shalt  }
0x84: {  	_ =	shalt  }
0x85: {  	_ =	shalt  }
0x86: {  	_ =	shalt  }
0x87: {  	_ =	shalt  }
.Lfunc_end0:
.L_simem_size_0:
called_computation.2_lowered:
.L_overlay_start_0:
0x88: {  	s2 =	sld [smem:$0x3FD9]  }
0x89: {  	s3 =	sld [smem:$0x3FFE];
	_ =	sdelay $0x1  }
0x8a: {  	s1 =	srdreg.scid  }
0x8b: {  	s0 =	sand.u32 $0x1, s1  }
0x8c: {  	s17 =	sshll.u32 s0, $0xA;
	s2 =	sadd.s32 s3, s2  }
0x8d: {  	s2 =	sadd.s32 s2, s17  }
0x8e: {  	[smem:$0x3FC2] =	sst s2  }
0x8f: {  	_ = 	snop  }
0x90: {  	s2 =	sld [smem:$0x3FD0];
	(tm) =	ssettm $0x1  }
0x91: {  	s18 =	sld [smem:$0x3FFB];
	_ =	sdelay $0x3  }
0x92: {  	_ =	strace s18  }
0x93: {  	s3 =	sld [smem:$0x3FFC];
	_ =	sdelay $0x3  }
0x94: {  	_ =	strace s3  }
0x95: {  	s3 =	sld [smem:$0x3FFD];
	_ =	sdelay $0x3  }
0x96: {  	_ =	strace s3  }
0x97: {  	_ =	strace $0x8FFFFFFF  }
0x98: {  	s19 =	sld [smem:$0x3FDB];
	_ =	sdelay $0x1  }
0x99: {  	s4 =	simm.s32 $_scs_section_size  }
0x9a: {  	s5 =	simm.s32 $_size__tile_overlayer_lowered;
	s6 =	simm.s32 $_tile_overlayer_lowered  }
0x9b: {  	s22 =	simm.s32 $0x1BFF;
	s21 =	sshll.u32 s6, $0x1;
	s3 =	sadd.s32 s4, s19  }
0x9c: {  	s7 =	simm.s32 $0x0;
	s20 =	sshll.u32 s5, $0x1;
	s5 =	sadd.s32 s21, s3  }
0x9d: {  	[timem:s7], [sflag:s22] =	dma.local [hbm:s5], s20  }
0x9e: {  	_ =	swait.ge [sflag:s22], s20  }
0x9f: {  	s4 =	ssub.s32 $0x0, s20;
	[sflag:s22] =	ssyncset.done $0x0  }
0xa0: {  	[sflag:s22] =	ssyncadd.s32 s4;
	_ =	sdelay $0x1  }
0xa1: {  	s23 =	simm.s32 $0x1B8B  }
0xa2: {  	_ =	swait.ge [sflag:s23], $0x1  }
0xa3: {  	[sflag:s23] =	ssyncset.done $0x0  }
0xa4: {  	s25 =	simm.s32 $0x1B8E;
	s24 =	sld [smem:$0x3FFE];
	[sflag:s23] =	ssyncadd.s32 $0xFFFFFFFF  }
0xa5: {  	s26 =	simm.s32 $execute0_lowered;
	[smem:$0x3FD2] =	sst s25  }
0xa6: {  	s5 =	sshll.u32 s26, $0x1;
	_ =	strace $0x8000004C;
	[dreg:$0x1] =	wrdreg $0xFFFFFFFF  }
0xa7: {  	s28 =	simm.s32 $_size_execute0_lowered;
	s3 =	sadd.s32 s3, s5;
	[dreg:$0x0] =	wrdreg $0x0  }
0xa8: {  	s5 =	sshll.u32 s28, $0x1;
	[dreg:$0x2] =	wrdreg s3  }
0xa9: {  	[dreg:$0x3] =	wrdreg s5  }
0xaa: {  	[dreg:$0x4] =	wrdreg $0xC0  }
0xab: {  	_ =	task [dreg:s7], $0x5FFFF  }
0xac: {  	[dreg:$0x1] =	wrdreg $0xFFFFFFFF  }
0xad: {  	[dreg:$0x0] =	wrdreg $0x60  }
0xae: {  	[dreg:$0x2] =	wrdreg s24  }
0xaf: {  	[dreg:$0x3] =	wrdreg s2  }
0xb0: {  	[dreg:$0x4] =	wrdreg $0xA8000  }
0xb1: {  	[dreg:$0x5] =	wrdreg $0x9  }
0xb2: {  	_ =	task.clear_ibuf [dreg:s7], $0x6FFFF;
	_ =	strace $0x9000004C  }
0xb3: {  	s29 =	simm.s32 $0x9;
	_ =	strace $0x8000004E  }
0xb4: {  	_ =	swait.ge [sflag:s29], $0x1  }
0xb5: {  	[sflag:s29] =	ssyncadd.s32 $0xFFFFFFFF  }
0xb6: {  	_ =	strace $0x9000004E  }
0xb7: {  	_ =	sfence  }
0xb8: {  	s30 =	sld [smem:$0x0];
	_ =	sdelay $0x2  }
0xb9: {  	s31 =	sshll.u32 s1, $0xD;
	s1 =	sshrl.u32 s1, $0x2  }
0xba: {  	s3 =	sand.u32 $0x4000, s31;
	s1 =	sadd.s32 s1, s30  }
0xbb: {  	s0 =	sor.u32 s3, s0;
	s1 =	sshll.u32 s1, $0x11  }
0xbc: {  	s0 =	sor.u32 s1, s0  }
0xbd: {  	s0 =	sadd.s32 $0x8F2B, s0  }
0xbe: {  	[sflag:s0] =	ssyncadd.remote.s32 $0x1  }
0xbf: {  	_ =	sfence.sel $0xFFFF  }
0xc0: {  	[dreg:$0x0] =	wrdreg $0xFFFFFFFF;
	(pc) =	sbr.abs _section_cstart, $3  }
0xc1: {  	[dreg:$0x1] =	wrdreg $0xFFFFFFFF  }
0xc2: {  	_ =	task.clear_ibuf [dreg:s7], $0x2FFFF;
	_ =	strace $0x9FFFFFFF  }
0xc3: {  	(tm) =	ssettm $0x7FFFFFFF  }
tec
execute0_lowered:
.L_overlay_start_1:
0x0: {  	(tag) =	ssettag $0x1  }
0x1: {  	s0 =	rddreg [dreg:$0x0]  }
0x2: {  	s2 =	rddreg [dreg:$0x1]  }
0x3: {  	s1 =	rddreg [dreg:$0x2];
	s3 =	srdreg.scid;
	s4 =	simm.s32 $0x0  }
0x4: {  	s8 =	stileid.u32;
	s28 =	simm.s32 $0x1400;
	s29 =	simm.s32 $0x40  }
0x5: {  	s31 =	simm.s32 $0x4800;
	s3 =	sand.u32 $0x1, s3;
	s6 =	smul.u32 $0x14000, s8  }
0x6: {  	[smem:$0x7FF] =	sst s4;
	s4 =	sadd.s32 $0x20200, s0;
	s26 =	smul.u32 $0x50000, s8  }
0x7: {  	s9 =	sadd.s32 $0xC200, s0;
	s5 =	smul.u32 $0x140000, s3;
	s7 =	sshll.u32 s3, $0x4  }
0x8: {  	_ =	strace $0x8000004D;
	s3 =	ssub.s32 $0x2, s3;
	s25 =	sor.u32 s8, s7  }
0x9: {  	s10 =	sshrl.u32 s3, $0x1;
	s7 =	sshrl.u32 s26, $0x2;
	s30 =	smul.u32 $0x5000, s25  }
0xa: {  	s5 =	sadd.s32 s6, s5;
	s6 =	smul.u32 $0xA00, s25;
	s3 =	ssub.s32 s3, s10  }
0xb: {  	s5 =	sshrl.u32 s5, $0x3;
	s18 =	smax.u32 s3, $0x1;
	s3 =	simm.s32 $0x100  }
0xc: {  	s0 =	sadd.s32 s5, s0;
	s10 =	sadd.s32 s9, s6;
	[dreg:$0xd] =	wrdreg s18  }
0xd: {  	s8 =	sshrl.u32 s30, $0x3;
	s6 =	sadd.s32 s2, s6;
	[dreg:$0x4] =	wrdreg s10  }
0xe: {  	s5 =	sadd.s32 s7, s1;
	[dreg:$0x5] =	wrdreg s6;
	s0 =	sadd.s32 $0x48200, s0  }
0xf: {  	s7 =	simm.s32 $0x1480;
	s19 =	sadd.s32 $0x2000, s5;
	[dreg:$0xc] =	wrdreg s0  }
0x10: {  	s18 =	simm.s32 $0x7;
	s20 =	sadd.s32 $0x4000, s5;
	[dreg:$0xe] =	wrdreg s19  }
0x11: {  	s11 =	sadd.s32 $0x280, s8;
	s21 =	sadd.s32 $0x6000, s5;
	[dreg:$0xf] =	wrdreg s20  }
0x12: {  	s14 =	sadd.s32 $0x500, s8;
	s22 =	sadd.s32 $0x8000, s5;
	[dreg:$0x10] =	wrdreg s21  }
0x13: {  	s15 =	sadd.s32 $0x780, s8;
	s23 =	sadd.s32 $0xA000, s5;
	[dreg:$0x11] =	wrdreg s22  }
0x14: {  	s24 =	sadd.s32 $0xC000, s5;
	s25 =	sadd.s32 $0xE000, s5;
	[dreg:$0x12] =	wrdreg s23  }
0x15: {  	s26 =	sadd.s32 $0x10000, s5;
	s30 =	sadd.s32 $0x12000, s5;
	[dreg:$0x13] =	wrdreg s24  }
0x16: {  	s8 =	simm.s32 $0x180;
	s10 =	simm.s32 $0x3;
	[dreg:$0x14] =	wrdreg s25  }
0x17: {  	s12 =	sadd.s32 s9, s11;
	s13 =	sadd.s32 s2, s11;
	[dreg:$0x15] =	wrdreg s26  }
0x18: {  	s16 =	sadd.s32 s9, s14;
	s6 =	sadd.s32 s2, s14;
	[dreg:$0x16] =	wrdreg s30  }
0x19: {  	s17 =	sadd.s32 s9, s15;
	s2 =	sadd.s32 s2, s15;
	[dreg:$0x6] =	wrdreg s12  }
0x1a: {  	s25 =	simm.s32 $0x2800;
	s26 =	simm.s32 $0x9;
	[dreg:$0x7] =	wrdreg s13  }
0x1b: {  	s0 =	simm.s32 $0x1;
	s9 =	simm.s32 $0x8800;
	[dreg:$0x8] =	wrdreg s16  }
.Ltmp0:
0x1c: {  	s11 =	simm.s32 $0x1500;
	[dreg:$0x9] =	wrdreg s6;
	(pc) =	sbr.rel .LBB2_1-.Ltmp0, $4  }
0x1d: {  	s14 =	simm.s32 $0x4;
	s15 =	simm.s32 $0x1580;
	[dreg:$0xa] =	wrdreg s17  }
0x1e: {  	s19 =	simm.s32 $0x8;
	s20 =	simm.s32 $0x0;
	[dreg:$0xb] =	wrdreg s2  }
0x1f: {  	s2 =	simm.s32 $0x6800;
	s6 =	simm.s32 $0x2;
	s12 =	simm.s32 $0x5  }
0x20: {  	v0 =	vimm.f32 $0.0e+00;
	s13 =	simm.s32 $0x200;
	s16 =	simm.s32 $0x6;
	s17 =	simm.s32 $0x280  }
.LBB2_15:
0x21: {  	_ =	swait.ge [sflag:s14], $0x2000  }
0x22: {  	[sflag:s14] =	ssyncset.done $0x0  }
0x23: {  	[sflag:s14] =	ssyncadd.s32 $0xFFFFE000  }
0x24: {  	[spmem:s1] =	stream.indirect.scatter.add.f32 [tilespmem:s9], [sflag:$0x8], $0x80, s23, s29, $0xb8;
	[tilespmem:$0x1E800] =	vst v63  }
0x25: {  	_ =	swait.ge [sflag:s16], $0x2000  }
0x26: {  	[sflag:s16] =	ssyncset.done $0x0  }
0x27: {  	[sflag:s16] =	ssyncadd.s32 $0xFFFFE000  }
0x28: {  	_ =	swait.ge [sflag:s18], $0x2000  }
0x29: {  	[sflag:s18] =	ssyncset.done $0x0  }
0x2a: {  	[sflag:s18] =	ssyncadd.s32 $0xFFFFE000  }
0x2b: {  	_ =	swait.ge [sflag:s19], $0x2000  }
0x2c: {  	[sflag:s19] =	ssyncset.done $0x0  }
0x2d: {  	s21 =	stileid.u32;
	[sflag:s19] =	ssyncadd.s32 $0xFFFFE000  }
0x2e: {  	s21 =	sshll.u32 s21, $0x6;
	[bflag:$0x0] =	sbarrier.arrive $0xFFFF  }
0x2f: {  	s22 =	sshrl.u32 s5, $0x3;
	s21 =	sor.u32 $0x1C09, s21;
	s24 =	rddreg [dreg:$0xc]  }
0x30: {  	[hbm:s24], [sflag:s21] =	dma.local [spmem:s22], $0x2800  }
0x31: {  	_ =	swait.ge [sflag:s26], $0x2800  }
0x32: {  	s20 =	sadd.s32 $0x1, s20;
	s30 =	rddreg [dreg:$0xd]  }
0x33: {  	p0 =	sne.s32 s20, s30  }
.Ltmp1:
0x34: {  	_ = 	snop;
	(pc) =	sbr.rel @!p0 .LBB2_16-.Ltmp1, $3  }
0x35: {  	_ =	sdelay $0x1  }
0x36: {  	[sflag:s26] =	ssyncset.done $0x0  }
0x37: {  	[sflag:s26] =	ssyncadd.s32 $0xFFFFD800  }
.LBB2_1:
0x38: {  	s21 =	simm.s32 $0x0  }
0x39: {  	s22 =	sand.u32 $0xFFFFFF80, s21  }
0x3a: {  	s22 =	ssub.s32 $0x0, s22  }
0x3b: {  	s23 =	simm.s32 $0x0;
	s21 =	sand.u32 $0x3FFFFF80, s21;
	s22 =	sand.u32 $0xFFFFFF80, s22  }
0x3c: {  	s23 =	sand.u32 $0x70, s23;
	s22 =	sadd.s32 s22, s21  }
0x3d: {  	s21 =	simm.s32 $0x1;
	s23 =	sor.u32 s23, s22;
	s22 =	simm.s32 $0x0  }
.LBB2_2:
0x3e: {  	s24 =	sshll.u32 s21, $0x4;
	p0 =	sne.s32 s21, $0x1FF;
	s21 =	sadd.s32 $0x1, s21;
	[tilespmem:s23+$0x2800] =	vst v0  }
.Ltmp2:
0x3f: {  	s22 =	sadd.s32 $0x10, s22;
	s23 =	sand.u32 $0xFFFFFF80, s24;
	(pc) =	sbr.rel @p0 .LBB2_2-.Ltmp2, $4  }
0x40: {  	s23 =	ssub.s32 s22, s23  }
0x41: {  	s24 =	sand.u32 $0x3FFFFF80, s24;
	s23 =	sand.u32 $0xFFFFFF80, s23  }
0x42: {  	s30 =	sand.u32 $0x70, s22;
	s23 =	sadd.s32 s23, s24  }
0x43: {  	s23 =	sor.u32 s30, s23  }
0x44: {  	[tilespmem:s23+$0x2800] =	vst v0  }
0x45: {  	[spmem:s5] =	stream.linear.scatter [tilespmem:s25], [sflag:$0x9], $0x2000, $0x38;
	[tilespmem:$0x1E800] =	vst v63  }
0x46: {  	_ =	swait.ge [sflag:s26], $0x2000  }
0x47: {  	[sflag:s26] =	ssyncset.done $0x0  }
0x48: {  	s21 =	rddreg [dreg:$0xe];
	[sflag:s26] =	ssyncadd.s32 $0xFFFFE000  }
0x49: {  	[spmem:s21] =	stream.linear.scatter [tilespmem:s25], [sflag:$0x9], $0x2000, $0x38;
	[tilespmem:$0x1E800] =	vst v63  }
0x4a: {  	_ =	swait.ge [sflag:s26], $0x2000  }
0x4b: {  	[sflag:s26] =	ssyncset.done $0x0  }
0x4c: {  	s22 =	rddreg [dreg:$0xf];
	[sflag:s26] =	ssyncadd.s32 $0xFFFFE000  }
0x4d: {  	[spmem:s22] =	stream.linear.scatter [tilespmem:s25], [sflag:$0x9], $0x2000, $0x38;
	[tilespmem:$0x1E800] =	vst v63  }
0x4e: {  	_ =	swait.ge [sflag:s26], $0x2000  }
0x4f: {  	[sflag:s26] =	ssyncset.done $0x0  }
0x50: {  	s23 =	rddreg [dreg:$0x10];
	[sflag:s26] =	ssyncadd.s32 $0xFFFFE000  }
0x51: {  	[spmem:s23] =	stream.linear.scatter [tilespmem:s25], [sflag:$0x9], $0x2000, $0x38;
	[tilespmem:$0x1E800] =	vst v63  }
0x52: {  	_ =	swait.ge [sflag:s26], $0x2000  }
0x53: {  	[sflag:s26] =	ssyncset.done $0x0  }
0x54: {  	s24 =	rddreg [dreg:$0x11];
	[sflag:s26] =	ssyncadd.s32 $0xFFFFE000  }
0x55: {  	[spmem:s24] =	stream.linear.scatter [tilespmem:s25], [sflag:$0x9], $0x2000, $0x38;
	[tilespmem:$0x1E800] =	vst v63  }
0x56: {  	_ =	swait.ge [sflag:s26], $0x2000  }
0x57: {  	[sflag:s26] =	ssyncset.done $0x0  }
0x58: {  	s22 =	rddreg [dreg:$0x12];
	[sflag:s26] =	ssyncadd.s32 $0xFFFFE000  }
0x59: {  	[spmem:s22] =	stream.linear.scatter [tilespmem:s25], [sflag:$0x9], $0x2000, $0x38;
	[tilespmem:$0x1E800] =	vst v63  }
0x5a: {  	_ =	swait.ge [sflag:s26], $0x2000  }
0x5b: {  	[sflag:s26] =	ssyncset.done $0x0  }
0x5c: {  	s23 =	rddreg [dreg:$0x13];
	[sflag:s26] =	ssyncadd.s32 $0xFFFFE000  }
0x5d: {  	[spmem:s23] =	stream.linear.scatter [tilespmem:s25], [sflag:$0x9], $0x2000, $0x38;
	[tilespmem:$0x1E800] =	vst v63  }
0x5e: {  	_ =	swait.ge [sflag:s26], $0x2000  }
0x5f: {  	[sflag:s26] =	ssyncset.done $0x0  }
0x60: {  	s24 =	rddreg [dreg:$0x14];
	[sflag:s26] =	ssyncadd.s32 $0xFFFFE000  }
0x61: {  	[spmem:s24] =	stream.linear.scatter [tilespmem:s25], [sflag:$0x9], $0x2000, $0x38;
	[tilespmem:$0x1E800] =	vst v63  }
0x62: {  	_ =	swait.ge [sflag:s26], $0x2000  }
0x63: {  	[sflag:s26] =	ssyncset.done $0x0  }
0x64: {  	s22 =	rddreg [dreg:$0x15];
	[sflag:s26] =	ssyncadd.s32 $0xFFFFE000  }
0x65: {  	[spmem:s22] =	stream.linear.scatter [tilespmem:s25], [sflag:$0x9], $0x2000, $0x38;
	[tilespmem:$0x1E800] =	vst v63  }
0x66: {  	_ =	swait.ge [sflag:s26], $0x2000  }
0x67: {  	[sflag:s26] =	ssyncset.done $0x0  }
0x68: {  	s23 =	rddreg [dreg:$0x16];
	[sflag:s26] =	ssyncadd.s32 $0xFFFFE000  }
0x69: {  	[spmem:s23] =	stream.linear.scatter [tilespmem:s25], [sflag:$0x9], $0x2000, $0x38;
	[tilespmem:$0x1E800] =	vst v63  }
0x6a: {  	_ =	swait.ge [sflag:s26], $0x2000  }
0x6b: {  	[sflag:s26] =	ssyncset.done $0x0  }
0x6c: {  	[sflag:s26] =	ssyncadd.s32 $0xFFFFE000  }
0x6d: {  	[bflag:$0x0] =	sbarrier.arrive $0xFFFF  }
0x6e: {  	s21 =	simm.s32 $0x0;
	s22 =	rddreg [dreg:$0x4]  }
0x6f: {  	[tilespmem:s21], [sflag:$0x9] =	stream.linear.gather [hbm4b:s22+s21], $0x1400, $0x38;
	[tilespmem:$0x1E800] =	vst v63  }
0x70: {  	_ =	swait.ge [sflag:s26], $0x1400  }
0x71: {  	[sflag:s26] =	ssyncset.done $0x0  }
0x72: {  	s24 =	rddreg [dreg:$0x5];
	[sflag:s26] =	ssyncadd.s32 $0xFFFFEC00  }
0x73: {  	[tilespmem:s28], [sflag:$0x9] =	stream.linear.gather [hbm4b:s24+s21], $0x1400, $0x38;
	[tilespmem:$0x1E800] =	vst v63  }
0x74: {  	_ =	swait.ge [sflag:s26], $0x1400  }
0x75: {  	[sflag:s26] =	ssyncset.done $0x0  }
0x76: {  	[sflag:s26] =	ssyncadd.s32 $0xFFFFEC00  }
0x77: {  	[tilespmem:s25], [sflag:$0x1] =	stream.indirect.gather [hbm4b:s4+s29], $0x80, s21, s29, $0xb8;
	[tilespmem:$0x1E800] =	vst v63  }
0x78: {  	s30 =	simm.s32 $0x80  }
0x79: {  	[tilespmem:s31], [sflag:$0x2] =	stream.indirect.gather [hbm4b:s4+s29], $0x80, s30, s29, $0xb8;
	[tilespmem:$0x1E800] =	vst v63  }
0x7a: {  	_ =	swait.ge [sflag:s0], $0x2000  }
0x7b: {  	[sflag:s0] =	ssyncset.done $0x0  }
0x7c: {  	[sflag:s0] =	ssyncadd.s32 $0xFFFFE000  }
0x7d: {  	[spmem:s1] =	stream.indirect.scatter.add.f32 [tilespmem:s25], [sflag:$0x5], $0x80, s28, s29, $0xb8;
	[tilespmem:$0x1E800] =	vst v63  }
0x7e: {  	_ = 	snop  }
0x7f: {  	[tilespmem:s2], [sflag:$0x3] =	stream.indirect.gather [hbm4b:s4+s29], $0x80, s3, s29, $0xb8;
	[tilespmem:$0x1E800] =	vst v63  }
0x80: {  	_ =	swait.ge [sflag:s6], $0x2000  }
0x81: {  	[sflag:s6] =	ssyncset.done $0x0  }
0x82: {  	[sflag:s6] =	ssyncadd.s32 $0xFFFFE000  }
0x83: {  	[spmem:s1] =	stream.indirect.scatter.add.f32 [tilespmem:s31], [sflag:$0x6], $0x80, s7, s29, $0xb8;
	[tilespmem:$0x1E800] =	vst v63  }
0x84: {  	_ = 	snop  }
0x85: {  	[tilespmem:s9], [sflag:$0x4] =	stream.indirect.gather [hbm4b:s4+s29], $0x80, s8, s29, $0xb8;
	[tilespmem:$0x1E800] =	vst v63  }
0x86: {  	_ =	swait.ge [sflag:s10], $0x2000  }
0x87: {  	[sflag:s10] =	ssyncset.done $0x0  }
0x88: {  	[sflag:s10] =	ssyncadd.s32 $0xFFFFE000  }
0x89: {  	[spmem:s1] =	stream.indirect.scatter.add.f32 [tilespmem:s2], [sflag:$0x7], $0x80, s11, s29, $0xb8;
	[tilespmem:$0x1E800] =	vst v63  }
0x8a: {  	_ =	swait.ge [sflag:s12], $0x2000  }
0x8b: {  	[sflag:s12] =	ssyncset.done $0x0  }
0x8c: {  	[sflag:s12] =	ssyncadd.s32 $0xFFFFE000  }
0x8d: {  	[tilespmem:s25], [sflag:$0x1] =	stream.indirect.gather [hbm4b:s4+s29], $0x80, s13, s29, $0xb8;
	[tilespmem:$0x1E800] =	vst v63  }
0x8e: {  	_ =	swait.ge [sflag:s14], $0x2000  }
0x8f: {  	[sflag:s14] =	ssyncset.done $0x0  }
0x90: {  	[sflag:s14] =	ssyncadd.s32 $0xFFFFE000  }
0x91: {  	[spmem:s1] =	stream.indirect.scatter.add.f32 [tilespmem:s9], [sflag:$0x8], $0x80, s15, s29, $0xb8;
	[tilespmem:$0x1E800] =	vst v63  }
0x92: {  	_ =	swait.ge [sflag:s16], $0x2000  }
0x93: {  	[sflag:s16] =	ssyncset.done $0x0  }
0x94: {  	[sflag:s16] =	ssyncadd.s32 $0xFFFFE000  }
0x95: {  	[tilespmem:s31], [sflag:$0x2] =	stream.indirect.gather [hbm4b:s4+s29], $0x80, s17, s29, $0xb8;
	[tilespmem:$0x1E800] =	vst v63  }
.LBB2_4:
0x96: {  	_ =	swait.ge [sflag:s0], $0x2000  }
0x97: {  	s22 =	sshra.s32 s21, $0x2;
	[sflag:s0] =	ssyncset.done $0x0  }
0x98: {  	s23 =	sadd.s32 $0x1600, s22;
	[sflag:s0] =	ssyncadd.s32 $0xFFFFE000  }
0x99: {  	[spmem:s1] =	stream.indirect.scatter.add.f32 [tilespmem:s25], [sflag:$0x5], $0x80, s23, s29, $0xb8;
	[tilespmem:$0x1E800] =	vst v63  }
0x9a: {  	_ =	swait.ge [sflag:s18], $0x2000  }
0x9b: {  	[sflag:s18] =	ssyncset.done $0x0  }
0x9c: {  	s24 =	sadd.s32 $0x300, s22;
	[sflag:s18] =	ssyncadd.s32 $0xFFFFE000  }
0x9d: {  	[tilespmem:s2], [sflag:$0x3] =	stream.indirect.gather [hbm4b:s4+s29], $0x80, s24, s29, $0xb8;
	[tilespmem:$0x1E800] =	vst v63  }
0x9e: {  	_ =	swait.ge [sflag:s6], $0x2000  }
0x9f: {  	[sflag:s6] =	ssyncset.done $0x0  }
0xa0: {  	s24 =	sadd.s32 $0x1680, s22;
	[sflag:s6] =	ssyncadd.s32 $0xFFFFE000  }
0xa1: {  	[spmem:s1] =	stream.indirect.scatter.add.f32 [tilespmem:s31], [sflag:$0x6], $0x80, s24, s29, $0xb8;
	[tilespmem:$0x1E800] =	vst v63  }
0xa2: {  	_ =	swait.ge [sflag:s19], $0x2000  }
0xa3: {  	[sflag:s19] =	ssyncset.done $0x0  }
0xa4: {  	s24 =	sadd.s32 $0x380, s22;
	[sflag:s19] =	ssyncadd.s32 $0xFFFFE000  }
0xa5: {  	[tilespmem:s9], [sflag:$0x4] =	stream.indirect.gather [hbm4b:s4+s29], $0x80, s24, s29, $0xb8;
	[tilespmem:$0x1E800] =	vst v63  }
0xa6: {  	_ =	swait.ge [sflag:s10], $0x2000  }
0xa7: {  	p0 =	seq.s32 s21, $0x4000;
	[sflag:s10] =	ssyncset.done $0x0  }
.Ltmp3:
0xa8: {  	s24 =	sadd.s32 $0x1700, s22;
	[sflag:s10] =	ssyncadd.s32 $0xFFFFE000;
	(pc) =	sbr.rel @p0 .LBB2_6-.Ltmp3, $4  }
0xa9: {  	[spmem:s1] =	stream.indirect.scatter.add.f32 [tilespmem:s2], [sflag:$0x7], $0x80, s24, s29, $0xb8;
	[tilespmem:$0x1E800] =	vst v63  }
0xaa: {  	_ =	swait.ge [sflag:s12], $0x2000  }
0xab: {  	[sflag:s12] =	ssyncset.done $0x0  }
0xac: {  	s23 =	sadd.s32 $0x1780, s22;
	[sflag:s12] =	ssyncadd.s32 $0xFFFFE000  }
0xad: {  	s24 =	sadd.s32 $0x400, s22  }
0xae: {  	[tilespmem:s25], [sflag:$0x1] =	stream.indirect.gather [hbm4b:s4+s29], $0x80, s24, s29, $0xb8;
	[tilespmem:$0x1E800] =	vst v63  }
0xaf: {  	_ =	swait.ge [sflag:s14], $0x2000  }
0xb0: {  	[sflag:s14] =	ssyncset.done $0x0  }
0xb1: {  	[sflag:s14] =	ssyncadd.s32 $0xFFFFE000  }
0xb2: {  	[spmem:s1] =	stream.indirect.scatter.add.f32 [tilespmem:s9], [sflag:$0x8], $0x80, s23, s29, $0xb8;
	[tilespmem:$0x1E800] =	vst v63  }
.Ltmp4:
0xb3: {  	_ = 	snop;
	(pc) =	sbr.rel .LBB2_4-.Ltmp4, $4  }
0xb4: {  	_ =	swait.ge [sflag:s16], $0x2000  }
0xb5: {  	[sflag:s16] =	ssyncset.done $0x0  }
0xb6: {  	s21 =	sadd.s32 $0x800, s21;
	s24 =	sadd.s32 $0x480, s22;
	[sflag:s16] =	ssyncadd.s32 $0xFFFFE000  }
0xb7: {  	[tilespmem:s31], [sflag:$0x2] =	stream.indirect.gather [hbm4b:s4+s29], $0x80, s24, s29, $0xb8;
	[tilespmem:$0x1E800] =	vst v63  }
.LBB2_6:
0xb8: {  	_ =	swait.ge [sflag:s14], $0x2000  }
0xb9: {  	[sflag:s14] =	ssyncset.done $0x0  }
0xba: {  	[sflag:s14] =	ssyncadd.s32 $0xFFFFE000  }
0xbb: {  	[spmem:s1] =	stream.indirect.scatter.add.f32 [tilespmem:s9], [sflag:$0x8], $0x80, s23, s29, $0xb8;
	[tilespmem:$0x1E800] =	vst v63  }
0xbc: {  	_ =	swait.ge [sflag:s16], $0x2000  }
0xbd: {  	[sflag:s16] =	ssyncset.done $0x0  }
0xbe: {  	[sflag:s16] =	ssyncadd.s32 $0xFFFFE000  }
0xbf: {  	_ =	swait.ge [sflag:s18], $0x2000  }
0xc0: {  	[sflag:s18] =	ssyncset.done $0x0  }
0xc1: {  	[sflag:s18] =	ssyncadd.s32 $0xFFFFE000  }
0xc2: {  	_ =	swait.ge [sflag:s19], $0x2000  }
0xc3: {  	[sflag:s19] =	ssyncset.done $0x0  }
0xc4: {  	s21 =	simm.s32 $0x0;
	s22 =	rddreg [dreg:$0x6];
	[sflag:s19] =	ssyncadd.s32 $0xFFFFE000  }
0xc5: {  	[tilespmem:s21], [sflag:$0x9] =	stream.linear.gather [hbm4b:s22+s21], $0x1400, $0x38;
	[tilespmem:$0x1E800] =	vst v63  }
0xc6: {  	_ =	swait.ge [sflag:s26], $0x1400  }
0xc7: {  	[sflag:s26] =	ssyncset.done $0x0  }
0xc8: {  	s24 =	rddreg [dreg:$0x7];
	[sflag:s26] =	ssyncadd.s32 $0xFFFFEC00  }
0xc9: {  	[tilespmem:s28], [sflag:$0x9] =	stream.linear.gather [hbm4b:s24+s21], $0x1400, $0x38;
	[tilespmem:$0x1E800] =	vst v63  }
0xca: {  	_ =	swait.ge [sflag:s26], $0x1400  }
0xcb: {  	[sflag:s26] =	ssyncset.done $0x0  }
0xcc: {  	[sflag:s26] =	ssyncadd.s32 $0xFFFFEC00  }
0xcd: {  	[tilespmem:s25], [sflag:$0x1] =	stream.indirect.gather [hbm4b:s4+s29], $0x80, s21, s29, $0xb8;
	[tilespmem:$0x1E800] =	vst v63  }
0xce: {  	_ = 	snop  }
0xcf: {  	[tilespmem:s31], [sflag:$0x2] =	stream.indirect.gather [hbm4b:s4+s29], $0x80, s30, s29, $0xb8;
	[tilespmem:$0x1E800] =	vst v63  }
0xd0: {  	_ =	swait.ge [sflag:s0], $0x2000  }
0xd1: {  	[sflag:s0] =	ssyncset.done $0x0  }
0xd2: {  	[sflag:s0] =	ssyncadd.s32 $0xFFFFE000  }
0xd3: {  	[spmem:s1] =	stream.indirect.scatter.add.f32 [tilespmem:s25], [sflag:$0x5], $0x80, s28, s29, $0xb8;
	[tilespmem:$0x1E800] =	vst v63  }
0xd4: {  	_ = 	snop  }
0xd5: {  	[tilespmem:s2], [sflag:$0x3] =	stream.indirect.gather [hbm4b:s4+s29], $0x80, s3, s29, $0xb8;
	[tilespmem:$0x1E800] =	vst v63  }
0xd6: {  	_ =	swait.ge [sflag:s6], $0x2000  }
0xd7: {  	[sflag:s6] =	ssyncset.done $0x0  }
0xd8: {  	[sflag:s6] =	ssyncadd.s32 $0xFFFFE000  }
0xd9: {  	[spmem:s1] =	stream.indirect.scatter.add.f32 [tilespmem:s31], [sflag:$0x6], $0x80, s7, s29, $0xb8;
	[tilespmem:$0x1E800] =	vst v63  }
0xda: {  	_ = 	snop  }
0xdb: {  	[tilespmem:s9], [sflag:$0x4] =	stream.indirect.gather [hbm4b:s4+s29], $0x80, s8, s29, $0xb8;
	[tilespmem:$0x1E800] =	vst v63  }
0xdc: {  	_ =	swait.ge [sflag:s10], $0x2000  }
0xdd: {  	[sflag:s10] =	ssyncset.done $0x0  }
0xde: {  	[sflag:s10] =	ssyncadd.s32 $0xFFFFE000  }
0xdf: {  	[spmem:s1] =	stream.indirect.scatter.add.f32 [tilespmem:s2], [sflag:$0x7], $0x80, s11, s29, $0xb8;
	[tilespmem:$0x1E800] =	vst v63  }
0xe0: {  	_ =	swait.ge [sflag:s12], $0x2000  }
0xe1: {  	[sflag:s12] =	ssyncset.done $0x0  }
0xe2: {  	[sflag:s12] =	ssyncadd.s32 $0xFFFFE000  }
0xe3: {  	[tilespmem:s25], [sflag:$0x1] =	stream.indirect.gather [hbm4b:s4+s29], $0x80, s13, s29, $0xb8;
	[tilespmem:$0x1E800] =	vst v63  }
0xe4: {  	_ =	swait.ge [sflag:s14], $0x2000  }
0xe5: {  	[sflag:s14] =	ssyncset.done $0x0  }
0xe6: {  	[sflag:s14] =	ssyncadd.s32 $0xFFFFE000  }
0xe7: {  	[spmem:s1] =	stream.indirect.scatter.add.f32 [tilespmem:s9], [sflag:$0x8], $0x80, s15, s29, $0xb8;
	[tilespmem:$0x1E800] =	vst v63  }
0xe8: {  	_ =	swait.ge [sflag:s16], $0x2000  }
0xe9: {  	[sflag:s16] =	ssyncset.done $0x0  }
0xea: {  	[sflag:s16] =	ssyncadd.s32 $0xFFFFE000  }
0xeb: {  	[tilespmem:s31], [sflag:$0x2] =	stream.indirect.gather [hbm4b:s4+s29], $0x80, s17, s29, $0xb8;
	[tilespmem:$0x1E800] =	vst v63  }
.LBB2_7:
0xec: {  	_ =	swait.ge [sflag:s0], $0x2000  }
0xed: {  	s22 =	sshra.s32 s21, $0x2;
	[sflag:s0] =	ssyncset.done $0x0  }
0xee: {  	s23 =	sadd.s32 $0x1600, s22;
	[sflag:s0] =	ssyncadd.s32 $0xFFFFE000  }
0xef: {  	[spmem:s1] =	stream.indirect.scatter.add.f32 [tilespmem:s25], [sflag:$0x5], $0x80, s23, s29, $0xb8;
	[tilespmem:$0x1E800] =	vst v63  }
0xf0: {  	_ =	swait.ge [sflag:s18], $0x2000  }
0xf1: {  	[sflag:s18] =	ssyncset.done $0x0  }
0xf2: {  	s24 =	sadd.s32 $0x300, s22;
	[sflag:s18] =	ssyncadd.s32 $0xFFFFE000  }
0xf3: {  	[tilespmem:s2], [sflag:$0x3] =	stream.indirect.gather [hbm4b:s4+s29], $0x80, s24, s29, $0xb8;
	[tilespmem:$0x1E800] =	vst v63  }
0xf4: {  	_ =	swait.ge [sflag:s6], $0x2000  }
0xf5: {  	[sflag:s6] =	ssyncset.done $0x0  }
0xf6: {  	s24 =	sadd.s32 $0x1680, s22;
	[sflag:s6] =	ssyncadd.s32 $0xFFFFE000  }
0xf7: {  	[spmem:s1] =	stream.indirect.scatter.add.f32 [tilespmem:s31], [sflag:$0x6], $0x80, s24, s29, $0xb8;
	[tilespmem:$0x1E800] =	vst v63  }
0xf8: {  	_ =	swait.ge [sflag:s19], $0x2000  }
0xf9: {  	[sflag:s19] =	ssyncset.done $0x0  }
0xfa: {  	s24 =	sadd.s32 $0x380, s22;
	[sflag:s19] =	ssyncadd.s32 $0xFFFFE000  }
0xfb: {  	[tilespmem:s9], [sflag:$0x4] =	stream.indirect.gather [hbm4b:s4+s29], $0x80, s24, s29, $0xb8;
	[tilespmem:$0x1E800] =	vst v63  }
0xfc: {  	_ =	swait.ge [sflag:s10], $0x2000  }
0xfd: {  	p0 =	seq.s32 s21, $0x4000;
	[sflag:s10] =	ssyncset.done $0x0  }
.Ltmp5:
0xfe: {  	s24 =	sadd.s32 $0x1700, s22;
	[sflag:s10] =	ssyncadd.s32 $0xFFFFE000;
	(pc) =	sbr.rel @p0 .LBB2_9-.Ltmp5, $4  }
0xff: {  	[spmem:s1] =	stream.indirect.scatter.add.f32 [tilespmem:s2], [sflag:$0x7], $0x80, s24, s29, $0xb8;
	[tilespmem:$0x1E800] =	vst v63  }
0x100: {  	_ =	swait.ge [sflag:s12], $0x2000  }
0x101: {  	[sflag:s12] =	ssyncset.done $0x0  }
0x102: {  	s23 =	sadd.s32 $0x1780, s22;
	[sflag:s12] =	ssyncadd.s32 $0xFFFFE000  }
0x103: {  	s24 =	sadd.s32 $0x400, s22  }
0x104: {  	[tilespmem:s25], [sflag:$0x1] =	stream.indirect.gather [hbm4b:s4+s29], $0x80, s24, s29, $0xb8;
	[tilespmem:$0x1E800] =	vst v63  }
0x105: {  	_ =	swait.ge [sflag:s14], $0x2000  }
0x106: {  	[sflag:s14] =	ssyncset.done $0x0  }
0x107: {  	[sflag:s14] =	ssyncadd.s32 $0xFFFFE000  }
0x108: {  	[spmem:s1] =	stream.indirect.scatter.add.f32 [tilespmem:s9], [sflag:$0x8], $0x80, s23, s29, $0xb8;
	[tilespmem:$0x1E800] =	vst v63  }
.Ltmp6:
0x109: {  	_ = 	snop;
	(pc) =	sbr.rel .LBB2_7-.Ltmp6, $4  }
0x10a: {  	_ =	swait.ge [sflag:s16], $0x2000  }
0x10b: {  	[sflag:s16] =	ssyncset.done $0x0  }
0x10c: {  	s21 =	sadd.s32 $0x800, s21;
	s24 =	sadd.s32 $0x480, s22;
	[sflag:s16] =	ssyncadd.s32 $0xFFFFE000  }
0x10d: {  	[tilespmem:s31], [sflag:$0x2] =	stream.indirect.gather [hbm4b:s4+s29], $0x80, s24, s29, $0xb8;
	[tilespmem:$0x1E800] =	vst v63  }
.LBB2_9:
0x10e: {  	_ =	swait.ge [sflag:s14], $0x2000  }
0x10f: {  	[sflag:s14] =	ssyncset.done $0x0  }
0x110: {  	[sflag:s14] =	ssyncadd.s32 $0xFFFFE000  }
0x111: {  	[spmem:s1] =	stream.indirect.scatter.add.f32 [tilespmem:s9], [sflag:$0x8], $0x80, s23, s29, $0xb8;
	[tilespmem:$0x1E800] =	vst v63  }
0x112: {  	_ =	swait.ge [sflag:s16], $0x2000  }
0x113: {  	[sflag:s16] =	ssyncset.done $0x0  }
0x114: {  	[sflag:s16] =	ssyncadd.s32 $0xFFFFE000  }
0x115: {  	_ =	swait.ge [sflag:s18], $0x2000  }
0x116: {  	[sflag:s18] =	ssyncset.done $0x0  }
0x117: {  	[sflag:s18] =	ssyncadd.s32 $0xFFFFE000  }
0x118: {  	_ =	swait.ge [sflag:s19], $0x2000  }
0x119: {  	[sflag:s19] =	ssyncset.done $0x0  }
0x11a: {  	s21 =	simm.s32 $0x0;
	s22 =	rddreg [dreg:$0x8];
	[sflag:s19] =	ssyncadd.s32 $0xFFFFE000  }
0x11b: {  	[tilespmem:s21], [sflag:$0x9] =	stream.linear.gather [hbm4b:s22+s21], $0x1400, $0x38;
	[tilespmem:$0x1E800] =	vst v63  }
0x11c: {  	_ =	swait.ge [sflag:s26], $0x1400  }
0x11d: {  	[sflag:s26] =	ssyncset.done $0x0  }
0x11e: {  	s24 =	rddreg [dreg:$0x9];
	[sflag:s26] =	ssyncadd.s32 $0xFFFFEC00  }
0x11f: {  	[tilespmem:s28], [sflag:$0x9] =	stream.linear.gather [hbm4b:s24+s21], $0x1400, $0x38;
	[tilespmem:$0x1E800] =	vst v63  }
0x120: {  	_ =	swait.ge [sflag:s26], $0x1400  }
0x121: {  	[sflag:s26] =	ssyncset.done $0x0  }
0x122: {  	[sflag:s26] =	ssyncadd.s32 $0xFFFFEC00  }
0x123: {  	[tilespmem:s25], [sflag:$0x1] =	stream.indirect.gather [hbm4b:s4+s29], $0x80, s21, s29, $0xb8;
	[tilespmem:$0x1E800] =	vst v63  }
0x124: {  	_ = 	snop  }
0x125: {  	[tilespmem:s31], [sflag:$0x2] =	stream.indirect.gather [hbm4b:s4+s29], $0x80, s30, s29, $0xb8;
	[tilespmem:$0x1E800] =	vst v63  }
0x126: {  	_ =	swait.ge [sflag:s0], $0x2000  }
0x127: {  	[sflag:s0] =	ssyncset.done $0x0  }
0x128: {  	[sflag:s0] =	ssyncadd.s32 $0xFFFFE000  }
0x129: {  	[spmem:s1] =	stream.indirect.scatter.add.f32 [tilespmem:s25], [sflag:$0x5], $0x80, s28, s29, $0xb8;
	[tilespmem:$0x1E800] =	vst v63  }
0x12a: {  	_ = 	snop  }
0x12b: {  	[tilespmem:s2], [sflag:$0x3] =	stream.indirect.gather [hbm4b:s4+s29], $0x80, s3, s29, $0xb8;
	[tilespmem:$0x1E800] =	vst v63  }
0x12c: {  	_ =	swait.ge [sflag:s6], $0x2000  }
0x12d: {  	[sflag:s6] =	ssyncset.done $0x0  }
0x12e: {  	[sflag:s6] =	ssyncadd.s32 $0xFFFFE000  }
0x12f: {  	[spmem:s1] =	stream.indirect.scatter.add.f32 [tilespmem:s31], [sflag:$0x6], $0x80, s7, s29, $0xb8;
	[tilespmem:$0x1E800] =	vst v63  }
0x130: {  	_ = 	snop  }
0x131: {  	[tilespmem:s9], [sflag:$0x4] =	stream.indirect.gather [hbm4b:s4+s29], $0x80, s8, s29, $0xb8;
	[tilespmem:$0x1E800] =	vst v63  }
0x132: {  	_ =	swait.ge [sflag:s10], $0x2000  }
0x133: {  	[sflag:s10] =	ssyncset.done $0x0  }
0x134: {  	[sflag:s10] =	ssyncadd.s32 $0xFFFFE000  }
0x135: {  	[spmem:s1] =	stream.indirect.scatter.add.f32 [tilespmem:s2], [sflag:$0x7], $0x80, s11, s29, $0xb8;
	[tilespmem:$0x1E800] =	vst v63  }
0x136: {  	_ =	swait.ge [sflag:s12], $0x2000  }
0x137: {  	[sflag:s12] =	ssyncset.done $0x0  }
0x138: {  	[sflag:s12] =	ssyncadd.s32 $0xFFFFE000  }
0x139: {  	[tilespmem:s25], [sflag:$0x1] =	stream.indirect.gather [hbm4b:s4+s29], $0x80, s13, s29, $0xb8;
	[tilespmem:$0x1E800] =	vst v63  }
0x13a: {  	_ =	swait.ge [sflag:s14], $0x2000  }
0x13b: {  	[sflag:s14] =	ssyncset.done $0x0  }
0x13c: {  	[sflag:s14] =	ssyncadd.s32 $0xFFFFE000  }
0x13d: {  	[spmem:s1] =	stream.indirect.scatter.add.f32 [tilespmem:s9], [sflag:$0x8], $0x80, s15, s29, $0xb8;
	[tilespmem:$0x1E800] =	vst v63  }
0x13e: {  	_ =	swait.ge [sflag:s16], $0x2000  }
0x13f: {  	[sflag:s16] =	ssyncset.done $0x0  }
0x140: {  	[sflag:s16] =	ssyncadd.s32 $0xFFFFE000  }
0x141: {  	[tilespmem:s31], [sflag:$0x2] =	stream.indirect.gather [hbm4b:s4+s29], $0x80, s17, s29, $0xb8;
	[tilespmem:$0x1E800] =	vst v63  }
.LBB2_10:
0x142: {  	_ =	swait.ge [sflag:s0], $0x2000  }
0x143: {  	s22 =	sshra.s32 s21, $0x2;
	[sflag:s0] =	ssyncset.done $0x0  }
0x144: {  	s23 =	sadd.s32 $0x1600, s22;
	[sflag:s0] =	ssyncadd.s32 $0xFFFFE000  }
0x145: {  	[spmem:s1] =	stream.indirect.scatter.add.f32 [tilespmem:s25], [sflag:$0x5], $0x80, s23, s29, $0xb8;
	[tilespmem:$0x1E800] =	vst v63  }
0x146: {  	_ =	swait.ge [sflag:s18], $0x2000  }
0x147: {  	[sflag:s18] =	ssyncset.done $0x0  }
0x148: {  	s24 =	sadd.s32 $0x300, s22;
	[sflag:s18] =	ssyncadd.s32 $0xFFFFE000  }
0x149: {  	[tilespmem:s2], [sflag:$0x3] =	stream.indirect.gather [hbm4b:s4+s29], $0x80, s24, s29, $0xb8;
	[tilespmem:$0x1E800] =	vst v63  }
0x14a: {  	_ =	swait.ge [sflag:s6], $0x2000  }
0x14b: {  	[sflag:s6] =	ssyncset.done $0x0  }
0x14c: {  	s24 =	sadd.s32 $0x1680, s22;
	[sflag:s6] =	ssyncadd.s32 $0xFFFFE000  }
0x14d: {  	[spmem:s1] =	stream.indirect.scatter.add.f32 [tilespmem:s31], [sflag:$0x6], $0x80, s24, s29, $0xb8;
	[tilespmem:$0x1E800] =	vst v63  }
0x14e: {  	_ =	swait.ge [sflag:s19], $0x2000  }
0x14f: {  	[sflag:s19] =	ssyncset.done $0x0  }
0x150: {  	s24 =	sadd.s32 $0x380, s22;
	[sflag:s19] =	ssyncadd.s32 $0xFFFFE000  }
0x151: {  	[tilespmem:s9], [sflag:$0x4] =	stream.indirect.gather [hbm4b:s4+s29], $0x80, s24, s29, $0xb8;
	[tilespmem:$0x1E800] =	vst v63  }
0x152: {  	_ =	swait.ge [sflag:s10], $0x2000  }
0x153: {  	p0 =	seq.s32 s21, $0x4000;
	[sflag:s10] =	ssyncset.done $0x0  }
.Ltmp7:
0x154: {  	s24 =	sadd.s32 $0x1700, s22;
	[sflag:s10] =	ssyncadd.s32 $0xFFFFE000;
	(pc) =	sbr.rel @p0 .LBB2_12-.Ltmp7, $4  }
0x155: {  	[spmem:s1] =	stream.indirect.scatter.add.f32 [tilespmem:s2], [sflag:$0x7], $0x80, s24, s29, $0xb8;
	[tilespmem:$0x1E800] =	vst v63  }
0x156: {  	_ =	swait.ge [sflag:s12], $0x2000  }
0x157: {  	[sflag:s12] =	ssyncset.done $0x0  }
0x158: {  	s23 =	sadd.s32 $0x1780, s22;
	[sflag:s12] =	ssyncadd.s32 $0xFFFFE000  }
0x159: {  	s24 =	sadd.s32 $0x400, s22  }
0x15a: {  	[tilespmem:s25], [sflag:$0x1] =	stream.indirect.gather [hbm4b:s4+s29], $0x80, s24, s29, $0xb8;
	[tilespmem:$0x1E800] =	vst v63  }
0x15b: {  	_ =	swait.ge [sflag:s14], $0x2000  }
0x15c: {  	[sflag:s14] =	ssyncset.done $0x0  }
0x15d: {  	[sflag:s14] =	ssyncadd.s32 $0xFFFFE000  }
0x15e: {  	[spmem:s1] =	stream.indirect.scatter.add.f32 [tilespmem:s9], [sflag:$0x8], $0x80, s23, s29, $0xb8;
	[tilespmem:$0x1E800] =	vst v63  }
.Ltmp8:
0x15f: {  	_ = 	snop;
	(pc) =	sbr.rel .LBB2_10-.Ltmp8, $4  }
0x160: {  	_ =	swait.ge [sflag:s16], $0x2000  }
0x161: {  	[sflag:s16] =	ssyncset.done $0x0  }
0x162: {  	s21 =	sadd.s32 $0x800, s21;
	s24 =	sadd.s32 $0x480, s22;
	[sflag:s16] =	ssyncadd.s32 $0xFFFFE000  }
0x163: {  	[tilespmem:s31], [sflag:$0x2] =	stream.indirect.gather [hbm4b:s4+s29], $0x80, s24, s29, $0xb8;
	[tilespmem:$0x1E800] =	vst v63  }
.LBB2_12:
0x164: {  	_ =	swait.ge [sflag:s14], $0x2000  }
0x165: {  	[sflag:s14] =	ssyncset.done $0x0  }
0x166: {  	[sflag:s14] =	ssyncadd.s32 $0xFFFFE000  }
0x167: {  	[spmem:s1] =	stream.indirect.scatter.add.f32 [tilespmem:s9], [sflag:$0x8], $0x80, s23, s29, $0xb8;
	[tilespmem:$0x1E800] =	vst v63  }
0x168: {  	_ =	swait.ge [sflag:s16], $0x2000  }
0x169: {  	[sflag:s16] =	ssyncset.done $0x0  }
0x16a: {  	[sflag:s16] =	ssyncadd.s32 $0xFFFFE000  }
0x16b: {  	_ =	swait.ge [sflag:s18], $0x2000  }
0x16c: {  	[sflag:s18] =	ssyncset.done $0x0  }
0x16d: {  	[sflag:s18] =	ssyncadd.s32 $0xFFFFE000  }
0x16e: {  	_ =	swait.ge [sflag:s19], $0x2000  }
0x16f: {  	[sflag:s19] =	ssyncset.done $0x0  }
0x170: {  	s21 =	simm.s32 $0x0;
	s22 =	rddreg [dreg:$0xa];
	[sflag:s19] =	ssyncadd.s32 $0xFFFFE000  }
0x171: {  	[tilespmem:s21], [sflag:$0x9] =	stream.linear.gather [hbm4b:s22+s21], $0x1400, $0x38;
	[tilespmem:$0x1E800] =	vst v63  }
0x172: {  	_ =	swait.ge [sflag:s26], $0x1400  }
0x173: {  	[sflag:s26] =	ssyncset.done $0x0  }
0x174: {  	s24 =	rddreg [dreg:$0xb];
	[sflag:s26] =	ssyncadd.s32 $0xFFFFEC00  }
0x175: {  	[tilespmem:s28], [sflag:$0x9] =	stream.linear.gather [hbm4b:s24+s21], $0x1400, $0x38;
	[tilespmem:$0x1E800] =	vst v63  }
0x176: {  	_ =	swait.ge [sflag:s26], $0x1400  }
0x177: {  	[sflag:s26] =	ssyncset.done $0x0  }
0x178: {  	[sflag:s26] =	ssyncadd.s32 $0xFFFFEC00  }
0x179: {  	[tilespmem:s25], [sflag:$0x1] =	stream.indirect.gather [hbm4b:s4+s29], $0x80, s21, s29, $0xb8;
	[tilespmem:$0x1E800] =	vst v63  }
0x17a: {  	_ = 	snop  }
0x17b: {  	[tilespmem:s31], [sflag:$0x2] =	stream.indirect.gather [hbm4b:s4+s29], $0x80, s30, s29, $0xb8;
	[tilespmem:$0x1E800] =	vst v63  }
0x17c: {  	_ =	swait.ge [sflag:s0], $0x2000  }
0x17d: {  	[sflag:s0] =	ssyncset.done $0x0  }
0x17e: {  	[sflag:s0] =	ssyncadd.s32 $0xFFFFE000  }
0x17f: {  	[spmem:s1] =	stream.indirect.scatter.add.f32 [tilespmem:s25], [sflag:$0x5], $0x80, s28, s29, $0xb8;
	[tilespmem:$0x1E800] =	vst v63  }
0x180: {  	_ = 	snop  }
0x181: {  	[tilespmem:s2], [sflag:$0x3] =	stream.indirect.gather [hbm4b:s4+s29], $0x80, s3, s29, $0xb8;
	[tilespmem:$0x1E800] =	vst v63  }
0x182: {  	_ =	swait.ge [sflag:s6], $0x2000  }
0x183: {  	[sflag:s6] =	ssyncset.done $0x0  }
0x184: {  	[sflag:s6] =	ssyncadd.s32 $0xFFFFE000  }
0x185: {  	[spmem:s1] =	stream.indirect.scatter.add.f32 [tilespmem:s31], [sflag:$0x6], $0x80, s7, s29, $0xb8;
	[tilespmem:$0x1E800] =	vst v63  }
0x186: {  	_ = 	snop  }
0x187: {  	[tilespmem:s9], [sflag:$0x4] =	stream.indirect.gather [hbm4b:s4+s29], $0x80, s8, s29, $0xb8;
	[tilespmem:$0x1E800] =	vst v63  }
0x188: {  	_ =	swait.ge [sflag:s10], $0x2000  }
0x189: {  	[sflag:s10] =	ssyncset.done $0x0  }
0x18a: {  	[sflag:s10] =	ssyncadd.s32 $0xFFFFE000  }
0x18b: {  	[spmem:s1] =	stream.indirect.scatter.add.f32 [tilespmem:s2], [sflag:$0x7], $0x80, s11, s29, $0xb8;
	[tilespmem:$0x1E800] =	vst v63  }
0x18c: {  	_ =	swait.ge [sflag:s12], $0x2000  }
0x18d: {  	[sflag:s12] =	ssyncset.done $0x0  }
0x18e: {  	[sflag:s12] =	ssyncadd.s32 $0xFFFFE000  }
0x18f: {  	[tilespmem:s25], [sflag:$0x1] =	stream.indirect.gather [hbm4b:s4+s29], $0x80, s13, s29, $0xb8;
	[tilespmem:$0x1E800] =	vst v63  }
0x190: {  	_ =	swait.ge [sflag:s14], $0x2000  }
0x191: {  	[sflag:s14] =	ssyncset.done $0x0  }
0x192: {  	[sflag:s14] =	ssyncadd.s32 $0xFFFFE000  }
0x193: {  	[spmem:s1] =	stream.indirect.scatter.add.f32 [tilespmem:s9], [sflag:$0x8], $0x80, s15, s29, $0xb8;
	[tilespmem:$0x1E800] =	vst v63  }
0x194: {  	_ =	swait.ge [sflag:s16], $0x2000  }
0x195: {  	[sflag:s16] =	ssyncset.done $0x0  }
0x196: {  	[sflag:s16] =	ssyncadd.s32 $0xFFFFE000  }
0x197: {  	[tilespmem:s31], [sflag:$0x2] =	stream.indirect.gather [hbm4b:s4+s29], $0x80, s17, s29, $0xb8;
	[tilespmem:$0x1E800] =	vst v63  }
.LBB2_13:
0x198: {  	_ =	swait.ge [sflag:s0], $0x2000  }
0x199: {  	s22 =	sshra.s32 s21, $0x2;
	[sflag:s0] =	ssyncset.done $0x0  }
0x19a: {  	s23 =	sadd.s32 $0x1600, s22;
	[sflag:s0] =	ssyncadd.s32 $0xFFFFE000  }
0x19b: {  	[spmem:s1] =	stream.indirect.scatter.add.f32 [tilespmem:s25], [sflag:$0x5], $0x80, s23, s29, $0xb8;
	[tilespmem:$0x1E800] =	vst v63  }
0x19c: {  	_ =	swait.ge [sflag:s18], $0x2000  }
0x19d: {  	[sflag:s18] =	ssyncset.done $0x0  }
0x19e: {  	s24 =	sadd.s32 $0x300, s22;
	[sflag:s18] =	ssyncadd.s32 $0xFFFFE000  }
0x19f: {  	[tilespmem:s2], [sflag:$0x3] =	stream.indirect.gather [hbm4b:s4+s29], $0x80, s24, s29, $0xb8;
	[tilespmem:$0x1E800] =	vst v63  }
0x1a0: {  	_ =	swait.ge [sflag:s6], $0x2000  }
0x1a1: {  	[sflag:s6] =	ssyncset.done $0x0  }
0x1a2: {  	s30 =	sadd.s32 $0x1680, s22;
	[sflag:s6] =	ssyncadd.s32 $0xFFFFE000  }
0x1a3: {  	[spmem:s1] =	stream.indirect.scatter.add.f32 [tilespmem:s31], [sflag:$0x6], $0x80, s30, s29, $0xb8;
	[tilespmem:$0x1E800] =	vst v63  }
0x1a4: {  	_ =	swait.ge [sflag:s19], $0x2000  }
0x1a5: {  	[sflag:s19] =	ssyncset.done $0x0  }
0x1a6: {  	s24 =	sadd.s32 $0x380, s22;
	[sflag:s19] =	ssyncadd.s32 $0xFFFFE000  }
0x1a7: {  	[tilespmem:s9], [sflag:$0x4] =	stream.indirect.gather [hbm4b:s4+s29], $0x80, s24, s29, $0xb8;
	[tilespmem:$0x1E800] =	vst v63  }
0x1a8: {  	_ =	swait.ge [sflag:s10], $0x2000  }
0x1a9: {  	p0 =	seq.s32 s21, $0x4000;
	[sflag:s10] =	ssyncset.done $0x0  }
.Ltmp9:
0x1aa: {  	s30 =	sadd.s32 $0x1700, s22;
	[sflag:s10] =	ssyncadd.s32 $0xFFFFE000;
	(pc) =	sbr.rel @p0 .LBB2_15-.Ltmp9, $4  }
0x1ab: {  	[spmem:s1] =	stream.indirect.scatter.add.f32 [tilespmem:s2], [sflag:$0x7], $0x80, s30, s29, $0xb8;
	[tilespmem:$0x1E800] =	vst v63  }
0x1ac: {  	_ =	swait.ge [sflag:s12], $0x2000  }
0x1ad: {  	[sflag:s12] =	ssyncset.done $0x0  }
0x1ae: {  	s23 =	sadd.s32 $0x1780, s22;
	[sflag:s12] =	ssyncadd.s32 $0xFFFFE000  }
0x1af: {  	s24 =	sadd.s32 $0x400, s22  }
0x1b0: {  	[tilespmem:s25], [sflag:$0x1] =	stream.indirect.gather [hbm4b:s4+s29], $0x80, s24, s29, $0xb8;
	[tilespmem:$0x1E800] =	vst v63  }
0x1b1: {  	_ =	swait.ge [sflag:s14], $0x2000  }
0x1b2: {  	[sflag:s14] =	ssyncset.done $0x0  }
0x1b3: {  	[sflag:s14] =	ssyncadd.s32 $0xFFFFE000  }
0x1b4: {  	[spmem:s1] =	stream.indirect.scatter.add.f32 [tilespmem:s9], [sflag:$0x8], $0x80, s23, s29, $0xb8;
	[tilespmem:$0x1E800] =	vst v63  }
.Ltmp10:
0x1b5: {  	_ = 	snop;
	(pc) =	sbr.rel .LBB2_13-.Ltmp10, $4  }
0x1b6: {  	_ =	swait.ge [sflag:s16], $0x2000  }
0x1b7: {  	[sflag:s16] =	ssyncset.done $0x0  }
0x1b8: {  	s30 =	sadd.s32 $0x480, s22;
	s21 =	sadd.s32 $0x800, s21;
	[sflag:s16] =	ssyncadd.s32 $0xFFFFE000  }
0x1b9: {  	[tilespmem:s31], [sflag:$0x2] =	stream.indirect.gather [hbm4b:s4+s29], $0x80, s30, s29, $0xb8;
	[tilespmem:$0x1E800] =	vst v63  }
.LBB2_16:
0x1ba: {  	_ =	sfence.sel $0x180000  }
0x1bb: {  	[bflag:$0x0] =	sbarrier.arrive $0xFFFF  }
0x1bc: {  	_ =	strace $0x9000004D  }
0x1bd: {  	s0 =	stileid.u32;
	[bflag:$0x2] =	sbarrier.arrive $0xFFFF  }
0x1be: {  	p0 =	sne.s32 s0, $0x0;
	s0 =	rddreg [dreg:$0x3]  }
0x1bf: {  	s0 =	sadd.s32 @!p0 $0x100000, s0  }
0x1c0: {  	[sflag:s0] =	ssyncadd.tile.s32 @!p0 $0x1;
	_ =	shalt  }
.Lfunc_end2:
_tile_overlayer_lowered:
.L_overlay_start_2:
0x1c1: {  	(tag) =	ssettag $0x2  }
0x1c2: {  	s0 =	rddreg [dreg:$0x0];
	s2 =	stileid.u32  }
0x1c3: {  	s1 =	rddreg [dreg:$0x1];
	p0 =	sne.s32 s2, $0x0  }
0x1c4: {  	s3 =	rddreg [dreg:$0x2];
	[bflag:$0x3] =	sbarrier.arrive $0xFFFF;
	s2 =	simm.s32 @!p0 $0x1C09  }
0x1c5: {  	[timem:s3], [sflag:s2] =	dma.local @!p0 [hbm:s0], s1  }
0x1c6: {  	s0 =	simm.s32 @!p0 $0x9  }
0x1c7: {  	_ =	swait.ge @!p0 [sflag:s0], s1  }
0x1c8: {  	s1 =	ssub.s32 @!p0 $0x0, s1;
	[sflag:s0] =	ssyncset.done @!p0 $0x0  }
0x1c9: {  	[sflag:s0] =	ssyncadd.s32 @!p0 s1  }
0x1ca: {  	[bflag:$0x3] =	sbarrier.arrive $0xFFFF  }
0x1cb: {  	_ =	shalt  }

// kernel: kernel.9.cloned.1.call-start
scs
__scs_entry_jumppad:
0x0: {  	(pc) =	sbr.rel $0x88, $3  }
0x1: {  	(tag) =	ssettag $0x0;
	lr =	simm.s32 $0x1  }
0x2: {  	[smem:$0x3F9B] =	sst lr;
	_ =	strace $0xD0000000  }
0x3: {  	_ = 	snop  }
0x4: {  	_ = 	snop  }
0x5: {  	_ = 	snop  }
0x6: {  	_ = 	snop  }
0x7: {  	_ = 	snop  }
__scs_overlays_trampoline_lowered:
0x8: {  	[smem:$0x3FAA] =	sst s0  }
0x9: {  	[smem:$0x3FAB] =	sst s1  }
0xa: {  	[smem:$0x3FAC] =	sst s2  }
0xb: {  	[smem:$0x3FAD] =	sst s3  }
0xc: {  	[smem:$0x3FAE] =	sst s4  }
0xd: {  	[smem:$0x3FAF] =	sst s5  }
0xe: {  	[smem:$0x3FB0] =	sst s6  }
0xf: {  	[smem:$0x3FB1] =	sst s7  }
0x10: {  	[smem:$0x3FB2] =	sst s8  }
0x11: {  	[smem:$0x3FB3] =	sst s9;
	s0 =	simm.s32 @!p0 $0x0  }
0x12: {  	s1 =	sld [smem:$0x3F99];
	s0 =	simm.s32 @p0 $0x1  }
0x13: {  	[smem:$0x3FB4] =	sst s0;
	s0 =	simm.s32 @!p1 $0x0  }
0x14: {  	s2 =	sld [smem:$0x3F98];
	s0 =	simm.s32 @p1 $0x1  }
0x15: {  	[smem:$0x3FB5] =	sst s0;
	s0 =	simm.s32 @!p2 $0x0  }
0x16: {  	s3 =	sld [smem:$0x3FDB];
	s0 =	simm.s32 @p2 $0x1  }
0x17: {  	s4 =	simm.s32 $0x1BF5;
	[smem:$0x3FB7] =	sst s0  }
0x18: {  	s0 =	sld [smem:$0x3F9A];
	_ =	swait.ge [sflag:s4], $0x0  }
0x19: {  	s7 =	sld [smem:$0x3F9B]  }
0x1a: {  	s8 =	sadd.s32 $0xFFFFE003, lr  }
0x1b: {  	s9 =	sadd.s32 $0xFFFFFEF7, lr;
	s5 =	simm.s32 $0xFFFFFFFF;
	p2 =	slt.u32 s8, $0xFFFFF086  }
0x1c: {  	p1 =	slt.u32 s9, $0xF7A;
	s5 =	simm.s32 @!p2 $0x0  }
0x1d: {  	s5 =	simm.s32 @p1 $0x1;
	p0 =	seq.s32 s7, s2  }
0x1e: {  	s7 =	smul.u32 @!p0 $0xF7A, s2;
	p2 =	seq.s32 @!p0 s5, $0x0  }
0x1f: {  	s9 =	smul.u32 $0xF7A, s1;
	s8 =	simm.s32 @!p0 $0x1BF5;
	p2 =	por !p2, p0  }
0x20: {  	[sflag:s8] =	ssyncset.s32 @!p0 $0xFFFFF086;
	s6 =	sadd.s32 @!p0 s3, s7;
	s7 =	simm.s32 @!p0 $0x108  }
0x21: {  	s3 =	sadd.s32 s3, s9;
	s6 =	sadd.s32 @!p0 $0x88, s6;
	s7 =	simm.s32 @p2 $0x1082  }
0x22: {  	[simem:s7], [sflag:s8] =	dma.local @!p0 [hbm:s6], $0xF7A  }
0x23: {  	s9 =	sor.u32 $0xD0000000, s2;
	s6 =	simm.s32 $0x108;
	_ =	swait.ge @!p0 [sflag:s8], $0x0  }
0x24: {  	s3 =	sadd.s32 $0x88, s3;
	s6 =	simm.s32 @!p1 $0x1082;
	[sflag:s4] =	ssyncset.s32 $0xFFFFF086  }
0x25: {  	[simem:s6], [sflag:s4] =	dma.local [hbm:s3], $0xF7A  }
0x26: {  	[smem:$0x3F9B] =	sst s1;
	(tag) =	ssettag s2;
	_ =	strace s9  }
0x27: {  	s1 =	sld [smem:$0x3FAB]  }
0x28: {  	s2 =	sld [smem:$0x3FAC]  }
0x29: {  	s4 =	sld [smem:$0x3FAE]  }
0x2a: {  	p0 =	seq.s32 s5, $0x0;
	s5 =	sld [smem:$0x3FAF]  }
0x2b: {  	s6 =	sld [smem:$0x3FB0]  }
0x2c: {  	s7 =	sld [smem:$0x3FB1]  }
0x2d: {  	s3 =	simm.s32 $0x108;
	s8 =	sld [smem:$0x3FB2]  }
0x2e: {  	s3 =	simm.s32 @!p0 $0x1082;
	s9 =	sld [smem:$0x3FB3]  }
0x2f: {  	lr =	sadd.s32 s0, s3;
	s0 =	sld [smem:$0x3FAA]  }
0x30: {  	s3 =	sld [smem:$0x3FAD]  }
0x31: {  	[smem:$0x3FB6] =	sst s10  }
0x32: {  	s10 =	sld [smem:$0x3FB4];
	_ =	sdelay $0x3  }
0x33: {  	p0 =	seq.s32 s10, $0x1;
	s10 =	sld [smem:$0x3FB6];
	_ =	sdelay $0x3  }
0x34: {  	[smem:$0x3FB6] =	sst s10  }
0x35: {  	s10 =	sld [smem:$0x3FB5];
	_ =	sdelay $0x3  }
0x36: {  	p1 =	seq.s32 s10, $0x1;
	s10 =	sld [smem:$0x3FB6];
	_ =	sdelay $0x3  }
0x37: {  	[smem:$0x3FB6] =	sst s10  }
0x38: {  	s10 =	sld [smem:$0x3FB7]  }
0x39: {  	_ = 	snop;
	(pc) =	sbr.ind lr, $3  }
0x3a: {  	_ = 	snop  }
0x3b: {  	_ = 	snop  }
0x3c: {  	p2 =	seq.s32 s10, $0x1;
	s10 =	sld [smem:$0x3FB6]  }
0x3d: {  	_ =	shalt  }
0x3e: {  	_ =	shalt  }
0x3f: {  	_ =	shalt  }
0x40: {  	_ =	shalt  }
0x41: {  	_ =	shalt  }
0x42: {  	_ =	shalt  }
0x43: {  	_ =	shalt  }
0x44: {  	_ =	shalt  }
0x45: {  	_ =	shalt  }
0x46: {  	_ =	shalt  }
0x47: {  	_ =	shalt  }
0x48: {  	_ =	shalt  }
0x49: {  	_ =	shalt  }
0x4a: {  	_ =	shalt  }
0x4b: {  	_ =	shalt  }
0x4c: {  	_ =	shalt  }
0x4d: {  	_ =	shalt  }
0x4e: {  	_ =	shalt  }
0x4f: {  	_ =	shalt  }
0x50: {  	_ =	shalt  }
0x51: {  	_ =	shalt  }
0x52: {  	_ =	shalt  }
0x53: {  	_ =	shalt  }
0x54: {  	_ =	shalt  }
0x55: {  	_ =	shalt  }
0x56: {  	_ =	shalt  }
0x57: {  	_ =	shalt  }
0x58: {  	_ =	shalt  }
0x59: {  	_ =	shalt  }
0x5a: {  	_ =	shalt  }
0x5b: {  	_ =	shalt  }
0x5c: {  	_ =	shalt  }
0x5d: {  	_ =	shalt  }
0x5e: {  	_ =	shalt  }
0x5f: {  	_ =	shalt  }
0x60: {  	_ =	shalt  }
0x61: {  	_ =	shalt  }
0x62: {  	_ =	shalt  }
0x63: {  	_ =	shalt  }
0x64: {  	_ =	shalt  }
0x65: {  	_ =	shalt  }
0x66: {  	_ =	shalt  }
0x67: {  	_ =	shalt  }
0x68: {  	_ =	shalt  }
0x69: {  	_ =	shalt  }
0x6a: {  	_ =	shalt  }
0x6b: {  	_ =	shalt  }
0x6c: {  	_ =	shalt  }
0x6d: {  	_ =	shalt  }
0x6e: {  	_ =	shalt  }
0x6f: {  	_ =	shalt  }
0x70: {  	_ =	shalt  }
0x71: {  	_ =	shalt  }
0x72: {  	_ =	shalt  }
0x73: {  	_ =	shalt  }
0x74: {  	_ =	shalt  }
0x75: {  	_ =	shalt  }
0x76: {  	_ =	shalt  }
0x77: {  	_ =	shalt  }
0x78: {  	_ =	shalt  }
0x79: {  	_ =	shalt  }
0x7a: {  	_ =	shalt  }
0x7b: {  	_ =	shalt  }
0x7c: {  	_ =	shalt  }
0x7d: {  	_ =	shalt  }
0x7e: {  	_ =	shalt  }
0x7f: {  	_ =	shalt  }
0x80: {  	_ =	shalt  }
0x81: {  	_ =	shalt  }
0x82: {  	_ =	shalt  }
0x83: {  	_ =	shalt  }
0x84: {  	_ =	shalt  }
0x85: {  	_ =	shalt  }
0x86: {  	_ =	shalt  }
0x87: {  	_ =	shalt  }
.Lfunc_end0:
.L_simem_size_0:
called_computation_lowered:
.L_overlay_start_0:
0x88: {  	s2 =	sld [smem:$0x3FD9]  }
0x89: {  	s3 =	sld [smem:$0x3FFE];
	_ =	sdelay $0x1  }
0x8a: {  	s1 =	srdreg.scid  }
0x8b: {  	s0 =	sand.u32 $0x1, s1  }
0x8c: {  	s17 =	sshll.u32 s0, $0xA;
	s2 =	sadd.s32 s3, s2  }
0x8d: {  	s2 =	sadd.s32 s2, s17  }
0x8e: {  	[smem:$0x3FC2] =	sst s2  }
0x8f: {  	_ = 	snop  }
0x90: {  	s2 =	sld [smem:$0x3FD0];
	(tm) =	ssettm $0x1  }
0x91: {  	s18 =	sld [smem:$0x3FFB];
	_ =	sdelay $0x3  }
0x92: {  	_ =	strace s18  }
0x93: {  	s3 =	sld [smem:$0x3FFC];
	_ =	sdelay $0x3  }
0x94: {  	_ =	strace s3  }
0x95: {  	s3 =	sld [smem:$0x3FFD];
	_ =	sdelay $0x3  }
0x96: {  	_ =	strace s3  }
0x97: {  	_ =	strace $0x8FFFFFFF  }
0x98: {  	s19 =	sld [smem:$0x3FDB];
	_ =	sdelay $0x1  }
0x99: {  	s4 =	simm.s32 $_scs_section_size  }
0x9a: {  	s5 =	simm.s32 $_size__tile_overlayer_lowered;
	s6 =	simm.s32 $_tile_overlayer_lowered  }
0x9b: {  	s22 =	simm.s32 $0x1BFF;
	s21 =	sshll.u32 s6, $0x1;
	s3 =	sadd.s32 s4, s19  }
0x9c: {  	s7 =	simm.s32 $0x0;
	s20 =	sshll.u32 s5, $0x1;
	s5 =	sadd.s32 s21, s3  }
0x9d: {  	[timem:s7], [sflag:s22] =	dma.local [hbm:s5], s20  }
0x9e: {  	_ =	swait.ge [sflag:s22], s20  }
0x9f: {  	s4 =	ssub.s32 $0x0, s20;
	[sflag:s22] =	ssyncset.done $0x0  }
0xa0: {  	[sflag:s22] =	ssyncadd.s32 s4;
	_ =	sdelay $0x1  }
0xa1: {  	s23 =	simm.s32 $0x1B8B  }
0xa2: {  	_ =	swait.ge [sflag:s23], $0x1  }
0xa3: {  	[sflag:s23] =	ssyncset.done $0x0  }
0xa4: {  	s25 =	simm.s32 $0x1B8E;
	s24 =	sld [smem:$0x3FFE];
	[sflag:s23] =	ssyncadd.s32 $0xFFFFFFFF  }
0xa5: {  	s26 =	simm.s32 $execute0_lowered;
	[smem:$0x3FD2] =	sst s25  }
0xa6: {  	s5 =	sshll.u32 s26, $0x1;
	_ =	strace $0x80000046;
	[dreg:$0x1] =	wrdreg $0xFFFFFFFF  }
0xa7: {  	s28 =	simm.s32 $_size_execute0_lowered;
	s3 =	sadd.s32 s3, s5;
	[dreg:$0x0] =	wrdreg $0x0  }
0xa8: {  	s5 =	sshll.u32 s28, $0x1;
	[dreg:$0x2] =	wrdreg s3  }
0xa9: {  	[dreg:$0x3] =	wrdreg s5  }
0xaa: {  	[dreg:$0x4] =	wrdreg $0xC0  }
0xab: {  	_ =	task [dreg:s7], $0x5FFFF  }
0xac: {  	[dreg:$0x1] =	wrdreg $0xFFFFFFFF  }
0xad: {  	[dreg:$0x0] =	wrdreg $0x60  }
0xae: {  	[dreg:$0x2] =	wrdreg s2  }
0xaf: {  	[dreg:$0x3] =	wrdreg s24  }
0xb0: {  	[dreg:$0x4] =	wrdreg $0x9  }
0xb1: {  	_ =	task.clear_ibuf [dreg:s7], $0x5FFFF;
	_ =	strace $0x90000046  }
0xb2: {  	s29 =	simm.s32 $0x9;
	_ =	strace $0x80000048  }
0xb3: {  	_ =	swait.ge [sflag:s29], $0x1  }
0xb4: {  	[sflag:s29] =	ssyncadd.s32 $0xFFFFFFFF  }
0xb5: {  	_ =	strace $0x90000048  }
0xb6: {  	_ =	sfence  }
0xb7: {  	s30 =	sld [smem:$0x0];
	_ =	sdelay $0x2  }
0xb8: {  	s31 =	sshll.u32 s1, $0xD;
	s1 =	sshrl.u32 s1, $0x2  }
0xb9: {  	s3 =	sand.u32 $0x4000, s31;
	s1 =	sadd.s32 s1, s30  }
0xba: {  	s0 =	sor.u32 s3, s0;
	s1 =	sshll.u32 s1, $0x11  }
0xbb: {  	s0 =	sor.u32 s1, s0  }
0xbc: {  	s0 =	sadd.s32 $0x8F2B, s0  }
0xbd: {  	[sflag:s0] =	ssyncadd.remote.s32 $0x1  }
0xbe: {  	_ =	sfence.sel $0xFFFF  }
0xbf: {  	[dreg:$0x0] =	wrdreg $0xFFFFFFFF;
	(pc) =	sbr.abs _section_cstart, $3  }
0xc0: {  	[dreg:$0x1] =	wrdreg $0xFFFFFFFF  }
0xc1: {  	_ =	task.clear_ibuf [dreg:s7], $0x2FFFF;
	_ =	strace $0x9FFFFFFF  }
0xc2: {  	(tm) =	ssettm $0x7FFFFFFF  }
0xc3: {  	_ =	shalt  }
tec
execute0_lowered:
.L_overlay_start_1:
0x0: {  	(tag) =	ssettag $0x1  }
0x1: {  	s0 =	srdreg.scid  }
0x2: {  	s3 =	rddreg [dreg:$0x0];
	s4 =	sand.u32 $0x1, s0  }
0x3: {  	s5 =	rddreg [dreg:$0x1];
	s1 =	stileid.u32;
	s2 =	sshll.u32 s4, $0x4  }
0x4: {  	s0 =	rddreg [dreg:$0x2];
	s6 =	sor.u32 s1, s2  }
0x5: {  	s4 =	ssub.s32 $0x2, s4;
	s2 =	simm.s32 $0x0;
	s7 =	smul.u32 $0x500, s6  }
0x6: {  	s8 =	sshrl.u32 s4, $0x1;
	[smem:$0x7FF] =	sst s2;
	s6 =	smul.u32 $0xA00, s6  }
0x7: {  	s31 =	ssub.s32 s4, s8;
	s8 =	simm.s32 $0x0;
	_ =	strace $0x80000047  }
0x8: {  	s5 =	sadd.s32 s7, s5;
	s3 =	sadd.s32 s3, s6;
	s6 =	simm.s32 $0x1  }
0x9: {  	v0 =	vimm.f32 $0.0e+00;
	v1 =	vimm.f32 $1.000000000e+00;
	s7 =	simm.s32 $0x5000;
	s4 =	sadd.s32 $0x2200, s5;
	s5 =	smax.u32 s31, $0x1  }
.LBB2_1:
0xa: {  	s9 =	simm.s32 $0x40;
	s10 =	simm.s32 $0x0  }
.LBB2_2:
0xb: {  	p0 =	sne.s32 s9, $0x9FC0;
	[tilespmem:s10+$0x5000] =	vst v0;
	s10 =	smov.u32 s9;
	s9 =	sadd.s32 $0x40, s9  }
.Ltmp0:
0xc: {  	(pc) =	sbr.rel @p0 .LBB2_2-.Ltmp0, $2  }
0xd: {  	_ =	sdelay $0x2  }
0xe: {  	s10 =	sshra.s32 s10, $0x2  }
0xf: {  	[tilespmem:s10+$0x5000] =	vst v0;
	s9 =	simm.s32 $0x0;
	s31 =	simm.s32 $0x0  }
0x10: {  	[tilespmem:s9], [sflag:$0x1] =	stream.linear.gather [hbm4b:s3+s9], $0x5000, $0x38;
	[tilespmem:$0x7800] =	vst v63  }
0x11: {  	s10 =	sand.u32 $0xFFFFFFC0, s31  }
0x12: {  	s11 =	simm.s32 $0x0;
	s10 =	ssub.s32 $0x0, s10  }
0x13: {  	s11 =	sand.u32 $0x3FFFFF80, s11;
	_ =	swait.ge [sflag:s6], $0x5000;
	s12 =	sand.u32 $0xFFFFFF80, s10  }
0x14: {  	[sflag:s6] =	ssyncset.done $0x0;
	s10 =	sand.u32 $0x70, s10;
	s11 =	sadd.s32 s12, s11  }
0x15: {  	[sflag:s6] =	ssyncadd.s32 $0xFFFFB000;
	s11 =	sor.u32 s10, s11  }
0x16: {  	v2 =	vld [tilespmem:s11+$0x0];
	_ =	sdelay $0x2  }
0x17: {  	s12 =	simm.s32 $0x10;
	s10 =	simm.s32 $0x1;
	s11 =	simm.s32 $0x2  }
.LBB2_4:
0x18: {  	p0 =	sne.s32 s11, $0x27F;
	s12 =	sand.u32 $0xFFFFFFC0, s12;
	s9 =	sadd.s32 $0x10, s9  }
0x19: {  	s13 =	sshll.u32 s10, $0x5;
	s10 =	smov.u32 s11;
	s12 =	ssub.s32 s9, s12  }
0x1a: {  	s13 =	sand.u32 $0x3FFFFF80, s13;
	s14 =	sand.u32 $0xFFFFFF80, s12  }
0x1b: {  	s12 =	sand.u32 $0x70, s12;
	s13 =	sadd.s32 s14, s13  }
.Ltmp1:
0x1c: {  	s12 =	sor.u32 s12, s13;
	[tilespmem:v2+s7+$0x0] =	vst.idx.add.f32.msk $0xffff, v1;
	(pc) =	sbr.rel @p0 .LBB2_4-.Ltmp1, $2  }
0x1d: {  	v2 =	vld [tilespmem:s12+$0x0];
	_ =	sdelay $0x2  }
0x1e: {  	s11 =	sadd.s32 $0x1, s11;
	s12 =	sshll.u32 s10, $0x4  }
0x1f: {  	_ = 	snop  }
0x20: {  	s11 =	sand.u32 $0xFFFFFFC0, s12;
	s9 =	sadd.s32 $0x10, s9  }
0x21: {  	s10 =	sshll.u32 s10, $0x5;
	s9 =	ssub.s32 s9, s11  }
0x22: {  	s10 =	sand.u32 $0x3FFFFF80, s10;
	s11 =	sand.u32 $0xFFFFFF80, s9  }
0x23: {  	s9 =	sand.u32 $0x70, s9;
	s10 =	sadd.s32 s11, s10  }
0x24: {  	[tilespmem:v2+s7+$0x0] =	vst.idx.add.f32.msk $0xffff, v1;
	s9 =	sor.u32 s9, s10  }
0x25: {  	v2 =	vld [tilespmem:s9+$0x0];
	_ =	sdelay $0x5  }
0x26: {  	s8 =	sadd.s32 $0x1, s8  }
0x27: {  	p0 =	sne.s32 s8, s5  }
.Ltmp2:
0x28: {  	[tilespmem:v2+s7+$0x0] =	vst.idx.add.f32.msk $0xffff, v1;
	(pc) =	sbr.rel @p0 .LBB2_1-.Ltmp2, $4  }
0x29: {  	[hbm4b:s4+s2] =	stream.linear.scatter [tilespmem:s7], [sflag:$0x1], $0x2800, $0x38;
	[tilespmem:$0x7800] =	vst v63  }
0x2a: {  	_ =	swait.ge [sflag:s6], $0x2800  }
0x2b: {  	[sflag:s6] =	ssyncset.done $0x0  }
0x2c: {  	[sflag:s6] =	ssyncadd.s32 $0xFFFFD800  }
0x2d: {  	_ =	sfence.sel $0x180000  }
0x2e: {  	[bflag:$0x0] =	sbarrier.arrive $0xFFFF  }
0x2f: {  	p0 =	sne.s32 s1, $0x0;
	_ =	strace $0x90000047  }
0x30: {  	s0 =	sadd.s32 @!p0 $0x100000, s0;
	[bflag:$0x2] =	sbarrier.arrive $0xFFFF  }
0x31: {  	[sflag:s0] =	ssyncadd.tile.s32 @!p0 $0x1;
	_ =	shalt  }
.Lfunc_end2:
_tile_overlayer_lowered:
.L_overlay_start_2:
0x32: {  	(tag) =	ssettag $0x2  }
0x33: {  	s0 =	rddreg [dreg:$0x0];
	s2 =	stileid.u32  }
0x34: {  	s1 =	rddreg [dreg:$0x1];
	p0 =	sne.s32 s2, $0x0  }
0x35: {  	s3 =	rddreg [dreg:$0x2];
	[bflag:$0x3] =	sbarrier.arrive $0xFFFF;
	s2 =	simm.s32 @!p0 $0x1C01  }
0x36: {  	[timem:s3], [sflag:s2] =	dma.local @!p0 [hbm:s0], s1  }
0x37: {  	s0 =	simm.s32 @!p0 $0x1  }
0x38: {  	_ =	swait.ge @!p0 [sflag:s0], s1  }
0x39: {  	s1 =	ssub.s32 @!p0 $0x0, s1;
	[sflag:s0] =	ssyncset.done @!p0 $0x0  }
0x3a: {  	[sflag:s0] =	ssyncadd.s32 @!p0 s1  }
0x3b: {  	[bflag:$0x3] =	sbarrier.arrive $0xFFFF  }
0x3c: {  	_ =	shalt  }

</sc_bundles>
